<compile_context>
chip_gen: v7x
topology: tpu7x:2x2x1
jax: 0.10.2.dev20260603
libtpu: 0.0.44.dev20260713+nightly
codegen_flags: <defaults>
</compile_context>

<pallas_src>
import functools

import jax
import jax.numpy as jnp
from jax import lax
from jax.experimental import pallas as pl
from jax.experimental.pallas import tpu as pltpu
from jax.experimental.pallas import tpu_sc as plsc

_N = 10000
_E = 320000
_F = 128
_H = 16
_C = 10
_G = 64

_NC = 2
_NS = 16
_NW = _NC * _NS
_EPW = _E // _NW
_CH = 128
_NCHUNK = _EPW // _CH
_TAIL = _EPW - _NCHUNK * _CH
_NBUF = 6
_NSLOT = 2 * _NBUF
_NP = 10240
_RPT = _NP // _NS

_sc_mesh = plsc.VectorSubcoreMesh(core_axis_name="c", subcore_axis_name="s")


@functools.partial(
    pl.kernel,
    mesh=_sc_mesh,
    compiler_params=pltpu.CompilerParams(use_tc_tiling_on_sc=False),
    out_type=jax.ShapeDtypeStruct((_NC * _NP, _H), jnp.float32),
    scratch_types=[
        pltpu.VMEM((_EPW,), jnp.int32),
        pltpu.VMEM((_EPW,), jnp.int32),
        pltpu.VMEM((_NSLOT, _CH, _H), jnp.float32),
        pltpu.VMEM((_RPT, _H), jnp.float32),
        pltpu.VMEM_SHARED((_NP, _H), jnp.float32),
        [pltpu.SemaphoreType.DMA] * _NSLOT,
        [pltpu.SemaphoreType.DMA] * _NSLOT,
    ],
)
def _edge_segsum(y_hbm, ei_hbm, out_hbm, src_v, dst_v, rows_v, buf_v,
                 acc_sh, gsems, ssems):
    cid = lax.axis_index("c")
    sid = lax.axis_index("s")
    wid = sid * _NC + cid

    idx_cp0 = pltpu.async_copy(ei_hbm.at[0, pl.ds(wid * _EPW, _EPW)], src_v,
                               gsems[0])
    idx_cp1 = pltpu.async_copy(ei_hbm.at[1, pl.ds(wid * _EPW, _EPW)], dst_v,
                               gsems[1])

    def _zero_row(i, carry):
        buf_v[i] = jnp.zeros((_H,), jnp.float32)
        return carry

    lax.fori_loop(0, _RPT, _zero_row, 0)
    pltpu.sync_copy(buf_v, acc_sh.at[pl.ds(sid * _RPT, _RPT)])
    idx_cp0.wait()
    idx_cp1.wait()
    plsc.subcore_barrier()

    for k in range(_NBUF):
        pltpu.async_copy(y_hbm.at[src_v.at[pl.ds(k * _CH, _CH)]],
                         rows_v.at[k], gsems[k])

    @pl.loop(0, _NCHUNK)
    def _chunks(c):
        nc = c + _NBUF

        @pl.when(nc < _NCHUNK)
        def _refill():
            bf = lax.rem(nc, _NSLOT)
            for s in range(_NSLOT):
                @pl.when(bf == s)
                def _do():
                    @pl.when(c >= _NBUF)
                    def _drain():
                        pltpu.make_async_copy(
                            rows_v.at[s], acc_sh.at[dst_v.at[pl.ds(0, _CH)]],
                            ssems[s]).wait()
                    pltpu.async_copy(
                        y_hbm.at[src_v.at[pl.ds(nc * _CH, _CH)]],
                        rows_v.at[s], gsems[s])

        b = lax.rem(c, _NSLOT)
        for s in range(_NSLOT):
            @pl.when(b == s)
            def _consume():
                pltpu.make_async_copy(
                    y_hbm.at[src_v.at[pl.ds(c * _CH, _CH)]], rows_v.at[s],
                    gsems[s]).wait()
                pltpu.async_copy(rows_v.at[s],
                                 acc_sh.at[dst_v.at[pl.ds(c * _CH, _CH)]],
                                 ssems[s], add=True)

    for s in range(_NSLOT):
        pltpu.make_async_copy(rows_v.at[s],
                              acc_sh.at[dst_v.at[pl.ds(0, _CH)]],
                              ssems[s]).wait()

    t0 = _NCHUNK * _CH
    pltpu.async_copy(y_hbm.at[src_v.at[pl.ds(t0, _TAIL)]],
                     rows_v.at[0, pl.ds(0, _TAIL)], gsems[0]).wait()
    pltpu.sync_copy(rows_v.at[0, pl.ds(0, _TAIL)],
                    acc_sh.at[dst_v.at[pl.ds(t0, _TAIL)]], add=True)

    plsc.subcore_barrier()

    r0 = sid * _RPT
    pltpu.sync_copy(acc_sh.at[pl.ds(r0, _RPT)], buf_v)
    pltpu.sync_copy(buf_v, out_hbm.at[pl.ds(cid * _NP + r0, _RPT)])


_NR = _N // 8
_NPR = _NP // 8


_MMB = 2048


def _mm1_body(x_ref, w_ref, o_ref):
    y = jnp.dot(x_ref[...], w_ref[...], preferred_element_type=jnp.float32)
    y3 = y.reshape(_MMB // 8, 8, _H)
    o_ref[...] = jnp.concatenate([y3[:, a, :] for a in range(8)], axis=1)


_mm1 = pl.pallas_call(
    _mm1_body,
    grid=((_N + _MMB - 1) // _MMB,),
    in_specs=[
        pl.BlockSpec((_MMB, _F), lambda i: (i, 0)),
        pl.BlockSpec((_F, _H), lambda i: (0, 0)),
    ],
    out_specs=pl.BlockSpec((_MMB // 8, 128), lambda i: (i, 0)),
    out_shape=jax.ShapeDtypeStruct((_NR, 128), jnp.float32),
)


def _mid_body(yp_ref, sp_ref, b1p_ref, w2blk_ref, zp_ref):
    h = (yp_ref[...] + sp_ref[:_NR, :] + sp_ref[_NPR : _NPR + _NR, :]
         + b1p_ref[...])
    h = jnp.maximum(h, 0.0)
    zp_ref[...] = jnp.dot(h, w2blk_ref[...], preferred_element_type=jnp.float32)


_mid = pl.pallas_call(
    _mid_body,
    out_shape=jax.ShapeDtypeStruct((_NR, 128), jnp.float32),
)


def _final_body(zp_ref, sp_ref, b2p_ref, batcht_ref, wfc_ref, bfc_ref, o_ref):
    h2 = (zp_ref[...] + sp_ref[:_NR, :] + sp_ref[_NPR : _NPR + _NR, :]
          + b2p_ref[...])
    h2 = jnp.maximum(h2, 0.0)
    gid = lax.broadcasted_iota(jnp.int32, (_G, _NR), 0)
    sums = jnp.zeros((_G, _H), jnp.float32)
    counts = jnp.zeros((_G, 1), jnp.float32)
    for a in range(8):
        mask = jnp.where(batcht_ref[a : a + 1, :] == gid, 1.0, 0.0)
        sums = sums + jnp.dot(mask, h2[:, 16 * a : 16 * (a + 1)],
                              preferred_element_type=jnp.float32)
        counts = counts + jnp.sum(mask, axis=1, keepdims=True)
    pooled = sums / jnp.maximum(counts, 1.0)
    o_ref[...] = (
        jnp.dot(pooled, wfc_ref[...], preferred_element_type=jnp.float32)
        + bfc_ref[...]
    )


_final = pl.pallas_call(
    _final_body,
    out_shape=jax.ShapeDtypeStruct((_G, _C), jnp.float32),
)


def kernel(x, edge_index, batch, W1, b1, W2, b2, Wfc, bfc):
    w2blk = jnp.kron(jnp.eye(8, dtype=jnp.float32), W2)
    b1p = jnp.tile(b1, 8).reshape(1, 128)
    b2p = jnp.tile(b2, 8).reshape(1, 128)
    batcht = batch.reshape(_NR, 8).T
    yp = _mm1(x, W1)
    s1 = _edge_segsum(yp.reshape(_N, _H), edge_index)
    zp = _mid(yp, s1.reshape(2 * _NPR, 128), b1p, w2blk)
    s2 = _edge_segsum(zp.reshape(_N, _H), edge_index)
    return _final(zp, s2.reshape(2 * _NPR, 128), b2p, batcht, Wfc,
                  bfc.reshape(1, _C))

# --- scband reference (transcript-rebuilt; emitter-appended) ---
"""Pipeline reference for scband-gingraph-classifier-20461224198763 (READ-ONLY COPY).

The authoritative reference and input builder live on the scoring server;
editing this copy changes nothing except your own understanding.
"""

import jax, jax.numpy as jnp
import numpy as np

N = 10000
E = 320000
F = 128
H = 16
C = 10
G = 64


def setup_inputs(seed: int = 0) -> dict:
    key = jax.random.key(seed)
    ks = jax.random.split(key, 9)
    x = jax.random.normal(ks[0], (N, F), dtype=jnp.float32)
    edge_index = jax.random.randint(ks[1], (2, E), 0, N, dtype=jnp.int32)
    batch = jnp.sort(jax.random.randint(ks[2], (N,), 0, G, dtype=jnp.int32))
    # GINConv(Linear(F, H)) params
    W1 = jax.random.normal(ks[3], (F, H), dtype=jnp.float32) * 0.05
    b1 = jnp.zeros((H,), dtype=jnp.float32)
    W2 = jax.random.normal(ks[4], (H, H), dtype=jnp.float32) * 0.05
    b2 = jnp.zeros((H,), dtype=jnp.float32)
    Wfc = jax.random.normal(ks[5], (H, C), dtype=jnp.float32) * 0.05
    bfc = jnp.zeros((C,), dtype=jnp.float32)
    return {"x": x, "edge_index": edge_index, "batch": batch,
            "W1": W1, "b1": b1, "W2": W2, "b2": b2, "Wfc": Wfc, "bfc": bfc}


def reference(x, edge_index, batch, W1, b1, W2, b2, Wfc, bfc):
    src = edge_index[0]
    dst = edge_index[1]
    eps = 0.0  # PyG GINConv default eps=0, train_eps=False

    # conv1: nn((1+eps)*x + sum_{j in N(i)} x_j), then relu
    agg1 = jax.ops.segment_sum(x[src], dst, num_segments=N)
    h = (1.0 + eps) * x + agg1
    h = jax.nn.relu(h @ W1 + b1)

    # conv2
    agg2 = jax.ops.segment_sum(h[src], dst, num_segments=N)
    h2 = (1.0 + eps) * h + agg2
    h2 = jax.nn.relu(h2 @ W2 + b2)

    # global_mean_pool over batch segment ids
    sums = jax.ops.segment_sum(h2, batch, num_segments=G)
    counts = jax.ops.segment_sum(jnp.ones((N,), dtype=jnp.float32), batch, num_segments=G)
    pooled = sums / jnp.maximum(counts, 1.0)[:, None]

    return pooled @ Wfc + bfc

if __name__ == "__main__":
    import jax
    _d = setup_inputs()
    print(jax.jit(kernel)(*tuple(_d.values())))

</pallas_src>

<mosaic_0001>
#map = affine_map<(d0, d1) -> (0, 0)>
module attributes {stable_mosaic.version = 14 : i64} {
  func.func @_edge_segsum(%arg0: i32, %arg1: i32, %arg2: memref<10000x16xf32, #tpu.memory_space<hbm>>, %arg3: memref<2x320000xi32, #tpu.memory_space<hbm>>, %arg4: memref<20480x16xf32, #tpu.memory_space<hbm>>, %arg5: memref<10000xi32, #tpu.memory_space<vmem>>, %arg6: memref<10000xi32, #tpu.memory_space<vmem>>, %arg7: memref<12x128x16xf32, #tpu.memory_space<vmem>>, %arg8: memref<640x16xf32, #tpu.memory_space<vmem>>, %arg9: memref<10240x16xf32, #tpu.memory_space<vmem_shared>>, %arg10: memref<!tpu.dma_semaphore, #tpu.memory_space<semaphore_mem>>, %arg11: memref<!tpu.dma_semaphore, #tpu.memory_space<semaphore_mem>>, %arg12: memref<!tpu.dma_semaphore, #tpu.memory_space<semaphore_mem>>, %arg13: memref<!tpu.dma_semaphore, #tpu.memory_space<semaphore_mem>>, %arg14: memref<!tpu.dma_semaphore, #tpu.memory_space<semaphore_mem>>, %arg15: memref<!tpu.dma_semaphore, #tpu.memory_space<semaphore_mem>>, %arg16: memref<!tpu.dma_semaphore, #tpu.memory_space<semaphore_mem>>, %arg17: memref<!tpu.dma_semaphore, #tpu.memory_space<semaphore_mem>>, %arg18: memref<!tpu.dma_semaphore, #tpu.memory_space<semaphore_mem>>, %arg19: memref<!tpu.dma_semaphore, #tpu.memory_space<semaphore_mem>>, %arg20: memref<!tpu.dma_semaphore, #tpu.memory_space<semaphore_mem>>, %arg21: memref<!tpu.dma_semaphore, #tpu.memory_space<semaphore_mem>>, %arg22: memref<!tpu.dma_semaphore, #tpu.memory_space<semaphore_mem>>, %arg23: memref<!tpu.dma_semaphore, #tpu.memory_space<semaphore_mem>>, %arg24: memref<!tpu.dma_semaphore, #tpu.memory_space<semaphore_mem>>, %arg25: memref<!tpu.dma_semaphore, #tpu.memory_space<semaphore_mem>>, %arg26: memref<!tpu.dma_semaphore, #tpu.memory_space<semaphore_mem>>, %arg27: memref<!tpu.dma_semaphore, #tpu.memory_space<semaphore_mem>>, %arg28: memref<!tpu.dma_semaphore, #tpu.memory_space<semaphore_mem>>, %arg29: memref<!tpu.dma_semaphore, #tpu.memory_space<semaphore_mem>>, %arg30: memref<!tpu.dma_semaphore, #tpu.memory_space<semaphore_mem>>, %arg31: memref<!tpu.dma_semaphore, #tpu.memory_space<semaphore_mem>>, %arg32: memref<!tpu.dma_semaphore, #tpu.memory_space<semaphore_mem>>, %arg33: memref<!tpu.dma_semaphore, #tpu.memory_space<semaphore_mem>>) attributes {dimension_semantics = [#tpu.dimension_semantics<core_parallel>, #tpu.dimension_semantics<subcore_parallel>], iteration_bounds = array<i64: 2, 16>, scalar_prefetch = 0 : i64, scratch_operands = 29 : i64, tpu.core_type = #tpu.core_type<sc_vector_subcore>, window_params = [{transform_indices = #map}, {transform_indices = #map}, {transform_indices = #map}]} {
    %mul3A = arith.constant 2 : i32
    %mul3A_0 = arith.muli %arg1, %mul3A : i32
    %add3A = arith.addi %mul3A_0, %arg0 : i32
    %mul3A_1 = arith.constant 10000 : i32
    %mul3A_2 = arith.muli %add3A, %mul3A_1 : i32
    %dma_start3A = arith.constant 0 : i32
    %dma_start3A_3 = tpu.memref_slice %arg3[%dma_start3A, %mul3A_2] : memref<2x320000xi32, #tpu.memory_space<hbm>> -> memref<1x10000xi32, #tpu.memory_space<hbm>>
    %dma_start3A_4 = tpu.memref_squeeze %dma_start3A_3 : memref<1x10000xi32, #tpu.memory_space<hbm>> -> memref<10000xi32, #tpu.memory_space<hbm>>
    %dma_start3A_5 = tpu.memref_slice %arg3[%dma_start3A, %mul3A_2] : memref<2x320000xi32, #tpu.memory_space<hbm>> -> memref<1x10000xi32, #tpu.memory_space<hbm>>
    %dma_start3A_6 = tpu.memref_squeeze %dma_start3A_5 : memref<1x10000xi32, #tpu.memory_space<hbm>> -> memref<10000xi32, #tpu.memory_space<hbm>>
    tpu.enqueue_dma source(%dma_start3A_6 : memref<10000xi32, #tpu.memory_space<hbm>>) target(%arg5 : memref<10000xi32, #tpu.memory_space<vmem>>) target_semaphore(%arg10 : memref<!tpu.dma_semaphore, #tpu.memory_space<semaphore_mem>>)
    %mul3A_7 = arith.constant 10000 : i32
    %mul3A_8 = arith.muli %add3A, %mul3A_7 : i32
    %dma_start3A_9 = arith.constant 1 : i32
    %dma_start3A_10 = tpu.memref_slice %arg3[%dma_start3A_9, %mul3A_8] : memref<2x320000xi32, #tpu.memory_space<hbm>> -> memref<1x10000xi32, #tpu.memory_space<hbm>>
    %dma_start3A_11 = tpu.memref_squeeze %dma_start3A_10 : memref<1x10000xi32, #tpu.memory_space<hbm>> -> memref<10000xi32, #tpu.memory_space<hbm>>
    %dma_start3A_12 = tpu.memref_slice %arg3[%dma_start3A_9, %mul3A_8] : memref<2x320000xi32, #tpu.memory_space<hbm>> -> memref<1x10000xi32, #tpu.memory_space<hbm>>
    %dma_start3A_13 = tpu.memref_squeeze %dma_start3A_12 : memref<1x10000xi32, #tpu.memory_space<hbm>> -> memref<10000xi32, #tpu.memory_space<hbm>>
    tpu.enqueue_dma source(%dma_start3A_13 : memref<10000xi32, #tpu.memory_space<hbm>>) target(%arg6 : memref<10000xi32, #tpu.memory_space<vmem>>) target_semaphore(%arg11 : memref<!tpu.dma_semaphore, #tpu.memory_space<semaphore_mem>>)
    %scan3A = arith.constant 0 : i32
    %scan3A_14 = arith.constant 0 : i32
    %scan3A_15 = arith.constant 640 : i32
    %scan3A_16 = arith.addi %scan3A_14, %scan3A_15 : i32
    %scan3A_17 = arith.constant 1 : i32
    scf.for %scan3A_241 = %scan3A_14 to %scan3A_16 step %scan3A_17  : i32 {
      %broadcast_in_dim3A = arith.constant 0.000000e+00 : f32
      %broadcast_in_dim3A_242 = vector.broadcast %broadcast_in_dim3A : f32 to vector<16xf32>
      %swap3A = arith.index_cast %scan3A_241 : i32 to index
      %swap3A_243 = arith.constant 0 : index
      %swap3A_244 = tpu.vector_load %arg8[%swap3A, %swap3A_243] {strides = array<i32>} : memref<640x16xf32, #tpu.memory_space<vmem>>, vector<1x16xf32>,
      %swap3A_245 = vector.shape_cast %swap3A_244 : vector<1x16xf32> to vector<16xf32>
      %swap3A_246 = vector.shape_cast %broadcast_in_dim3A_242 : vector<16xf32> to vector<1x16xf32>
      tpu.vector_store %arg8[%swap3A, %swap3A_243], %swap3A_246 {strides = array<i32>} : memref<640x16xf32, #tpu.memory_space<vmem>>, vector<1x16xf32>,
    }
    %scan3A_18 = arith.constant 640 : i32
    %mul3A_19 = arith.constant 640 : i32
    %mul3A_20 = arith.muli %arg1, %mul3A_19 : i32
    "tpu.region"() ({
      %run_scoped3A_241 = tpu.sem_alloc : memref<!tpu.dma_semaphore, #tpu.memory_space<semaphore_mem>>
      %dma_start3A_242 = arith.constant 0 : i32
      %dma_start3A_243 = tpu.memref_slice %arg9[%mul3A_20, %dma_start3A_242] : memref<10240x16xf32, #tpu.memory_space<vmem_shared>> -> memref<640x16xf32, #tpu.memory_space<vmem_shared>>
      %dma_start3A_244 = arith.constant 0 : i32
      %dma_start3A_245 = tpu.memref_slice %arg9[%mul3A_20, %dma_start3A_244] : memref<10240x16xf32, #tpu.memory_space<vmem_shared>> -> memref<640x16xf32, #tpu.memory_space<vmem_shared>>
      tpu.enqueue_dma source(%arg8 : memref<640x16xf32, #tpu.memory_space<vmem>>) target(%dma_start3A_245 : memref<640x16xf32, #tpu.memory_space<vmem_shared>>) target_semaphore(%run_scoped3A_241 : memref<!tpu.dma_semaphore, #tpu.memory_space<semaphore_mem>>)
      %dma_wait3A_246 = arith.constant 0 : i32
      %dma_wait3A_247 = tpu.memref_slice %arg9[%mul3A_20, %dma_wait3A_246] : memref<10240x16xf32, #tpu.memory_space<vmem_shared>> -> memref<640x16xf32, #tpu.memory_space<vmem_shared>>
      %dma_wait3A_248 = arith.constant 0 : i32
      %dma_wait3A_249 = tpu.memref_slice %arg9[%mul3A_20, %dma_wait3A_248] : memref<10240x16xf32, #tpu.memory_space<vmem_shared>> -> memref<640x16xf32, #tpu.memory_space<vmem_shared>>
      tpu.wait_dma2 semaphore(%run_scoped3A_241 : memref<!tpu.dma_semaphore, #tpu.memory_space<semaphore_mem>>) src(%arg8 : memref<640x16xf32, #tpu.memory_space<vmem>>) dst(%dma_wait3A_249 : memref<640x16xf32, #tpu.memory_space<vmem_shared>>)
      tpu.yield
    }) : () -> ()
    %dma_wait3A = arith.constant 0 : i32
    %dma_wait3A_21 = tpu.memref_slice %arg3[%dma_wait3A, %mul3A_2] : memref<2x320000xi32, #tpu.memory_space<hbm>> -> memref<1x10000xi32, #tpu.memory_space<hbm>>
    %dma_wait3A_22 = tpu.memref_squeeze %dma_wait3A_21 : memref<1x10000xi32, #tpu.memory_space<hbm>> -> memref<10000xi32, #tpu.memory_space<hbm>>
    %dma_wait3A_23 = tpu.memref_slice %arg3[%dma_wait3A, %mul3A_2] : memref<2x320000xi32, #tpu.memory_space<hbm>> -> memref<1x10000xi32, #tpu.memory_space<hbm>>
    %dma_wait3A_24 = tpu.memref_squeeze %dma_wait3A_23 : memref<1x10000xi32, #tpu.memory_space<hbm>> -> memref<10000xi32, #tpu.memory_space<hbm>>
    tpu.wait_dma2 semaphore(%arg10 : memref<!tpu.dma_semaphore, #tpu.memory_space<semaphore_mem>>) src(%dma_wait3A_24 : memref<10000xi32, #tpu.memory_space<hbm>>) dst(%arg5 : memref<10000xi32, #tpu.memory_space<vmem>>)
    %dma_wait3A_25 = arith.constant 1 : i32
    %dma_wait3A_26 = tpu.memref_slice %arg3[%dma_wait3A_25, %mul3A_8] : memref<2x320000xi32, #tpu.memory_space<hbm>> -> memref<1x10000xi32, #tpu.memory_space<hbm>>
    %dma_wait3A_27 = tpu.memref_squeeze %dma_wait3A_26 : memref<1x10000xi32, #tpu.memory_space<hbm>> -> memref<10000xi32, #tpu.memory_space<hbm>>
    %dma_wait3A_28 = tpu.memref_slice %arg3[%dma_wait3A_25, %mul3A_8] : memref<2x320000xi32, #tpu.memory_space<hbm>> -> memref<1x10000xi32, #tpu.memory_space<hbm>>
    %dma_wait3A_29 = tpu.memref_squeeze %dma_wait3A_28 : memref<1x10000xi32, #tpu.memory_space<hbm>> -> memref<10000xi32, #tpu.memory_space<hbm>>
    tpu.wait_dma2 semaphore(%arg11 : memref<!tpu.dma_semaphore, #tpu.memory_space<semaphore_mem>>) src(%dma_wait3A_29 : memref<10000xi32, #tpu.memory_space<hbm>>) dst(%arg6 : memref<10000xi32, #tpu.memory_space<vmem>>)
    %barrier3A = arith.constant 0 : index
    tpu.barrier barrier_id(%barrier3A)
    %dma_start3A_30 = arith.constant 0 : i32
    %dma_start3A_31 = arith.constant 0 : i32
    %dma_start3A_32 = arith.constant 0 : i32
    %dma_start3A_33 = tpu.memref_slice %arg7[%dma_start3A_30, %dma_start3A_31, %dma_start3A_32] : memref<12x128x16xf32, #tpu.memory_space<vmem>> -> memref<1x128x16xf32, #tpu.memory_space<vmem>>
    %dma_start3A_34 = tpu.memref_squeeze %dma_start3A_33 : memref<1x128x16xf32, #tpu.memory_space<vmem>> -> memref<128x16xf32, #tpu.memory_space<vmem>>
    %dma_start3A_35 = arith.constant 0 : i32
    %dma_start3A_36 = tpu.memref_slice %arg5[%dma_start3A_35] : memref<10000xi32, #tpu.memory_space<vmem>> -> memref<128xi32, #tpu.memory_space<vmem>>
    %dma_start3A_37 = arith.constant 0 : i32
    %dma_start3A_38 = arith.constant 0 : i32
    %dma_start3A_39 = tpu.memref_slice %arg2[%dma_start3A_37, %dma_start3A_38] : memref<10000x16xf32, #tpu.memory_space<hbm>> -> memref<10000x16xf32, #tpu.memory_space<hbm>>
    tpu.enqueue_indirect_dma source(%dma_start3A_39 : memref<10000x16xf32, #tpu.memory_space<hbm>>) target(%dma_start3A_34 : memref<128x16xf32, #tpu.memory_space<vmem>>) offsets(%dma_start3A_36 : memref<128xi32, #tpu.memory_space<vmem>>) semaphore(%arg10 : memref<!tpu.dma_semaphore, #tpu.memory_space<semaphore_mem>>)
    %dma_start3A_40 = arith.constant 1 : i32
    %dma_start3A_41 = arith.constant 0 : i32
    %dma_start3A_42 = arith.constant 0 : i32
    %dma_start3A_43 = tpu.memref_slice %arg7[%dma_start3A_40, %dma_start3A_41, %dma_start3A_42] : memref<12x128x16xf32, #tpu.memory_space<vmem>> -> memref<1x128x16xf32, #tpu.memory_space<vmem>>
    %dma_start3A_44 = tpu.memref_squeeze %dma_start3A_43 : memref<1x128x16xf32, #tpu.memory_space<vmem>> -> memref<128x16xf32, #tpu.memory_space<vmem>>
    %dma_start3A_45 = arith.constant 128 : i32
    %dma_start3A_46 = tpu.memref_slice %arg5[%dma_start3A_45] : memref<10000xi32, #tpu.memory_space<vmem>> -> memref<128xi32, #tpu.memory_space<vmem>>
    %dma_start3A_47 = arith.constant 0 : i32
    %dma_start3A_48 = arith.constant 0 : i32
    %dma_start3A_49 = tpu.memref_slice %arg2[%dma_start3A_47, %dma_start3A_48] : memref<10000x16xf32, #tpu.memory_space<hbm>> -> memref<10000x16xf32, #tpu.memory_space<hbm>>
    tpu.enqueue_indirect_dma source(%dma_start3A_49 : memref<10000x16xf32, #tpu.memory_space<hbm>>) target(%dma_start3A_44 : memref<128x16xf32, #tpu.memory_space<vmem>>) offsets(%dma_start3A_46 : memref<128xi32, #tpu.memory_space<vmem>>) semaphore(%arg11 : memref<!tpu.dma_semaphore, #tpu.memory_space<semaphore_mem>>)
    %dma_start3A_50 = arith.constant 2 : i32
    %dma_start3A_51 = arith.constant 0 : i32
    %dma_start3A_52 = arith.constant 0 : i32
    %dma_start3A_53 = tpu.memref_slice %arg7[%dma_start3A_50, %dma_start3A_51, %dma_start3A_52] : memref<12x128x16xf32, #tpu.memory_space<vmem>> -> memref<1x128x16xf32, #tpu.memory_space<vmem>>
    %dma_start3A_54 = tpu.memref_squeeze %dma_start3A_53 : memref<1x128x16xf32, #tpu.memory_space<vmem>> -> memref<128x16xf32, #tpu.memory_space<vmem>>
    %dma_start3A_55 = arith.constant 256 : i32
    %dma_start3A_56 = tpu.memref_slice %arg5[%dma_start3A_55] : memref<10000xi32, #tpu.memory_space<vmem>> -> memref<128xi32, #tpu.memory_space<vmem>>
    %dma_start3A_57 = arith.constant 0 : i32
    %dma_start3A_58 = arith.constant 0 : i32
    %dma_start3A_59 = tpu.memref_slice %arg2[%dma_start3A_57, %dma_start3A_58] : memref<10000x16xf32, #tpu.memory_space<hbm>> -> memref<10000x16xf32, #tpu.memory_space<hbm>>
    tpu.enqueue_indirect_dma source(%dma_start3A_59 : memref<10000x16xf32, #tpu.memory_space<hbm>>) target(%dma_start3A_54 : memref<128x16xf32, #tpu.memory_space<vmem>>) offsets(%dma_start3A_56 : memref<128xi32, #tpu.memory_space<vmem>>) semaphore(%arg12 : memref<!tpu.dma_semaphore, #tpu.memory_space<semaphore_mem>>)
    %dma_start3A_60 = arith.constant 3 : i32
    %dma_start3A_61 = arith.constant 0 : i32
    %dma_start3A_62 = arith.constant 0 : i32
    %dma_start3A_63 = tpu.memref_slice %arg7[%dma_start3A_60, %dma_start3A_61, %dma_start3A_62] : memref<12x128x16xf32, #tpu.memory_space<vmem>> -> memref<1x128x16xf32, #tpu.memory_space<vmem>>
    %dma_start3A_64 = tpu.memref_squeeze %dma_start3A_63 : memref<1x128x16xf32, #tpu.memory_space<vmem>> -> memref<128x16xf32, #tpu.memory_space<vmem>>
    %dma_start3A_65 = arith.constant 384 : i32
    %dma_start3A_66 = tpu.memref_slice %arg5[%dma_start3A_65] : memref<10000xi32, #tpu.memory_space<vmem>> -> memref<128xi32, #tpu.memory_space<vmem>>
    %dma_start3A_67 = arith.constant 0 : i32
    %dma_start3A_68 = arith.constant 0 : i32
    %dma_start3A_69 = tpu.memref_slice %arg2[%dma_start3A_67, %dma_start3A_68] : memref<10000x16xf32, #tpu.memory_space<hbm>> -> memref<10000x16xf32, #tpu.memory_space<hbm>>
    tpu.enqueue_indirect_dma source(%dma_start3A_69 : memref<10000x16xf32, #tpu.memory_space<hbm>>) target(%dma_start3A_64 : memref<128x16xf32, #tpu.memory_space<vmem>>) offsets(%dma_start3A_66 : memref<128xi32, #tpu.memory_space<vmem>>) semaphore(%arg13 : memref<!tpu.dma_semaphore, #tpu.memory_space<semaphore_mem>>)
    %dma_start3A_70 = arith.constant 4 : i32
    %dma_start3A_71 = arith.constant 0 : i32
    %dma_start3A_72 = arith.constant 0 : i32
    %dma_start3A_73 = tpu.memref_slice %arg7[%dma_start3A_70, %dma_start3A_71, %dma_start3A_72] : memref<12x128x16xf32, #tpu.memory_space<vmem>> -> memref<1x128x16xf32, #tpu.memory_space<vmem>>
    %dma_start3A_74 = tpu.memref_squeeze %dma_start3A_73 : memref<1x128x16xf32, #tpu.memory_space<vmem>> -> memref<128x16xf32, #tpu.memory_space<vmem>>
    %dma_start3A_75 = arith.constant 512 : i32
    %dma_start3A_76 = tpu.memref_slice %arg5[%dma_start3A_75] : memref<10000xi32, #tpu.memory_space<vmem>> -> memref<128xi32, #tpu.memory_space<vmem>>
    %dma_start3A_77 = arith.constant 0 : i32
    %dma_start3A_78 = arith.constant 0 : i32
    %dma_start3A_79 = tpu.memref_slice %arg2[%dma_start3A_77, %dma_start3A_78] : memref<10000x16xf32, #tpu.memory_space<hbm>> -> memref<10000x16xf32, #tpu.memory_space<hbm>>
    tpu.enqueue_indirect_dma source(%dma_start3A_79 : memref<10000x16xf32, #tpu.memory_space<hbm>>) target(%dma_start3A_74 : memref<128x16xf32, #tpu.memory_space<vmem>>) offsets(%dma_start3A_76 : memref<128xi32, #tpu.memory_space<vmem>>) semaphore(%arg14 : memref<!tpu.dma_semaphore, #tpu.memory_space<semaphore_mem>>)
    %dma_start3A_80 = arith.constant 5 : i32
    %dma_start3A_81 = arith.constant 0 : i32
    %dma_start3A_82 = arith.constant 0 : i32
    %dma_start3A_83 = tpu.memref_slice %arg7[%dma_start3A_80, %dma_start3A_81, %dma_start3A_82] : memref<12x128x16xf32, #tpu.memory_space<vmem>> -> memref<1x128x16xf32, #tpu.memory_space<vmem>>
    %dma_start3A_84 = tpu.memref_squeeze %dma_start3A_83 : memref<1x128x16xf32, #tpu.memory_space<vmem>> -> memref<128x16xf32, #tpu.memory_space<vmem>>
    %dma_start3A_85 = arith.constant 640 : i32
    %dma_start3A_86 = tpu.memref_slice %arg5[%dma_start3A_85] : memref<10000xi32, #tpu.memory_space<vmem>> -> memref<128xi32, #tpu.memory_space<vmem>>
    %dma_start3A_87 = arith.constant 0 : i32
    %dma_start3A_88 = arith.constant 0 : i32
    %dma_start3A_89 = tpu.memref_slice %arg2[%dma_start3A_87, %dma_start3A_88] : memref<10000x16xf32, #tpu.memory_space<hbm>> -> memref<10000x16xf32, #tpu.memory_space<hbm>>
    tpu.enqueue_indirect_dma source(%dma_start3A_89 : memref<10000x16xf32, #tpu.memory_space<hbm>>) target(%dma_start3A_84 : memref<128x16xf32, #tpu.memory_space<vmem>>) offsets(%dma_start3A_86 : memref<128xi32, #tpu.memory_space<vmem>>) semaphore(%arg15 : memref<!tpu.dma_semaphore, #tpu.memory_space<semaphore_mem>>)
    %scan3A_90 = arith.constant 0 : i32
    %scan3A_91 = arith.constant 78 : i32
    %scan3A_92 = arith.addi %scan3A_90, %scan3A_91 : i32
    %scan3A_93 = arith.constant 1 : i32
    scf.for %scan3A_241 = %scan3A_90 to %scan3A_92 step %scan3A_93  : i32 {
      %mul3A_242 = arith.constant 1 : i32
      %mul3A_243 = arith.muli %scan3A_241, %mul3A_242 : i32
      %add3A_244 = arith.constant 0 : i32
      %add3A_245 = arith.addi %add3A_244, %mul3A_243 : i32
      %add3A_246 = arith.constant 6 : i32
      %add3A_247 = arith.addi %add3A_245, %add3A_246 : i32
      %lt3A = arith.constant 78 : i32
      %lt3A_248 = arith.cmpi slt, %add3A_247, %lt3A : i32
      %convert_element_type3A = arith.extui %lt3A_248 : i1 to i32
      %cond3A = arith.constant 0 : i32
      %cond3A_249 = arith.cmpi ne, %convert_element_type3A, %cond3A : i32
      scf.if %cond3A_249 {
        %rem3A_310 = arith.constant 12 : i32
        %rem3A_311 = arith.remsi %add3A_247, %rem3A_310 : i32
        %eq3A_312 = arith.constant 0 : i32
        %eq3A_313 = arith.cmpi eq, %rem3A_311, %eq3A_312 : i32
        %convert_element_type3A_314 = arith.extui %eq3A_313 : i1 to i32
        %cond3A_315 = arith.constant 0 : i32
        %cond3A_316 = arith.cmpi ne, %convert_element_type3A_314, %cond3A_315 : i32
        scf.if %cond3A_316 {
          %ge3A = arith.constant 6 : i32
          %ge3A_372 = arith.cmpi sge, %add3A_245, %ge3A : i32
          %convert_element_type3A_373 = arith.extui %ge3A_372 : i1 to i32
          %cond3A_374 = arith.constant 0 : i32
          %cond3A_375 = arith.cmpi ne, %convert_element_type3A_373, %cond3A_374 : i32
          scf.if %cond3A_375 {
            %dma_wait3A_387 = arith.constant 0 : i32
            %dma_wait3A_388 = arith.constant 0 : i32
            %dma_wait3A_389 = arith.constant 0 : i32
            %dma_wait3A_390 = tpu.memref_slice %arg7[%dma_wait3A_387, %dma_wait3A_388, %dma_wait3A_389] : memref<12x128x16xf32, #tpu.memory_space<vmem>> -> memref<1x128x16xf32, #tpu.memory_space<vmem>>
            %dma_wait3A_391 = tpu.memref_squeeze %dma_wait3A_390 : memref<1x128x16xf32, #tpu.memory_space<vmem>> -> memref<128x16xf32, #tpu.memory_space<vmem>>
            %dma_wait3A_392 = arith.constant 0 : i32
            %dma_wait3A_393 = tpu.memref_slice %arg6[%dma_wait3A_392] : memref<10000xi32, #tpu.memory_space<vmem>> -> memref<128xi32, #tpu.memory_space<vmem>>
            %dma_wait3A_394 = arith.constant 0 : i32
            %dma_wait3A_395 = arith.constant 0 : i32
            %dma_wait3A_396 = tpu.memref_slice %arg9[%dma_wait3A_394, %dma_wait3A_395] : memref<10240x16xf32, #tpu.memory_space<vmem_shared>> -> memref<10240x16xf32, #tpu.memory_space<vmem_shared>>
            tpu.wait_indirect_dma semaphore(%arg22 : memref<!tpu.dma_semaphore, #tpu.memory_space<semaphore_mem>>) src(%dma_wait3A_391 : memref<128x16xf32, #tpu.memory_space<vmem>>) dst(%dma_wait3A_396 : memref<10240x16xf32, #tpu.memory_space<vmem_shared>>)
          } else {
          }
          %mul3A_376 = arith.constant 128 : i32
          %mul3A_377 = arith.muli %add3A_247, %mul3A_376 : i32
          %dma_start3A_378 = arith.constant 0 : i32
          %dma_start3A_379 = arith.constant 0 : i32
          %dma_start3A_380 = arith.constant 0 : i32
          %dma_start3A_381 = tpu.memref_slice %arg7[%dma_start3A_378, %dma_start3A_379, %dma_start3A_380] : memref<12x128x16xf32, #tpu.memory_space<vmem>> -> memref<1x128x16xf32, #tpu.memory_space<vmem>>
          %dma_start3A_382 = tpu.memref_squeeze %dma_start3A_381 : memref<1x128x16xf32, #tpu.memory_space<vmem>> -> memref<128x16xf32, #tpu.memory_space<vmem>>
          %dma_start3A_383 = tpu.memref_slice %arg5[%mul3A_377] : memref<10000xi32, #tpu.memory_space<vmem>> -> memref<128xi32, #tpu.memory_space<vmem>>
          %dma_start3A_384 = arith.constant 0 : i32
          %dma_start3A_385 = arith.constant 0 : i32
          %dma_start3A_386 = tpu.memref_slice %arg2[%dma_start3A_384, %dma_start3A_385] : memref<10000x16xf32, #tpu.memory_space<hbm>> -> memref<10000x16xf32, #tpu.memory_space<hbm>>
          tpu.enqueue_indirect_dma source(%dma_start3A_386 : memref<10000x16xf32, #tpu.memory_space<hbm>>) target(%dma_start3A_382 : memref<128x16xf32, #tpu.memory_space<vmem>>) offsets(%dma_start3A_383 : memref<128xi32, #tpu.memory_space<vmem>>) semaphore(%arg10 : memref<!tpu.dma_semaphore, #tpu.memory_space<semaphore_mem>>)
        } else {
        }
        %eq3A_317 = arith.constant 1 : i32
        %eq3A_318 = arith.cmpi eq, %rem3A_311, %eq3A_317 : i32
        %convert_element_type3A_319 = arith.extui %eq3A_318 : i1 to i32
        %cond3A_320 = arith.constant 0 : i32
        %cond3A_321 = arith.cmpi ne, %convert_element_type3A_319, %cond3A_320 : i32
        scf.if %cond3A_321 {
          %ge3A = arith.constant 6 : i32
          %ge3A_372 = arith.cmpi sge, %add3A_245, %ge3A : i32
          %convert_element_type3A_373 = arith.extui %ge3A_372 : i1 to i32
          %cond3A_374 = arith.constant 0 : i32
          %cond3A_375 = arith.cmpi ne, %convert_element_type3A_373, %cond3A_374 : i32
          scf.if %cond3A_375 {
            %dma_wait3A_387 = arith.constant 1 : i32
            %dma_wait3A_388 = arith.constant 0 : i32
            %dma_wait3A_389 = arith.constant 0 : i32
            %dma_wait3A_390 = tpu.memref_slice %arg7[%dma_wait3A_387, %dma_wait3A_388, %dma_wait3A_389] : memref<12x128x16xf32, #tpu.memory_space<vmem>> -> memref<1x128x16xf32, #tpu.memory_space<vmem>>
            %dma_wait3A_391 = tpu.memref_squeeze %dma_wait3A_390 : memref<1x128x16xf32, #tpu.memory_space<vmem>> -> memref<128x16xf32, #tpu.memory_space<vmem>>
            %dma_wait3A_392 = arith.constant 0 : i32
            %dma_wait3A_393 = tpu.memref_slice %arg6[%dma_wait3A_392] : memref<10000xi32, #tpu.memory_space<vmem>> -> memref<128xi32, #tpu.memory_space<vmem>>
            %dma_wait3A_394 = arith.constant 0 : i32
            %dma_wait3A_395 = arith.constant 0 : i32
            %dma_wait3A_396 = tpu.memref_slice %arg9[%dma_wait3A_394, %dma_wait3A_395] : memref<10240x16xf32, #tpu.memory_space<vmem_shared>> -> memref<10240x16xf32, #tpu.memory_space<vmem_shared>>
            tpu.wait_indirect_dma semaphore(%arg23 : memref<!tpu.dma_semaphore, #tpu.memory_space<semaphore_mem>>) src(%dma_wait3A_391 : memref<128x16xf32, #tpu.memory_space<vmem>>) dst(%dma_wait3A_396 : memref<10240x16xf32, #tpu.memory_space<vmem_shared>>)
          } else {
          }
          %mul3A_376 = arith.constant 128 : i32
          %mul3A_377 = arith.muli %add3A_247, %mul3A_376 : i32
          %dma_start3A_378 = arith.constant 1 : i32
          %dma_start3A_379 = arith.constant 0 : i32
          %dma_start3A_380 = arith.constant 0 : i32
          %dma_start3A_381 = tpu.memref_slice %arg7[%dma_start3A_378, %dma_start3A_379, %dma_start3A_380] : memref<12x128x16xf32, #tpu.memory_space<vmem>> -> memref<1x128x16xf32, #tpu.memory_space<vmem>>
          %dma_start3A_382 = tpu.memref_squeeze %dma_start3A_381 : memref<1x128x16xf32, #tpu.memory_space<vmem>> -> memref<128x16xf32, #tpu.memory_space<vmem>>
          %dma_start3A_383 = tpu.memref_slice %arg5[%mul3A_377] : memref<10000xi32, #tpu.memory_space<vmem>> -> memref<128xi32, #tpu.memory_space<vmem>>
          %dma_start3A_384 = arith.constant 0 : i32
          %dma_start3A_385 = arith.constant 0 : i32
          %dma_start3A_386 = tpu.memref_slice %arg2[%dma_start3A_384, %dma_start3A_385] : memref<10000x16xf32, #tpu.memory_space<hbm>> -> memref<10000x16xf32, #tpu.memory_space<hbm>>
          tpu.enqueue_indirect_dma source(%dma_start3A_386 : memref<10000x16xf32, #tpu.memory_space<hbm>>) target(%dma_start3A_382 : memref<128x16xf32, #tpu.memory_space<vmem>>) offsets(%dma_start3A_383 : memref<128xi32, #tpu.memory_space<vmem>>) semaphore(%arg11 : memref<!tpu.dma_semaphore, #tpu.memory_space<semaphore_mem>>)
        } else {
        }
        %eq3A_322 = arith.constant 2 : i32
        %eq3A_323 = arith.cmpi eq, %rem3A_311, %eq3A_322 : i32
        %convert_element_type3A_324 = arith.extui %eq3A_323 : i1 to i32
        %cond3A_325 = arith.constant 0 : i32
        %cond3A_326 = arith.cmpi ne, %convert_element_type3A_324, %cond3A_325 : i32
        scf.if %cond3A_326 {
          %ge3A = arith.constant 6 : i32
          %ge3A_372 = arith.cmpi sge, %add3A_245, %ge3A : i32
          %convert_element_type3A_373 = arith.extui %ge3A_372 : i1 to i32
          %cond3A_374 = arith.constant 0 : i32
          %cond3A_375 = arith.cmpi ne, %convert_element_type3A_373, %cond3A_374 : i32
          scf.if %cond3A_375 {
            %dma_wait3A_387 = arith.constant 2 : i32
            %dma_wait3A_388 = arith.constant 0 : i32
            %dma_wait3A_389 = arith.constant 0 : i32
            %dma_wait3A_390 = tpu.memref_slice %arg7[%dma_wait3A_387, %dma_wait3A_388, %dma_wait3A_389] : memref<12x128x16xf32, #tpu.memory_space<vmem>> -> memref<1x128x16xf32, #tpu.memory_space<vmem>>
            %dma_wait3A_391 = tpu.memref_squeeze %dma_wait3A_390 : memref<1x128x16xf32, #tpu.memory_space<vmem>> -> memref<128x16xf32, #tpu.memory_space<vmem>>
            %dma_wait3A_392 = arith.constant 0 : i32
            %dma_wait3A_393 = tpu.memref_slice %arg6[%dma_wait3A_392] : memref<10000xi32, #tpu.memory_space<vmem>> -> memref<128xi32, #tpu.memory_space<vmem>>
            %dma_wait3A_394 = arith.constant 0 : i32
            %dma_wait3A_395 = arith.constant 0 : i32
            %dma_wait3A_396 = tpu.memref_slice %arg9[%dma_wait3A_394, %dma_wait3A_395] : memref<10240x16xf32, #tpu.memory_space<vmem_shared>> -> memref<10240x16xf32, #tpu.memory_space<vmem_shared>>
            tpu.wait_indirect_dma semaphore(%arg24 : memref<!tpu.dma_semaphore, #tpu.memory_space<semaphore_mem>>) src(%dma_wait3A_391 : memref<128x16xf32, #tpu.memory_space<vmem>>) dst(%dma_wait3A_396 : memref<10240x16xf32, #tpu.memory_space<vmem_shared>>)
          } else {
          }
          %mul3A_376 = arith.constant 128 : i32
          %mul3A_377 = arith.muli %add3A_247, %mul3A_376 : i32
          %dma_start3A_378 = arith.constant 2 : i32
          %dma_start3A_379 = arith.constant 0 : i32
          %dma_start3A_380 = arith.constant 0 : i32
          %dma_start3A_381 = tpu.memref_slice %arg7[%dma_start3A_378, %dma_start3A_379, %dma_start3A_380] : memref<12x128x16xf32, #tpu.memory_space<vmem>> -> memref<1x128x16xf32, #tpu.memory_space<vmem>>
          %dma_start3A_382 = tpu.memref_squeeze %dma_start3A_381 : memref<1x128x16xf32, #tpu.memory_space<vmem>> -> memref<128x16xf32, #tpu.memory_space<vmem>>
          %dma_start3A_383 = tpu.memref_slice %arg5[%mul3A_377] : memref<10000xi32, #tpu.memory_space<vmem>> -> memref<128xi32, #tpu.memory_space<vmem>>
          %dma_start3A_384 = arith.constant 0 : i32
          %dma_start3A_385 = arith.constant 0 : i32
          %dma_start3A_386 = tpu.memref_slice %arg2[%dma_start3A_384, %dma_start3A_385] : memref<10000x16xf32, #tpu.memory_space<hbm>> -> memref<10000x16xf32, #tpu.memory_space<hbm>>
          tpu.enqueue_indirect_dma source(%dma_start3A_386 : memref<10000x16xf32, #tpu.memory_space<hbm>>) target(%dma_start3A_382 : memref<128x16xf32, #tpu.memory_space<vmem>>) offsets(%dma_start3A_383 : memref<128xi32, #tpu.memory_space<vmem>>) semaphore(%arg12 : memref<!tpu.dma_semaphore, #tpu.memory_space<semaphore_mem>>)
        } else {
        }
        %eq3A_327 = arith.constant 3 : i32
        %eq3A_328 = arith.cmpi eq, %rem3A_311, %eq3A_327 : i32
        %convert_element_type3A_329 = arith.extui %eq3A_328 : i1 to i32
        %cond3A_330 = arith.constant 0 : i32
        %cond3A_331 = arith.cmpi ne, %convert_element_type3A_329, %cond3A_330 : i32
        scf.if %cond3A_331 {
          %ge3A = arith.constant 6 : i32
          %ge3A_372 = arith.cmpi sge, %add3A_245, %ge3A : i32
          %convert_element_type3A_373 = arith.extui %ge3A_372 : i1 to i32
          %cond3A_374 = arith.constant 0 : i32
          %cond3A_375 = arith.cmpi ne, %convert_element_type3A_373, %cond3A_374 : i32
          scf.if %cond3A_375 {
            %dma_wait3A_387 = arith.constant 3 : i32
            %dma_wait3A_388 = arith.constant 0 : i32
            %dma_wait3A_389 = arith.constant 0 : i32
            %dma_wait3A_390 = tpu.memref_slice %arg7[%dma_wait3A_387, %dma_wait3A_388, %dma_wait3A_389] : memref<12x128x16xf32, #tpu.memory_space<vmem>> -> memref<1x128x16xf32, #tpu.memory_space<vmem>>
            %dma_wait3A_391 = tpu.memref_squeeze %dma_wait3A_390 : memref<1x128x16xf32, #tpu.memory_space<vmem>> -> memref<128x16xf32, #tpu.memory_space<vmem>>
            %dma_wait3A_392 = arith.constant 0 : i32
            %dma_wait3A_393 = tpu.memref_slice %arg6[%dma_wait3A_392] : memref<10000xi32, #tpu.memory_space<vmem>> -> memref<128xi32, #tpu.memory_space<vmem>>
            %dma_wait3A_394 = arith.constant 0 : i32
            %dma_wait3A_395 = arith.constant 0 : i32
            %dma_wait3A_396 = tpu.memref_slice %arg9[%dma_wait3A_394, %dma_wait3A_395] : memref<10240x16xf32, #tpu.memory_space<vmem_shared>> -> memref<10240x16xf32, #tpu.memory_space<vmem_shared>>
            tpu.wait_indirect_dma semaphore(%arg25 : memref<!tpu.dma_semaphore, #tpu.memory_space<semaphore_mem>>) src(%dma_wait3A_391 : memref<128x16xf32, #tpu.memory_space<vmem>>) dst(%dma_wait3A_396 : memref<10240x16xf32, #tpu.memory_space<vmem_shared>>)
          } else {
          }
          %mul3A_376 = arith.constant 128 : i32
          %mul3A_377 = arith.muli %add3A_247, %mul3A_376 : i32
          %dma_start3A_378 = arith.constant 3 : i32
          %dma_start3A_379 = arith.constant 0 : i32
          %dma_start3A_380 = arith.constant 0 : i32
          %dma_start3A_381 = tpu.memref_slice %arg7[%dma_start3A_378, %dma_start3A_379, %dma_start3A_380] : memref<12x128x16xf32, #tpu.memory_space<vmem>> -> memref<1x128x16xf32, #tpu.memory_space<vmem>>
          %dma_start3A_382 = tpu.memref_squeeze %dma_start3A_381 : memref<1x128x16xf32, #tpu.memory_space<vmem>> -> memref<128x16xf32, #tpu.memory_space<vmem>>
          %dma_start3A_383 = tpu.memref_slice %arg5[%mul3A_377] : memref<10000xi32, #tpu.memory_space<vmem>> -> memref<128xi32, #tpu.memory_space<vmem>>
          %dma_start3A_384 = arith.constant 0 : i32
          %dma_start3A_385 = arith.constant 0 : i32
          %dma_start3A_386 = tpu.memref_slice %arg2[%dma_start3A_384, %dma_start3A_385] : memref<10000x16xf32, #tpu.memory_space<hbm>> -> memref<10000x16xf32, #tpu.memory_space<hbm>>
          tpu.enqueue_indirect_dma source(%dma_start3A_386 : memref<10000x16xf32, #tpu.memory_space<hbm>>) target(%dma_start3A_382 : memref<128x16xf32, #tpu.memory_space<vmem>>) offsets(%dma_start3A_383 : memref<128xi32, #tpu.memory_space<vmem>>) semaphore(%arg13 : memref<!tpu.dma_semaphore, #tpu.memory_space<semaphore_mem>>)
        } else {
        }
        %eq3A_332 = arith.constant 4 : i32
        %eq3A_333 = arith.cmpi eq, %rem3A_311, %eq3A_332 : i32
        %convert_element_type3A_334 = arith.extui %eq3A_333 : i1 to i32
        %cond3A_335 = arith.constant 0 : i32
        %cond3A_336 = arith.cmpi ne, %convert_element_type3A_334, %cond3A_335 : i32
        scf.if %cond3A_336 {
          %ge3A = arith.constant 6 : i32
          %ge3A_372 = arith.cmpi sge, %add3A_245, %ge3A : i32
          %convert_element_type3A_373 = arith.extui %ge3A_372 : i1 to i32
          %cond3A_374 = arith.constant 0 : i32
          %cond3A_375 = arith.cmpi ne, %convert_element_type3A_373, %cond3A_374 : i32
          scf.if %cond3A_375 {
            %dma_wait3A_387 = arith.constant 4 : i32
            %dma_wait3A_388 = arith.constant 0 : i32
            %dma_wait3A_389 = arith.constant 0 : i32
            %dma_wait3A_390 = tpu.memref_slice %arg7[%dma_wait3A_387, %dma_wait3A_388, %dma_wait3A_389] : memref<12x128x16xf32, #tpu.memory_space<vmem>> -> memref<1x128x16xf32, #tpu.memory_space<vmem>>
            %dma_wait3A_391 = tpu.memref_squeeze %dma_wait3A_390 : memref<1x128x16xf32, #tpu.memory_space<vmem>> -> memref<128x16xf32, #tpu.memory_space<vmem>>
            %dma_wait3A_392 = arith.constant 0 : i32
            %dma_wait3A_393 = tpu.memref_slice %arg6[%dma_wait3A_392] : memref<10000xi32, #tpu.memory_space<vmem>> -> memref<128xi32, #tpu.memory_space<vmem>>
            %dma_wait3A_394 = arith.constant 0 : i32
            %dma_wait3A_395 = arith.constant 0 : i32
            %dma_wait3A_396 = tpu.memref_slice %arg9[%dma_wait3A_394, %dma_wait3A_395] : memref<10240x16xf32, #tpu.memory_space<vmem_shared>> -> memref<10240x16xf32, #tpu.memory_space<vmem_shared>>
            tpu.wait_indirect_dma semaphore(%arg26 : memref<!tpu.dma_semaphore, #tpu.memory_space<semaphore_mem>>) src(%dma_wait3A_391 : memref<128x16xf32, #tpu.memory_space<vmem>>) dst(%dma_wait3A_396 : memref<10240x16xf32, #tpu.memory_space<vmem_shared>>)
          } else {
          }
          %mul3A_376 = arith.constant 128 : i32
          %mul3A_377 = arith.muli %add3A_247, %mul3A_376 : i32
          %dma_start3A_378 = arith.constant 4 : i32
          %dma_start3A_379 = arith.constant 0 : i32
          %dma_start3A_380 = arith.constant 0 : i32
          %dma_start3A_381 = tpu.memref_slice %arg7[%dma_start3A_378, %dma_start3A_379, %dma_start3A_380] : memref<12x128x16xf32, #tpu.memory_space<vmem>> -> memref<1x128x16xf32, #tpu.memory_space<vmem>>
          %dma_start3A_382 = tpu.memref_squeeze %dma_start3A_381 : memref<1x128x16xf32, #tpu.memory_space<vmem>> -> memref<128x16xf32, #tpu.memory_space<vmem>>
          %dma_start3A_383 = tpu.memref_slice %arg5[%mul3A_377] : memref<10000xi32, #tpu.memory_space<vmem>> -> memref<128xi32, #tpu.memory_space<vmem>>
          %dma_start3A_384 = arith.constant 0 : i32
          %dma_start3A_385 = arith.constant 0 : i32
          %dma_start3A_386 = tpu.memref_slice %arg2[%dma_start3A_384, %dma_start3A_385] : memref<10000x16xf32, #tpu.memory_space<hbm>> -> memref<10000x16xf32, #tpu.memory_space<hbm>>
          tpu.enqueue_indirect_dma source(%dma_start3A_386 : memref<10000x16xf32, #tpu.memory_space<hbm>>) target(%dma_start3A_382 : memref<128x16xf32, #tpu.memory_space<vmem>>) offsets(%dma_start3A_383 : memref<128xi32, #tpu.memory_space<vmem>>) semaphore(%arg14 : memref<!tpu.dma_semaphore, #tpu.memory_space<semaphore_mem>>)
        } else {
        }
        %eq3A_337 = arith.constant 5 : i32
        %eq3A_338 = arith.cmpi eq, %rem3A_311, %eq3A_337 : i32
        %convert_element_type3A_339 = arith.extui %eq3A_338 : i1 to i32
        %cond3A_340 = arith.constant 0 : i32
        %cond3A_341 = arith.cmpi ne, %convert_element_type3A_339, %cond3A_340 : i32
        scf.if %cond3A_341 {
          %ge3A = arith.constant 6 : i32
          %ge3A_372 = arith.cmpi sge, %add3A_245, %ge3A : i32
          %convert_element_type3A_373 = arith.extui %ge3A_372 : i1 to i32
          %cond3A_374 = arith.constant 0 : i32
          %cond3A_375 = arith.cmpi ne, %convert_element_type3A_373, %cond3A_374 : i32
          scf.if %cond3A_375 {
            %dma_wait3A_387 = arith.constant 5 : i32
            %dma_wait3A_388 = arith.constant 0 : i32
            %dma_wait3A_389 = arith.constant 0 : i32
            %dma_wait3A_390 = tpu.memref_slice %arg7[%dma_wait3A_387, %dma_wait3A_388, %dma_wait3A_389] : memref<12x128x16xf32, #tpu.memory_space<vmem>> -> memref<1x128x16xf32, #tpu.memory_space<vmem>>
            %dma_wait3A_391 = tpu.memref_squeeze %dma_wait3A_390 : memref<1x128x16xf32, #tpu.memory_space<vmem>> -> memref<128x16xf32, #tpu.memory_space<vmem>>
            %dma_wait3A_392 = arith.constant 0 : i32
            %dma_wait3A_393 = tpu.memref_slice %arg6[%dma_wait3A_392] : memref<10000xi32, #tpu.memory_space<vmem>> -> memref<128xi32, #tpu.memory_space<vmem>>
            %dma_wait3A_394 = arith.constant 0 : i32
            %dma_wait3A_395 = arith.constant 0 : i32
            %dma_wait3A_396 = tpu.memref_slice %arg9[%dma_wait3A_394, %dma_wait3A_395] : memref<10240x16xf32, #tpu.memory_space<vmem_shared>> -> memref<10240x16xf32, #tpu.memory_space<vmem_shared>>
            tpu.wait_indirect_dma semaphore(%arg27 : memref<!tpu.dma_semaphore, #tpu.memory_space<semaphore_mem>>) src(%dma_wait3A_391 : memref<128x16xf32, #tpu.memory_space<vmem>>) dst(%dma_wait3A_396 : memref<10240x16xf32, #tpu.memory_space<vmem_shared>>)
          } else {
          }
          %mul3A_376 = arith.constant 128 : i32
          %mul3A_377 = arith.muli %add3A_247, %mul3A_376 : i32
          %dma_start3A_378 = arith.constant 5 : i32
          %dma_start3A_379 = arith.constant 0 : i32
          %dma_start3A_380 = arith.constant 0 : i32
          %dma_start3A_381 = tpu.memref_slice %arg7[%dma_start3A_378, %dma_start3A_379, %dma_start3A_380] : memref<12x128x16xf32, #tpu.memory_space<vmem>> -> memref<1x128x16xf32, #tpu.memory_space<vmem>>
          %dma_start3A_382 = tpu.memref_squeeze %dma_start3A_381 : memref<1x128x16xf32, #tpu.memory_space<vmem>> -> memref<128x16xf32, #tpu.memory_space<vmem>>
          %dma_start3A_383 = tpu.memref_slice %arg5[%mul3A_377] : memref<10000xi32, #tpu.memory_space<vmem>> -> memref<128xi32, #tpu.memory_space<vmem>>
          %dma_start3A_384 = arith.constant 0 : i32
          %dma_start3A_385 = arith.constant 0 : i32
          %dma_start3A_386 = tpu.memref_slice %arg2[%dma_start3A_384, %dma_start3A_385] : memref<10000x16xf32, #tpu.memory_space<hbm>> -> memref<10000x16xf32, #tpu.memory_space<hbm>>
          tpu.enqueue_indirect_dma source(%dma_start3A_386 : memref<10000x16xf32, #tpu.memory_space<hbm>>) target(%dma_start3A_382 : memref<128x16xf32, #tpu.memory_space<vmem>>) offsets(%dma_start3A_383 : memref<128xi32, #tpu.memory_space<vmem>>) semaphore(%arg15 : memref<!tpu.dma_semaphore, #tpu.memory_space<semaphore_mem>>)
        } else {
        }
        %eq3A_342 = arith.constant 6 : i32
        %eq3A_343 = arith.cmpi eq, %rem3A_311, %eq3A_342 : i32
        %convert_element_type3A_344 = arith.extui %eq3A_343 : i1 to i32
        %cond3A_345 = arith.constant 0 : i32
        %cond3A_346 = arith.cmpi ne, %convert_element_type3A_344, %cond3A_345 : i32
        scf.if %cond3A_346 {
          %ge3A = arith.constant 6 : i32
          %ge3A_372 = arith.cmpi sge, %add3A_245, %ge3A : i32
          %convert_element_type3A_373 = arith.extui %ge3A_372 : i1 to i32
          %cond3A_374 = arith.constant 0 : i32
          %cond3A_375 = arith.cmpi ne, %convert_element_type3A_373, %cond3A_374 : i32
          scf.if %cond3A_375 {
            %dma_wait3A_387 = arith.constant 6 : i32
            %dma_wait3A_388 = arith.constant 0 : i32
            %dma_wait3A_389 = arith.constant 0 : i32
            %dma_wait3A_390 = tpu.memref_slice %arg7[%dma_wait3A_387, %dma_wait3A_388, %dma_wait3A_389] : memref<12x128x16xf32, #tpu.memory_space<vmem>> -> memref<1x128x16xf32, #tpu.memory_space<vmem>>
            %dma_wait3A_391 = tpu.memref_squeeze %dma_wait3A_390 : memref<1x128x16xf32, #tpu.memory_space<vmem>> -> memref<128x16xf32, #tpu.memory_space<vmem>>
            %dma_wait3A_392 = arith.constant 0 : i32
            %dma_wait3A_393 = tpu.memref_slice %arg6[%dma_wait3A_392] : memref<10000xi32, #tpu.memory_space<vmem>> -> memref<128xi32, #tpu.memory_space<vmem>>
            %dma_wait3A_394 = arith.constant 0 : i32
            %dma_wait3A_395 = arith.constant 0 : i32
            %dma_wait3A_396 = tpu.memref_slice %arg9[%dma_wait3A_394, %dma_wait3A_395] : memref<10240x16xf32, #tpu.memory_space<vmem_shared>> -> memref<10240x16xf32, #tpu.memory_space<vmem_shared>>
            tpu.wait_indirect_dma semaphore(%arg28 : memref<!tpu.dma_semaphore, #tpu.memory_space<semaphore_mem>>) src(%dma_wait3A_391 : memref<128x16xf32, #tpu.memory_space<vmem>>) dst(%dma_wait3A_396 : memref<10240x16xf32, #tpu.memory_space<vmem_shared>>)
          } else {
          }
          %mul3A_376 = arith.constant 128 : i32
          %mul3A_377 = arith.muli %add3A_247, %mul3A_376 : i32
          %dma_start3A_378 = arith.constant 6 : i32
          %dma_start3A_379 = arith.constant 0 : i32
          %dma_start3A_380 = arith.constant 0 : i32
          %dma_start3A_381 = tpu.memref_slice %arg7[%dma_start3A_378, %dma_start3A_379, %dma_start3A_380] : memref<12x128x16xf32, #tpu.memory_space<vmem>> -> memref<1x128x16xf32, #tpu.memory_space<vmem>>
          %dma_start3A_382 = tpu.memref_squeeze %dma_start3A_381 : memref<1x128x16xf32, #tpu.memory_space<vmem>> -> memref<128x16xf32, #tpu.memory_space<vmem>>
          %dma_start3A_383 = tpu.memref_slice %arg5[%mul3A_377] : memref<10000xi32, #tpu.memory_space<vmem>> -> memref<128xi32, #tpu.memory_space<vmem>>
          %dma_start3A_384 = arith.constant 0 : i32
          %dma_start3A_385 = arith.constant 0 : i32
          %dma_start3A_386 = tpu.memref_slice %arg2[%dma_start3A_384, %dma_start3A_385] : memref<10000x16xf32, #tpu.memory_space<hbm>> -> memref<10000x16xf32, #tpu.memory_space<hbm>>
          tpu.enqueue_indirect_dma source(%dma_start3A_386 : memref<10000x16xf32, #tpu.memory_space<hbm>>) target(%dma_start3A_382 : memref<128x16xf32, #tpu.memory_space<vmem>>) offsets(%dma_start3A_383 : memref<128xi32, #tpu.memory_space<vmem>>) semaphore(%arg16 : memref<!tpu.dma_semaphore, #tpu.memory_space<semaphore_mem>>)
        } else {
        }
        %eq3A_347 = arith.constant 7 : i32
        %eq3A_348 = arith.cmpi eq, %rem3A_311, %eq3A_347 : i32
        %convert_element_type3A_349 = arith.extui %eq3A_348 : i1 to i32
        %cond3A_350 = arith.constant 0 : i32
        %cond3A_351 = arith.cmpi ne, %convert_element_type3A_349, %cond3A_350 : i32
        scf.if %cond3A_351 {
          %ge3A = arith.constant 6 : i32
          %ge3A_372 = arith.cmpi sge, %add3A_245, %ge3A : i32
          %convert_element_type3A_373 = arith.extui %ge3A_372 : i1 to i32
          %cond3A_374 = arith.constant 0 : i32
          %cond3A_375 = arith.cmpi ne, %convert_element_type3A_373, %cond3A_374 : i32
          scf.if %cond3A_375 {
            %dma_wait3A_387 = arith.constant 7 : i32
            %dma_wait3A_388 = arith.constant 0 : i32
            %dma_wait3A_389 = arith.constant 0 : i32
            %dma_wait3A_390 = tpu.memref_slice %arg7[%dma_wait3A_387, %dma_wait3A_388, %dma_wait3A_389] : memref<12x128x16xf32, #tpu.memory_space<vmem>> -> memref<1x128x16xf32, #tpu.memory_space<vmem>>
            %dma_wait3A_391 = tpu.memref_squeeze %dma_wait3A_390 : memref<1x128x16xf32, #tpu.memory_space<vmem>> -> memref<128x16xf32, #tpu.memory_space<vmem>>
            %dma_wait3A_392 = arith.constant 0 : i32
            %dma_wait3A_393 = tpu.memref_slice %arg6[%dma_wait3A_392] : memref<10000xi32, #tpu.memory_space<vmem>> -> memref<128xi32, #tpu.memory_space<vmem>>
            %dma_wait3A_394 = arith.constant 0 : i32
            %dma_wait3A_395 = arith.constant 0 : i32
            %dma_wait3A_396 = tpu.memref_slice %arg9[%dma_wait3A_394, %dma_wait3A_395] : memref<10240x16xf32, #tpu.memory_space<vmem_shared>> -> memref<10240x16xf32, #tpu.memory_space<vmem_shared>>
            tpu.wait_indirect_dma semaphore(%arg29 : memref<!tpu.dma_semaphore, #tpu.memory_space<semaphore_mem>>) src(%dma_wait3A_391 : memref<128x16xf32, #tpu.memory_space<vmem>>) dst(%dma_wait3A_396 : memref<10240x16xf32, #tpu.memory_space<vmem_shared>>)
          } else {
          }
          %mul3A_376 = arith.constant 128 : i32
          %mul3A_377 = arith.muli %add3A_247, %mul3A_376 : i32
          %dma_start3A_378 = arith.constant 7 : i32
          %dma_start3A_379 = arith.constant 0 : i32
          %dma_start3A_380 = arith.constant 0 : i32
          %dma_start3A_381 = tpu.memref_slice %arg7[%dma_start3A_378, %dma_start3A_379, %dma_start3A_380] : memref<12x128x16xf32, #tpu.memory_space<vmem>> -> memref<1x128x16xf32, #tpu.memory_space<vmem>>
          %dma_start3A_382 = tpu.memref_squeeze %dma_start3A_381 : memref<1x128x16xf32, #tpu.memory_space<vmem>> -> memref<128x16xf32, #tpu.memory_space<vmem>>
          %dma_start3A_383 = tpu.memref_slice %arg5[%mul3A_377] : memref<10000xi32, #tpu.memory_space<vmem>> -> memref<128xi32, #tpu.memory_space<vmem>>
          %dma_start3A_384 = arith.constant 0 : i32
          %dma_start3A_385 = arith.constant 0 : i32
          %dma_start3A_386 = tpu.memref_slice %arg2[%dma_start3A_384, %dma_start3A_385] : memref<10000x16xf32, #tpu.memory_space<hbm>> -> memref<10000x16xf32, #tpu.memory_space<hbm>>
          tpu.enqueue_indirect_dma source(%dma_start3A_386 : memref<10000x16xf32, #tpu.memory_space<hbm>>) target(%dma_start3A_382 : memref<128x16xf32, #tpu.memory_space<vmem>>) offsets(%dma_start3A_383 : memref<128xi32, #tpu.memory_space<vmem>>) semaphore(%arg17 : memref<!tpu.dma_semaphore, #tpu.memory_space<semaphore_mem>>)
        } else {
        }
        %eq3A_352 = arith.constant 8 : i32
        %eq3A_353 = arith.cmpi eq, %rem3A_311, %eq3A_352 : i32
        %convert_element_type3A_354 = arith.extui %eq3A_353 : i1 to i32
        %cond3A_355 = arith.constant 0 : i32
        %cond3A_356 = arith.cmpi ne, %convert_element_type3A_354, %cond3A_355 : i32
        scf.if %cond3A_356 {
          %ge3A = arith.constant 6 : i32
          %ge3A_372 = arith.cmpi sge, %add3A_245, %ge3A : i32
          %convert_element_type3A_373 = arith.extui %ge3A_372 : i1 to i32
          %cond3A_374 = arith.constant 0 : i32
          %cond3A_375 = arith.cmpi ne, %convert_element_type3A_373, %cond3A_374 : i32
          scf.if %cond3A_375 {
            %dma_wait3A_387 = arith.constant 8 : i32
            %dma_wait3A_388 = arith.constant 0 : i32
            %dma_wait3A_389 = arith.constant 0 : i32
            %dma_wait3A_390 = tpu.memref_slice %arg7[%dma_wait3A_387, %dma_wait3A_388, %dma_wait3A_389] : memref<12x128x16xf32, #tpu.memory_space<vmem>> -> memref<1x128x16xf32, #tpu.memory_space<vmem>>
            %dma_wait3A_391 = tpu.memref_squeeze %dma_wait3A_390 : memref<1x128x16xf32, #tpu.memory_space<vmem>> -> memref<128x16xf32, #tpu.memory_space<vmem>>
            %dma_wait3A_392 = arith.constant 0 : i32
            %dma_wait3A_393 = tpu.memref_slice %arg6[%dma_wait3A_392] : memref<10000xi32, #tpu.memory_space<vmem>> -> memref<128xi32, #tpu.memory_space<vmem>>
            %dma_wait3A_394 = arith.constant 0 : i32
            %dma_wait3A_395 = arith.constant 0 : i32
            %dma_wait3A_396 = tpu.memref_slice %arg9[%dma_wait3A_394, %dma_wait3A_395] : memref<10240x16xf32, #tpu.memory_space<vmem_shared>> -> memref<10240x16xf32, #tpu.memory_space<vmem_shared>>
            tpu.wait_indirect_dma semaphore(%arg30 : memref<!tpu.dma_semaphore, #tpu.memory_space<semaphore_mem>>) src(%dma_wait3A_391 : memref<128x16xf32, #tpu.memory_space<vmem>>) dst(%dma_wait3A_396 : memref<10240x16xf32, #tpu.memory_space<vmem_shared>>)
          } else {
          }
          %mul3A_376 = arith.constant 128 : i32
          %mul3A_377 = arith.muli %add3A_247, %mul3A_376 : i32
          %dma_start3A_378 = arith.constant 8 : i32
          %dma_start3A_379 = arith.constant 0 : i32
          %dma_start3A_380 = arith.constant 0 : i32
          %dma_start3A_381 = tpu.memref_slice %arg7[%dma_start3A_378, %dma_start3A_379, %dma_start3A_380] : memref<12x128x16xf32, #tpu.memory_space<vmem>> -> memref<1x128x16xf32, #tpu.memory_space<vmem>>
          %dma_start3A_382 = tpu.memref_squeeze %dma_start3A_381 : memref<1x128x16xf32, #tpu.memory_space<vmem>> -> memref<128x16xf32, #tpu.memory_space<vmem>>
          %dma_start3A_383 = tpu.memref_slice %arg5[%mul3A_377] : memref<10000xi32, #tpu.memory_space<vmem>> -> memref<128xi32, #tpu.memory_space<vmem>>
          %dma_start3A_384 = arith.constant 0 : i32
          %dma_start3A_385 = arith.constant 0 : i32
          %dma_start3A_386 = tpu.memref_slice %arg2[%dma_start3A_384, %dma_start3A_385] : memref<10000x16xf32, #tpu.memory_space<hbm>> -> memref<10000x16xf32, #tpu.memory_space<hbm>>
          tpu.enqueue_indirect_dma source(%dma_start3A_386 : memref<10000x16xf32, #tpu.memory_space<hbm>>) target(%dma_start3A_382 : memref<128x16xf32, #tpu.memory_space<vmem>>) offsets(%dma_start3A_383 : memref<128xi32, #tpu.memory_space<vmem>>) semaphore(%arg18 : memref<!tpu.dma_semaphore, #tpu.memory_space<semaphore_mem>>)
        } else {
        }
        %eq3A_357 = arith.constant 9 : i32
        %eq3A_358 = arith.cmpi eq, %rem3A_311, %eq3A_357 : i32
        %convert_element_type3A_359 = arith.extui %eq3A_358 : i1 to i32
        %cond3A_360 = arith.constant 0 : i32
        %cond3A_361 = arith.cmpi ne, %convert_element_type3A_359, %cond3A_360 : i32
        scf.if %cond3A_361 {
          %ge3A = arith.constant 6 : i32
          %ge3A_372 = arith.cmpi sge, %add3A_245, %ge3A : i32
          %convert_element_type3A_373 = arith.extui %ge3A_372 : i1 to i32
          %cond3A_374 = arith.constant 0 : i32
          %cond3A_375 = arith.cmpi ne, %convert_element_type3A_373, %cond3A_374 : i32
          scf.if %cond3A_375 {
            %dma_wait3A_387 = arith.constant 9 : i32
            %dma_wait3A_388 = arith.constant 0 : i32
            %dma_wait3A_389 = arith.constant 0 : i32
            %dma_wait3A_390 = tpu.memref_slice %arg7[%dma_wait3A_387, %dma_wait3A_388, %dma_wait3A_389] : memref<12x128x16xf32, #tpu.memory_space<vmem>> -> memref<1x128x16xf32, #tpu.memory_space<vmem>>
            %dma_wait3A_391 = tpu.memref_squeeze %dma_wait3A_390 : memref<1x128x16xf32, #tpu.memory_space<vmem>> -> memref<128x16xf32, #tpu.memory_space<vmem>>
            %dma_wait3A_392 = arith.constant 0 : i32
            %dma_wait3A_393 = tpu.memref_slice %arg6[%dma_wait3A_392] : memref<10000xi32, #tpu.memory_space<vmem>> -> memref<128xi32, #tpu.memory_space<vmem>>
            %dma_wait3A_394 = arith.constant 0 : i32
            %dma_wait3A_395 = arith.constant 0 : i32
            %dma_wait3A_396 = tpu.memref_slice %arg9[%dma_wait3A_394, %dma_wait3A_395] : memref<10240x16xf32, #tpu.memory_space<vmem_shared>> -> memref<10240x16xf32, #tpu.memory_space<vmem_shared>>
            tpu.wait_indirect_dma semaphore(%arg31 : memref<!tpu.dma_semaphore, #tpu.memory_space<semaphore_mem>>) src(%dma_wait3A_391 : memref<128x16xf32, #tpu.memory_space<vmem>>) dst(%dma_wait3A_396 : memref<10240x16xf32, #tpu.memory_space<vmem_shared>>)
          } else {
          }
          %mul3A_376 = arith.constant 128 : i32
          %mul3A_377 = arith.muli %add3A_247, %mul3A_376 : i32
          %dma_start3A_378 = arith.constant 9 : i32
          %dma_start3A_379 = arith.constant 0 : i32
          %dma_start3A_380 = arith.constant 0 : i32
          %dma_start3A_381 = tpu.memref_slice %arg7[%dma_start3A_378, %dma_start3A_379, %dma_start3A_380] : memref<12x128x16xf32, #tpu.memory_space<vmem>> -> memref<1x128x16xf32, #tpu.memory_space<vmem>>
          %dma_start3A_382 = tpu.memref_squeeze %dma_start3A_381 : memref<1x128x16xf32, #tpu.memory_space<vmem>> -> memref<128x16xf32, #tpu.memory_space<vmem>>
          %dma_start3A_383 = tpu.memref_slice %arg5[%mul3A_377] : memref<10000xi32, #tpu.memory_space<vmem>> -> memref<128xi32, #tpu.memory_space<vmem>>
          %dma_start3A_384 = arith.constant 0 : i32
          %dma_start3A_385 = arith.constant 0 : i32
          %dma_start3A_386 = tpu.memref_slice %arg2[%dma_start3A_384, %dma_start3A_385] : memref<10000x16xf32, #tpu.memory_space<hbm>> -> memref<10000x16xf32, #tpu.memory_space<hbm>>
          tpu.enqueue_indirect_dma source(%dma_start3A_386 : memref<10000x16xf32, #tpu.memory_space<hbm>>) target(%dma_start3A_382 : memref<128x16xf32, #tpu.memory_space<vmem>>) offsets(%dma_start3A_383 : memref<128xi32, #tpu.memory_space<vmem>>) semaphore(%arg19 : memref<!tpu.dma_semaphore, #tpu.memory_space<semaphore_mem>>)
        } else {
        }
        %eq3A_362 = arith.constant 10 : i32
        %eq3A_363 = arith.cmpi eq, %rem3A_311, %eq3A_362 : i32
        %convert_element_type3A_364 = arith.extui %eq3A_363 : i1 to i32
        %cond3A_365 = arith.constant 0 : i32
        %cond3A_366 = arith.cmpi ne, %convert_element_type3A_364, %cond3A_365 : i32
        scf.if %cond3A_366 {
          %ge3A = arith.constant 6 : i32
          %ge3A_372 = arith.cmpi sge, %add3A_245, %ge3A : i32
          %convert_element_type3A_373 = arith.extui %ge3A_372 : i1 to i32
          %cond3A_374 = arith.constant 0 : i32
          %cond3A_375 = arith.cmpi ne, %convert_element_type3A_373, %cond3A_374 : i32
          scf.if %cond3A_375 {
            %dma_wait3A_387 = arith.constant 10 : i32
            %dma_wait3A_388 = arith.constant 0 : i32
            %dma_wait3A_389 = arith.constant 0 : i32
            %dma_wait3A_390 = tpu.memref_slice %arg7[%dma_wait3A_387, %dma_wait3A_388, %dma_wait3A_389] : memref<12x128x16xf32, #tpu.memory_space<vmem>> -> memref<1x128x16xf32, #tpu.memory_space<vmem>>
            %dma_wait3A_391 = tpu.memref_squeeze %dma_wait3A_390 : memref<1x128x16xf32, #tpu.memory_space<vmem>> -> memref<128x16xf32, #tpu.memory_space<vmem>>
            %dma_wait3A_392 = arith.constant 0 : i32
            %dma_wait3A_393 = tpu.memref_slice %arg6[%dma_wait3A_392] : memref<10000xi32, #tpu.memory_space<vmem>> -> memref<128xi32, #tpu.memory_space<vmem>>
            %dma_wait3A_394 = arith.constant 0 : i32
            %dma_wait3A_395 = arith.constant 0 : i32
            %dma_wait3A_396 = tpu.memref_slice %arg9[%dma_wait3A_394, %dma_wait3A_395] : memref<10240x16xf32, #tpu.memory_space<vmem_shared>> -> memref<10240x16xf32, #tpu.memory_space<vmem_shared>>
            tpu.wait_indirect_dma semaphore(%arg32 : memref<!tpu.dma_semaphore, #tpu.memory_space<semaphore_mem>>) src(%dma_wait3A_391 : memref<128x16xf32, #tpu.memory_space<vmem>>) dst(%dma_wait3A_396 : memref<10240x16xf32, #tpu.memory_space<vmem_shared>>)
          } else {
          }
          %mul3A_376 = arith.constant 128 : i32
          %mul3A_377 = arith.muli %add3A_247, %mul3A_376 : i32
          %dma_start3A_378 = arith.constant 10 : i32
          %dma_start3A_379 = arith.constant 0 : i32
          %dma_start3A_380 = arith.constant 0 : i32
          %dma_start3A_381 = tpu.memref_slice %arg7[%dma_start3A_378, %dma_start3A_379, %dma_start3A_380] : memref<12x128x16xf32, #tpu.memory_space<vmem>> -> memref<1x128x16xf32, #tpu.memory_space<vmem>>
          %dma_start3A_382 = tpu.memref_squeeze %dma_start3A_381 : memref<1x128x16xf32, #tpu.memory_space<vmem>> -> memref<128x16xf32, #tpu.memory_space<vmem>>
          %dma_start3A_383 = tpu.memref_slice %arg5[%mul3A_377] : memref<10000xi32, #tpu.memory_space<vmem>> -> memref<128xi32, #tpu.memory_space<vmem>>
          %dma_start3A_384 = arith.constant 0 : i32
          %dma_start3A_385 = arith.constant 0 : i32
          %dma_start3A_386 = tpu.memref_slice %arg2[%dma_start3A_384, %dma_start3A_385] : memref<10000x16xf32, #tpu.memory_space<hbm>> -> memref<10000x16xf32, #tpu.memory_space<hbm>>
          tpu.enqueue_indirect_dma source(%dma_start3A_386 : memref<10000x16xf32, #tpu.memory_space<hbm>>) target(%dma_start3A_382 : memref<128x16xf32, #tpu.memory_space<vmem>>) offsets(%dma_start3A_383 : memref<128xi32, #tpu.memory_space<vmem>>) semaphore(%arg20 : memref<!tpu.dma_semaphore, #tpu.memory_space<semaphore_mem>>)
        } else {
        }
        %eq3A_367 = arith.constant 11 : i32
        %eq3A_368 = arith.cmpi eq, %rem3A_311, %eq3A_367 : i32
        %convert_element_type3A_369 = arith.extui %eq3A_368 : i1 to i32
        %cond3A_370 = arith.constant 0 : i32
        %cond3A_371 = arith.cmpi ne, %convert_element_type3A_369, %cond3A_370 : i32
        scf.if %cond3A_371 {
          %ge3A = arith.constant 6 : i32
          %ge3A_372 = arith.cmpi sge, %add3A_245, %ge3A : i32
          %convert_element_type3A_373 = arith.extui %ge3A_372 : i1 to i32
          %cond3A_374 = arith.constant 0 : i32
          %cond3A_375 = arith.cmpi ne, %convert_element_type3A_373, %cond3A_374 : i32
          scf.if %cond3A_375 {
            %dma_wait3A_387 = arith.constant 11 : i32
            %dma_wait3A_388 = arith.constant 0 : i32
            %dma_wait3A_389 = arith.constant 0 : i32
            %dma_wait3A_390 = tpu.memref_slice %arg7[%dma_wait3A_387, %dma_wait3A_388, %dma_wait3A_389] : memref<12x128x16xf32, #tpu.memory_space<vmem>> -> memref<1x128x16xf32, #tpu.memory_space<vmem>>
            %dma_wait3A_391 = tpu.memref_squeeze %dma_wait3A_390 : memref<1x128x16xf32, #tpu.memory_space<vmem>> -> memref<128x16xf32, #tpu.memory_space<vmem>>
            %dma_wait3A_392 = arith.constant 0 : i32
            %dma_wait3A_393 = tpu.memref_slice %arg6[%dma_wait3A_392] : memref<10000xi32, #tpu.memory_space<vmem>> -> memref<128xi32, #tpu.memory_space<vmem>>
            %dma_wait3A_394 = arith.constant 0 : i32
            %dma_wait3A_395 = arith.constant 0 : i32
            %dma_wait3A_396 = tpu.memref_slice %arg9[%dma_wait3A_394, %dma_wait3A_395] : memref<10240x16xf32, #tpu.memory_space<vmem_shared>> -> memref<10240x16xf32, #tpu.memory_space<vmem_shared>>
            tpu.wait_indirect_dma semaphore(%arg33 : memref<!tpu.dma_semaphore, #tpu.memory_space<semaphore_mem>>) src(%dma_wait3A_391 : memref<128x16xf32, #tpu.memory_space<vmem>>) dst(%dma_wait3A_396 : memref<10240x16xf32, #tpu.memory_space<vmem_shared>>)
          } else {
          }
          %mul3A_376 = arith.constant 128 : i32
          %mul3A_377 = arith.muli %add3A_247, %mul3A_376 : i32
          %dma_start3A_378 = arith.constant 11 : i32
          %dma_start3A_379 = arith.constant 0 : i32
          %dma_start3A_380 = arith.constant 0 : i32
          %dma_start3A_381 = tpu.memref_slice %arg7[%dma_start3A_378, %dma_start3A_379, %dma_start3A_380] : memref<12x128x16xf32, #tpu.memory_space<vmem>> -> memref<1x128x16xf32, #tpu.memory_space<vmem>>
          %dma_start3A_382 = tpu.memref_squeeze %dma_start3A_381 : memref<1x128x16xf32, #tpu.memory_space<vmem>> -> memref<128x16xf32, #tpu.memory_space<vmem>>
          %dma_start3A_383 = tpu.memref_slice %arg5[%mul3A_377] : memref<10000xi32, #tpu.memory_space<vmem>> -> memref<128xi32, #tpu.memory_space<vmem>>
          %dma_start3A_384 = arith.constant 0 : i32
          %dma_start3A_385 = arith.constant 0 : i32
          %dma_start3A_386 = tpu.memref_slice %arg2[%dma_start3A_384, %dma_start3A_385] : memref<10000x16xf32, #tpu.memory_space<hbm>> -> memref<10000x16xf32, #tpu.memory_space<hbm>>
          tpu.enqueue_indirect_dma source(%dma_start3A_386 : memref<10000x16xf32, #tpu.memory_space<hbm>>) target(%dma_start3A_382 : memref<128x16xf32, #tpu.memory_space<vmem>>) offsets(%dma_start3A_383 : memref<128xi32, #tpu.memory_space<vmem>>) semaphore(%arg21 : memref<!tpu.dma_semaphore, #tpu.memory_space<semaphore_mem>>)
        } else {
        }
      } else {
      }
      %rem3A = arith.constant 12 : i32
      %rem3A_250 = arith.remsi %add3A_245, %rem3A : i32
      %eq3A = arith.constant 0 : i32
      %eq3A_251 = arith.cmpi eq, %rem3A_250, %eq3A : i32
      %convert_element_type3A_252 = arith.extui %eq3A_251 : i1 to i32
      %cond3A_253 = arith.constant 0 : i32
      %cond3A_254 = arith.cmpi ne, %convert_element_type3A_252, %cond3A_253 : i32
      scf.if %cond3A_254 {
        %mul3A_310 = arith.constant 128 : i32
        %mul3A_311 = arith.muli %add3A_245, %mul3A_310 : i32
        %dma_wait3A_312 = arith.constant 0 : i32
        %dma_wait3A_313 = arith.constant 0 : i32
        %dma_wait3A_314 = arith.constant 0 : i32
        %dma_wait3A_315 = tpu.memref_slice %arg7[%dma_wait3A_312, %dma_wait3A_313, %dma_wait3A_314] : memref<12x128x16xf32, #tpu.memory_space<vmem>> -> memref<1x128x16xf32, #tpu.memory_space<vmem>>
        %dma_wait3A_316 = tpu.memref_squeeze %dma_wait3A_315 : memref<1x128x16xf32, #tpu.memory_space<vmem>> -> memref<128x16xf32, #tpu.memory_space<vmem>>
        %dma_wait3A_317 = tpu.memref_slice %arg5[%mul3A_311] : memref<10000xi32, #tpu.memory_space<vmem>> -> memref<128xi32, #tpu.memory_space<vmem>>
        %dma_wait3A_318 = arith.constant 0 : i32
        %dma_wait3A_319 = arith.constant 0 : i32
        %dma_wait3A_320 = tpu.memref_slice %arg2[%dma_wait3A_318, %dma_wait3A_319] : memref<10000x16xf32, #tpu.memory_space<hbm>> -> memref<10000x16xf32, #tpu.memory_space<hbm>>
        tpu.wait_indirect_dma semaphore(%arg10 : memref<!tpu.dma_semaphore, #tpu.memory_space<semaphore_mem>>) src(%dma_wait3A_320 : memref<10000x16xf32, #tpu.memory_space<hbm>>) dst(%dma_wait3A_316 : memref<128x16xf32, #tpu.memory_space<vmem>>)
        %mul3A_321 = arith.constant 128 : i32
        %mul3A_322 = arith.muli %add3A_245, %mul3A_321 : i32
        %dma_start3A_323 = arith.constant 0 : i32
        %dma_start3A_324 = arith.constant 0 : i32
        %dma_start3A_325 = arith.constant 0 : i32
        %dma_start3A_326 = tpu.memref_slice %arg7[%dma_start3A_323, %dma_start3A_324, %dma_start3A_325] : memref<12x128x16xf32, #tpu.memory_space<vmem>> -> memref<1x128x16xf32, #tpu.memory_space<vmem>>
        %dma_start3A_327 = tpu.memref_squeeze %dma_start3A_326 : memref<1x128x16xf32, #tpu.memory_space<vmem>> -> memref<128x16xf32, #tpu.memory_space<vmem>>
        %dma_start3A_328 = tpu.memref_slice %arg6[%mul3A_322] : memref<10000xi32, #tpu.memory_space<vmem>> -> memref<128xi32, #tpu.memory_space<vmem>>
        %dma_start3A_329 = arith.constant 0 : i32
        %dma_start3A_330 = arith.constant 0 : i32
        %dma_start3A_331 = tpu.memref_slice %arg9[%dma_start3A_329, %dma_start3A_330] : memref<10240x16xf32, #tpu.memory_space<vmem_shared>> -> memref<10240x16xf32, #tpu.memory_space<vmem_shared>>
        tpu.enqueue_indirect_dma source(%dma_start3A_327 : memref<128x16xf32, #tpu.memory_space<vmem>>) target(%dma_start3A_331 : memref<10240x16xf32, #tpu.memory_space<vmem_shared>>) offsets(%dma_start3A_328 : memref<128xi32, #tpu.memory_space<vmem>>) semaphore(%arg22 : memref<!tpu.dma_semaphore, #tpu.memory_space<semaphore_mem>>) {add = true}
      } else {
      }
      %eq3A_255 = arith.constant 1 : i32
      %eq3A_256 = arith.cmpi eq, %rem3A_250, %eq3A_255 : i32
      %convert_element_type3A_257 = arith.extui %eq3A_256 : i1 to i32
      %cond3A_258 = arith.constant 0 : i32
      %cond3A_259 = arith.cmpi ne, %convert_element_type3A_257, %cond3A_258 : i32
      scf.if %cond3A_259 {
        %mul3A_310 = arith.constant 128 : i32
        %mul3A_311 = arith.muli %add3A_245, %mul3A_310 : i32
        %dma_wait3A_312 = arith.constant 1 : i32
        %dma_wait3A_313 = arith.constant 0 : i32
        %dma_wait3A_314 = arith.constant 0 : i32
        %dma_wait3A_315 = tpu.memref_slice %arg7[%dma_wait3A_312, %dma_wait3A_313, %dma_wait3A_314] : memref<12x128x16xf32, #tpu.memory_space<vmem>> -> memref<1x128x16xf32, #tpu.memory_space<vmem>>
        %dma_wait3A_316 = tpu.memref_squeeze %dma_wait3A_315 : memref<1x128x16xf32, #tpu.memory_space<vmem>> -> memref<128x16xf32, #tpu.memory_space<vmem>>
        %dma_wait3A_317 = tpu.memref_slice %arg5[%mul3A_311] : memref<10000xi32, #tpu.memory_space<vmem>> -> memref<128xi32, #tpu.memory_space<vmem>>
        %dma_wait3A_318 = arith.constant 0 : i32
        %dma_wait3A_319 = arith.constant 0 : i32
        %dma_wait3A_320 = tpu.memref_slice %arg2[%dma_wait3A_318, %dma_wait3A_319] : memref<10000x16xf32, #tpu.memory_space<hbm>> -> memref<10000x16xf32, #tpu.memory_space<hbm>>
        tpu.wait_indirect_dma semaphore(%arg11 : memref<!tpu.dma_semaphore, #tpu.memory_space<semaphore_mem>>) src(%dma_wait3A_320 : memref<10000x16xf32, #tpu.memory_space<hbm>>) dst(%dma_wait3A_316 : memref<128x16xf32, #tpu.memory_space<vmem>>)
        %mul3A_321 = arith.constant 128 : i32
        %mul3A_322 = arith.muli %add3A_245, %mul3A_321 : i32
        %dma_start3A_323 = arith.constant 1 : i32
        %dma_start3A_324 = arith.constant 0 : i32
        %dma_start3A_325 = arith.constant 0 : i32
        %dma_start3A_326 = tpu.memref_slice %arg7[%dma_start3A_323, %dma_start3A_324, %dma_start3A_325] : memref<12x128x16xf32, #tpu.memory_space<vmem>> -> memref<1x128x16xf32, #tpu.memory_space<vmem>>
        %dma_start3A_327 = tpu.memref_squeeze %dma_start3A_326 : memref<1x128x16xf32, #tpu.memory_space<vmem>> -> memref<128x16xf32, #tpu.memory_space<vmem>>
        %dma_start3A_328 = tpu.memref_slice %arg6[%mul3A_322] : memref<10000xi32, #tpu.memory_space<vmem>> -> memref<128xi32, #tpu.memory_space<vmem>>
        %dma_start3A_329 = arith.constant 0 : i32
        %dma_start3A_330 = arith.constant 0 : i32
        %dma_start3A_331 = tpu.memref_slice %arg9[%dma_start3A_329, %dma_start3A_330] : memref<10240x16xf32, #tpu.memory_space<vmem_shared>> -> memref<10240x16xf32, #tpu.memory_space<vmem_shared>>
        tpu.enqueue_indirect_dma source(%dma_start3A_327 : memref<128x16xf32, #tpu.memory_space<vmem>>) target(%dma_start3A_331 : memref<10240x16xf32, #tpu.memory_space<vmem_shared>>) offsets(%dma_start3A_328 : memref<128xi32, #tpu.memory_space<vmem>>) semaphore(%arg23 : memref<!tpu.dma_semaphore, #tpu.memory_space<semaphore_mem>>) {add = true}
      } else {
      }
      %eq3A_260 = arith.constant 2 : i32
      %eq3A_261 = arith.cmpi eq, %rem3A_250, %eq3A_260 : i32
      %convert_element_type3A_262 = arith.extui %eq3A_261 : i1 to i32
      %cond3A_263 = arith.constant 0 : i32
      %cond3A_264 = arith.cmpi ne, %convert_element_type3A_262, %cond3A_263 : i32
      scf.if %cond3A_264 {
        %mul3A_310 = arith.constant 128 : i32
        %mul3A_311 = arith.muli %add3A_245, %mul3A_310 : i32
        %dma_wait3A_312 = arith.constant 2 : i32
        %dma_wait3A_313 = arith.constant 0 : i32
        %dma_wait3A_314 = arith.constant 0 : i32
        %dma_wait3A_315 = tpu.memref_slice %arg7[%dma_wait3A_312, %dma_wait3A_313, %dma_wait3A_314] : memref<12x128x16xf32, #tpu.memory_space<vmem>> -> memref<1x128x16xf32, #tpu.memory_space<vmem>>
        %dma_wait3A_316 = tpu.memref_squeeze %dma_wait3A_315 : memref<1x128x16xf32, #tpu.memory_space<vmem>> -> memref<128x16xf32, #tpu.memory_space<vmem>>
        %dma_wait3A_317 = tpu.memref_slice %arg5[%mul3A_311] : memref<10000xi32, #tpu.memory_space<vmem>> -> memref<128xi32, #tpu.memory_space<vmem>>
        %dma_wait3A_318 = arith.constant 0 : i32
        %dma_wait3A_319 = arith.constant 0 : i32
        %dma_wait3A_320 = tpu.memref_slice %arg2[%dma_wait3A_318, %dma_wait3A_319] : memref<10000x16xf32, #tpu.memory_space<hbm>> -> memref<10000x16xf32, #tpu.memory_space<hbm>>
        tpu.wait_indirect_dma semaphore(%arg12 : memref<!tpu.dma_semaphore, #tpu.memory_space<semaphore_mem>>) src(%dma_wait3A_320 : memref<10000x16xf32, #tpu.memory_space<hbm>>) dst(%dma_wait3A_316 : memref<128x16xf32, #tpu.memory_space<vmem>>)
        %mul3A_321 = arith.constant 128 : i32
        %mul3A_322 = arith.muli %add3A_245, %mul3A_321 : i32
        %dma_start3A_323 = arith.constant 2 : i32
        %dma_start3A_324 = arith.constant 0 : i32
        %dma_start3A_325 = arith.constant 0 : i32
        %dma_start3A_326 = tpu.memref_slice %arg7[%dma_start3A_323, %dma_start3A_324, %dma_start3A_325] : memref<12x128x16xf32, #tpu.memory_space<vmem>> -> memref<1x128x16xf32, #tpu.memory_space<vmem>>
        %dma_start3A_327 = tpu.memref_squeeze %dma_start3A_326 : memref<1x128x16xf32, #tpu.memory_space<vmem>> -> memref<128x16xf32, #tpu.memory_space<vmem>>
        %dma_start3A_328 = tpu.memref_slice %arg6[%mul3A_322] : memref<10000xi32, #tpu.memory_space<vmem>> -> memref<128xi32, #tpu.memory_space<vmem>>
        %dma_start3A_329 = arith.constant 0 : i32
        %dma_start3A_330 = arith.constant 0 : i32
        %dma_start3A_331 = tpu.memref_slice %arg9[%dma_start3A_329, %dma_start3A_330] : memref<10240x16xf32, #tpu.memory_space<vmem_shared>> -> memref<10240x16xf32, #tpu.memory_space<vmem_shared>>
        tpu.enqueue_indirect_dma source(%dma_start3A_327 : memref<128x16xf32, #tpu.memory_space<vmem>>) target(%dma_start3A_331 : memref<10240x16xf32, #tpu.memory_space<vmem_shared>>) offsets(%dma_start3A_328 : memref<128xi32, #tpu.memory_space<vmem>>) semaphore(%arg24 : memref<!tpu.dma_semaphore, #tpu.memory_space<semaphore_mem>>) {add = true}
      } else {
      }
      %eq3A_265 = arith.constant 3 : i32
      %eq3A_266 = arith.cmpi eq, %rem3A_250, %eq3A_265 : i32
      %convert_element_type3A_267 = arith.extui %eq3A_266 : i1 to i32
      %cond3A_268 = arith.constant 0 : i32
      %cond3A_269 = arith.cmpi ne, %convert_element_type3A_267, %cond3A_268 : i32
      scf.if %cond3A_269 {
        %mul3A_310 = arith.constant 128 : i32
        %mul3A_311 = arith.muli %add3A_245, %mul3A_310 : i32
        %dma_wait3A_312 = arith.constant 3 : i32
        %dma_wait3A_313 = arith.constant 0 : i32
        %dma_wait3A_314 = arith.constant 0 : i32
        %dma_wait3A_315 = tpu.memref_slice %arg7[%dma_wait3A_312, %dma_wait3A_313, %dma_wait3A_314] : memref<12x128x16xf32, #tpu.memory_space<vmem>> -> memref<1x128x16xf32, #tpu.memory_space<vmem>>
        %dma_wait3A_316 = tpu.memref_squeeze %dma_wait3A_315 : memref<1x128x16xf32, #tpu.memory_space<vmem>> -> memref<128x16xf32, #tpu.memory_space<vmem>>
        %dma_wait3A_317 = tpu.memref_slice %arg5[%mul3A_311] : memref<10000xi32, #tpu.memory_space<vmem>> -> memref<128xi32, #tpu.memory_space<vmem>>
        %dma_wait3A_318 = arith.constant 0 : i32
        %dma_wait3A_319 = arith.constant 0 : i32
        %dma_wait3A_320 = tpu.memref_slice %arg2[%dma_wait3A_318, %dma_wait3A_319] : memref<10000x16xf32, #tpu.memory_space<hbm>> -> memref<10000x16xf32, #tpu.memory_space<hbm>>
        tpu.wait_indirect_dma semaphore(%arg13 : memref<!tpu.dma_semaphore, #tpu.memory_space<semaphore_mem>>) src(%dma_wait3A_320 : memref<10000x16xf32, #tpu.memory_space<hbm>>) dst(%dma_wait3A_316 : memref<128x16xf32, #tpu.memory_space<vmem>>)
        %mul3A_321 = arith.constant 128 : i32
        %mul3A_322 = arith.muli %add3A_245, %mul3A_321 : i32
        %dma_start3A_323 = arith.constant 3 : i32
        %dma_start3A_324 = arith.constant 0 : i32
        %dma_start3A_325 = arith.constant 0 : i32
        %dma_start3A_326 = tpu.memref_slice %arg7[%dma_start3A_323, %dma_start3A_324, %dma_start3A_325] : memref<12x128x16xf32, #tpu.memory_space<vmem>> -> memref<1x128x16xf32, #tpu.memory_space<vmem>>
        %dma_start3A_327 = tpu.memref_squeeze %dma_start3A_326 : memref<1x128x16xf32, #tpu.memory_space<vmem>> -> memref<128x16xf32, #tpu.memory_space<vmem>>
        %dma_start3A_328 = tpu.memref_slice %arg6[%mul3A_322] : memref<10000xi32, #tpu.memory_space<vmem>> -> memref<128xi32, #tpu.memory_space<vmem>>
        %dma_start3A_329 = arith.constant 0 : i32
        %dma_start3A_330 = arith.constant 0 : i32
        %dma_start3A_331 = tpu.memref_slice %arg9[%dma_start3A_329, %dma_start3A_330] : memref<10240x16xf32, #tpu.memory_space<vmem_shared>> -> memref<10240x16xf32, #tpu.memory_space<vmem_shared>>
        tpu.enqueue_indirect_dma source(%dma_start3A_327 : memref<128x16xf32, #tpu.memory_space<vmem>>) target(%dma_start3A_331 : memref<10240x16xf32, #tpu.memory_space<vmem_shared>>) offsets(%dma_start3A_328 : memref<128xi32, #tpu.memory_space<vmem>>) semaphore(%arg25 : memref<!tpu.dma_semaphore, #tpu.memory_space<semaphore_mem>>) {add = true}
      } else {
      }
      %eq3A_270 = arith.constant 4 : i32
      %eq3A_271 = arith.cmpi eq, %rem3A_250, %eq3A_270 : i32
      %convert_element_type3A_272 = arith.extui %eq3A_271 : i1 to i32
      %cond3A_273 = arith.constant 0 : i32
      %cond3A_274 = arith.cmpi ne, %convert_element_type3A_272, %cond3A_273 : i32
      scf.if %cond3A_274 {
        %mul3A_310 = arith.constant 128 : i32
        %mul3A_311 = arith.muli %add3A_245, %mul3A_310 : i32
        %dma_wait3A_312 = arith.constant 4 : i32
        %dma_wait3A_313 = arith.constant 0 : i32
        %dma_wait3A_314 = arith.constant 0 : i32
        %dma_wait3A_315 = tpu.memref_slice %arg7[%dma_wait3A_312, %dma_wait3A_313, %dma_wait3A_314] : memref<12x128x16xf32, #tpu.memory_space<vmem>> -> memref<1x128x16xf32, #tpu.memory_space<vmem>>
        %dma_wait3A_316 = tpu.memref_squeeze %dma_wait3A_315 : memref<1x128x16xf32, #tpu.memory_space<vmem>> -> memref<128x16xf32, #tpu.memory_space<vmem>>
        %dma_wait3A_317 = tpu.memref_slice %arg5[%mul3A_311] : memref<10000xi32, #tpu.memory_space<vmem>> -> memref<128xi32, #tpu.memory_space<vmem>>
        %dma_wait3A_318 = arith.constant 0 : i32
        %dma_wait3A_319 = arith.constant 0 : i32
        %dma_wait3A_320 = tpu.memref_slice %arg2[%dma_wait3A_318, %dma_wait3A_319] : memref<10000x16xf32, #tpu.memory_space<hbm>> -> memref<10000x16xf32, #tpu.memory_space<hbm>>
        tpu.wait_indirect_dma semaphore(%arg14 : memref<!tpu.dma_semaphore, #tpu.memory_space<semaphore_mem>>) src(%dma_wait3A_320 : memref<10000x16xf32, #tpu.memory_space<hbm>>) dst(%dma_wait3A_316 : memref<128x16xf32, #tpu.memory_space<vmem>>)
        %mul3A_321 = arith.constant 128 : i32
        %mul3A_322 = arith.muli %add3A_245, %mul3A_321 : i32
        %dma_start3A_323 = arith.constant 4 : i32
        %dma_start3A_324 = arith.constant 0 : i32
        %dma_start3A_325 = arith.constant 0 : i32
        %dma_start3A_326 = tpu.memref_slice %arg7[%dma_start3A_323, %dma_start3A_324, %dma_start3A_325] : memref<12x128x16xf32, #tpu.memory_space<vmem>> -> memref<1x128x16xf32, #tpu.memory_space<vmem>>
        %dma_start3A_327 = tpu.memref_squeeze %dma_start3A_326 : memref<1x128x16xf32, #tpu.memory_space<vmem>> -> memref<128x16xf32, #tpu.memory_space<vmem>>
        %dma_start3A_328 = tpu.memref_slice %arg6[%mul3A_322] : memref<10000xi32, #tpu.memory_space<vmem>> -> memref<128xi32, #tpu.memory_space<vmem>>
        %dma_start3A_329 = arith.constant 0 : i32
        %dma_start3A_330 = arith.constant 0 : i32
        %dma_start3A_331 = tpu.memref_slice %arg9[%dma_start3A_329, %dma_start3A_330] : memref<10240x16xf32, #tpu.memory_space<vmem_shared>> -> memref<10240x16xf32, #tpu.memory_space<vmem_shared>>
        tpu.enqueue_indirect_dma source(%dma_start3A_327 : memref<128x16xf32, #tpu.memory_space<vmem>>) target(%dma_start3A_331 : memref<10240x16xf32, #tpu.memory_space<vmem_shared>>) offsets(%dma_start3A_328 : memref<128xi32, #tpu.memory_space<vmem>>) semaphore(%arg26 : memref<!tpu.dma_semaphore, #tpu.memory_space<semaphore_mem>>) {add = true}
      } else {
      }
      %eq3A_275 = arith.constant 5 : i32
      %eq3A_276 = arith.cmpi eq, %rem3A_250, %eq3A_275 : i32
      %convert_element_type3A_277 = arith.extui %eq3A_276 : i1 to i32
      %cond3A_278 = arith.constant 0 : i32
      %cond3A_279 = arith.cmpi ne, %convert_element_type3A_277, %cond3A_278 : i32
      scf.if %cond3A_279 {
        %mul3A_310 = arith.constant 128 : i32
        %mul3A_311 = arith.muli %add3A_245, %mul3A_310 : i32
        %dma_wait3A_312 = arith.constant 5 : i32
        %dma_wait3A_313 = arith.constant 0 : i32
        %dma_wait3A_314 = arith.constant 0 : i32
        %dma_wait3A_315 = tpu.memref_slice %arg7[%dma_wait3A_312, %dma_wait3A_313, %dma_wait3A_314] : memref<12x128x16xf32, #tpu.memory_space<vmem>> -> memref<1x128x16xf32, #tpu.memory_space<vmem>>
        %dma_wait3A_316 = tpu.memref_squeeze %dma_wait3A_315 : memref<1x128x16xf32, #tpu.memory_space<vmem>> -> memref<128x16xf32, #tpu.memory_space<vmem>>
        %dma_wait3A_317 = tpu.memref_slice %arg5[%mul3A_311] : memref<10000xi32, #tpu.memory_space<vmem>> -> memref<128xi32, #tpu.memory_space<vmem>>
        %dma_wait3A_318 = arith.constant 0 : i32
        %dma_wait3A_319 = arith.constant 0 : i32
        %dma_wait3A_320 = tpu.memref_slice %arg2[%dma_wait3A_318, %dma_wait3A_319] : memref<10000x16xf32, #tpu.memory_space<hbm>> -> memref<10000x16xf32, #tpu.memory_space<hbm>>
        tpu.wait_indirect_dma semaphore(%arg15 : memref<!tpu.dma_semaphore, #tpu.memory_space<semaphore_mem>>) src(%dma_wait3A_320 : memref<10000x16xf32, #tpu.memory_space<hbm>>) dst(%dma_wait3A_316 : memref<128x16xf32, #tpu.memory_space<vmem>>)
        %mul3A_321 = arith.constant 128 : i32
        %mul3A_322 = arith.muli %add3A_245, %mul3A_321 : i32
        %dma_start3A_323 = arith.constant 5 : i32
        %dma_start3A_324 = arith.constant 0 : i32
        %dma_start3A_325 = arith.constant 0 : i32
        %dma_start3A_326 = tpu.memref_slice %arg7[%dma_start3A_323, %dma_start3A_324, %dma_start3A_325] : memref<12x128x16xf32, #tpu.memory_space<vmem>> -> memref<1x128x16xf32, #tpu.memory_space<vmem>>
        %dma_start3A_327 = tpu.memref_squeeze %dma_start3A_326 : memref<1x128x16xf32, #tpu.memory_space<vmem>> -> memref<128x16xf32, #tpu.memory_space<vmem>>
        %dma_start3A_328 = tpu.memref_slice %arg6[%mul3A_322] : memref<10000xi32, #tpu.memory_space<vmem>> -> memref<128xi32, #tpu.memory_space<vmem>>
        %dma_start3A_329 = arith.constant 0 : i32
        %dma_start3A_330 = arith.constant 0 : i32
        %dma_start3A_331 = tpu.memref_slice %arg9[%dma_start3A_329, %dma_start3A_330] : memref<10240x16xf32, #tpu.memory_space<vmem_shared>> -> memref<10240x16xf32, #tpu.memory_space<vmem_shared>>
        tpu.enqueue_indirect_dma source(%dma_start3A_327 : memref<128x16xf32, #tpu.memory_space<vmem>>) target(%dma_start3A_331 : memref<10240x16xf32, #tpu.memory_space<vmem_shared>>) offsets(%dma_start3A_328 : memref<128xi32, #tpu.memory_space<vmem>>) semaphore(%arg27 : memref<!tpu.dma_semaphore, #tpu.memory_space<semaphore_mem>>) {add = true}
      } else {
      }
      %eq3A_280 = arith.constant 6 : i32
      %eq3A_281 = arith.cmpi eq, %rem3A_250, %eq3A_280 : i32
      %convert_element_type3A_282 = arith.extui %eq3A_281 : i1 to i32
      %cond3A_283 = arith.constant 0 : i32
      %cond3A_284 = arith.cmpi ne, %convert_element_type3A_282, %cond3A_283 : i32
      scf.if %cond3A_284 {
        %mul3A_310 = arith.constant 128 : i32
        %mul3A_311 = arith.muli %add3A_245, %mul3A_310 : i32
        %dma_wait3A_312 = arith.constant 6 : i32
        %dma_wait3A_313 = arith.constant 0 : i32
        %dma_wait3A_314 = arith.constant 0 : i32
        %dma_wait3A_315 = tpu.memref_slice %arg7[%dma_wait3A_312, %dma_wait3A_313, %dma_wait3A_314] : memref<12x128x16xf32, #tpu.memory_space<vmem>> -> memref<1x128x16xf32, #tpu.memory_space<vmem>>
        %dma_wait3A_316 = tpu.memref_squeeze %dma_wait3A_315 : memref<1x128x16xf32, #tpu.memory_space<vmem>> -> memref<128x16xf32, #tpu.memory_space<vmem>>
        %dma_wait3A_317 = tpu.memref_slice %arg5[%mul3A_311] : memref<10000xi32, #tpu.memory_space<vmem>> -> memref<128xi32, #tpu.memory_space<vmem>>
        %dma_wait3A_318 = arith.constant 0 : i32
        %dma_wait3A_319 = arith.constant 0 : i32
        %dma_wait3A_320 = tpu.memref_slice %arg2[%dma_wait3A_318, %dma_wait3A_319] : memref<10000x16xf32, #tpu.memory_space<hbm>> -> memref<10000x16xf32, #tpu.memory_space<hbm>>
        tpu.wait_indirect_dma semaphore(%arg16 : memref<!tpu.dma_semaphore, #tpu.memory_space<semaphore_mem>>) src(%dma_wait3A_320 : memref<10000x16xf32, #tpu.memory_space<hbm>>) dst(%dma_wait3A_316 : memref<128x16xf32, #tpu.memory_space<vmem>>)
        %mul3A_321 = arith.constant 128 : i32
        %mul3A_322 = arith.muli %add3A_245, %mul3A_321 : i32
        %dma_start3A_323 = arith.constant 6 : i32
        %dma_start3A_324 = arith.constant 0 : i32
        %dma_start3A_325 = arith.constant 0 : i32
        %dma_start3A_326 = tpu.memref_slice %arg7[%dma_start3A_323, %dma_start3A_324, %dma_start3A_325] : memref<12x128x16xf32, #tpu.memory_space<vmem>> -> memref<1x128x16xf32, #tpu.memory_space<vmem>>
        %dma_start3A_327 = tpu.memref_squeeze %dma_start3A_326 : memref<1x128x16xf32, #tpu.memory_space<vmem>> -> memref<128x16xf32, #tpu.memory_space<vmem>>
        %dma_start3A_328 = tpu.memref_slice %arg6[%mul3A_322] : memref<10000xi32, #tpu.memory_space<vmem>> -> memref<128xi32, #tpu.memory_space<vmem>>
        %dma_start3A_329 = arith.constant 0 : i32
        %dma_start3A_330 = arith.constant 0 : i32
        %dma_start3A_331 = tpu.memref_slice %arg9[%dma_start3A_329, %dma_start3A_330] : memref<10240x16xf32, #tpu.memory_space<vmem_shared>> -> memref<10240x16xf32, #tpu.memory_space<vmem_shared>>
        tpu.enqueue_indirect_dma source(%dma_start3A_327 : memref<128x16xf32, #tpu.memory_space<vmem>>) target(%dma_start3A_331 : memref<10240x16xf32, #tpu.memory_space<vmem_shared>>) offsets(%dma_start3A_328 : memref<128xi32, #tpu.memory_space<vmem>>) semaphore(%arg28 : memref<!tpu.dma_semaphore, #tpu.memory_space<semaphore_mem>>) {add = true}
      } else {
      }
      %eq3A_285 = arith.constant 7 : i32
      %eq3A_286 = arith.cmpi eq, %rem3A_250, %eq3A_285 : i32
      %convert_element_type3A_287 = arith.extui %eq3A_286 : i1 to i32
      %cond3A_288 = arith.constant 0 : i32
      %cond3A_289 = arith.cmpi ne, %convert_element_type3A_287, %cond3A_288 : i32
      scf.if %cond3A_289 {
        %mul3A_310 = arith.constant 128 : i32
        %mul3A_311 = arith.muli %add3A_245, %mul3A_310 : i32
        %dma_wait3A_312 = arith.constant 7 : i32
        %dma_wait3A_313 = arith.constant 0 : i32
        %dma_wait3A_314 = arith.constant 0 : i32
        %dma_wait3A_315 = tpu.memref_slice %arg7[%dma_wait3A_312, %dma_wait3A_313, %dma_wait3A_314] : memref<12x128x16xf32, #tpu.memory_space<vmem>> -> memref<1x128x16xf32, #tpu.memory_space<vmem>>
        %dma_wait3A_316 = tpu.memref_squeeze %dma_wait3A_315 : memref<1x128x16xf32, #tpu.memory_space<vmem>> -> memref<128x16xf32, #tpu.memory_space<vmem>>
        %dma_wait3A_317 = tpu.memref_slice %arg5[%mul3A_311] : memref<10000xi32, #tpu.memory_space<vmem>> -> memref<128xi32, #tpu.memory_space<vmem>>
        %dma_wait3A_318 = arith.constant 0 : i32
        %dma_wait3A_319 = arith.constant 0 : i32
        %dma_wait3A_320 = tpu.memref_slice %arg2[%dma_wait3A_318, %dma_wait3A_319] : memref<10000x16xf32, #tpu.memory_space<hbm>> -> memref<10000x16xf32, #tpu.memory_space<hbm>>
        tpu.wait_indirect_dma semaphore(%arg17 : memref<!tpu.dma_semaphore, #tpu.memory_space<semaphore_mem>>) src(%dma_wait3A_320 : memref<10000x16xf32, #tpu.memory_space<hbm>>) dst(%dma_wait3A_316 : memref<128x16xf32, #tpu.memory_space<vmem>>)
        %mul3A_321 = arith.constant 128 : i32
        %mul3A_322 = arith.muli %add3A_245, %mul3A_321 : i32
        %dma_start3A_323 = arith.constant 7 : i32
        %dma_start3A_324 = arith.constant 0 : i32
        %dma_start3A_325 = arith.constant 0 : i32
        %dma_start3A_326 = tpu.memref_slice %arg7[%dma_start3A_323, %dma_start3A_324, %dma_start3A_325] : memref<12x128x16xf32, #tpu.memory_space<vmem>> -> memref<1x128x16xf32, #tpu.memory_space<vmem>>
        %dma_start3A_327 = tpu.memref_squeeze %dma_start3A_326 : memref<1x128x16xf32, #tpu.memory_space<vmem>> -> memref<128x16xf32, #tpu.memory_space<vmem>>
        %dma_start3A_328 = tpu.memref_slice %arg6[%mul3A_322] : memref<10000xi32, #tpu.memory_space<vmem>> -> memref<128xi32, #tpu.memory_space<vmem>>
        %dma_start3A_329 = arith.constant 0 : i32
        %dma_start3A_330 = arith.constant 0 : i32
        %dma_start3A_331 = tpu.memref_slice %arg9[%dma_start3A_329, %dma_start3A_330] : memref<10240x16xf32, #tpu.memory_space<vmem_shared>> -> memref<10240x16xf32, #tpu.memory_space<vmem_shared>>
        tpu.enqueue_indirect_dma source(%dma_start3A_327 : memref<128x16xf32, #tpu.memory_space<vmem>>) target(%dma_start3A_331 : memref<10240x16xf32, #tpu.memory_space<vmem_shared>>) offsets(%dma_start3A_328 : memref<128xi32, #tpu.memory_space<vmem>>) semaphore(%arg29 : memref<!tpu.dma_semaphore, #tpu.memory_space<semaphore_mem>>) {add = true}
      } else {
      }
      %eq3A_290 = arith.constant 8 : i32
      %eq3A_291 = arith.cmpi eq, %rem3A_250, %eq3A_290 : i32
      %convert_element_type3A_292 = arith.extui %eq3A_291 : i1 to i32
      %cond3A_293 = arith.constant 0 : i32
      %cond3A_294 = arith.cmpi ne, %convert_element_type3A_292, %cond3A_293 : i32
      scf.if %cond3A_294 {
        %mul3A_310 = arith.constant 128 : i32
        %mul3A_311 = arith.muli %add3A_245, %mul3A_310 : i32
        %dma_wait3A_312 = arith.constant 8 : i32
        %dma_wait3A_313 = arith.constant 0 : i32
        %dma_wait3A_314 = arith.constant 0 : i32
        %dma_wait3A_315 = tpu.memref_slice %arg7[%dma_wait3A_312, %dma_wait3A_313, %dma_wait3A_314] : memref<12x128x16xf32, #tpu.memory_space<vmem>> -> memref<1x128x16xf32, #tpu.memory_space<vmem>>
        %dma_wait3A_316 = tpu.memref_squeeze %dma_wait3A_315 : memref<1x128x16xf32, #tpu.memory_space<vmem>> -> memref<128x16xf32, #tpu.memory_space<vmem>>
        %dma_wait3A_317 = tpu.memref_slice %arg5[%mul3A_311] : memref<10000xi32, #tpu.memory_space<vmem>> -> memref<128xi32, #tpu.memory_space<vmem>>
        %dma_wait3A_318 = arith.constant 0 : i32
        %dma_wait3A_319 = arith.constant 0 : i32
        %dma_wait3A_320 = tpu.memref_slice %arg2[%dma_wait3A_318, %dma_wait3A_319] : memref<10000x16xf32, #tpu.memory_space<hbm>> -> memref<10000x16xf32, #tpu.memory_space<hbm>>
        tpu.wait_indirect_dma semaphore(%arg18 : memref<!tpu.dma_semaphore, #tpu.memory_space<semaphore_mem>>) src(%dma_wait3A_320 : memref<10000x16xf32, #tpu.memory_space<hbm>>) dst(%dma_wait3A_316 : memref<128x16xf32, #tpu.memory_space<vmem>>)
        %mul3A_321 = arith.constant 128 : i32
        %mul3A_322 = arith.muli %add3A_245, %mul3A_321 : i32
        %dma_start3A_323 = arith.constant 8 : i32
        %dma_start3A_324 = arith.constant 0 : i32
        %dma_start3A_325 = arith.constant 0 : i32
        %dma_start3A_326 = tpu.memref_slice %arg7[%dma_start3A_323, %dma_start3A_324, %dma_start3A_325] : memref<12x128x16xf32, #tpu.memory_space<vmem>> -> memref<1x128x16xf32, #tpu.memory_space<vmem>>
        %dma_start3A_327 = tpu.memref_squeeze %dma_start3A_326 : memref<1x128x16xf32, #tpu.memory_space<vmem>> -> memref<128x16xf32, #tpu.memory_space<vmem>>
        %dma_start3A_328 = tpu.memref_slice %arg6[%mul3A_322] : memref<10000xi32, #tpu.memory_space<vmem>> -> memref<128xi32, #tpu.memory_space<vmem>>
        %dma_start3A_329 = arith.constant 0 : i32
        %dma_start3A_330 = arith.constant 0 : i32
        %dma_start3A_331 = tpu.memref_slice %arg9[%dma_start3A_329, %dma_start3A_330] : memref<10240x16xf32, #tpu.memory_space<vmem_shared>> -> memref<10240x16xf32, #tpu.memory_space<vmem_shared>>
        tpu.enqueue_indirect_dma source(%dma_start3A_327 : memref<128x16xf32, #tpu.memory_space<vmem>>) target(%dma_start3A_331 : memref<10240x16xf32, #tpu.memory_space<vmem_shared>>) offsets(%dma_start3A_328 : memref<128xi32, #tpu.memory_space<vmem>>) semaphore(%arg30 : memref<!tpu.dma_semaphore, #tpu.memory_space<semaphore_mem>>) {add = true}
      } else {
      }
      %eq3A_295 = arith.constant 9 : i32
      %eq3A_296 = arith.cmpi eq, %rem3A_250, %eq3A_295 : i32
      %convert_element_type3A_297 = arith.extui %eq3A_296 : i1 to i32
      %cond3A_298 = arith.constant 0 : i32
      %cond3A_299 = arith.cmpi ne, %convert_element_type3A_297, %cond3A_298 : i32
      scf.if %cond3A_299 {
        %mul3A_310 = arith.constant 128 : i32
        %mul3A_311 = arith.muli %add3A_245, %mul3A_310 : i32
        %dma_wait3A_312 = arith.constant 9 : i32
        %dma_wait3A_313 = arith.constant 0 : i32
        %dma_wait3A_314 = arith.constant 0 : i32
        %dma_wait3A_315 = tpu.memref_slice %arg7[%dma_wait3A_312, %dma_wait3A_313, %dma_wait3A_314] : memref<12x128x16xf32, #tpu.memory_space<vmem>> -> memref<1x128x16xf32, #tpu.memory_space<vmem>>
        %dma_wait3A_316 = tpu.memref_squeeze %dma_wait3A_315 : memref<1x128x16xf32, #tpu.memory_space<vmem>> -> memref<128x16xf32, #tpu.memory_space<vmem>>
        %dma_wait3A_317 = tpu.memref_slice %arg5[%mul3A_311] : memref<10000xi32, #tpu.memory_space<vmem>> -> memref<128xi32, #tpu.memory_space<vmem>>
        %dma_wait3A_318 = arith.constant 0 : i32
        %dma_wait3A_319 = arith.constant 0 : i32
        %dma_wait3A_320 = tpu.memref_slice %arg2[%dma_wait3A_318, %dma_wait3A_319] : memref<10000x16xf32, #tpu.memory_space<hbm>> -> memref<10000x16xf32, #tpu.memory_space<hbm>>
        tpu.wait_indirect_dma semaphore(%arg19 : memref<!tpu.dma_semaphore, #tpu.memory_space<semaphore_mem>>) src(%dma_wait3A_320 : memref<10000x16xf32, #tpu.memory_space<hbm>>) dst(%dma_wait3A_316 : memref<128x16xf32, #tpu.memory_space<vmem>>)
        %mul3A_321 = arith.constant 128 : i32
        %mul3A_322 = arith.muli %add3A_245, %mul3A_321 : i32
        %dma_start3A_323 = arith.constant 9 : i32
        %dma_start3A_324 = arith.constant 0 : i32
        %dma_start3A_325 = arith.constant 0 : i32
        %dma_start3A_326 = tpu.memref_slice %arg7[%dma_start3A_323, %dma_start3A_324, %dma_start3A_325] : memref<12x128x16xf32, #tpu.memory_space<vmem>> -> memref<1x128x16xf32, #tpu.memory_space<vmem>>
        %dma_start3A_327 = tpu.memref_squeeze %dma_start3A_326 : memref<1x128x16xf32, #tpu.memory_space<vmem>> -> memref<128x16xf32, #tpu.memory_space<vmem>>
        %dma_start3A_328 = tpu.memref_slice %arg6[%mul3A_322] : memref<10000xi32, #tpu.memory_space<vmem>> -> memref<128xi32, #tpu.memory_space<vmem>>
        %dma_start3A_329 = arith.constant 0 : i32
        %dma_start3A_330 = arith.constant 0 : i32
        %dma_start3A_331 = tpu.memref_slice %arg9[%dma_start3A_329, %dma_start3A_330] : memref<10240x16xf32, #tpu.memory_space<vmem_shared>> -> memref<10240x16xf32, #tpu.memory_space<vmem_shared>>
        tpu.enqueue_indirect_dma source(%dma_start3A_327 : memref<128x16xf32, #tpu.memory_space<vmem>>) target(%dma_start3A_331 : memref<10240x16xf32, #tpu.memory_space<vmem_shared>>) offsets(%dma_start3A_328 : memref<128xi32, #tpu.memory_space<vmem>>) semaphore(%arg31 : memref<!tpu.dma_semaphore, #tpu.memory_space<semaphore_mem>>) {add = true}
      } else {
      }
      %eq3A_300 = arith.constant 10 : i32
      %eq3A_301 = arith.cmpi eq, %rem3A_250, %eq3A_300 : i32
      %convert_element_type3A_302 = arith.extui %eq3A_301 : i1 to i32
      %cond3A_303 = arith.constant 0 : i32
      %cond3A_304 = arith.cmpi ne, %convert_element_type3A_302, %cond3A_303 : i32
      scf.if %cond3A_304 {
        %mul3A_310 = arith.constant 128 : i32
        %mul3A_311 = arith.muli %add3A_245, %mul3A_310 : i32
        %dma_wait3A_312 = arith.constant 10 : i32
        %dma_wait3A_313 = arith.constant 0 : i32
        %dma_wait3A_314 = arith.constant 0 : i32
        %dma_wait3A_315 = tpu.memref_slice %arg7[%dma_wait3A_312, %dma_wait3A_313, %dma_wait3A_314] : memref<12x128x16xf32, #tpu.memory_space<vmem>> -> memref<1x128x16xf32, #tpu.memory_space<vmem>>
        %dma_wait3A_316 = tpu.memref_squeeze %dma_wait3A_315 : memref<1x128x16xf32, #tpu.memory_space<vmem>> -> memref<128x16xf32, #tpu.memory_space<vmem>>
        %dma_wait3A_317 = tpu.memref_slice %arg5[%mul3A_311] : memref<10000xi32, #tpu.memory_space<vmem>> -> memref<128xi32, #tpu.memory_space<vmem>>
        %dma_wait3A_318 = arith.constant 0 : i32
        %dma_wait3A_319 = arith.constant 0 : i32
        %dma_wait3A_320 = tpu.memref_slice %arg2[%dma_wait3A_318, %dma_wait3A_319] : memref<10000x16xf32, #tpu.memory_space<hbm>> -> memref<10000x16xf32, #tpu.memory_space<hbm>>
        tpu.wait_indirect_dma semaphore(%arg20 : memref<!tpu.dma_semaphore, #tpu.memory_space<semaphore_mem>>) src(%dma_wait3A_320 : memref<10000x16xf32, #tpu.memory_space<hbm>>) dst(%dma_wait3A_316 : memref<128x16xf32, #tpu.memory_space<vmem>>)
        %mul3A_321 = arith.constant 128 : i32
        %mul3A_322 = arith.muli %add3A_245, %mul3A_321 : i32
        %dma_start3A_323 = arith.constant 10 : i32
        %dma_start3A_324 = arith.constant 0 : i32
        %dma_start3A_325 = arith.constant 0 : i32
        %dma_start3A_326 = tpu.memref_slice %arg7[%dma_start3A_323, %dma_start3A_324, %dma_start3A_325] : memref<12x128x16xf32, #tpu.memory_space<vmem>> -> memref<1x128x16xf32, #tpu.memory_space<vmem>>
        %dma_start3A_327 = tpu.memref_squeeze %dma_start3A_326 : memref<1x128x16xf32, #tpu.memory_space<vmem>> -> memref<128x16xf32, #tpu.memory_space<vmem>>
        %dma_start3A_328 = tpu.memref_slice %arg6[%mul3A_322] : memref<10000xi32, #tpu.memory_space<vmem>> -> memref<128xi32, #tpu.memory_space<vmem>>
        %dma_start3A_329 = arith.constant 0 : i32
        %dma_start3A_330 = arith.constant 0 : i32
        %dma_start3A_331 = tpu.memref_slice %arg9[%dma_start3A_329, %dma_start3A_330] : memref<10240x16xf32, #tpu.memory_space<vmem_shared>> -> memref<10240x16xf32, #tpu.memory_space<vmem_shared>>
        tpu.enqueue_indirect_dma source(%dma_start3A_327 : memref<128x16xf32, #tpu.memory_space<vmem>>) target(%dma_start3A_331 : memref<10240x16xf32, #tpu.memory_space<vmem_shared>>) offsets(%dma_start3A_328 : memref<128xi32, #tpu.memory_space<vmem>>) semaphore(%arg32 : memref<!tpu.dma_semaphore, #tpu.memory_space<semaphore_mem>>) {add = true}
      } else {
      }
      %eq3A_305 = arith.constant 11 : i32
      %eq3A_306 = arith.cmpi eq, %rem3A_250, %eq3A_305 : i32
      %convert_element_type3A_307 = arith.extui %eq3A_306 : i1 to i32
      %cond3A_308 = arith.constant 0 : i32
      %cond3A_309 = arith.cmpi ne, %convert_element_type3A_307, %cond3A_308 : i32
      scf.if %cond3A_309 {
        %mul3A_310 = arith.constant 128 : i32
        %mul3A_311 = arith.muli %add3A_245, %mul3A_310 : i32
        %dma_wait3A_312 = arith.constant 11 : i32
        %dma_wait3A_313 = arith.constant 0 : i32
        %dma_wait3A_314 = arith.constant 0 : i32
        %dma_wait3A_315 = tpu.memref_slice %arg7[%dma_wait3A_312, %dma_wait3A_313, %dma_wait3A_314] : memref<12x128x16xf32, #tpu.memory_space<vmem>> -> memref<1x128x16xf32, #tpu.memory_space<vmem>>
        %dma_wait3A_316 = tpu.memref_squeeze %dma_wait3A_315 : memref<1x128x16xf32, #tpu.memory_space<vmem>> -> memref<128x16xf32, #tpu.memory_space<vmem>>
        %dma_wait3A_317 = tpu.memref_slice %arg5[%mul3A_311] : memref<10000xi32, #tpu.memory_space<vmem>> -> memref<128xi32, #tpu.memory_space<vmem>>
        %dma_wait3A_318 = arith.constant 0 : i32
        %dma_wait3A_319 = arith.constant 0 : i32
        %dma_wait3A_320 = tpu.memref_slice %arg2[%dma_wait3A_318, %dma_wait3A_319] : memref<10000x16xf32, #tpu.memory_space<hbm>> -> memref<10000x16xf32, #tpu.memory_space<hbm>>
        tpu.wait_indirect_dma semaphore(%arg21 : memref<!tpu.dma_semaphore, #tpu.memory_space<semaphore_mem>>) src(%dma_wait3A_320 : memref<10000x16xf32, #tpu.memory_space<hbm>>) dst(%dma_wait3A_316 : memref<128x16xf32, #tpu.memory_space<vmem>>)
        %mul3A_321 = arith.constant 128 : i32
        %mul3A_322 = arith.muli %add3A_245, %mul3A_321 : i32
        %dma_start3A_323 = arith.constant 11 : i32
        %dma_start3A_324 = arith.constant 0 : i32
        %dma_start3A_325 = arith.constant 0 : i32
        %dma_start3A_326 = tpu.memref_slice %arg7[%dma_start3A_323, %dma_start3A_324, %dma_start3A_325] : memref<12x128x16xf32, #tpu.memory_space<vmem>> -> memref<1x128x16xf32, #tpu.memory_space<vmem>>
        %dma_start3A_327 = tpu.memref_squeeze %dma_start3A_326 : memref<1x128x16xf32, #tpu.memory_space<vmem>> -> memref<128x16xf32, #tpu.memory_space<vmem>>
        %dma_start3A_328 = tpu.memref_slice %arg6[%mul3A_322] : memref<10000xi32, #tpu.memory_space<vmem>> -> memref<128xi32, #tpu.memory_space<vmem>>
        %dma_start3A_329 = arith.constant 0 : i32
        %dma_start3A_330 = arith.constant 0 : i32
        %dma_start3A_331 = tpu.memref_slice %arg9[%dma_start3A_329, %dma_start3A_330] : memref<10240x16xf32, #tpu.memory_space<vmem_shared>> -> memref<10240x16xf32, #tpu.memory_space<vmem_shared>>
        tpu.enqueue_indirect_dma source(%dma_start3A_327 : memref<128x16xf32, #tpu.memory_space<vmem>>) target(%dma_start3A_331 : memref<10240x16xf32, #tpu.memory_space<vmem_shared>>) offsets(%dma_start3A_328 : memref<128xi32, #tpu.memory_space<vmem>>) semaphore(%arg33 : memref<!tpu.dma_semaphore, #tpu.memory_space<semaphore_mem>>) {add = true}
      } else {
      }
    }
    %scan3A_94 = arith.constant 78 : i32
    %dma_wait3A_95 = arith.constant 0 : i32
    %dma_wait3A_96 = arith.constant 0 : i32
    %dma_wait3A_97 = arith.constant 0 : i32
    %dma_wait3A_98 = tpu.memref_slice %arg7[%dma_wait3A_95, %dma_wait3A_96, %dma_wait3A_97] : memref<12x128x16xf32, #tpu.memory_space<vmem>> -> memref<1x128x16xf32, #tpu.memory_space<vmem>>
    %dma_wait3A_99 = tpu.memref_squeeze %dma_wait3A_98 : memref<1x128x16xf32, #tpu.memory_space<vmem>> -> memref<128x16xf32, #tpu.memory_space<vmem>>
    %dma_wait3A_100 = arith.constant 0 : i32
    %dma_wait3A_101 = tpu.memref_slice %arg6[%dma_wait3A_100] : memref<10000xi32, #tpu.memory_space<vmem>> -> memref<128xi32, #tpu.memory_space<vmem>>
    %dma_wait3A_102 = arith.constant 0 : i32
    %dma_wait3A_103 = arith.constant 0 : i32
    %dma_wait3A_104 = tpu.memref_slice %arg9[%dma_wait3A_102, %dma_wait3A_103] : memref<10240x16xf32, #tpu.memory_space<vmem_shared>> -> memref<10240x16xf32, #tpu.memory_space<vmem_shared>>
    tpu.wait_indirect_dma semaphore(%arg22 : memref<!tpu.dma_semaphore, #tpu.memory_space<semaphore_mem>>) src(%dma_wait3A_99 : memref<128x16xf32, #tpu.memory_space<vmem>>) dst(%dma_wait3A_104 : memref<10240x16xf32, #tpu.memory_space<vmem_shared>>)
    %dma_wait3A_105 = arith.constant 1 : i32
    %dma_wait3A_106 = arith.constant 0 : i32
    %dma_wait3A_107 = arith.constant 0 : i32
    %dma_wait3A_108 = tpu.memref_slice %arg7[%dma_wait3A_105, %dma_wait3A_106, %dma_wait3A_107] : memref<12x128x16xf32, #tpu.memory_space<vmem>> -> memref<1x128x16xf32, #tpu.memory_space<vmem>>
    %dma_wait3A_109 = tpu.memref_squeeze %dma_wait3A_108 : memref<1x128x16xf32, #tpu.memory_space<vmem>> -> memref<128x16xf32, #tpu.memory_space<vmem>>
    %dma_wait3A_110 = arith.constant 0 : i32
    %dma_wait3A_111 = tpu.memref_slice %arg6[%dma_wait3A_110] : memref<10000xi32, #tpu.memory_space<vmem>> -> memref<128xi32, #tpu.memory_space<vmem>>
    %dma_wait3A_112 = arith.constant 0 : i32
    %dma_wait3A_113 = arith.constant 0 : i32
    %dma_wait3A_114 = tpu.memref_slice %arg9[%dma_wait3A_112, %dma_wait3A_113] : memref<10240x16xf32, #tpu.memory_space<vmem_shared>> -> memref<10240x16xf32, #tpu.memory_space<vmem_shared>>
    tpu.wait_indirect_dma semaphore(%arg23 : memref<!tpu.dma_semaphore, #tpu.memory_space<semaphore_mem>>) src(%dma_wait3A_109 : memref<128x16xf32, #tpu.memory_space<vmem>>) dst(%dma_wait3A_114 : memref<10240x16xf32, #tpu.memory_space<vmem_shared>>)
    %dma_wait3A_115 = arith.constant 2 : i32
    %dma_wait3A_116 = arith.constant 0 : i32
    %dma_wait3A_117 = arith.constant 0 : i32
    %dma_wait3A_118 = tpu.memref_slice %arg7[%dma_wait3A_115, %dma_wait3A_116, %dma_wait3A_117] : memref<12x128x16xf32, #tpu.memory_space<vmem>> -> memref<1x128x16xf32, #tpu.memory_space<vmem>>
    %dma_wait3A_119 = tpu.memref_squeeze %dma_wait3A_118 : memref<1x128x16xf32, #tpu.memory_space<vmem>> -> memref<128x16xf32, #tpu.memory_space<vmem>>
    %dma_wait3A_120 = arith.constant 0 : i32
    %dma_wait3A_121 = tpu.memref_slice %arg6[%dma_wait3A_120] : memref<10000xi32, #tpu.memory_space<vmem>> -> memref<128xi32, #tpu.memory_space<vmem>>
    %dma_wait3A_122 = arith.constant 0 : i32
    %dma_wait3A_123 = arith.constant 0 : i32
    %dma_wait3A_124 = tpu.memref_slice %arg9[%dma_wait3A_122, %dma_wait3A_123] : memref<10240x16xf32, #tpu.memory_space<vmem_shared>> -> memref<10240x16xf32, #tpu.memory_space<vmem_shared>>
    tpu.wait_indirect_dma semaphore(%arg24 : memref<!tpu.dma_semaphore, #tpu.memory_space<semaphore_mem>>) src(%dma_wait3A_119 : memref<128x16xf32, #tpu.memory_space<vmem>>) dst(%dma_wait3A_124 : memref<10240x16xf32, #tpu.memory_space<vmem_shared>>)
    %dma_wait3A_125 = arith.constant 3 : i32
    %dma_wait3A_126 = arith.constant 0 : i32
    %dma_wait3A_127 = arith.constant 0 : i32
    %dma_wait3A_128 = tpu.memref_slice %arg7[%dma_wait3A_125, %dma_wait3A_126, %dma_wait3A_127] : memref<12x128x16xf32, #tpu.memory_space<vmem>> -> memref<1x128x16xf32, #tpu.memory_space<vmem>>
    %dma_wait3A_129 = tpu.memref_squeeze %dma_wait3A_128 : memref<1x128x16xf32, #tpu.memory_space<vmem>> -> memref<128x16xf32, #tpu.memory_space<vmem>>
    %dma_wait3A_130 = arith.constant 0 : i32
    %dma_wait3A_131 = tpu.memref_slice %arg6[%dma_wait3A_130] : memref<10000xi32, #tpu.memory_space<vmem>> -> memref<128xi32, #tpu.memory_space<vmem>>
    %dma_wait3A_132 = arith.constant 0 : i32
    %dma_wait3A_133 = arith.constant 0 : i32
    %dma_wait3A_134 = tpu.memref_slice %arg9[%dma_wait3A_132, %dma_wait3A_133] : memref<10240x16xf32, #tpu.memory_space<vmem_shared>> -> memref<10240x16xf32, #tpu.memory_space<vmem_shared>>
    tpu.wait_indirect_dma semaphore(%arg25 : memref<!tpu.dma_semaphore, #tpu.memory_space<semaphore_mem>>) src(%dma_wait3A_129 : memref<128x16xf32, #tpu.memory_space<vmem>>) dst(%dma_wait3A_134 : memref<10240x16xf32, #tpu.memory_space<vmem_shared>>)
    %dma_wait3A_135 = arith.constant 4 : i32
    %dma_wait3A_136 = arith.constant 0 : i32
    %dma_wait3A_137 = arith.constant 0 : i32
    %dma_wait3A_138 = tpu.memref_slice %arg7[%dma_wait3A_135, %dma_wait3A_136, %dma_wait3A_137] : memref<12x128x16xf32, #tpu.memory_space<vmem>> -> memref<1x128x16xf32, #tpu.memory_space<vmem>>
    %dma_wait3A_139 = tpu.memref_squeeze %dma_wait3A_138 : memref<1x128x16xf32, #tpu.memory_space<vmem>> -> memref<128x16xf32, #tpu.memory_space<vmem>>
    %dma_wait3A_140 = arith.constant 0 : i32
    %dma_wait3A_141 = tpu.memref_slice %arg6[%dma_wait3A_140] : memref<10000xi32, #tpu.memory_space<vmem>> -> memref<128xi32, #tpu.memory_space<vmem>>
    %dma_wait3A_142 = arith.constant 0 : i32
    %dma_wait3A_143 = arith.constant 0 : i32
    %dma_wait3A_144 = tpu.memref_slice %arg9[%dma_wait3A_142, %dma_wait3A_143] : memref<10240x16xf32, #tpu.memory_space<vmem_shared>> -> memref<10240x16xf32, #tpu.memory_space<vmem_shared>>
    tpu.wait_indirect_dma semaphore(%arg26 : memref<!tpu.dma_semaphore, #tpu.memory_space<semaphore_mem>>) src(%dma_wait3A_139 : memref<128x16xf32, #tpu.memory_space<vmem>>) dst(%dma_wait3A_144 : memref<10240x16xf32, #tpu.memory_space<vmem_shared>>)
    %dma_wait3A_145 = arith.constant 5 : i32
    %dma_wait3A_146 = arith.constant 0 : i32
    %dma_wait3A_147 = arith.constant 0 : i32
    %dma_wait3A_148 = tpu.memref_slice %arg7[%dma_wait3A_145, %dma_wait3A_146, %dma_wait3A_147] : memref<12x128x16xf32, #tpu.memory_space<vmem>> -> memref<1x128x16xf32, #tpu.memory_space<vmem>>
    %dma_wait3A_149 = tpu.memref_squeeze %dma_wait3A_148 : memref<1x128x16xf32, #tpu.memory_space<vmem>> -> memref<128x16xf32, #tpu.memory_space<vmem>>
    %dma_wait3A_150 = arith.constant 0 : i32
    %dma_wait3A_151 = tpu.memref_slice %arg6[%dma_wait3A_150] : memref<10000xi32, #tpu.memory_space<vmem>> -> memref<128xi32, #tpu.memory_space<vmem>>
    %dma_wait3A_152 = arith.constant 0 : i32
    %dma_wait3A_153 = arith.constant 0 : i32
    %dma_wait3A_154 = tpu.memref_slice %arg9[%dma_wait3A_152, %dma_wait3A_153] : memref<10240x16xf32, #tpu.memory_space<vmem_shared>> -> memref<10240x16xf32, #tpu.memory_space<vmem_shared>>
    tpu.wait_indirect_dma semaphore(%arg27 : memref<!tpu.dma_semaphore, #tpu.memory_space<semaphore_mem>>) src(%dma_wait3A_149 : memref<128x16xf32, #tpu.memory_space<vmem>>) dst(%dma_wait3A_154 : memref<10240x16xf32, #tpu.memory_space<vmem_shared>>)
    %dma_wait3A_155 = arith.constant 6 : i32
    %dma_wait3A_156 = arith.constant 0 : i32
    %dma_wait3A_157 = arith.constant 0 : i32
    %dma_wait3A_158 = tpu.memref_slice %arg7[%dma_wait3A_155, %dma_wait3A_156, %dma_wait3A_157] : memref<12x128x16xf32, #tpu.memory_space<vmem>> -> memref<1x128x16xf32, #tpu.memory_space<vmem>>
    %dma_wait3A_159 = tpu.memref_squeeze %dma_wait3A_158 : memref<1x128x16xf32, #tpu.memory_space<vmem>> -> memref<128x16xf32, #tpu.memory_space<vmem>>
    %dma_wait3A_160 = arith.constant 0 : i32
    %dma_wait3A_161 = tpu.memref_slice %arg6[%dma_wait3A_160] : memref<10000xi32, #tpu.memory_space<vmem>> -> memref<128xi32, #tpu.memory_space<vmem>>
    %dma_wait3A_162 = arith.constant 0 : i32
    %dma_wait3A_163 = arith.constant 0 : i32
    %dma_wait3A_164 = tpu.memref_slice %arg9[%dma_wait3A_162, %dma_wait3A_163] : memref<10240x16xf32, #tpu.memory_space<vmem_shared>> -> memref<10240x16xf32, #tpu.memory_space<vmem_shared>>
    tpu.wait_indirect_dma semaphore(%arg28 : memref<!tpu.dma_semaphore, #tpu.memory_space<semaphore_mem>>) src(%dma_wait3A_159 : memref<128x16xf32, #tpu.memory_space<vmem>>) dst(%dma_wait3A_164 : memref<10240x16xf32, #tpu.memory_space<vmem_shared>>)
    %dma_wait3A_165 = arith.constant 7 : i32
    %dma_wait3A_166 = arith.constant 0 : i32
    %dma_wait3A_167 = arith.constant 0 : i32
    %dma_wait3A_168 = tpu.memref_slice %arg7[%dma_wait3A_165, %dma_wait3A_166, %dma_wait3A_167] : memref<12x128x16xf32, #tpu.memory_space<vmem>> -> memref<1x128x16xf32, #tpu.memory_space<vmem>>
    %dma_wait3A_169 = tpu.memref_squeeze %dma_wait3A_168 : memref<1x128x16xf32, #tpu.memory_space<vmem>> -> memref<128x16xf32, #tpu.memory_space<vmem>>
    %dma_wait3A_170 = arith.constant 0 : i32
    %dma_wait3A_171 = tpu.memref_slice %arg6[%dma_wait3A_170] : memref<10000xi32, #tpu.memory_space<vmem>> -> memref<128xi32, #tpu.memory_space<vmem>>
    %dma_wait3A_172 = arith.constant 0 : i32
    %dma_wait3A_173 = arith.constant 0 : i32
    %dma_wait3A_174 = tpu.memref_slice %arg9[%dma_wait3A_172, %dma_wait3A_173] : memref<10240x16xf32, #tpu.memory_space<vmem_shared>> -> memref<10240x16xf32, #tpu.memory_space<vmem_shared>>
    tpu.wait_indirect_dma semaphore(%arg29 : memref<!tpu.dma_semaphore, #tpu.memory_space<semaphore_mem>>) src(%dma_wait3A_169 : memref<128x16xf32, #tpu.memory_space<vmem>>) dst(%dma_wait3A_174 : memref<10240x16xf32, #tpu.memory_space<vmem_shared>>)
    %dma_wait3A_175 = arith.constant 8 : i32
    %dma_wait3A_176 = arith.constant 0 : i32
    %dma_wait3A_177 = arith.constant 0 : i32
    %dma_wait3A_178 = tpu.memref_slice %arg7[%dma_wait3A_175, %dma_wait3A_176, %dma_wait3A_177] : memref<12x128x16xf32, #tpu.memory_space<vmem>> -> memref<1x128x16xf32, #tpu.memory_space<vmem>>
    %dma_wait3A_179 = tpu.memref_squeeze %dma_wait3A_178 : memref<1x128x16xf32, #tpu.memory_space<vmem>> -> memref<128x16xf32, #tpu.memory_space<vmem>>
    %dma_wait3A_180 = arith.constant 0 : i32
    %dma_wait3A_181 = tpu.memref_slice %arg6[%dma_wait3A_180] : memref<10000xi32, #tpu.memory_space<vmem>> -> memref<128xi32, #tpu.memory_space<vmem>>
    %dma_wait3A_182 = arith.constant 0 : i32
    %dma_wait3A_183 = arith.constant 0 : i32
    %dma_wait3A_184 = tpu.memref_slice %arg9[%dma_wait3A_182, %dma_wait3A_183] : memref<10240x16xf32, #tpu.memory_space<vmem_shared>> -> memref<10240x16xf32, #tpu.memory_space<vmem_shared>>
    tpu.wait_indirect_dma semaphore(%arg30 : memref<!tpu.dma_semaphore, #tpu.memory_space<semaphore_mem>>) src(%dma_wait3A_179 : memref<128x16xf32, #tpu.memory_space<vmem>>) dst(%dma_wait3A_184 : memref<10240x16xf32, #tpu.memory_space<vmem_shared>>)
    %dma_wait3A_185 = arith.constant 9 : i32
    %dma_wait3A_186 = arith.constant 0 : i32
    %dma_wait3A_187 = arith.constant 0 : i32
    %dma_wait3A_188 = tpu.memref_slice %arg7[%dma_wait3A_185, %dma_wait3A_186, %dma_wait3A_187] : memref<12x128x16xf32, #tpu.memory_space<vmem>> -> memref<1x128x16xf32, #tpu.memory_space<vmem>>
    %dma_wait3A_189 = tpu.memref_squeeze %dma_wait3A_188 : memref<1x128x16xf32, #tpu.memory_space<vmem>> -> memref<128x16xf32, #tpu.memory_space<vmem>>
    %dma_wait3A_190 = arith.constant 0 : i32
    %dma_wait3A_191 = tpu.memref_slice %arg6[%dma_wait3A_190] : memref<10000xi32, #tpu.memory_space<vmem>> -> memref<128xi32, #tpu.memory_space<vmem>>
    %dma_wait3A_192 = arith.constant 0 : i32
    %dma_wait3A_193 = arith.constant 0 : i32
    %dma_wait3A_194 = tpu.memref_slice %arg9[%dma_wait3A_192, %dma_wait3A_193] : memref<10240x16xf32, #tpu.memory_space<vmem_shared>> -> memref<10240x16xf32, #tpu.memory_space<vmem_shared>>
    tpu.wait_indirect_dma semaphore(%arg31 : memref<!tpu.dma_semaphore, #tpu.memory_space<semaphore_mem>>) src(%dma_wait3A_189 : memref<128x16xf32, #tpu.memory_space<vmem>>) dst(%dma_wait3A_194 : memref<10240x16xf32, #tpu.memory_space<vmem_shared>>)
    %dma_wait3A_195 = arith.constant 10 : i32
    %dma_wait3A_196 = arith.constant 0 : i32
    %dma_wait3A_197 = arith.constant 0 : i32
    %dma_wait3A_198 = tpu.memref_slice %arg7[%dma_wait3A_195, %dma_wait3A_196, %dma_wait3A_197] : memref<12x128x16xf32, #tpu.memory_space<vmem>> -> memref<1x128x16xf32, #tpu.memory_space<vmem>>
    %dma_wait3A_199 = tpu.memref_squeeze %dma_wait3A_198 : memref<1x128x16xf32, #tpu.memory_space<vmem>> -> memref<128x16xf32, #tpu.memory_space<vmem>>
    %dma_wait3A_200 = arith.constant 0 : i32
    %dma_wait3A_201 = tpu.memref_slice %arg6[%dma_wait3A_200] : memref<10000xi32, #tpu.memory_space<vmem>> -> memref<128xi32, #tpu.memory_space<vmem>>
    %dma_wait3A_202 = arith.constant 0 : i32
    %dma_wait3A_203 = arith.constant 0 : i32
    %dma_wait3A_204 = tpu.memref_slice %arg9[%dma_wait3A_202, %dma_wait3A_203] : memref<10240x16xf32, #tpu.memory_space<vmem_shared>> -> memref<10240x16xf32, #tpu.memory_space<vmem_shared>>
    tpu.wait_indirect_dma semaphore(%arg32 : memref<!tpu.dma_semaphore, #tpu.memory_space<semaphore_mem>>) src(%dma_wait3A_199 : memref<128x16xf32, #tpu.memory_space<vmem>>) dst(%dma_wait3A_204 : memref<10240x16xf32, #tpu.memory_space<vmem_shared>>)
    %dma_wait3A_205 = arith.constant 11 : i32
    %dma_wait3A_206 = arith.constant 0 : i32
    %dma_wait3A_207 = arith.constant 0 : i32
    %dma_wait3A_208 = tpu.memref_slice %arg7[%dma_wait3A_205, %dma_wait3A_206, %dma_wait3A_207] : memref<12x128x16xf32, #tpu.memory_space<vmem>> -> memref<1x128x16xf32, #tpu.memory_space<vmem>>
    %dma_wait3A_209 = tpu.memref_squeeze %dma_wait3A_208 : memref<1x128x16xf32, #tpu.memory_space<vmem>> -> memref<128x16xf32, #tpu.memory_space<vmem>>
    %dma_wait3A_210 = arith.constant 0 : i32
    %dma_wait3A_211 = tpu.memref_slice %arg6[%dma_wait3A_210] : memref<10000xi32, #tpu.memory_space<vmem>> -> memref<128xi32, #tpu.memory_space<vmem>>
    %dma_wait3A_212 = arith.constant 0 : i32
    %dma_wait3A_213 = arith.constant 0 : i32
    %dma_wait3A_214 = tpu.memref_slice %arg9[%dma_wait3A_212, %dma_wait3A_213] : memref<10240x16xf32, #tpu.memory_space<vmem_shared>> -> memref<10240x16xf32, #tpu.memory_space<vmem_shared>>
    tpu.wait_indirect_dma semaphore(%arg33 : memref<!tpu.dma_semaphore, #tpu.memory_space<semaphore_mem>>) src(%dma_wait3A_209 : memref<128x16xf32, #tpu.memory_space<vmem>>) dst(%dma_wait3A_214 : memref<10240x16xf32, #tpu.memory_space<vmem_shared>>)
    %dma_start3A_215 = arith.constant 0 : i32
    %dma_start3A_216 = arith.constant 0 : i32
    %dma_start3A_217 = arith.constant 0 : i32
    %dma_start3A_218 = tpu.memref_slice %arg7[%dma_start3A_215, %dma_start3A_216, %dma_start3A_217] : memref<12x128x16xf32, #tpu.memory_space<vmem>> -> memref<1x16x16xf32, #tpu.memory_space<vmem>>
    %dma_start3A_219 = tpu.memref_squeeze %dma_start3A_218 : memref<1x16x16xf32, #tpu.memory_space<vmem>> -> memref<16x16xf32, #tpu.memory_space<vmem>>
    %dma_start3A_220 = arith.constant 9984 : i32
    %dma_start3A_221 = tpu.memref_slice %arg5[%dma_start3A_220] : memref<10000xi32, #tpu.memory_space<vmem>> -> memref<16xi32, #tpu.memory_space<vmem>>
    %dma_start3A_222 = arith.constant 0 : i32
    %dma_start3A_223 = arith.constant 0 : i32
    %dma_start3A_224 = tpu.memref_slice %arg2[%dma_start3A_222, %dma_start3A_223] : memref<10000x16xf32, #tpu.memory_space<hbm>> -> memref<10000x16xf32, #tpu.memory_space<hbm>>
    tpu.enqueue_indirect_dma source(%dma_start3A_224 : memref<10000x16xf32, #tpu.memory_space<hbm>>) target(%dma_start3A_219 : memref<16x16xf32, #tpu.memory_space<vmem>>) offsets(%dma_start3A_221 : memref<16xi32, #tpu.memory_space<vmem>>) semaphore(%arg10 : memref<!tpu.dma_semaphore, #tpu.memory_space<semaphore_mem>>)
    %dma_wait3A_225 = arith.constant 0 : i32
    %dma_wait3A_226 = arith.constant 0 : i32
    %dma_wait3A_227 = arith.constant 0 : i32
    %dma_wait3A_228 = tpu.memref_slice %arg7[%dma_wait3A_225, %dma_wait3A_226, %dma_wait3A_227] : memref<12x128x16xf32, #tpu.memory_space<vmem>> -> memref<1x16x16xf32, #tpu.memory_space<vmem>>
    %dma_wait3A_229 = tpu.memref_squeeze %dma_wait3A_228 : memref<1x16x16xf32, #tpu.memory_space<vmem>> -> memref<16x16xf32, #tpu.memory_space<vmem>>
    %dma_wait3A_230 = arith.constant 9984 : i32
    %dma_wait3A_231 = tpu.memref_slice %arg5[%dma_wait3A_230] : memref<10000xi32, #tpu.memory_space<vmem>> -> memref<16xi32, #tpu.memory_space<vmem>>
    %dma_wait3A_232 = arith.constant 0 : i32
    %dma_wait3A_233 = arith.constant 0 : i32
    %dma_wait3A_234 = tpu.memref_slice %arg2[%dma_wait3A_232, %dma_wait3A_233] : memref<10000x16xf32, #tpu.memory_space<hbm>> -> memref<10000x16xf32, #tpu.memory_space<hbm>>
    tpu.wait_indirect_dma semaphore(%arg10 : memref<!tpu.dma_semaphore, #tpu.memory_space<semaphore_mem>>) src(%dma_wait3A_234 : memref<10000x16xf32, #tpu.memory_space<hbm>>) dst(%dma_wait3A_229 : memref<16x16xf32, #tpu.memory_space<vmem>>)
    %run_scoped3A = arith.constant 0 : i32
    "tpu.region"() ({
      %run_scoped3A_241 = tpu.sem_alloc : memref<!tpu.dma_semaphore, #tpu.memory_space<semaphore_mem>>
      %dma_start3A_242 = arith.constant 0 : i32
      %dma_start3A_243 = arith.constant 0 : i32
      %dma_start3A_244 = tpu.memref_slice %arg7[%run_scoped3A, %dma_start3A_242, %dma_start3A_243] : memref<12x128x16xf32, #tpu.memory_space<vmem>> -> memref<1x16x16xf32, #tpu.memory_space<vmem>>
      %dma_start3A_245 = tpu.memref_squeeze %dma_start3A_244 : memref<1x16x16xf32, #tpu.memory_space<vmem>> -> memref<16x16xf32, #tpu.memory_space<vmem>>
      %dma_start3A_246 = arith.constant 9984 : i32
      %dma_start3A_247 = tpu.memref_slice %arg6[%dma_start3A_246] : memref<10000xi32, #tpu.memory_space<vmem>> -> memref<16xi32, #tpu.memory_space<vmem>>
      %dma_start3A_248 = arith.constant 0 : i32
      %dma_start3A_249 = arith.constant 0 : i32
      %dma_start3A_250 = tpu.memref_slice %arg9[%dma_start3A_248, %dma_start3A_249] : memref<10240x16xf32, #tpu.memory_space<vmem_shared>> -> memref<10240x16xf32, #tpu.memory_space<vmem_shared>>
      tpu.enqueue_indirect_dma source(%dma_start3A_245 : memref<16x16xf32, #tpu.memory_space<vmem>>) target(%dma_start3A_250 : memref<10240x16xf32, #tpu.memory_space<vmem_shared>>) offsets(%dma_start3A_247 : memref<16xi32, #tpu.memory_space<vmem>>) semaphore(%run_scoped3A_241 : memref<!tpu.dma_semaphore, #tpu.memory_space<semaphore_mem>>) {add = true}
      %dma_wait3A_251 = arith.constant 0 : i32
      %dma_wait3A_252 = arith.constant 0 : i32
      %dma_wait3A_253 = tpu.memref_slice %arg7[%run_scoped3A, %dma_wait3A_251, %dma_wait3A_252] : memref<12x128x16xf32, #tpu.memory_space<vmem>> -> memref<1x16x16xf32, #tpu.memory_space<vmem>>
      %dma_wait3A_254 = tpu.memref_squeeze %dma_wait3A_253 : memref<1x16x16xf32, #tpu.memory_space<vmem>> -> memref<16x16xf32, #tpu.memory_space<vmem>>
      %dma_wait3A_255 = arith.constant 9984 : i32
      %dma_wait3A_256 = tpu.memref_slice %arg6[%dma_wait3A_255] : memref<10000xi32, #tpu.memory_space<vmem>> -> memref<16xi32, #tpu.memory_space<vmem>>
      %dma_wait3A_257 = arith.constant 0 : i32
      %dma_wait3A_258 = arith.constant 0 : i32
      %dma_wait3A_259 = tpu.memref_slice %arg9[%dma_wait3A_257, %dma_wait3A_258] : memref<10240x16xf32, #tpu.memory_space<vmem_shared>> -> memref<10240x16xf32, #tpu.memory_space<vmem_shared>>
      tpu.wait_indirect_dma semaphore(%run_scoped3A_241 : memref<!tpu.dma_semaphore, #tpu.memory_space<semaphore_mem>>) src(%dma_wait3A_254 : memref<16x16xf32, #tpu.memory_space<vmem>>) dst(%dma_wait3A_259 : memref<10240x16xf32, #tpu.memory_space<vmem_shared>>)
      tpu.yield
    }) : () -> ()
    %barrier3A_235 = arith.constant 0 : index
    tpu.barrier barrier_id(%barrier3A_235)
    %mul3A_236 = arith.constant 640 : i32
    %mul3A_237 = arith.muli %arg1, %mul3A_236 : i32
    "tpu.region"() ({
      %run_scoped3A_241 = tpu.sem_alloc : memref<!tpu.dma_semaphore, #tpu.memory_space<semaphore_mem>>
      %dma_start3A_242 = arith.constant 0 : i32
      %dma_start3A_243 = tpu.memref_slice %arg9[%mul3A_237, %dma_start3A_242] : memref<10240x16xf32, #tpu.memory_space<vmem_shared>> -> memref<640x16xf32, #tpu.memory_space<vmem_shared>>
      %dma_start3A_244 = arith.constant 0 : i32
      %dma_start3A_245 = tpu.memref_slice %arg9[%mul3A_237, %dma_start3A_244] : memref<10240x16xf32, #tpu.memory_space<vmem_shared>> -> memref<640x16xf32, #tpu.memory_space<vmem_shared>>
      tpu.enqueue_dma source(%dma_start3A_245 : memref<640x16xf32, #tpu.memory_space<vmem_shared>>) target(%arg8 : memref<640x16xf32, #tpu.memory_space<vmem>>) target_semaphore(%run_scoped3A_241 : memref<!tpu.dma_semaphore, #tpu.memory_space<semaphore_mem>>)
      %dma_wait3A_246 = arith.constant 0 : i32
      %dma_wait3A_247 = tpu.memref_slice %arg9[%mul3A_237, %dma_wait3A_246] : memref<10240x16xf32, #tpu.memory_space<vmem_shared>> -> memref<640x16xf32, #tpu.memory_space<vmem_shared>>
      %dma_wait3A_248 = arith.constant 0 : i32
      %dma_wait3A_249 = tpu.memref_slice %arg9[%mul3A_237, %dma_wait3A_248] : memref<10240x16xf32, #tpu.memory_space<vmem_shared>> -> memref<640x16xf32, #tpu.memory_space<vmem_shared>>
      tpu.wait_dma2 semaphore(%run_scoped3A_241 : memref<!tpu.dma_semaphore, #tpu.memory_space<semaphore_mem>>) src(%dma_wait3A_249 : memref<640x16xf32, #tpu.memory_space<vmem_shared>>) dst(%arg8 : memref<640x16xf32, #tpu.memory_space<vmem>>)
      tpu.yield
    }) : () -> ()
    %mul3A_238 = arith.constant 10240 : i32
    %mul3A_239 = arith.muli %arg0, %mul3A_238 : i32
    %add3A_240 = arith.addi %mul3A_239, %mul3A_237 : i32
    "tpu.region"() ({
      %run_scoped3A_241 = tpu.sem_alloc : memref<!tpu.dma_semaphore, #tpu.memory_space<semaphore_mem>>
      %dma_start3A_242 = arith.constant 0 : i32
      %dma_start3A_243 = tpu.memref_slice %arg4[%add3A_240, %dma_start3A_242] : memref<20480x16xf32, #tpu.memory_space<hbm>> -> memref<640x16xf32, #tpu.memory_space<hbm>>
      %dma_start3A_244 = arith.constant 0 : i32
      %dma_start3A_245 = tpu.memref_slice %arg4[%add3A_240, %dma_start3A_244] : memref<20480x16xf32, #tpu.memory_space<hbm>> -> memref<640x16xf32, #tpu.memory_space<hbm>>
      tpu.enqueue_dma source(%arg8 : memref<640x16xf32, #tpu.memory_space<vmem>>) target(%dma_start3A_245 : memref<640x16xf32, #tpu.memory_space<hbm>>) target_semaphore(%run_scoped3A_241 : memref<!tpu.dma_semaphore, #tpu.memory_space<semaphore_mem>>)
      %dma_wait3A_246 = arith.constant 0 : i32
      %dma_wait3A_247 = tpu.memref_slice %arg4[%add3A_240, %dma_wait3A_246] : memref<20480x16xf32, #tpu.memory_space<hbm>> -> memref<640x16xf32, #tpu.memory_space<hbm>>
      %dma_wait3A_248 = arith.constant 0 : i32
      %dma_wait3A_249 = tpu.memref_slice %arg4[%add3A_240, %dma_wait3A_248] : memref<20480x16xf32, #tpu.memory_space<hbm>> -> memref<640x16xf32, #tpu.memory_space<hbm>>
      tpu.wait_dma2 semaphore(%run_scoped3A_241 : memref<!tpu.dma_semaphore, #tpu.memory_space<semaphore_mem>>) src(%arg8 : memref<640x16xf32, #tpu.memory_space<vmem>>) dst(%dma_wait3A_249 : memref<640x16xf32, #tpu.memory_space<hbm>>)
      tpu.yield
    }) : () -> ()
    return
  }
}

#map = affine_map<(d0, d1) -> (0, 0)>
module attributes {stable_mosaic.version = 14 : i64} {
  func.func @_edge_segsum(%arg0: i32, %arg1: i32, %arg2: memref<10000x16xf32, #tpu.memory_space<hbm>>, %arg3: memref<2x320000xi32, #tpu.memory_space<hbm>>, %arg4: memref<20480x16xf32, #tpu.memory_space<hbm>>, %arg5: memref<10000xi32, #tpu.memory_space<vmem>>, %arg6: memref<10000xi32, #tpu.memory_space<vmem>>, %arg7: memref<12x128x16xf32, #tpu.memory_space<vmem>>, %arg8: memref<640x16xf32, #tpu.memory_space<vmem>>, %arg9: memref<10240x16xf32, #tpu.memory_space<vmem_shared>>, %arg10: memref<!tpu.dma_semaphore, #tpu.memory_space<semaphore_mem>>, %arg11: memref<!tpu.dma_semaphore, #tpu.memory_space<semaphore_mem>>, %arg12: memref<!tpu.dma_semaphore, #tpu.memory_space<semaphore_mem>>, %arg13: memref<!tpu.dma_semaphore, #tpu.memory_space<semaphore_mem>>, %arg14: memref<!tpu.dma_semaphore, #tpu.memory_space<semaphore_mem>>, %arg15: memref<!tpu.dma_semaphore, #tpu.memory_space<semaphore_mem>>, %arg16: memref<!tpu.dma_semaphore, #tpu.memory_space<semaphore_mem>>, %arg17: memref<!tpu.dma_semaphore, #tpu.memory_space<semaphore_mem>>, %arg18: memref<!tpu.dma_semaphore, #tpu.memory_space<semaphore_mem>>, %arg19: memref<!tpu.dma_semaphore, #tpu.memory_space<semaphore_mem>>, %arg20: memref<!tpu.dma_semaphore, #tpu.memory_space<semaphore_mem>>, %arg21: memref<!tpu.dma_semaphore, #tpu.memory_space<semaphore_mem>>, %arg22: memref<!tpu.dma_semaphore, #tpu.memory_space<semaphore_mem>>, %arg23: memref<!tpu.dma_semaphore, #tpu.memory_space<semaphore_mem>>, %arg24: memref<!tpu.dma_semaphore, #tpu.memory_space<semaphore_mem>>, %arg25: memref<!tpu.dma_semaphore, #tpu.memory_space<semaphore_mem>>, %arg26: memref<!tpu.dma_semaphore, #tpu.memory_space<semaphore_mem>>, %arg27: memref<!tpu.dma_semaphore, #tpu.memory_space<semaphore_mem>>, %arg28: memref<!tpu.dma_semaphore, #tpu.memory_space<semaphore_mem>>, %arg29: memref<!tpu.dma_semaphore, #tpu.memory_space<semaphore_mem>>, %arg30: memref<!tpu.dma_semaphore, #tpu.memory_space<semaphore_mem>>, %arg31: memref<!tpu.dma_semaphore, #tpu.memory_space<semaphore_mem>>, %arg32: memref<!tpu.dma_semaphore, #tpu.memory_space<semaphore_mem>>, %arg33: memref<!tpu.dma_semaphore, #tpu.memory_space<semaphore_mem>>) attributes {dimension_semantics = [#tpu.dimension_semantics<core_parallel>, #tpu.dimension_semantics<subcore_parallel>], iteration_bounds = array<i64: 2, 16>, scalar_prefetch = 0 : i64, scratch_operands = 29 : i64, tpu.core_type = #tpu.core_type<sc_vector_subcore>, window_params = [{transform_indices = #map}, {transform_indices = #map}, {transform_indices = #map}]} {
    %mul3A = arith.constant 2 : i32
    %mul3A_0 = arith.muli %arg1, %mul3A : i32
    %add3A = arith.addi %mul3A_0, %arg0 : i32
    %mul3A_1 = arith.constant 10000 : i32
    %mul3A_2 = arith.muli %add3A, %mul3A_1 : i32
    %dma_start3A = arith.constant 0 : i32
    %dma_start3A_3 = tpu.memref_slice %arg3[%dma_start3A, %mul3A_2] : memref<2x320000xi32, #tpu.memory_space<hbm>> -> memref<1x10000xi32, #tpu.memory_space<hbm>>
    %dma_start3A_4 = tpu.memref_squeeze %dma_start3A_3 : memref<1x10000xi32, #tpu.memory_space<hbm>> -> memref<10000xi32, #tpu.memory_space<hbm>>
    %dma_start3A_5 = tpu.memref_slice %arg3[%dma_start3A, %mul3A_2] : memref<2x320000xi32, #tpu.memory_space<hbm>> -> memref<1x10000xi32, #tpu.memory_space<hbm>>
    %dma_start3A_6 = tpu.memref_squeeze %dma_start3A_5 : memref<1x10000xi32, #tpu.memory_space<hbm>> -> memref<10000xi32, #tpu.memory_space<hbm>>
    tpu.enqueue_dma source(%dma_start3A_6 : memref<10000xi32, #tpu.memory_space<hbm>>) target(%arg5 : memref<10000xi32, #tpu.memory_space<vmem>>) target_semaphore(%arg10 : memref<!tpu.dma_semaphore, #tpu.memory_space<semaphore_mem>>)
    %mul3A_7 = arith.constant 10000 : i32
    %mul3A_8 = arith.muli %add3A, %mul3A_7 : i32
    %dma_start3A_9 = arith.constant 1 : i32
    %dma_start3A_10 = tpu.memref_slice %arg3[%dma_start3A_9, %mul3A_8] : memref<2x320000xi32, #tpu.memory_space<hbm>> -> memref<1x10000xi32, #tpu.memory_space<hbm>>
    %dma_start3A_11 = tpu.memref_squeeze %dma_start3A_10 : memref<1x10000xi32, #tpu.memory_space<hbm>> -> memref<10000xi32, #tpu.memory_space<hbm>>
    %dma_start3A_12 = tpu.memref_slice %arg3[%dma_start3A_9, %mul3A_8] : memref<2x320000xi32, #tpu.memory_space<hbm>> -> memref<1x10000xi32, #tpu.memory_space<hbm>>
    %dma_start3A_13 = tpu.memref_squeeze %dma_start3A_12 : memref<1x10000xi32, #tpu.memory_space<hbm>> -> memref<10000xi32, #tpu.memory_space<hbm>>
    tpu.enqueue_dma source(%dma_start3A_13 : memref<10000xi32, #tpu.memory_space<hbm>>) target(%arg6 : memref<10000xi32, #tpu.memory_space<vmem>>) target_semaphore(%arg11 : memref<!tpu.dma_semaphore, #tpu.memory_space<semaphore_mem>>)
    %scan3A = arith.constant 0 : i32
    %scan3A_14 = arith.constant 0 : i32
    %scan3A_15 = arith.constant 640 : i32
    %scan3A_16 = arith.addi %scan3A_14, %scan3A_15 : i32
    %scan3A_17 = arith.constant 1 : i32
    scf.for %scan3A_241 = %scan3A_14 to %scan3A_16 step %scan3A_17  : i32 {
      %broadcast_in_dim3A = arith.constant 0.000000e+00 : f32
      %broadcast_in_dim3A_242 = vector.broadcast %broadcast_in_dim3A : f32 to vector<16xf32>
      %swap3A = arith.index_cast %scan3A_241 : i32 to index
      %swap3A_243 = arith.constant 0 : index
      %swap3A_244 = tpu.vector_load %arg8[%swap3A, %swap3A_243] {strides = array<i32>} : memref<640x16xf32, #tpu.memory_space<vmem>>, vector<1x16xf32>,
      %swap3A_245 = vector.shape_cast %swap3A_244 : vector<1x16xf32> to vector<16xf32>
      %swap3A_246 = vector.shape_cast %broadcast_in_dim3A_242 : vector<16xf32> to vector<1x16xf32>
      tpu.vector_store %arg8[%swap3A, %swap3A_243], %swap3A_246 {strides = array<i32>} : memref<640x16xf32, #tpu.memory_space<vmem>>, vector<1x16xf32>,
    }
    %scan3A_18 = arith.constant 640 : i32
    %mul3A_19 = arith.constant 640 : i32
    %mul3A_20 = arith.muli %arg1, %mul3A_19 : i32
    "tpu.region"() ({
      %run_scoped3A_241 = tpu.sem_alloc : memref<!tpu.dma_semaphore, #tpu.memory_space<semaphore_mem>>
      %dma_start3A_242 = arith.constant 0 : i32
      %dma_start3A_243 = tpu.memref_slice %arg9[%mul3A_20, %dma_start3A_242] : memref<10240x16xf32, #tpu.memory_space<vmem_shared>> -> memref<640x16xf32, #tpu.memory_space<vmem_shared>>
      %dma_start3A_244 = arith.constant 0 : i32
      %dma_start3A_245 = tpu.memref_slice %arg9[%mul3A_20, %dma_start3A_244] : memref<10240x16xf32, #tpu.memory_space<vmem_shared>> -> memref<640x16xf32, #tpu.memory_space<vmem_shared>>
      tpu.enqueue_dma source(%arg8 : memref<640x16xf32, #tpu.memory_space<vmem>>) target(%dma_start3A_245 : memref<640x16xf32, #tpu.memory_space<vmem_shared>>) target_semaphore(%run_scoped3A_241 : memref<!tpu.dma_semaphore, #tpu.memory_space<semaphore_mem>>)
      %dma_wait3A_246 = arith.constant 0 : i32
      %dma_wait3A_247 = tpu.memref_slice %arg9[%mul3A_20, %dma_wait3A_246] : memref<10240x16xf32, #tpu.memory_space<vmem_shared>> -> memref<640x16xf32, #tpu.memory_space<vmem_shared>>
      %dma_wait3A_248 = arith.constant 0 : i32
      %dma_wait3A_249 = tpu.memref_slice %arg9[%mul3A_20, %dma_wait3A_248] : memref<10240x16xf32, #tpu.memory_space<vmem_shared>> -> memref<640x16xf32, #tpu.memory_space<vmem_shared>>
      tpu.wait_dma2 semaphore(%run_scoped3A_241 : memref<!tpu.dma_semaphore, #tpu.memory_space<semaphore_mem>>) src(%arg8 : memref<640x16xf32, #tpu.memory_space<vmem>>) dst(%dma_wait3A_249 : memref<640x16xf32, #tpu.memory_space<vmem_shared>>)
      tpu.yield
    }) : () -> ()
    %dma_wait3A = arith.constant 0 : i32
    %dma_wait3A_21 = tpu.memref_slice %arg3[%dma_wait3A, %mul3A_2] : memref<2x320000xi32, #tpu.memory_space<hbm>> -> memref<1x10000xi32, #tpu.memory_space<hbm>>
    %dma_wait3A_22 = tpu.memref_squeeze %dma_wait3A_21 : memref<1x10000xi32, #tpu.memory_space<hbm>> -> memref<10000xi32, #tpu.memory_space<hbm>>
    %dma_wait3A_23 = tpu.memref_slice %arg3[%dma_wait3A, %mul3A_2] : memref<2x320000xi32, #tpu.memory_space<hbm>> -> memref<1x10000xi32, #tpu.memory_space<hbm>>
    %dma_wait3A_24 = tpu.memref_squeeze %dma_wait3A_23 : memref<1x10000xi32, #tpu.memory_space<hbm>> -> memref<10000xi32, #tpu.memory_space<hbm>>
    tpu.wait_dma2 semaphore(%arg10 : memref<!tpu.dma_semaphore, #tpu.memory_space<semaphore_mem>>) src(%dma_wait3A_24 : memref<10000xi32, #tpu.memory_space<hbm>>) dst(%arg5 : memref<10000xi32, #tpu.memory_space<vmem>>)
    %dma_wait3A_25 = arith.constant 1 : i32
    %dma_wait3A_26 = tpu.memref_slice %arg3[%dma_wait3A_25, %mul3A_8] : memref<2x320000xi32, #tpu.memory_space<hbm>> -> memref<1x10000xi32, #tpu.memory_space<hbm>>
    %dma_wait3A_27 = tpu.memref_squeeze %dma_wait3A_26 : memref<1x10000xi32, #tpu.memory_space<hbm>> -> memref<10000xi32, #tpu.memory_space<hbm>>
    %dma_wait3A_28 = tpu.memref_slice %arg3[%dma_wait3A_25, %mul3A_8] : memref<2x320000xi32, #tpu.memory_space<hbm>> -> memref<1x10000xi32, #tpu.memory_space<hbm>>
    %dma_wait3A_29 = tpu.memref_squeeze %dma_wait3A_28 : memref<1x10000xi32, #tpu.memory_space<hbm>> -> memref<10000xi32, #tpu.memory_space<hbm>>
    tpu.wait_dma2 semaphore(%arg11 : memref<!tpu.dma_semaphore, #tpu.memory_space<semaphore_mem>>) src(%dma_wait3A_29 : memref<10000xi32, #tpu.memory_space<hbm>>) dst(%arg6 : memref<10000xi32, #tpu.memory_space<vmem>>)
    %barrier3A = arith.constant 0 : index
    tpu.barrier barrier_id(%barrier3A)
    %dma_start3A_30 = arith.constant 0 : i32
    %dma_start3A_31 = arith.constant 0 : i32
    %dma_start3A_32 = arith.constant 0 : i32
    %dma_start3A_33 = tpu.memref_slice %arg7[%dma_start3A_30, %dma_start3A_31, %dma_start3A_32] : memref<12x128x16xf32, #tpu.memory_space<vmem>> -> memref<1x128x16xf32, #tpu.memory_space<vmem>>
    %dma_start3A_34 = tpu.memref_squeeze %dma_start3A_33 : memref<1x128x16xf32, #tpu.memory_space<vmem>> -> memref<128x16xf32, #tpu.memory_space<vmem>>
    %dma_start3A_35 = arith.constant 0 : i32
    %dma_start3A_36 = tpu.memref_slice %arg5[%dma_start3A_35] : memref<10000xi32, #tpu.memory_space<vmem>> -> memref<128xi32, #tpu.memory_space<vmem>>
    %dma_start3A_37 = arith.constant 0 : i32
    %dma_start3A_38 = arith.constant 0 : i32
    %dma_start3A_39 = tpu.memref_slice %arg2[%dma_start3A_37, %dma_start3A_38] : memref<10000x16xf32, #tpu.memory_space<hbm>> -> memref<10000x16xf32, #tpu.memory_space<hbm>>
    tpu.enqueue_indirect_dma source(%dma_start3A_39 : memref<10000x16xf32, #tpu.memory_space<hbm>>) target(%dma_start3A_34 : memref<128x16xf32, #tpu.memory_space<vmem>>) offsets(%dma_start3A_36 : memref<128xi32, #tpu.memory_space<vmem>>) semaphore(%arg10 : memref<!tpu.dma_semaphore, #tpu.memory_space<semaphore_mem>>)
    %dma_start3A_40 = arith.constant 1 : i32
    %dma_start3A_41 = arith.constant 0 : i32
    %dma_start3A_42 = arith.constant 0 : i32
    %dma_start3A_43 = tpu.memref_slice %arg7[%dma_start3A_40, %dma_start3A_41, %dma_start3A_42] : memref<12x128x16xf32, #tpu.memory_space<vmem>> -> memref<1x128x16xf32, #tpu.memory_space<vmem>>
    %dma_start3A_44 = tpu.memref_squeeze %dma_start3A_43 : memref<1x128x16xf32, #tpu.memory_space<vmem>> -> memref<128x16xf32, #tpu.memory_space<vmem>>
    %dma_start3A_45 = arith.constant 128 : i32
    %dma_start3A_46 = tpu.memref_slice %arg5[%dma_start3A_45] : memref<10000xi32, #tpu.memory_space<vmem>> -> memref<128xi32, #tpu.memory_space<vmem>>
    %dma_start3A_47 = arith.constant 0 : i32
    %dma_start3A_48 = arith.constant 0 : i32
    %dma_start3A_49 = tpu.memref_slice %arg2[%dma_start3A_47, %dma_start3A_48] : memref<10000x16xf32, #tpu.memory_space<hbm>> -> memref<10000x16xf32, #tpu.memory_space<hbm>>
    tpu.enqueue_indirect_dma source(%dma_start3A_49 : memref<10000x16xf32, #tpu.memory_space<hbm>>) target(%dma_start3A_44 : memref<128x16xf32, #tpu.memory_space<vmem>>) offsets(%dma_start3A_46 : memref<128xi32, #tpu.memory_space<vmem>>) semaphore(%arg11 : memref<!tpu.dma_semaphore, #tpu.memory_space<semaphore_mem>>)
    %dma_start3A_50 = arith.constant 2 : i32
    %dma_start3A_51 = arith.constant 0 : i32
    %dma_start3A_52 = arith.constant 0 : i32
    %dma_start3A_53 = tpu.memref_slice %arg7[%dma_start3A_50, %dma_start3A_51, %dma_start3A_52] : memref<12x128x16xf32, #tpu.memory_space<vmem>> -> memref<1x128x16xf32, #tpu.memory_space<vmem>>
    %dma_start3A_54 = tpu.memref_squeeze %dma_start3A_53 : memref<1x128x16xf32, #tpu.memory_space<vmem>> -> memref<128x16xf32, #tpu.memory_space<vmem>>
    %dma_start3A_55 = arith.constant 256 : i32
    %dma_start3A_56 = tpu.memref_slice %arg5[%dma_start3A_55] : memref<10000xi32, #tpu.memory_space<vmem>> -> memref<128xi32, #tpu.memory_space<vmem>>
    %dma_start3A_57 = arith.constant 0 : i32
    %dma_start3A_58 = arith.constant 0 : i32
    %dma_start3A_59 = tpu.memref_slice %arg2[%dma_start3A_57, %dma_start3A_58] : memref<10000x16xf32, #tpu.memory_space<hbm>> -> memref<10000x16xf32, #tpu.memory_space<hbm>>
    tpu.enqueue_indirect_dma source(%dma_start3A_59 : memref<10000x16xf32, #tpu.memory_space<hbm>>) target(%dma_start3A_54 : memref<128x16xf32, #tpu.memory_space<vmem>>) offsets(%dma_start3A_56 : memref<128xi32, #tpu.memory_space<vmem>>) semaphore(%arg12 : memref<!tpu.dma_semaphore, #tpu.memory_space<semaphore_mem>>)
    %dma_start3A_60 = arith.constant 3 : i32
    %dma_start3A_61 = arith.constant 0 : i32
    %dma_start3A_62 = arith.constant 0 : i32
    %dma_start3A_63 = tpu.memref_slice %arg7[%dma_start3A_60, %dma_start3A_61, %dma_start3A_62] : memref<12x128x16xf32, #tpu.memory_space<vmem>> -> memref<1x128x16xf32, #tpu.memory_space<vmem>>
    %dma_start3A_64 = tpu.memref_squeeze %dma_start3A_63 : memref<1x128x16xf32, #tpu.memory_space<vmem>> -> memref<128x16xf32, #tpu.memory_space<vmem>>
    %dma_start3A_65 = arith.constant 384 : i32
    %dma_start3A_66 = tpu.memref_slice %arg5[%dma_start3A_65] : memref<10000xi32, #tpu.memory_space<vmem>> -> memref<128xi32, #tpu.memory_space<vmem>>
    %dma_start3A_67 = arith.constant 0 : i32
    %dma_start3A_68 = arith.constant 0 : i32
    %dma_start3A_69 = tpu.memref_slice %arg2[%dma_start3A_67, %dma_start3A_68] : memref<10000x16xf32, #tpu.memory_space<hbm>> -> memref<10000x16xf32, #tpu.memory_space<hbm>>
    tpu.enqueue_indirect_dma source(%dma_start3A_69 : memref<10000x16xf32, #tpu.memory_space<hbm>>) target(%dma_start3A_64 : memref<128x16xf32, #tpu.memory_space<vmem>>) offsets(%dma_start3A_66 : memref<128xi32, #tpu.memory_space<vmem>>) semaphore(%arg13 : memref<!tpu.dma_semaphore, #tpu.memory_space<semaphore_mem>>)
    %dma_start3A_70 = arith.constant 4 : i32
    %dma_start3A_71 = arith.constant 0 : i32
    %dma_start3A_72 = arith.constant 0 : i32
    %dma_start3A_73 = tpu.memref_slice %arg7[%dma_start3A_70, %dma_start3A_71, %dma_start3A_72] : memref<12x128x16xf32, #tpu.memory_space<vmem>> -> memref<1x128x16xf32, #tpu.memory_space<vmem>>
    %dma_start3A_74 = tpu.memref_squeeze %dma_start3A_73 : memref<1x128x16xf32, #tpu.memory_space<vmem>> -> memref<128x16xf32, #tpu.memory_space<vmem>>
    %dma_start3A_75 = arith.constant 512 : i32
    %dma_start3A_76 = tpu.memref_slice %arg5[%dma_start3A_75] : memref<10000xi32, #tpu.memory_space<vmem>> -> memref<128xi32, #tpu.memory_space<vmem>>
    %dma_start3A_77 = arith.constant 0 : i32
    %dma_start3A_78 = arith.constant 0 : i32
    %dma_start3A_79 = tpu.memref_slice %arg2[%dma_start3A_77, %dma_start3A_78] : memref<10000x16xf32, #tpu.memory_space<hbm>> -> memref<10000x16xf32, #tpu.memory_space<hbm>>
    tpu.enqueue_indirect_dma source(%dma_start3A_79 : memref<10000x16xf32, #tpu.memory_space<hbm>>) target(%dma_start3A_74 : memref<128x16xf32, #tpu.memory_space<vmem>>) offsets(%dma_start3A_76 : memref<128xi32, #tpu.memory_space<vmem>>) semaphore(%arg14 : memref<!tpu.dma_semaphore, #tpu.memory_space<semaphore_mem>>)
    %dma_start3A_80 = arith.constant 5 : i32
    %dma_start3A_81 = arith.constant 0 : i32
    %dma_start3A_82 = arith.constant 0 : i32
    %dma_start3A_83 = tpu.memref_slice %arg7[%dma_start3A_80, %dma_start3A_81, %dma_start3A_82] : memref<12x128x16xf32, #tpu.memory_space<vmem>> -> memref<1x128x16xf32, #tpu.memory_space<vmem>>
    %dma_start3A_84 = tpu.memref_squeeze %dma_start3A_83 : memref<1x128x16xf32, #tpu.memory_space<vmem>> -> memref<128x16xf32, #tpu.memory_space<vmem>>
    %dma_start3A_85 = arith.constant 640 : i32
    %dma_start3A_86 = tpu.memref_slice %arg5[%dma_start3A_85] : memref<10000xi32, #tpu.memory_space<vmem>> -> memref<128xi32, #tpu.memory_space<vmem>>
    %dma_start3A_87 = arith.constant 0 : i32
    %dma_start3A_88 = arith.constant 0 : i32
    %dma_start3A_89 = tpu.memref_slice %arg2[%dma_start3A_87, %dma_start3A_88] : memref<10000x16xf32, #tpu.memory_space<hbm>> -> memref<10000x16xf32, #tpu.memory_space<hbm>>
    tpu.enqueue_indirect_dma source(%dma_start3A_89 : memref<10000x16xf32, #tpu.memory_space<hbm>>) target(%dma_start3A_84 : memref<128x16xf32, #tpu.memory_space<vmem>>) offsets(%dma_start3A_86 : memref<128xi32, #tpu.memory_space<vmem>>) semaphore(%arg15 : memref<!tpu.dma_semaphore, #tpu.memory_space<semaphore_mem>>)
    %scan3A_90 = arith.constant 0 : i32
    %scan3A_91 = arith.constant 78 : i32
    %scan3A_92 = arith.addi %scan3A_90, %scan3A_91 : i32
    %scan3A_93 = arith.constant 1 : i32
    scf.for %scan3A_241 = %scan3A_90 to %scan3A_92 step %scan3A_93  : i32 {
      %mul3A_242 = arith.constant 1 : i32
      %mul3A_243 = arith.muli %scan3A_241, %mul3A_242 : i32
      %add3A_244 = arith.constant 0 : i32
      %add3A_245 = arith.addi %add3A_244, %mul3A_243 : i32
      %add3A_246 = arith.constant 6 : i32
      %add3A_247 = arith.addi %add3A_245, %add3A_246 : i32
      %lt3A = arith.constant 78 : i32
      %lt3A_248 = arith.cmpi slt, %add3A_247, %lt3A : i32
      %convert_element_type3A = arith.extui %lt3A_248 : i1 to i32
      %cond3A = arith.constant 0 : i32
      %cond3A_249 = arith.cmpi ne, %convert_element_type3A, %cond3A : i32
      scf.if %cond3A_249 {
        %rem3A_310 = arith.constant 12 : i32
        %rem3A_311 = arith.remsi %add3A_247, %rem3A_310 : i32
        %eq3A_312 = arith.constant 0 : i32
        %eq3A_313 = arith.cmpi eq, %rem3A_311, %eq3A_312 : i32
        %convert_element_type3A_314 = arith.extui %eq3A_313 : i1 to i32
        %cond3A_315 = arith.constant 0 : i32
        %cond3A_316 = arith.cmpi ne, %convert_element_type3A_314, %cond3A_315 : i32
        scf.if %cond3A_316 {
          %ge3A = arith.constant 6 : i32
          %ge3A_372 = arith.cmpi sge, %add3A_245, %ge3A : i32
          %convert_element_type3A_373 = arith.extui %ge3A_372 : i1 to i32
          %cond3A_374 = arith.constant 0 : i32
          %cond3A_375 = arith.cmpi ne, %convert_element_type3A_373, %cond3A_374 : i32
          scf.if %cond3A_375 {
            %dma_wait3A_387 = arith.constant 0 : i32
            %dma_wait3A_388 = arith.constant 0 : i32
            %dma_wait3A_389 = arith.constant 0 : i32
            %dma_wait3A_390 = tpu.memref_slice %arg7[%dma_wait3A_387, %dma_wait3A_388, %dma_wait3A_389] : memref<12x128x16xf32, #tpu.memory_space<vmem>> -> memref<1x128x16xf32, #tpu.memory_space<vmem>>
            %dma_wait3A_391 = tpu.memref_squeeze %dma_wait3A_390 : memref<1x128x16xf32, #tpu.memory_space<vmem>> -> memref<128x16xf32, #tpu.memory_space<vmem>>
            %dma_wait3A_392 = arith.constant 0 : i32
            %dma_wait3A_393 = tpu.memref_slice %arg6[%dma_wait3A_392] : memref<10000xi32, #tpu.memory_space<vmem>> -> memref<128xi32, #tpu.memory_space<vmem>>
            %dma_wait3A_394 = arith.constant 0 : i32
            %dma_wait3A_395 = arith.constant 0 : i32
            %dma_wait3A_396 = tpu.memref_slice %arg9[%dma_wait3A_394, %dma_wait3A_395] : memref<10240x16xf32, #tpu.memory_space<vmem_shared>> -> memref<10240x16xf32, #tpu.memory_space<vmem_shared>>
            tpu.wait_indirect_dma semaphore(%arg22 : memref<!tpu.dma_semaphore, #tpu.memory_space<semaphore_mem>>) src(%dma_wait3A_391 : memref<128x16xf32, #tpu.memory_space<vmem>>) dst(%dma_wait3A_396 : memref<10240x16xf32, #tpu.memory_space<vmem_shared>>)
          } else {
          }
          %mul3A_376 = arith.constant 128 : i32
          %mul3A_377 = arith.muli %add3A_247, %mul3A_376 : i32
          %dma_start3A_378 = arith.constant 0 : i32
          %dma_start3A_379 = arith.constant 0 : i32
          %dma_start3A_380 = arith.constant 0 : i32
          %dma_start3A_381 = tpu.memref_slice %arg7[%dma_start3A_378, %dma_start3A_379, %dma_start3A_380] : memref<12x128x16xf32, #tpu.memory_space<vmem>> -> memref<1x128x16xf32, #tpu.memory_space<vmem>>
          %dma_start3A_382 = tpu.memref_squeeze %dma_start3A_381 : memref<1x128x16xf32, #tpu.memory_space<vmem>> -> memref<128x16xf32, #tpu.memory_space<vmem>>
          %dma_start3A_383 = tpu.memref_slice %arg5[%mul3A_377] : memref<10000xi32, #tpu.memory_space<vmem>> -> memref<128xi32, #tpu.memory_space<vmem>>
          %dma_start3A_384 = arith.constant 0 : i32
          %dma_start3A_385 = arith.constant 0 : i32
          %dma_start3A_386 = tpu.memref_slice %arg2[%dma_start3A_384, %dma_start3A_385] : memref<10000x16xf32, #tpu.memory_space<hbm>> -> memref<10000x16xf32, #tpu.memory_space<hbm>>
          tpu.enqueue_indirect_dma source(%dma_start3A_386 : memref<10000x16xf32, #tpu.memory_space<hbm>>) target(%dma_start3A_382 : memref<128x16xf32, #tpu.memory_space<vmem>>) offsets(%dma_start3A_383 : memref<128xi32, #tpu.memory_space<vmem>>) semaphore(%arg10 : memref<!tpu.dma_semaphore, #tpu.memory_space<semaphore_mem>>)
        } else {
        }
        %eq3A_317 = arith.constant 1 : i32
        %eq3A_318 = arith.cmpi eq, %rem3A_311, %eq3A_317 : i32
        %convert_element_type3A_319 = arith.extui %eq3A_318 : i1 to i32
        %cond3A_320 = arith.constant 0 : i32
        %cond3A_321 = arith.cmpi ne, %convert_element_type3A_319, %cond3A_320 : i32
        scf.if %cond3A_321 {
          %ge3A = arith.constant 6 : i32
          %ge3A_372 = arith.cmpi sge, %add3A_245, %ge3A : i32
          %convert_element_type3A_373 = arith.extui %ge3A_372 : i1 to i32
          %cond3A_374 = arith.constant 0 : i32
          %cond3A_375 = arith.cmpi ne, %convert_element_type3A_373, %cond3A_374 : i32
          scf.if %cond3A_375 {
            %dma_wait3A_387 = arith.constant 1 : i32
            %dma_wait3A_388 = arith.constant 0 : i32
            %dma_wait3A_389 = arith.constant 0 : i32
            %dma_wait3A_390 = tpu.memref_slice %arg7[%dma_wait3A_387, %dma_wait3A_388, %dma_wait3A_389] : memref<12x128x16xf32, #tpu.memory_space<vmem>> -> memref<1x128x16xf32, #tpu.memory_space<vmem>>
            %dma_wait3A_391 = tpu.memref_squeeze %dma_wait3A_390 : memref<1x128x16xf32, #tpu.memory_space<vmem>> -> memref<128x16xf32, #tpu.memory_space<vmem>>
            %dma_wait3A_392 = arith.constant 0 : i32
            %dma_wait3A_393 = tpu.memref_slice %arg6[%dma_wait3A_392] : memref<10000xi32, #tpu.memory_space<vmem>> -> memref<128xi32, #tpu.memory_space<vmem>>
            %dma_wait3A_394 = arith.constant 0 : i32
            %dma_wait3A_395 = arith.constant 0 : i32
            %dma_wait3A_396 = tpu.memref_slice %arg9[%dma_wait3A_394, %dma_wait3A_395] : memref<10240x16xf32, #tpu.memory_space<vmem_shared>> -> memref<10240x16xf32, #tpu.memory_space<vmem_shared>>
            tpu.wait_indirect_dma semaphore(%arg23 : memref<!tpu.dma_semaphore, #tpu.memory_space<semaphore_mem>>) src(%dma_wait3A_391 : memref<128x16xf32, #tpu.memory_space<vmem>>) dst(%dma_wait3A_396 : memref<10240x16xf32, #tpu.memory_space<vmem_shared>>)
          } else {
          }
          %mul3A_376 = arith.constant 128 : i32
          %mul3A_377 = arith.muli %add3A_247, %mul3A_376 : i32
          %dma_start3A_378 = arith.constant 1 : i32
          %dma_start3A_379 = arith.constant 0 : i32
          %dma_start3A_380 = arith.constant 0 : i32
          %dma_start3A_381 = tpu.memref_slice %arg7[%dma_start3A_378, %dma_start3A_379, %dma_start3A_380] : memref<12x128x16xf32, #tpu.memory_space<vmem>> -> memref<1x128x16xf32, #tpu.memory_space<vmem>>
          %dma_start3A_382 = tpu.memref_squeeze %dma_start3A_381 : memref<1x128x16xf32, #tpu.memory_space<vmem>> -> memref<128x16xf32, #tpu.memory_space<vmem>>
          %dma_start3A_383 = tpu.memref_slice %arg5[%mul3A_377] : memref<10000xi32, #tpu.memory_space<vmem>> -> memref<128xi32, #tpu.memory_space<vmem>>
          %dma_start3A_384 = arith.constant 0 : i32
          %dma_start3A_385 = arith.constant 0 : i32
          %dma_start3A_386 = tpu.memref_slice %arg2[%dma_start3A_384, %dma_start3A_385] : memref<10000x16xf32, #tpu.memory_space<hbm>> -> memref<10000x16xf32, #tpu.memory_space<hbm>>
          tpu.enqueue_indirect_dma source(%dma_start3A_386 : memref<10000x16xf32, #tpu.memory_space<hbm>>) target(%dma_start3A_382 : memref<128x16xf32, #tpu.memory_space<vmem>>) offsets(%dma_start3A_383 : memref<128xi32, #tpu.memory_space<vmem>>) semaphore(%arg11 : memref<!tpu.dma_semaphore, #tpu.memory_space<semaphore_mem>>)
        } else {
        }
        %eq3A_322 = arith.constant 2 : i32
        %eq3A_323 = arith.cmpi eq, %rem3A_311, %eq3A_322 : i32
        %convert_element_type3A_324 = arith.extui %eq3A_323 : i1 to i32
        %cond3A_325 = arith.constant 0 : i32
        %cond3A_326 = arith.cmpi ne, %convert_element_type3A_324, %cond3A_325 : i32
        scf.if %cond3A_326 {
          %ge3A = arith.constant 6 : i32
          %ge3A_372 = arith.cmpi sge, %add3A_245, %ge3A : i32
          %convert_element_type3A_373 = arith.extui %ge3A_372 : i1 to i32
          %cond3A_374 = arith.constant 0 : i32
          %cond3A_375 = arith.cmpi ne, %convert_element_type3A_373, %cond3A_374 : i32
          scf.if %cond3A_375 {
            %dma_wait3A_387 = arith.constant 2 : i32
            %dma_wait3A_388 = arith.constant 0 : i32
            %dma_wait3A_389 = arith.constant 0 : i32
            %dma_wait3A_390 = tpu.memref_slice %arg7[%dma_wait3A_387, %dma_wait3A_388, %dma_wait3A_389] : memref<12x128x16xf32, #tpu.memory_space<vmem>> -> memref<1x128x16xf32, #tpu.memory_space<vmem>>
            %dma_wait3A_391 = tpu.memref_squeeze %dma_wait3A_390 : memref<1x128x16xf32, #tpu.memory_space<vmem>> -> memref<128x16xf32, #tpu.memory_space<vmem>>
            %dma_wait3A_392 = arith.constant 0 : i32
            %dma_wait3A_393 = tpu.memref_slice %arg6[%dma_wait3A_392] : memref<10000xi32, #tpu.memory_space<vmem>> -> memref<128xi32, #tpu.memory_space<vmem>>
            %dma_wait3A_394 = arith.constant 0 : i32
            %dma_wait3A_395 = arith.constant 0 : i32
            %dma_wait3A_396 = tpu.memref_slice %arg9[%dma_wait3A_394, %dma_wait3A_395] : memref<10240x16xf32, #tpu.memory_space<vmem_shared>> -> memref<10240x16xf32, #tpu.memory_space<vmem_shared>>
            tpu.wait_indirect_dma semaphore(%arg24 : memref<!tpu.dma_semaphore, #tpu.memory_space<semaphore_mem>>) src(%dma_wait3A_391 : memref<128x16xf32, #tpu.memory_space<vmem>>) dst(%dma_wait3A_396 : memref<10240x16xf32, #tpu.memory_space<vmem_shared>>)
          } else {
          }
          %mul3A_376 = arith.constant 128 : i32
          %mul3A_377 = arith.muli %add3A_247, %mul3A_376 : i32
          %dma_start3A_378 = arith.constant 2 : i32
          %dma_start3A_379 = arith.constant 0 : i32
          %dma_start3A_380 = arith.constant 0 : i32
          %dma_start3A_381 = tpu.memref_slice %arg7[%dma_start3A_378, %dma_start3A_379, %dma_start3A_380] : memref<12x128x16xf32, #tpu.memory_space<vmem>> -> memref<1x128x16xf32, #tpu.memory_space<vmem>>
          %dma_start3A_382 = tpu.memref_squeeze %dma_start3A_381 : memref<1x128x16xf32, #tpu.memory_space<vmem>> -> memref<128x16xf32, #tpu.memory_space<vmem>>
          %dma_start3A_383 = tpu.memref_slice %arg5[%mul3A_377] : memref<10000xi32, #tpu.memory_space<vmem>> -> memref<128xi32, #tpu.memory_space<vmem>>
          %dma_start3A_384 = arith.constant 0 : i32
          %dma_start3A_385 = arith.constant 0 : i32
          %dma_start3A_386 = tpu.memref_slice %arg2[%dma_start3A_384, %dma_start3A_385] : memref<10000x16xf32, #tpu.memory_space<hbm>> -> memref<10000x16xf32, #tpu.memory_space<hbm>>
          tpu.enqueue_indirect_dma source(%dma_start3A_386 : memref<10000x16xf32, #tpu.memory_space<hbm>>) target(%dma_start3A_382 : memref<128x16xf32, #tpu.memory_space<vmem>>) offsets(%dma_start3A_383 : memref<128xi32, #tpu.memory_space<vmem>>) semaphore(%arg12 : memref<!tpu.dma_semaphore, #tpu.memory_space<semaphore_mem>>)
        } else {
        }
        %eq3A_327 = arith.constant 3 : i32
        %eq3A_328 = arith.cmpi eq, %rem3A_311, %eq3A_327 : i32
        %convert_element_type3A_329 = arith.extui %eq3A_328 : i1 to i32
        %cond3A_330 = arith.constant 0 : i32
        %cond3A_331 = arith.cmpi ne, %convert_element_type3A_329, %cond3A_330 : i32
        scf.if %cond3A_331 {
          %ge3A = arith.constant 6 : i32
          %ge3A_372 = arith.cmpi sge, %add3A_245, %ge3A : i32
          %convert_element_type3A_373 = arith.extui %ge3A_372 : i1 to i32
          %cond3A_374 = arith.constant 0 : i32
          %cond3A_375 = arith.cmpi ne, %convert_element_type3A_373, %cond3A_374 : i32
          scf.if %cond3A_375 {
            %dma_wait3A_387 = arith.constant 3 : i32
            %dma_wait3A_388 = arith.constant 0 : i32
            %dma_wait3A_389 = arith.constant 0 : i32
            %dma_wait3A_390 = tpu.memref_slice %arg7[%dma_wait3A_387, %dma_wait3A_388, %dma_wait3A_389] : memref<12x128x16xf32, #tpu.memory_space<vmem>> -> memref<1x128x16xf32, #tpu.memory_space<vmem>>
            %dma_wait3A_391 = tpu.memref_squeeze %dma_wait3A_390 : memref<1x128x16xf32, #tpu.memory_space<vmem>> -> memref<128x16xf32, #tpu.memory_space<vmem>>
            %dma_wait3A_392 = arith.constant 0 : i32
            %dma_wait3A_393 = tpu.memref_slice %arg6[%dma_wait3A_392] : memref<10000xi32, #tpu.memory_space<vmem>> -> memref<128xi32, #tpu.memory_space<vmem>>
            %dma_wait3A_394 = arith.constant 0 : i32
            %dma_wait3A_395 = arith.constant 0 : i32
            %dma_wait3A_396 = tpu.memref_slice %arg9[%dma_wait3A_394, %dma_wait3A_395] : memref<10240x16xf32, #tpu.memory_space<vmem_shared>> -> memref<10240x16xf32, #tpu.memory_space<vmem_shared>>
            tpu.wait_indirect_dma semaphore(%arg25 : memref<!tpu.dma_semaphore, #tpu.memory_space<semaphore_mem>>) src(%dma_wait3A_391 : memref<128x16xf32, #tpu.memory_space<vmem>>) dst(%dma_wait3A_396 : memref<10240x16xf32, #tpu.memory_space<vmem_shared>>)
          } else {
          }
          %mul3A_376 = arith.constant 128 : i32
          %mul3A_377 = arith.muli %add3A_247, %mul3A_376 : i32
          %dma_start3A_378 = arith.constant 3 : i32
          %dma_start3A_379 = arith.constant 0 : i32
          %dma_start3A_380 = arith.constant 0 : i32
          %dma_start3A_381 = tpu.memref_slice %arg7[%dma_start3A_378, %dma_start3A_379, %dma_start3A_380] : memref<12x128x16xf32, #tpu.memory_space<vmem>> -> memref<1x128x16xf32, #tpu.memory_space<vmem>>
          %dma_start3A_382 = tpu.memref_squeeze %dma_start3A_381 : memref<1x128x16xf32, #tpu.memory_space<vmem>> -> memref<128x16xf32, #tpu.memory_space<vmem>>
          %dma_start3A_383 = tpu.memref_slice %arg5[%mul3A_377] : memref<10000xi32, #tpu.memory_space<vmem>> -> memref<128xi32, #tpu.memory_space<vmem>>
          %dma_start3A_384 = arith.constant 0 : i32
          %dma_start3A_385 = arith.constant 0 : i32
          %dma_start3A_386 = tpu.memref_slice %arg2[%dma_start3A_384, %dma_start3A_385] : memref<10000x16xf32, #tpu.memory_space<hbm>> -> memref<10000x16xf32, #tpu.memory_space<hbm>>
          tpu.enqueue_indirect_dma source(%dma_start3A_386 : memref<10000x16xf32, #tpu.memory_space<hbm>>) target(%dma_start3A_382 : memref<128x16xf32, #tpu.memory_space<vmem>>) offsets(%dma_start3A_383 : memref<128xi32, #tpu.memory_space<vmem>>) semaphore(%arg13 : memref<!tpu.dma_semaphore, #tpu.memory_space<semaphore_mem>>)
        } else {
        }
        %eq3A_332 = arith.constant 4 : i32
        %eq3A_333 = arith.cmpi eq, %rem3A_311, %eq3A_332 : i32
        %convert_element_type3A_334 = arith.extui %eq3A_333 : i1 to i32
        %cond3A_335 = arith.constant 0 : i32
        %cond3A_336 = arith.cmpi ne, %convert_element_type3A_334, %cond3A_335 : i32
        scf.if %cond3A_336 {
          %ge3A = arith.constant 6 : i32
          %ge3A_372 = arith.cmpi sge, %add3A_245, %ge3A : i32
          %convert_element_type3A_373 = arith.extui %ge3A_372 : i1 to i32
          %cond3A_374 = arith.constant 0 : i32
          %cond3A_375 = arith.cmpi ne, %convert_element_type3A_373, %cond3A_374 : i32
          scf.if %cond3A_375 {
            %dma_wait3A_387 = arith.constant 4 : i32
            %dma_wait3A_388 = arith.constant 0 : i32
            %dma_wait3A_389 = arith.constant 0 : i32
            %dma_wait3A_390 = tpu.memref_slice %arg7[%dma_wait3A_387, %dma_wait3A_388, %dma_wait3A_389] : memref<12x128x16xf32, #tpu.memory_space<vmem>> -> memref<1x128x16xf32, #tpu.memory_space<vmem>>
            %dma_wait3A_391 = tpu.memref_squeeze %dma_wait3A_390 : memref<1x128x16xf32, #tpu.memory_space<vmem>> -> memref<128x16xf32, #tpu.memory_space<vmem>>
            %dma_wait3A_392 = arith.constant 0 : i32
            %dma_wait3A_393 = tpu.memref_slice %arg6[%dma_wait3A_392] : memref<10000xi32, #tpu.memory_space<vmem>> -> memref<128xi32, #tpu.memory_space<vmem>>
            %dma_wait3A_394 = arith.constant 0 : i32
            %dma_wait3A_395 = arith.constant 0 : i32
            %dma_wait3A_396 = tpu.memref_slice %arg9[%dma_wait3A_394, %dma_wait3A_395] : memref<10240x16xf32, #tpu.memory_space<vmem_shared>> -> memref<10240x16xf32, #tpu.memory_space<vmem_shared>>
            tpu.wait_indirect_dma semaphore(%arg26 : memref<!tpu.dma_semaphore, #tpu.memory_space<semaphore_mem>>) src(%dma_wait3A_391 : memref<128x16xf32, #tpu.memory_space<vmem>>) dst(%dma_wait3A_396 : memref<10240x16xf32, #tpu.memory_space<vmem_shared>>)
          } else {
          }
          %mul3A_376 = arith.constant 128 : i32
          %mul3A_377 = arith.muli %add3A_247, %mul3A_376 : i32
          %dma_start3A_378 = arith.constant 4 : i32
          %dma_start3A_379 = arith.constant 0 : i32
          %dma_start3A_380 = arith.constant 0 : i32
          %dma_start3A_381 = tpu.memref_slice %arg7[%dma_start3A_378, %dma_start3A_379, %dma_start3A_380] : memref<12x128x16xf32, #tpu.memory_space<vmem>> -> memref<1x128x16xf32, #tpu.memory_space<vmem>>
          %dma_start3A_382 = tpu.memref_squeeze %dma_start3A_381 : memref<1x128x16xf32, #tpu.memory_space<vmem>> -> memref<128x16xf32, #tpu.memory_space<vmem>>
          %dma_start3A_383 = tpu.memref_slice %arg5[%mul3A_377] : memref<10000xi32, #tpu.memory_space<vmem>> -> memref<128xi32, #tpu.memory_space<vmem>>
          %dma_start3A_384 = arith.constant 0 : i32
          %dma_start3A_385 = arith.constant 0 : i32
          %dma_start3A_386 = tpu.memref_slice %arg2[%dma_start3A_384, %dma_start3A_385] : memref<10000x16xf32, #tpu.memory_space<hbm>> -> memref<10000x16xf32, #tpu.memory_space<hbm>>
          tpu.enqueue_indirect_dma source(%dma_start3A_386 : memref<10000x16xf32, #tpu.memory_space<hbm>>) target(%dma_start3A_382 : memref<128x16xf32, #tpu.memory_space<vmem>>) offsets(%dma_start3A_383 : memref<128xi32, #tpu.memory_space<vmem>>) semaphore(%arg14 : memref<!tpu.dma_semaphore, #tpu.memory_space<semaphore_mem>>)
        } else {
        }
        %eq3A_337 = arith.constant 5 : i32
        %eq3A_338 = arith.cmpi eq, %rem3A_311, %eq3A_337 : i32
        %convert_element_type3A_339 = arith.extui %eq3A_338 : i1 to i32
        %cond3A_340 = arith.constant 0 : i32
        %cond3A_341 = arith.cmpi ne, %convert_element_type3A_339, %cond3A_340 : i32
        scf.if %cond3A_341 {
          %ge3A = arith.constant 6 : i32
          %ge3A_372 = arith.cmpi sge, %add3A_245, %ge3A : i32
          %convert_element_type3A_373 = arith.extui %ge3A_372 : i1 to i32
          %cond3A_374 = arith.constant 0 : i32
          %cond3A_375 = arith.cmpi ne, %convert_element_type3A_373, %cond3A_374 : i32
          scf.if %cond3A_375 {
            %dma_wait3A_387 = arith.constant 5 : i32
            %dma_wait3A_388 = arith.constant 0 : i32
            %dma_wait3A_389 = arith.constant 0 : i32
            %dma_wait3A_390 = tpu.memref_slice %arg7[%dma_wait3A_387, %dma_wait3A_388, %dma_wait3A_389] : memref<12x128x16xf32, #tpu.memory_space<vmem>> -> memref<1x128x16xf32, #tpu.memory_space<vmem>>
            %dma_wait3A_391 = tpu.memref_squeeze %dma_wait3A_390 : memref<1x128x16xf32, #tpu.memory_space<vmem>> -> memref<128x16xf32, #tpu.memory_space<vmem>>
            %dma_wait3A_392 = arith.constant 0 : i32
            %dma_wait3A_393 = tpu.memref_slice %arg6[%dma_wait3A_392] : memref<10000xi32, #tpu.memory_space<vmem>> -> memref<128xi32, #tpu.memory_space<vmem>>
            %dma_wait3A_394 = arith.constant 0 : i32
            %dma_wait3A_395 = arith.constant 0 : i32
            %dma_wait3A_396 = tpu.memref_slice %arg9[%dma_wait3A_394, %dma_wait3A_395] : memref<10240x16xf32, #tpu.memory_space<vmem_shared>> -> memref<10240x16xf32, #tpu.memory_space<vmem_shared>>
            tpu.wait_indirect_dma semaphore(%arg27 : memref<!tpu.dma_semaphore, #tpu.memory_space<semaphore_mem>>) src(%dma_wait3A_391 : memref<128x16xf32, #tpu.memory_space<vmem>>) dst(%dma_wait3A_396 : memref<10240x16xf32, #tpu.memory_space<vmem_shared>>)
          } else {
          }
          %mul3A_376 = arith.constant 128 : i32
          %mul3A_377 = arith.muli %add3A_247, %mul3A_376 : i32
          %dma_start3A_378 = arith.constant 5 : i32
          %dma_start3A_379 = arith.constant 0 : i32
          %dma_start3A_380 = arith.constant 0 : i32
          %dma_start3A_381 = tpu.memref_slice %arg7[%dma_start3A_378, %dma_start3A_379, %dma_start3A_380] : memref<12x128x16xf32, #tpu.memory_space<vmem>> -> memref<1x128x16xf32, #tpu.memory_space<vmem>>
          %dma_start3A_382 = tpu.memref_squeeze %dma_start3A_381 : memref<1x128x16xf32, #tpu.memory_space<vmem>> -> memref<128x16xf32, #tpu.memory_space<vmem>>
          %dma_start3A_383 = tpu.memref_slice %arg5[%mul3A_377] : memref<10000xi32, #tpu.memory_space<vmem>> -> memref<128xi32, #tpu.memory_space<vmem>>
          %dma_start3A_384 = arith.constant 0 : i32
          %dma_start3A_385 = arith.constant 0 : i32
          %dma_start3A_386 = tpu.memref_slice %arg2[%dma_start3A_384, %dma_start3A_385] : memref<10000x16xf32, #tpu.memory_space<hbm>> -> memref<10000x16xf32, #tpu.memory_space<hbm>>
          tpu.enqueue_indirect_dma source(%dma_start3A_386 : memref<10000x16xf32, #tpu.memory_space<hbm>>) target(%dma_start3A_382 : memref<128x16xf32, #tpu.memory_space<vmem>>) offsets(%dma_start3A_383 : memref<128xi32, #tpu.memory_space<vmem>>) semaphore(%arg15 : memref<!tpu.dma_semaphore, #tpu.memory_space<semaphore_mem>>)
        } else {
        }
        %eq3A_342 = arith.constant 6 : i32
        %eq3A_343 = arith.cmpi eq, %rem3A_311, %eq3A_342 : i32
        %convert_element_type3A_344 = arith.extui %eq3A_343 : i1 to i32
        %cond3A_345 = arith.constant 0 : i32
        %cond3A_346 = arith.cmpi ne, %convert_element_type3A_344, %cond3A_345 : i32
        scf.if %cond3A_346 {
          %ge3A = arith.constant 6 : i32
          %ge3A_372 = arith.cmpi sge, %add3A_245, %ge3A : i32
          %convert_element_type3A_373 = arith.extui %ge3A_372 : i1 to i32
          %cond3A_374 = arith.constant 0 : i32
          %cond3A_375 = arith.cmpi ne, %convert_element_type3A_373, %cond3A_374 : i32
          scf.if %cond3A_375 {
            %dma_wait3A_387 = arith.constant 6 : i32
            %dma_wait3A_388 = arith.constant 0 : i32
            %dma_wait3A_389 = arith.constant 0 : i32
            %dma_wait3A_390 = tpu.memref_slice %arg7[%dma_wait3A_387, %dma_wait3A_388, %dma_wait3A_389] : memref<12x128x16xf32, #tpu.memory_space<vmem>> -> memref<1x128x16xf32, #tpu.memory_space<vmem>>
            %dma_wait3A_391 = tpu.memref_squeeze %dma_wait3A_390 : memref<1x128x16xf32, #tpu.memory_space<vmem>> -> memref<128x16xf32, #tpu.memory_space<vmem>>
            %dma_wait3A_392 = arith.constant 0 : i32
            %dma_wait3A_393 = tpu.memref_slice %arg6[%dma_wait3A_392] : memref<10000xi32, #tpu.memory_space<vmem>> -> memref<128xi32, #tpu.memory_space<vmem>>
            %dma_wait3A_394 = arith.constant 0 : i32
            %dma_wait3A_395 = arith.constant 0 : i32
            %dma_wait3A_396 = tpu.memref_slice %arg9[%dma_wait3A_394, %dma_wait3A_395] : memref<10240x16xf32, #tpu.memory_space<vmem_shared>> -> memref<10240x16xf32, #tpu.memory_space<vmem_shared>>
            tpu.wait_indirect_dma semaphore(%arg28 : memref<!tpu.dma_semaphore, #tpu.memory_space<semaphore_mem>>) src(%dma_wait3A_391 : memref<128x16xf32, #tpu.memory_space<vmem>>) dst(%dma_wait3A_396 : memref<10240x16xf32, #tpu.memory_space<vmem_shared>>)
          } else {
          }
          %mul3A_376 = arith.constant 128 : i32
          %mul3A_377 = arith.muli %add3A_247, %mul3A_376 : i32
          %dma_start3A_378 = arith.constant 6 : i32
          %dma_start3A_379 = arith.constant 0 : i32
          %dma_start3A_380 = arith.constant 0 : i32
          %dma_start3A_381 = tpu.memref_slice %arg7[%dma_start3A_378, %dma_start3A_379, %dma_start3A_380] : memref<12x128x16xf32, #tpu.memory_space<vmem>> -> memref<1x128x16xf32, #tpu.memory_space<vmem>>
          %dma_start3A_382 = tpu.memref_squeeze %dma_start3A_381 : memref<1x128x16xf32, #tpu.memory_space<vmem>> -> memref<128x16xf32, #tpu.memory_space<vmem>>
          %dma_start3A_383 = tpu.memref_slice %arg5[%mul3A_377] : memref<10000xi32, #tpu.memory_space<vmem>> -> memref<128xi32, #tpu.memory_space<vmem>>
          %dma_start3A_384 = arith.constant 0 : i32
          %dma_start3A_385 = arith.constant 0 : i32
          %dma_start3A_386 = tpu.memref_slice %arg2[%dma_start3A_384, %dma_start3A_385] : memref<10000x16xf32, #tpu.memory_space<hbm>> -> memref<10000x16xf32, #tpu.memory_space<hbm>>
          tpu.enqueue_indirect_dma source(%dma_start3A_386 : memref<10000x16xf32, #tpu.memory_space<hbm>>) target(%dma_start3A_382 : memref<128x16xf32, #tpu.memory_space<vmem>>) offsets(%dma_start3A_383 : memref<128xi32, #tpu.memory_space<vmem>>) semaphore(%arg16 : memref<!tpu.dma_semaphore, #tpu.memory_space<semaphore_mem>>)
        } else {
        }
        %eq3A_347 = arith.constant 7 : i32
        %eq3A_348 = arith.cmpi eq, %rem3A_311, %eq3A_347 : i32
        %convert_element_type3A_349 = arith.extui %eq3A_348 : i1 to i32
        %cond3A_350 = arith.constant 0 : i32
        %cond3A_351 = arith.cmpi ne, %convert_element_type3A_349, %cond3A_350 : i32
        scf.if %cond3A_351 {
          %ge3A = arith.constant 6 : i32
          %ge3A_372 = arith.cmpi sge, %add3A_245, %ge3A : i32
          %convert_element_type3A_373 = arith.extui %ge3A_372 : i1 to i32
          %cond3A_374 = arith.constant 0 : i32
          %cond3A_375 = arith.cmpi ne, %convert_element_type3A_373, %cond3A_374 : i32
          scf.if %cond3A_375 {
            %dma_wait3A_387 = arith.constant 7 : i32
            %dma_wait3A_388 = arith.constant 0 : i32
            %dma_wait3A_389 = arith.constant 0 : i32
            %dma_wait3A_390 = tpu.memref_slice %arg7[%dma_wait3A_387, %dma_wait3A_388, %dma_wait3A_389] : memref<12x128x16xf32, #tpu.memory_space<vmem>> -> memref<1x128x16xf32, #tpu.memory_space<vmem>>
            %dma_wait3A_391 = tpu.memref_squeeze %dma_wait3A_390 : memref<1x128x16xf32, #tpu.memory_space<vmem>> -> memref<128x16xf32, #tpu.memory_space<vmem>>
            %dma_wait3A_392 = arith.constant 0 : i32
            %dma_wait3A_393 = tpu.memref_slice %arg6[%dma_wait3A_392] : memref<10000xi32, #tpu.memory_space<vmem>> -> memref<128xi32, #tpu.memory_space<vmem>>
            %dma_wait3A_394 = arith.constant 0 : i32
            %dma_wait3A_395 = arith.constant 0 : i32
            %dma_wait3A_396 = tpu.memref_slice %arg9[%dma_wait3A_394, %dma_wait3A_395] : memref<10240x16xf32, #tpu.memory_space<vmem_shared>> -> memref<10240x16xf32, #tpu.memory_space<vmem_shared>>
            tpu.wait_indirect_dma semaphore(%arg29 : memref<!tpu.dma_semaphore, #tpu.memory_space<semaphore_mem>>) src(%dma_wait3A_391 : memref<128x16xf32, #tpu.memory_space<vmem>>) dst(%dma_wait3A_396 : memref<10240x16xf32, #tpu.memory_space<vmem_shared>>)
          } else {
          }
          %mul3A_376 = arith.constant 128 : i32
          %mul3A_377 = arith.muli %add3A_247, %mul3A_376 : i32
          %dma_start3A_378 = arith.constant 7 : i32
          %dma_start3A_379 = arith.constant 0 : i32
          %dma_start3A_380 = arith.constant 0 : i32
          %dma_start3A_381 = tpu.memref_slice %arg7[%dma_start3A_378, %dma_start3A_379, %dma_start3A_380] : memref<12x128x16xf32, #tpu.memory_space<vmem>> -> memref<1x128x16xf32, #tpu.memory_space<vmem>>
          %dma_start3A_382 = tpu.memref_squeeze %dma_start3A_381 : memref<1x128x16xf32, #tpu.memory_space<vmem>> -> memref<128x16xf32, #tpu.memory_space<vmem>>
          %dma_start3A_383 = tpu.memref_slice %arg5[%mul3A_377] : memref<10000xi32, #tpu.memory_space<vmem>> -> memref<128xi32, #tpu.memory_space<vmem>>
          %dma_start3A_384 = arith.constant 0 : i32
          %dma_start3A_385 = arith.constant 0 : i32
          %dma_start3A_386 = tpu.memref_slice %arg2[%dma_start3A_384, %dma_start3A_385] : memref<10000x16xf32, #tpu.memory_space<hbm>> -> memref<10000x16xf32, #tpu.memory_space<hbm>>
          tpu.enqueue_indirect_dma source(%dma_start3A_386 : memref<10000x16xf32, #tpu.memory_space<hbm>>) target(%dma_start3A_382 : memref<128x16xf32, #tpu.memory_space<vmem>>) offsets(%dma_start3A_383 : memref<128xi32, #tpu.memory_space<vmem>>) semaphore(%arg17 : memref<!tpu.dma_semaphore, #tpu.memory_space<semaphore_mem>>)
        } else {
        }
        %eq3A_352 = arith.constant 8 : i32
        %eq3A_353 = arith.cmpi eq, %rem3A_311, %eq3A_352 : i32
        %convert_element_type3A_354 = arith.extui %eq3A_353 : i1 to i32
        %cond3A_355 = arith.constant 0 : i32
        %cond3A_356 = arith.cmpi ne, %convert_element_type3A_354, %cond3A_355 : i32
        scf.if %cond3A_356 {
          %ge3A = arith.constant 6 : i32
          %ge3A_372 = arith.cmpi sge, %add3A_245, %ge3A : i32
          %convert_element_type3A_373 = arith.extui %ge3A_372 : i1 to i32
          %cond3A_374 = arith.constant 0 : i32
          %cond3A_375 = arith.cmpi ne, %convert_element_type3A_373, %cond3A_374 : i32
          scf.if %cond3A_375 {
            %dma_wait3A_387 = arith.constant 8 : i32
            %dma_wait3A_388 = arith.constant 0 : i32
            %dma_wait3A_389 = arith.constant 0 : i32
            %dma_wait3A_390 = tpu.memref_slice %arg7[%dma_wait3A_387, %dma_wait3A_388, %dma_wait3A_389] : memref<12x128x16xf32, #tpu.memory_space<vmem>> -> memref<1x128x16xf32, #tpu.memory_space<vmem>>
            %dma_wait3A_391 = tpu.memref_squeeze %dma_wait3A_390 : memref<1x128x16xf32, #tpu.memory_space<vmem>> -> memref<128x16xf32, #tpu.memory_space<vmem>>
            %dma_wait3A_392 = arith.constant 0 : i32
            %dma_wait3A_393 = tpu.memref_slice %arg6[%dma_wait3A_392] : memref<10000xi32, #tpu.memory_space<vmem>> -> memref<128xi32, #tpu.memory_space<vmem>>
            %dma_wait3A_394 = arith.constant 0 : i32
            %dma_wait3A_395 = arith.constant 0 : i32
            %dma_wait3A_396 = tpu.memref_slice %arg9[%dma_wait3A_394, %dma_wait3A_395] : memref<10240x16xf32, #tpu.memory_space<vmem_shared>> -> memref<10240x16xf32, #tpu.memory_space<vmem_shared>>
            tpu.wait_indirect_dma semaphore(%arg30 : memref<!tpu.dma_semaphore, #tpu.memory_space<semaphore_mem>>) src(%dma_wait3A_391 : memref<128x16xf32, #tpu.memory_space<vmem>>) dst(%dma_wait3A_396 : memref<10240x16xf32, #tpu.memory_space<vmem_shared>>)
          } else {
          }
          %mul3A_376 = arith.constant 128 : i32
          %mul3A_377 = arith.muli %add3A_247, %mul3A_376 : i32
          %dma_start3A_378 = arith.constant 8 : i32
          %dma_start3A_379 = arith.constant 0 : i32
          %dma_start3A_380 = arith.constant 0 : i32
          %dma_start3A_381 = tpu.memref_slice %arg7[%dma_start3A_378, %dma_start3A_379, %dma_start3A_380] : memref<12x128x16xf32, #tpu.memory_space<vmem>> -> memref<1x128x16xf32, #tpu.memory_space<vmem>>
          %dma_start3A_382 = tpu.memref_squeeze %dma_start3A_381 : memref<1x128x16xf32, #tpu.memory_space<vmem>> -> memref<128x16xf32, #tpu.memory_space<vmem>>
          %dma_start3A_383 = tpu.memref_slice %arg5[%mul3A_377] : memref<10000xi32, #tpu.memory_space<vmem>> -> memref<128xi32, #tpu.memory_space<vmem>>
          %dma_start3A_384 = arith.constant 0 : i32
          %dma_start3A_385 = arith.constant 0 : i32
          %dma_start3A_386 = tpu.memref_slice %arg2[%dma_start3A_384, %dma_start3A_385] : memref<10000x16xf32, #tpu.memory_space<hbm>> -> memref<10000x16xf32, #tpu.memory_space<hbm>>
          tpu.enqueue_indirect_dma source(%dma_start3A_386 : memref<10000x16xf32, #tpu.memory_space<hbm>>) target(%dma_start3A_382 : memref<128x16xf32, #tpu.memory_space<vmem>>) offsets(%dma_start3A_383 : memref<128xi32, #tpu.memory_space<vmem>>) semaphore(%arg18 : memref<!tpu.dma_semaphore, #tpu.memory_space<semaphore_mem>>)
        } else {
        }
        %eq3A_357 = arith.constant 9 : i32
        %eq3A_358 = arith.cmpi eq, %rem3A_311, %eq3A_357 : i32
        %convert_element_type3A_359 = arith.extui %eq3A_358 : i1 to i32
        %cond3A_360 = arith.constant 0 : i32
        %cond3A_361 = arith.cmpi ne, %convert_element_type3A_359, %cond3A_360 : i32
        scf.if %cond3A_361 {
          %ge3A = arith.constant 6 : i32
          %ge3A_372 = arith.cmpi sge, %add3A_245, %ge3A : i32
          %convert_element_type3A_373 = arith.extui %ge3A_372 : i1 to i32
          %cond3A_374 = arith.constant 0 : i32
          %cond3A_375 = arith.cmpi ne, %convert_element_type3A_373, %cond3A_374 : i32
          scf.if %cond3A_375 {
            %dma_wait3A_387 = arith.constant 9 : i32
            %dma_wait3A_388 = arith.constant 0 : i32
            %dma_wait3A_389 = arith.constant 0 : i32
            %dma_wait3A_390 = tpu.memref_slice %arg7[%dma_wait3A_387, %dma_wait3A_388, %dma_wait3A_389] : memref<12x128x16xf32, #tpu.memory_space<vmem>> -> memref<1x128x16xf32, #tpu.memory_space<vmem>>
            %dma_wait3A_391 = tpu.memref_squeeze %dma_wait3A_390 : memref<1x128x16xf32, #tpu.memory_space<vmem>> -> memref<128x16xf32, #tpu.memory_space<vmem>>
            %dma_wait3A_392 = arith.constant 0 : i32
            %dma_wait3A_393 = tpu.memref_slice %arg6[%dma_wait3A_392] : memref<10000xi32, #tpu.memory_space<vmem>> -> memref<128xi32, #tpu.memory_space<vmem>>
            %dma_wait3A_394 = arith.constant 0 : i32
            %dma_wait3A_395 = arith.constant 0 : i32
            %dma_wait3A_396 = tpu.memref_slice %arg9[%dma_wait3A_394, %dma_wait3A_395] : memref<10240x16xf32, #tpu.memory_space<vmem_shared>> -> memref<10240x16xf32, #tpu.memory_space<vmem_shared>>
            tpu.wait_indirect_dma semaphore(%arg31 : memref<!tpu.dma_semaphore, #tpu.memory_space<semaphore_mem>>) src(%dma_wait3A_391 : memref<128x16xf32, #tpu.memory_space<vmem>>) dst(%dma_wait3A_396 : memref<10240x16xf32, #tpu.memory_space<vmem_shared>>)
          } else {
          }
          %mul3A_376 = arith.constant 128 : i32
          %mul3A_377 = arith.muli %add3A_247, %mul3A_376 : i32
          %dma_start3A_378 = arith.constant 9 : i32
          %dma_start3A_379 = arith.constant 0 : i32
          %dma_start3A_380 = arith.constant 0 : i32
          %dma_start3A_381 = tpu.memref_slice %arg7[%dma_start3A_378, %dma_start3A_379, %dma_start3A_380] : memref<12x128x16xf32, #tpu.memory_space<vmem>> -> memref<1x128x16xf32, #tpu.memory_space<vmem>>
          %dma_start3A_382 = tpu.memref_squeeze %dma_start3A_381 : memref<1x128x16xf32, #tpu.memory_space<vmem>> -> memref<128x16xf32, #tpu.memory_space<vmem>>
          %dma_start3A_383 = tpu.memref_slice %arg5[%mul3A_377] : memref<10000xi32, #tpu.memory_space<vmem>> -> memref<128xi32, #tpu.memory_space<vmem>>
          %dma_start3A_384 = arith.constant 0 : i32
          %dma_start3A_385 = arith.constant 0 : i32
          %dma_start3A_386 = tpu.memref_slice %arg2[%dma_start3A_384, %dma_start3A_385] : memref<10000x16xf32, #tpu.memory_space<hbm>> -> memref<10000x16xf32, #tpu.memory_space<hbm>>
          tpu.enqueue_indirect_dma source(%dma_start3A_386 : memref<10000x16xf32, #tpu.memory_space<hbm>>) target(%dma_start3A_382 : memref<128x16xf32, #tpu.memory_space<vmem>>) offsets(%dma_start3A_383 : memref<128xi32, #tpu.memory_space<vmem>>) semaphore(%arg19 : memref<!tpu.dma_semaphore, #tpu.memory_space<semaphore_mem>>)
        } else {
        }
        %eq3A_362 = arith.constant 10 : i32
        %eq3A_363 = arith.cmpi eq, %rem3A_311, %eq3A_362 : i32
        %convert_element_type3A_364 = arith.extui %eq3A_363 : i1 to i32
        %cond3A_365 = arith.constant 0 : i32
        %cond3A_366 = arith.cmpi ne, %convert_element_type3A_364, %cond3A_365 : i32
        scf.if %cond3A_366 {
          %ge3A = arith.constant 6 : i32
          %ge3A_372 = arith.cmpi sge, %add3A_245, %ge3A : i32
          %convert_element_type3A_373 = arith.extui %ge3A_372 : i1 to i32
          %cond3A_374 = arith.constant 0 : i32
          %cond3A_375 = arith.cmpi ne, %convert_element_type3A_373, %cond3A_374 : i32
          scf.if %cond3A_375 {
            %dma_wait3A_387 = arith.constant 10 : i32
            %dma_wait3A_388 = arith.constant 0 : i32
            %dma_wait3A_389 = arith.constant 0 : i32
            %dma_wait3A_390 = tpu.memref_slice %arg7[%dma_wait3A_387, %dma_wait3A_388, %dma_wait3A_389] : memref<12x128x16xf32, #tpu.memory_space<vmem>> -> memref<1x128x16xf32, #tpu.memory_space<vmem>>
            %dma_wait3A_391 = tpu.memref_squeeze %dma_wait3A_390 : memref<1x128x16xf32, #tpu.memory_space<vmem>> -> memref<128x16xf32, #tpu.memory_space<vmem>>
            %dma_wait3A_392 = arith.constant 0 : i32
            %dma_wait3A_393 = tpu.memref_slice %arg6[%dma_wait3A_392] : memref<10000xi32, #tpu.memory_space<vmem>> -> memref<128xi32, #tpu.memory_space<vmem>>
            %dma_wait3A_394 = arith.constant 0 : i32
            %dma_wait3A_395 = arith.constant 0 : i32
            %dma_wait3A_396 = tpu.memref_slice %arg9[%dma_wait3A_394, %dma_wait3A_395] : memref<10240x16xf32, #tpu.memory_space<vmem_shared>> -> memref<10240x16xf32, #tpu.memory_space<vmem_shared>>
            tpu.wait_indirect_dma semaphore(%arg32 : memref<!tpu.dma_semaphore, #tpu.memory_space<semaphore_mem>>) src(%dma_wait3A_391 : memref<128x16xf32, #tpu.memory_space<vmem>>) dst(%dma_wait3A_396 : memref<10240x16xf32, #tpu.memory_space<vmem_shared>>)
          } else {
          }
          %mul3A_376 = arith.constant 128 : i32
          %mul3A_377 = arith.muli %add3A_247, %mul3A_376 : i32
          %dma_start3A_378 = arith.constant 10 : i32
          %dma_start3A_379 = arith.constant 0 : i32
          %dma_start3A_380 = arith.constant 0 : i32
          %dma_start3A_381 = tpu.memref_slice %arg7[%dma_start3A_378, %dma_start3A_379, %dma_start3A_380] : memref<12x128x16xf32, #tpu.memory_space<vmem>> -> memref<1x128x16xf32, #tpu.memory_space<vmem>>
          %dma_start3A_382 = tpu.memref_squeeze %dma_start3A_381 : memref<1x128x16xf32, #tpu.memory_space<vmem>> -> memref<128x16xf32, #tpu.memory_space<vmem>>
          %dma_start3A_383 = tpu.memref_slice %arg5[%mul3A_377] : memref<10000xi32, #tpu.memory_space<vmem>> -> memref<128xi32, #tpu.memory_space<vmem>>
          %dma_start3A_384 = arith.constant 0 : i32
          %dma_start3A_385 = arith.constant 0 : i32
          %dma_start3A_386 = tpu.memref_slice %arg2[%dma_start3A_384, %dma_start3A_385] : memref<10000x16xf32, #tpu.memory_space<hbm>> -> memref<10000x16xf32, #tpu.memory_space<hbm>>
          tpu.enqueue_indirect_dma source(%dma_start3A_386 : memref<10000x16xf32, #tpu.memory_space<hbm>>) target(%dma_start3A_382 : memref<128x16xf32, #tpu.memory_space<vmem>>) offsets(%dma_start3A_383 : memref<128xi32, #tpu.memory_space<vmem>>) semaphore(%arg20 : memref<!tpu.dma_semaphore, #tpu.memory_space<semaphore_mem>>)
        } else {
        }
        %eq3A_367 = arith.constant 11 : i32
        %eq3A_368 = arith.cmpi eq, %rem3A_311, %eq3A_367 : i32
        %convert_element_type3A_369 = arith.extui %eq3A_368 : i1 to i32
        %cond3A_370 = arith.constant 0 : i32
        %cond3A_371 = arith.cmpi ne, %convert_element_type3A_369, %cond3A_370 : i32
        scf.if %cond3A_371 {
          %ge3A = arith.constant 6 : i32
          %ge3A_372 = arith.cmpi sge, %add3A_245, %ge3A : i32
          %convert_element_type3A_373 = arith.extui %ge3A_372 : i1 to i32
          %cond3A_374 = arith.constant 0 : i32
          %cond3A_375 = arith.cmpi ne, %convert_element_type3A_373, %cond3A_374 : i32
          scf.if %cond3A_375 {
            %dma_wait3A_387 = arith.constant 11 : i32
            %dma_wait3A_388 = arith.constant 0 : i32
            %dma_wait3A_389 = arith.constant 0 : i32
            %dma_wait3A_390 = tpu.memref_slice %arg7[%dma_wait3A_387, %dma_wait3A_388, %dma_wait3A_389] : memref<12x128x16xf32, #tpu.memory_space<vmem>> -> memref<1x128x16xf32, #tpu.memory_space<vmem>>
            %dma_wait3A_391 = tpu.memref_squeeze %dma_wait3A_390 : memref<1x128x16xf32, #tpu.memory_space<vmem>> -> memref<128x16xf32, #tpu.memory_space<vmem>>
            %dma_wait3A_392 = arith.constant 0 : i32
            %dma_wait3A_393 = tpu.memref_slice %arg6[%dma_wait3A_392] : memref<10000xi32, #tpu.memory_space<vmem>> -> memref<128xi32, #tpu.memory_space<vmem>>
            %dma_wait3A_394 = arith.constant 0 : i32
            %dma_wait3A_395 = arith.constant 0 : i32
            %dma_wait3A_396 = tpu.memref_slice %arg9[%dma_wait3A_394, %dma_wait3A_395] : memref<10240x16xf32, #tpu.memory_space<vmem_shared>> -> memref<10240x16xf32, #tpu.memory_space<vmem_shared>>
            tpu.wait_indirect_dma semaphore(%arg33 : memref<!tpu.dma_semaphore, #tpu.memory_space<semaphore_mem>>) src(%dma_wait3A_391 : memref<128x16xf32, #tpu.memory_space<vmem>>) dst(%dma_wait3A_396 : memref<10240x16xf32, #tpu.memory_space<vmem_shared>>)
          } else {
          }
          %mul3A_376 = arith.constant 128 : i32
          %mul3A_377 = arith.muli %add3A_247, %mul3A_376 : i32
          %dma_start3A_378 = arith.constant 11 : i32
          %dma_start3A_379 = arith.constant 0 : i32
          %dma_start3A_380 = arith.constant 0 : i32
          %dma_start3A_381 = tpu.memref_slice %arg7[%dma_start3A_378, %dma_start3A_379, %dma_start3A_380] : memref<12x128x16xf32, #tpu.memory_space<vmem>> -> memref<1x128x16xf32, #tpu.memory_space<vmem>>
          %dma_start3A_382 = tpu.memref_squeeze %dma_start3A_381 : memref<1x128x16xf32, #tpu.memory_space<vmem>> -> memref<128x16xf32, #tpu.memory_space<vmem>>
          %dma_start3A_383 = tpu.memref_slice %arg5[%mul3A_377] : memref<10000xi32, #tpu.memory_space<vmem>> -> memref<128xi32, #tpu.memory_space<vmem>>
          %dma_start3A_384 = arith.constant 0 : i32
          %dma_start3A_385 = arith.constant 0 : i32
          %dma_start3A_386 = tpu.memref_slice %arg2[%dma_start3A_384, %dma_start3A_385] : memref<10000x16xf32, #tpu.memory_space<hbm>> -> memref<10000x16xf32, #tpu.memory_space<hbm>>
          tpu.enqueue_indirect_dma source(%dma_start3A_386 : memref<10000x16xf32, #tpu.memory_space<hbm>>) target(%dma_start3A_382 : memref<128x16xf32, #tpu.memory_space<vmem>>) offsets(%dma_start3A_383 : memref<128xi32, #tpu.memory_space<vmem>>) semaphore(%arg21 : memref<!tpu.dma_semaphore, #tpu.memory_space<semaphore_mem>>)
        } else {
        }
      } else {
      }
      %rem3A = arith.constant 12 : i32
      %rem3A_250 = arith.remsi %add3A_245, %rem3A : i32
      %eq3A = arith.constant 0 : i32
      %eq3A_251 = arith.cmpi eq, %rem3A_250, %eq3A : i32
      %convert_element_type3A_252 = arith.extui %eq3A_251 : i1 to i32
      %cond3A_253 = arith.constant 0 : i32
      %cond3A_254 = arith.cmpi ne, %convert_element_type3A_252, %cond3A_253 : i32
      scf.if %cond3A_254 {
        %mul3A_310 = arith.constant 128 : i32
        %mul3A_311 = arith.muli %add3A_245, %mul3A_310 : i32
        %dma_wait3A_312 = arith.constant 0 : i32
        %dma_wait3A_313 = arith.constant 0 : i32
        %dma_wait3A_314 = arith.constant 0 : i32
        %dma_wait3A_315 = tpu.memref_slice %arg7[%dma_wait3A_312, %dma_wait3A_313, %dma_wait3A_314] : memref<12x128x16xf32, #tpu.memory_space<vmem>> -> memref<1x128x16xf32, #tpu.memory_space<vmem>>
        %dma_wait3A_316 = tpu.memref_squeeze %dma_wait3A_315 : memref<1x128x16xf32, #tpu.memory_space<vmem>> -> memref<128x16xf32, #tpu.memory_space<vmem>>
        %dma_wait3A_317 = tpu.memref_slice %arg5[%mul3A_311] : memref<10000xi32, #tpu.memory_space<vmem>> -> memref<128xi32, #tpu.memory_space<vmem>>
        %dma_wait3A_318 = arith.constant 0 : i32
        %dma_wait3A_319 = arith.constant 0 : i32
        %dma_wait3A_320 = tpu.memref_slice %arg2[%dma_wait3A_318, %dma_wait3A_319] : memref<10000x16xf32, #tpu.memory_space<hbm>> -> memref<10000x16xf32, #tpu.memory_space<hbm>>
        tpu.wait_indirect_dma semaphore(%arg10 : memref<!tpu.dma_semaphore, #tpu.memory_space<semaphore_mem>>) src(%dma_wait3A_320 : memref<10000x16xf32, #tpu.memory_space<hbm>>) dst(%dma_wait3A_316 : memref<128x16xf32, #tpu.memory_space<vmem>>)
        %mul3A_321 = arith.constant 128 : i32
        %mul3A_322 = arith.muli %add3A_245, %mul3A_321 : i32
        %dma_start3A_323 = arith.constant 0 : i32
        %dma_start3A_324 = arith.constant 0 : i32
        %dma_start3A_325 = arith.constant 0 : i32
        %dma_start3A_326 = tpu.memref_slice %arg7[%dma_start3A_323, %dma_start3A_324, %dma_start3A_325] : memref<12x128x16xf32, #tpu.memory_space<vmem>> -> memref<1x128x16xf32, #tpu.memory_space<vmem>>
        %dma_start3A_327 = tpu.memref_squeeze %dma_start3A_326 : memref<1x128x16xf32, #tpu.memory_space<vmem>> -> memref<128x16xf32, #tpu.memory_space<vmem>>
        %dma_start3A_328 = tpu.memref_slice %arg6[%mul3A_322] : memref<10000xi32, #tpu.memory_space<vmem>> -> memref<128xi32, #tpu.memory_space<vmem>>
        %dma_start3A_329 = arith.constant 0 : i32
        %dma_start3A_330 = arith.constant 0 : i32
        %dma_start3A_331 = tpu.memref_slice %arg9[%dma_start3A_329, %dma_start3A_330] : memref<10240x16xf32, #tpu.memory_space<vmem_shared>> -> memref<10240x16xf32, #tpu.memory_space<vmem_shared>>
        tpu.enqueue_indirect_dma source(%dma_start3A_327 : memref<128x16xf32, #tpu.memory_space<vmem>>) target(%dma_start3A_331 : memref<10240x16xf32, #tpu.memory_space<vmem_shared>>) offsets(%dma_start3A_328 : memref<128xi32, #tpu.memory_space<vmem>>) semaphore(%arg22 : memref<!tpu.dma_semaphore, #tpu.memory_space<semaphore_mem>>) {add = true}
      } else {
      }
      %eq3A_255 = arith.constant 1 : i32
      %eq3A_256 = arith.cmpi eq, %rem3A_250, %eq3A_255 : i32
      %convert_element_type3A_257 = arith.extui %eq3A_256 : i1 to i32
      %cond3A_258 = arith.constant 0 : i32
      %cond3A_259 = arith.cmpi ne, %convert_element_type3A_257, %cond3A_258 : i32
      scf.if %cond3A_259 {
        %mul3A_310 = arith.constant 128 : i32
        %mul3A_311 = arith.muli %add3A_245, %mul3A_310 : i32
        %dma_wait3A_312 = arith.constant 1 : i32
        %dma_wait3A_313 = arith.constant 0 : i32
        %dma_wait3A_314 = arith.constant 0 : i32
        %dma_wait3A_315 = tpu.memref_slice %arg7[%dma_wait3A_312, %dma_wait3A_313, %dma_wait3A_314] : memref<12x128x16xf32, #tpu.memory_space<vmem>> -> memref<1x128x16xf32, #tpu.memory_space<vmem>>
        %dma_wait3A_316 = tpu.memref_squeeze %dma_wait3A_315 : memref<1x128x16xf32, #tpu.memory_space<vmem>> -> memref<128x16xf32, #tpu.memory_space<vmem>>
        %dma_wait3A_317 = tpu.memref_slice %arg5[%mul3A_311] : memref<10000xi32, #tpu.memory_space<vmem>> -> memref<128xi32, #tpu.memory_space<vmem>>
        %dma_wait3A_318 = arith.constant 0 : i32
        %dma_wait3A_319 = arith.constant 0 : i32
        %dma_wait3A_320 = tpu.memref_slice %arg2[%dma_wait3A_318, %dma_wait3A_319] : memref<10000x16xf32, #tpu.memory_space<hbm>> -> memref<10000x16xf32, #tpu.memory_space<hbm>>
        tpu.wait_indirect_dma semaphore(%arg11 : memref<!tpu.dma_semaphore, #tpu.memory_space<semaphore_mem>>) src(%dma_wait3A_320 : memref<10000x16xf32, #tpu.memory_space<hbm>>) dst(%dma_wait3A_316 : memref<128x16xf32, #tpu.memory_space<vmem>>)
        %mul3A_321 = arith.constant 128 : i32
        %mul3A_322 = arith.muli %add3A_245, %mul3A_321 : i32
        %dma_start3A_323 = arith.constant 1 : i32
        %dma_start3A_324 = arith.constant 0 : i32
        %dma_start3A_325 = arith.constant 0 : i32
        %dma_start3A_326 = tpu.memref_slice %arg7[%dma_start3A_323, %dma_start3A_324, %dma_start3A_325] : memref<12x128x16xf32, #tpu.memory_space<vmem>> -> memref<1x128x16xf32, #tpu.memory_space<vmem>>
        %dma_start3A_327 = tpu.memref_squeeze %dma_start3A_326 : memref<1x128x16xf32, #tpu.memory_space<vmem>> -> memref<128x16xf32, #tpu.memory_space<vmem>>
        %dma_start3A_328 = tpu.memref_slice %arg6[%mul3A_322] : memref<10000xi32, #tpu.memory_space<vmem>> -> memref<128xi32, #tpu.memory_space<vmem>>
        %dma_start3A_329 = arith.constant 0 : i32
        %dma_start3A_330 = arith.constant 0 : i32
        %dma_start3A_331 = tpu.memref_slice %arg9[%dma_start3A_329, %dma_start3A_330] : memref<10240x16xf32, #tpu.memory_space<vmem_shared>> -> memref<10240x16xf32, #tpu.memory_space<vmem_shared>>
        tpu.enqueue_indirect_dma source(%dma_start3A_327 : memref<128x16xf32, #tpu.memory_space<vmem>>) target(%dma_start3A_331 : memref<10240x16xf32, #tpu.memory_space<vmem_shared>>) offsets(%dma_start3A_328 : memref<128xi32, #tpu.memory_space<vmem>>) semaphore(%arg23 : memref<!tpu.dma_semaphore, #tpu.memory_space<semaphore_mem>>) {add = true}
      } else {
      }
      %eq3A_260 = arith.constant 2 : i32
      %eq3A_261 = arith.cmpi eq, %rem3A_250, %eq3A_260 : i32
      %convert_element_type3A_262 = arith.extui %eq3A_261 : i1 to i32
      %cond3A_263 = arith.constant 0 : i32
      %cond3A_264 = arith.cmpi ne, %convert_element_type3A_262, %cond3A_263 : i32
      scf.if %cond3A_264 {
        %mul3A_310 = arith.constant 128 : i32
        %mul3A_311 = arith.muli %add3A_245, %mul3A_310 : i32
        %dma_wait3A_312 = arith.constant 2 : i32
        %dma_wait3A_313 = arith.constant 0 : i32
        %dma_wait3A_314 = arith.constant 0 : i32
        %dma_wait3A_315 = tpu.memref_slice %arg7[%dma_wait3A_312, %dma_wait3A_313, %dma_wait3A_314] : memref<12x128x16xf32, #tpu.memory_space<vmem>> -> memref<1x128x16xf32, #tpu.memory_space<vmem>>
        %dma_wait3A_316 = tpu.memref_squeeze %dma_wait3A_315 : memref<1x128x16xf32, #tpu.memory_space<vmem>> -> memref<128x16xf32, #tpu.memory_space<vmem>>
        %dma_wait3A_317 = tpu.memref_slice %arg5[%mul3A_311] : memref<10000xi32, #tpu.memory_space<vmem>> -> memref<128xi32, #tpu.memory_space<vmem>>
        %dma_wait3A_318 = arith.constant 0 : i32
        %dma_wait3A_319 = arith.constant 0 : i32
        %dma_wait3A_320 = tpu.memref_slice %arg2[%dma_wait3A_318, %dma_wait3A_319] : memref<10000x16xf32, #tpu.memory_space<hbm>> -> memref<10000x16xf32, #tpu.memory_space<hbm>>
        tpu.wait_indirect_dma semaphore(%arg12 : memref<!tpu.dma_semaphore, #tpu.memory_space<semaphore_mem>>) src(%dma_wait3A_320 : memref<10000x16xf32, #tpu.memory_space<hbm>>) dst(%dma_wait3A_316 : memref<128x16xf32, #tpu.memory_space<vmem>>)
        %mul3A_321 = arith.constant 128 : i32
        %mul3A_322 = arith.muli %add3A_245, %mul3A_321 : i32
        %dma_start3A_323 = arith.constant 2 : i32
        %dma_start3A_324 = arith.constant 0 : i32
        %dma_start3A_325 = arith.constant 0 : i32
        %dma_start3A_326 = tpu.memref_slice %arg7[%dma_start3A_323, %dma_start3A_324, %dma_start3A_325] : memref<12x128x16xf32, #tpu.memory_space<vmem>> -> memref<1x128x16xf32, #tpu.memory_space<vmem>>
        %dma_start3A_327 = tpu.memref_squeeze %dma_start3A_326 : memref<1x128x16xf32, #tpu.memory_space<vmem>> -> memref<128x16xf32, #tpu.memory_space<vmem>>
        %dma_start3A_328 = tpu.memref_slice %arg6[%mul3A_322] : memref<10000xi32, #tpu.memory_space<vmem>> -> memref<128xi32, #tpu.memory_space<vmem>>
        %dma_start3A_329 = arith.constant 0 : i32
        %dma_start3A_330 = arith.constant 0 : i32
        %dma_start3A_331 = tpu.memref_slice %arg9[%dma_start3A_329, %dma_start3A_330] : memref<10240x16xf32, #tpu.memory_space<vmem_shared>> -> memref<10240x16xf32, #tpu.memory_space<vmem_shared>>
        tpu.enqueue_indirect_dma source(%dma_start3A_327 : memref<128x16xf32, #tpu.memory_space<vmem>>) target(%dma_start3A_331 : memref<10240x16xf32, #tpu.memory_space<vmem_shared>>) offsets(%dma_start3A_328 : memref<128xi32, #tpu.memory_space<vmem>>) semaphore(%arg24 : memref<!tpu.dma_semaphore, #tpu.memory_space<semaphore_mem>>) {add = true}
      } else {
      }
      %eq3A_265 = arith.constant 3 : i32
      %eq3A_266 = arith.cmpi eq, %rem3A_250, %eq3A_265 : i32
      %convert_element_type3A_267 = arith.extui %eq3A_266 : i1 to i32
      %cond3A_268 = arith.constant 0 : i32
      %cond3A_269 = arith.cmpi ne, %convert_element_type3A_267, %cond3A_268 : i32
      scf.if %cond3A_269 {
        %mul3A_310 = arith.constant 128 : i32
        %mul3A_311 = arith.muli %add3A_245, %mul3A_310 : i32
        %dma_wait3A_312 = arith.constant 3 : i32
        %dma_wait3A_313 = arith.constant 0 : i32
        %dma_wait3A_314 = arith.constant 0 : i32
        %dma_wait3A_315 = tpu.memref_slice %arg7[%dma_wait3A_312, %dma_wait3A_313, %dma_wait3A_314] : memref<12x128x16xf32, #tpu.memory_space<vmem>> -> memref<1x128x16xf32, #tpu.memory_space<vmem>>
        %dma_wait3A_316 = tpu.memref_squeeze %dma_wait3A_315 : memref<1x128x16xf32, #tpu.memory_space<vmem>> -> memref<128x16xf32, #tpu.memory_space<vmem>>
        %dma_wait3A_317 = tpu.memref_slice %arg5[%mul3A_311] : memref<10000xi32, #tpu.memory_space<vmem>> -> memref<128xi32, #tpu.memory_space<vmem>>
        %dma_wait3A_318 = arith.constant 0 : i32
        %dma_wait3A_319 = arith.constant 0 : i32
        %dma_wait3A_320 = tpu.memref_slice %arg2[%dma_wait3A_318, %dma_wait3A_319] : memref<10000x16xf32, #tpu.memory_space<hbm>> -> memref<10000x16xf32, #tpu.memory_space<hbm>>
        tpu.wait_indirect_dma semaphore(%arg13 : memref<!tpu.dma_semaphore, #tpu.memory_space<semaphore_mem>>) src(%dma_wait3A_320 : memref<10000x16xf32, #tpu.memory_space<hbm>>) dst(%dma_wait3A_316 : memref<128x16xf32, #tpu.memory_space<vmem>>)
        %mul3A_321 = arith.constant 128 : i32
        %mul3A_322 = arith.muli %add3A_245, %mul3A_321 : i32
        %dma_start3A_323 = arith.constant 3 : i32
        %dma_start3A_324 = arith.constant 0 : i32
        %dma_start3A_325 = arith.constant 0 : i32
        %dma_start3A_326 = tpu.memref_slice %arg7[%dma_start3A_323, %dma_start3A_324, %dma_start3A_325] : memref<12x128x16xf32, #tpu.memory_space<vmem>> -> memref<1x128x16xf32, #tpu.memory_space<vmem>>
        %dma_start3A_327 = tpu.memref_squeeze %dma_start3A_326 : memref<1x128x16xf32, #tpu.memory_space<vmem>> -> memref<128x16xf32, #tpu.memory_space<vmem>>
        %dma_start3A_328 = tpu.memref_slice %arg6[%mul3A_322] : memref<10000xi32, #tpu.memory_space<vmem>> -> memref<128xi32, #tpu.memory_space<vmem>>
        %dma_start3A_329 = arith.constant 0 : i32
        %dma_start3A_330 = arith.constant 0 : i32
        %dma_start3A_331 = tpu.memref_slice %arg9[%dma_start3A_329, %dma_start3A_330] : memref<10240x16xf32, #tpu.memory_space<vmem_shared>> -> memref<10240x16xf32, #tpu.memory_space<vmem_shared>>
        tpu.enqueue_indirect_dma source(%dma_start3A_327 : memref<128x16xf32, #tpu.memory_space<vmem>>) target(%dma_start3A_331 : memref<10240x16xf32, #tpu.memory_space<vmem_shared>>) offsets(%dma_start3A_328 : memref<128xi32, #tpu.memory_space<vmem>>) semaphore(%arg25 : memref<!tpu.dma_semaphore, #tpu.memory_space<semaphore_mem>>) {add = true}
      } else {
      }
      %eq3A_270 = arith.constant 4 : i32
      %eq3A_271 = arith.cmpi eq, %rem3A_250, %eq3A_270 : i32
      %convert_element_type3A_272 = arith.extui %eq3A_271 : i1 to i32
      %cond3A_273 = arith.constant 0 : i32
      %cond3A_274 = arith.cmpi ne, %convert_element_type3A_272, %cond3A_273 : i32
      scf.if %cond3A_274 {
        %mul3A_310 = arith.constant 128 : i32
        %mul3A_311 = arith.muli %add3A_245, %mul3A_310 : i32
        %dma_wait3A_312 = arith.constant 4 : i32
        %dma_wait3A_313 = arith.constant 0 : i32
        %dma_wait3A_314 = arith.constant 0 : i32
        %dma_wait3A_315 = tpu.memref_slice %arg7[%dma_wait3A_312, %dma_wait3A_313, %dma_wait3A_314] : memref<12x128x16xf32, #tpu.memory_space<vmem>> -> memref<1x128x16xf32, #tpu.memory_space<vmem>>
        %dma_wait3A_316 = tpu.memref_squeeze %dma_wait3A_315 : memref<1x128x16xf32, #tpu.memory_space<vmem>> -> memref<128x16xf32, #tpu.memory_space<vmem>>
        %dma_wait3A_317 = tpu.memref_slice %arg5[%mul3A_311] : memref<10000xi32, #tpu.memory_space<vmem>> -> memref<128xi32, #tpu.memory_space<vmem>>
        %dma_wait3A_318 = arith.constant 0 : i32
        %dma_wait3A_319 = arith.constant 0 : i32
        %dma_wait3A_320 = tpu.memref_slice %arg2[%dma_wait3A_318, %dma_wait3A_319] : memref<10000x16xf32, #tpu.memory_space<hbm>> -> memref<10000x16xf32, #tpu.memory_space<hbm>>
        tpu.wait_indirect_dma semaphore(%arg14 : memref<!tpu.dma_semaphore, #tpu.memory_space<semaphore_mem>>) src(%dma_wait3A_320 : memref<10000x16xf32, #tpu.memory_space<hbm>>) dst(%dma_wait3A_316 : memref<128x16xf32, #tpu.memory_space<vmem>>)
        %mul3A_321 = arith.constant 128 : i32
        %mul3A_322 = arith.muli %add3A_245, %mul3A_321 : i32
        %dma_start3A_323 = arith.constant 4 : i32
        %dma_start3A_324 = arith.constant 0 : i32
        %dma_start3A_325 = arith.constant 0 : i32
        %dma_start3A_326 = tpu.memref_slice %arg7[%dma_start3A_323, %dma_start3A_324, %dma_start3A_325] : memref<12x128x16xf32, #tpu.memory_space<vmem>> -> memref<1x128x16xf32, #tpu.memory_space<vmem>>
        %dma_start3A_327 = tpu.memref_squeeze %dma_start3A_326 : memref<1x128x16xf32, #tpu.memory_space<vmem>> -> memref<128x16xf32, #tpu.memory_space<vmem>>
        %dma_start3A_328 = tpu.memref_slice %arg6[%mul3A_322] : memref<10000xi32, #tpu.memory_space<vmem>> -> memref<128xi32, #tpu.memory_space<vmem>>
        %dma_start3A_329 = arith.constant 0 : i32
        %dma_start3A_330 = arith.constant 0 : i32
        %dma_start3A_331 = tpu.memref_slice %arg9[%dma_start3A_329, %dma_start3A_330] : memref<10240x16xf32, #tpu.memory_space<vmem_shared>> -> memref<10240x16xf32, #tpu.memory_space<vmem_shared>>
        tpu.enqueue_indirect_dma source(%dma_start3A_327 : memref<128x16xf32, #tpu.memory_space<vmem>>) target(%dma_start3A_331 : memref<10240x16xf32, #tpu.memory_space<vmem_shared>>) offsets(%dma_start3A_328 : memref<128xi32, #tpu.memory_space<vmem>>) semaphore(%arg26 : memref<!tpu.dma_semaphore, #tpu.memory_space<semaphore_mem>>) {add = true}
      } else {
      }
      %eq3A_275 = arith.constant 5 : i32
      %eq3A_276 = arith.cmpi eq, %rem3A_250, %eq3A_275 : i32
      %convert_element_type3A_277 = arith.extui %eq3A_276 : i1 to i32
      %cond3A_278 = arith.constant 0 : i32
      %cond3A_279 = arith.cmpi ne, %convert_element_type3A_277, %cond3A_278 : i32
      scf.if %cond3A_279 {
        %mul3A_310 = arith.constant 128 : i32
        %mul3A_311 = arith.muli %add3A_245, %mul3A_310 : i32
        %dma_wait3A_312 = arith.constant 5 : i32
        %dma_wait3A_313 = arith.constant 0 : i32
        %dma_wait3A_314 = arith.constant 0 : i32
        %dma_wait3A_315 = tpu.memref_slice %arg7[%dma_wait3A_312, %dma_wait3A_313, %dma_wait3A_314] : memref<12x128x16xf32, #tpu.memory_space<vmem>> -> memref<1x128x16xf32, #tpu.memory_space<vmem>>
        %dma_wait3A_316 = tpu.memref_squeeze %dma_wait3A_315 : memref<1x128x16xf32, #tpu.memory_space<vmem>> -> memref<128x16xf32, #tpu.memory_space<vmem>>
        %dma_wait3A_317 = tpu.memref_slice %arg5[%mul3A_311] : memref<10000xi32, #tpu.memory_space<vmem>> -> memref<128xi32, #tpu.memory_space<vmem>>
        %dma_wait3A_318 = arith.constant 0 : i32
        %dma_wait3A_319 = arith.constant 0 : i32
        %dma_wait3A_320 = tpu.memref_slice %arg2[%dma_wait3A_318, %dma_wait3A_319] : memref<10000x16xf32, #tpu.memory_space<hbm>> -> memref<10000x16xf32, #tpu.memory_space<hbm>>
        tpu.wait_indirect_dma semaphore(%arg15 : memref<!tpu.dma_semaphore, #tpu.memory_space<semaphore_mem>>) src(%dma_wait3A_320 : memref<10000x16xf32, #tpu.memory_space<hbm>>) dst(%dma_wait3A_316 : memref<128x16xf32, #tpu.memory_space<vmem>>)
        %mul3A_321 = arith.constant 128 : i32
        %mul3A_322 = arith.muli %add3A_245, %mul3A_321 : i32
        %dma_start3A_323 = arith.constant 5 : i32
        %dma_start3A_324 = arith.constant 0 : i32
        %dma_start3A_325 = arith.constant 0 : i32
        %dma_start3A_326 = tpu.memref_slice %arg7[%dma_start3A_323, %dma_start3A_324, %dma_start3A_325] : memref<12x128x16xf32, #tpu.memory_space<vmem>> -> memref<1x128x16xf32, #tpu.memory_space<vmem>>
        %dma_start3A_327 = tpu.memref_squeeze %dma_start3A_326 : memref<1x128x16xf32, #tpu.memory_space<vmem>> -> memref<128x16xf32, #tpu.memory_space<vmem>>
        %dma_start3A_328 = tpu.memref_slice %arg6[%mul3A_322] : memref<10000xi32, #tpu.memory_space<vmem>> -> memref<128xi32, #tpu.memory_space<vmem>>
        %dma_start3A_329 = arith.constant 0 : i32
        %dma_start3A_330 = arith.constant 0 : i32
        %dma_start3A_331 = tpu.memref_slice %arg9[%dma_start3A_329, %dma_start3A_330] : memref<10240x16xf32, #tpu.memory_space<vmem_shared>> -> memref<10240x16xf32, #tpu.memory_space<vmem_shared>>
        tpu.enqueue_indirect_dma source(%dma_start3A_327 : memref<128x16xf32, #tpu.memory_space<vmem>>) target(%dma_start3A_331 : memref<10240x16xf32, #tpu.memory_space<vmem_shared>>) offsets(%dma_start3A_328 : memref<128xi32, #tpu.memory_space<vmem>>) semaphore(%arg27 : memref<!tpu.dma_semaphore, #tpu.memory_space<semaphore_mem>>) {add = true}
      } else {
      }
      %eq3A_280 = arith.constant 6 : i32
      %eq3A_281 = arith.cmpi eq, %rem3A_250, %eq3A_280 : i32
      %convert_element_type3A_282 = arith.extui %eq3A_281 : i1 to i32
      %cond3A_283 = arith.constant 0 : i32
      %cond3A_284 = arith.cmpi ne, %convert_element_type3A_282, %cond3A_283 : i32
      scf.if %cond3A_284 {
        %mul3A_310 = arith.constant 128 : i32
        %mul3A_311 = arith.muli %add3A_245, %mul3A_310 : i32
        %dma_wait3A_312 = arith.constant 6 : i32
        %dma_wait3A_313 = arith.constant 0 : i32
        %dma_wait3A_314 = arith.constant 0 : i32
        %dma_wait3A_315 = tpu.memref_slice %arg7[%dma_wait3A_312, %dma_wait3A_313, %dma_wait3A_314] : memref<12x128x16xf32, #tpu.memory_space<vmem>> -> memref<1x128x16xf32, #tpu.memory_space<vmem>>
        %dma_wait3A_316 = tpu.memref_squeeze %dma_wait3A_315 : memref<1x128x16xf32, #tpu.memory_space<vmem>> -> memref<128x16xf32, #tpu.memory_space<vmem>>
        %dma_wait3A_317 = tpu.memref_slice %arg5[%mul3A_311] : memref<10000xi32, #tpu.memory_space<vmem>> -> memref<128xi32, #tpu.memory_space<vmem>>
        %dma_wait3A_318 = arith.constant 0 : i32
        %dma_wait3A_319 = arith.constant 0 : i32
        %dma_wait3A_320 = tpu.memref_slice %arg2[%dma_wait3A_318, %dma_wait3A_319] : memref<10000x16xf32, #tpu.memory_space<hbm>> -> memref<10000x16xf32, #tpu.memory_space<hbm>>
        tpu.wait_indirect_dma semaphore(%arg16 : memref<!tpu.dma_semaphore, #tpu.memory_space<semaphore_mem>>) src(%dma_wait3A_320 : memref<10000x16xf32, #tpu.memory_space<hbm>>) dst(%dma_wait3A_316 : memref<128x16xf32, #tpu.memory_space<vmem>>)
        %mul3A_321 = arith.constant 128 : i32
        %mul3A_322 = arith.muli %add3A_245, %mul3A_321 : i32
        %dma_start3A_323 = arith.constant 6 : i32
        %dma_start3A_324 = arith.constant 0 : i32
        %dma_start3A_325 = arith.constant 0 : i32
        %dma_start3A_326 = tpu.memref_slice %arg7[%dma_start3A_323, %dma_start3A_324, %dma_start3A_325] : memref<12x128x16xf32, #tpu.memory_space<vmem>> -> memref<1x128x16xf32, #tpu.memory_space<vmem>>
        %dma_start3A_327 = tpu.memref_squeeze %dma_start3A_326 : memref<1x128x16xf32, #tpu.memory_space<vmem>> -> memref<128x16xf32, #tpu.memory_space<vmem>>
        %dma_start3A_328 = tpu.memref_slice %arg6[%mul3A_322] : memref<10000xi32, #tpu.memory_space<vmem>> -> memref<128xi32, #tpu.memory_space<vmem>>
        %dma_start3A_329 = arith.constant 0 : i32
        %dma_start3A_330 = arith.constant 0 : i32
        %dma_start3A_331 = tpu.memref_slice %arg9[%dma_start3A_329, %dma_start3A_330] : memref<10240x16xf32, #tpu.memory_space<vmem_shared>> -> memref<10240x16xf32, #tpu.memory_space<vmem_shared>>
        tpu.enqueue_indirect_dma source(%dma_start3A_327 : memref<128x16xf32, #tpu.memory_space<vmem>>) target(%dma_start3A_331 : memref<10240x16xf32, #tpu.memory_space<vmem_shared>>) offsets(%dma_start3A_328 : memref<128xi32, #tpu.memory_space<vmem>>) semaphore(%arg28 : memref<!tpu.dma_semaphore, #tpu.memory_space<semaphore_mem>>) {add = true}
      } else {
      }
      %eq3A_285 = arith.constant 7 : i32
      %eq3A_286 = arith.cmpi eq, %rem3A_250, %eq3A_285 : i32
      %convert_element_type3A_287 = arith.extui %eq3A_286 : i1 to i32
      %cond3A_288 = arith.constant 0 : i32
      %cond3A_289 = arith.cmpi ne, %convert_element_type3A_287, %cond3A_288 : i32
      scf.if %cond3A_289 {
        %mul3A_310 = arith.constant 128 : i32
        %mul3A_311 = arith.muli %add3A_245, %mul3A_310 : i32
        %dma_wait3A_312 = arith.constant 7 : i32
        %dma_wait3A_313 = arith.constant 0 : i32
        %dma_wait3A_314 = arith.constant 0 : i32
        %dma_wait3A_315 = tpu.memref_slice %arg7[%dma_wait3A_312, %dma_wait3A_313, %dma_wait3A_314] : memref<12x128x16xf32, #tpu.memory_space<vmem>> -> memref<1x128x16xf32, #tpu.memory_space<vmem>>
        %dma_wait3A_316 = tpu.memref_squeeze %dma_wait3A_315 : memref<1x128x16xf32, #tpu.memory_space<vmem>> -> memref<128x16xf32, #tpu.memory_space<vmem>>
        %dma_wait3A_317 = tpu.memref_slice %arg5[%mul3A_311] : memref<10000xi32, #tpu.memory_space<vmem>> -> memref<128xi32, #tpu.memory_space<vmem>>
        %dma_wait3A_318 = arith.constant 0 : i32
        %dma_wait3A_319 = arith.constant 0 : i32
        %dma_wait3A_320 = tpu.memref_slice %arg2[%dma_wait3A_318, %dma_wait3A_319] : memref<10000x16xf32, #tpu.memory_space<hbm>> -> memref<10000x16xf32, #tpu.memory_space<hbm>>
        tpu.wait_indirect_dma semaphore(%arg17 : memref<!tpu.dma_semaphore, #tpu.memory_space<semaphore_mem>>) src(%dma_wait3A_320 : memref<10000x16xf32, #tpu.memory_space<hbm>>) dst(%dma_wait3A_316 : memref<128x16xf32, #tpu.memory_space<vmem>>)
        %mul3A_321 = arith.constant 128 : i32
        %mul3A_322 = arith.muli %add3A_245, %mul3A_321 : i32
        %dma_start3A_323 = arith.constant 7 : i32
        %dma_start3A_324 = arith.constant 0 : i32
        %dma_start3A_325 = arith.constant 0 : i32
        %dma_start3A_326 = tpu.memref_slice %arg7[%dma_start3A_323, %dma_start3A_324, %dma_start3A_325] : memref<12x128x16xf32, #tpu.memory_space<vmem>> -> memref<1x128x16xf32, #tpu.memory_space<vmem>>
        %dma_start3A_327 = tpu.memref_squeeze %dma_start3A_326 : memref<1x128x16xf32, #tpu.memory_space<vmem>> -> memref<128x16xf32, #tpu.memory_space<vmem>>
        %dma_start3A_328 = tpu.memref_slice %arg6[%mul3A_322] : memref<10000xi32, #tpu.memory_space<vmem>> -> memref<128xi32, #tpu.memory_space<vmem>>
        %dma_start3A_329 = arith.constant 0 : i32
        %dma_start3A_330 = arith.constant 0 : i32
        %dma_start3A_331 = tpu.memref_slice %arg9[%dma_start3A_329, %dma_start3A_330] : memref<10240x16xf32, #tpu.memory_space<vmem_shared>> -> memref<10240x16xf32, #tpu.memory_space<vmem_shared>>
        tpu.enqueue_indirect_dma source(%dma_start3A_327 : memref<128x16xf32, #tpu.memory_space<vmem>>) target(%dma_start3A_331 : memref<10240x16xf32, #tpu.memory_space<vmem_shared>>) offsets(%dma_start3A_328 : memref<128xi32, #tpu.memory_space<vmem>>) semaphore(%arg29 : memref<!tpu.dma_semaphore, #tpu.memory_space<semaphore_mem>>) {add = true}
      } else {
      }
      %eq3A_290 = arith.constant 8 : i32
      %eq3A_291 = arith.cmpi eq, %rem3A_250, %eq3A_290 : i32
      %convert_element_type3A_292 = arith.extui %eq3A_291 : i1 to i32
      %cond3A_293 = arith.constant 0 : i32
      %cond3A_294 = arith.cmpi ne, %convert_element_type3A_292, %cond3A_293 : i32
      scf.if %cond3A_294 {
        %mul3A_310 = arith.constant 128 : i32
        %mul3A_311 = arith.muli %add3A_245, %mul3A_310 : i32
        %dma_wait3A_312 = arith.constant 8 : i32
        %dma_wait3A_313 = arith.constant 0 : i32
        %dma_wait3A_314 = arith.constant 0 : i32
        %dma_wait3A_315 = tpu.memref_slice %arg7[%dma_wait3A_312, %dma_wait3A_313, %dma_wait3A_314] : memref<12x128x16xf32, #tpu.memory_space<vmem>> -> memref<1x128x16xf32, #tpu.memory_space<vmem>>
        %dma_wait3A_316 = tpu.memref_squeeze %dma_wait3A_315 : memref<1x128x16xf32, #tpu.memory_space<vmem>> -> memref<128x16xf32, #tpu.memory_space<vmem>>
        %dma_wait3A_317 = tpu.memref_slice %arg5[%mul3A_311] : memref<10000xi32, #tpu.memory_space<vmem>> -> memref<128xi32, #tpu.memory_space<vmem>>
        %dma_wait3A_318 = arith.constant 0 : i32
        %dma_wait3A_319 = arith.constant 0 : i32
        %dma_wait3A_320 = tpu.memref_slice %arg2[%dma_wait3A_318, %dma_wait3A_319] : memref<10000x16xf32, #tpu.memory_space<hbm>> -> memref<10000x16xf32, #tpu.memory_space<hbm>>
        tpu.wait_indirect_dma semaphore(%arg18 : memref<!tpu.dma_semaphore, #tpu.memory_space<semaphore_mem>>) src(%dma_wait3A_320 : memref<10000x16xf32, #tpu.memory_space<hbm>>) dst(%dma_wait3A_316 : memref<128x16xf32, #tpu.memory_space<vmem>>)
        %mul3A_321 = arith.constant 128 : i32
        %mul3A_322 = arith.muli %add3A_245, %mul3A_321 : i32
        %dma_start3A_323 = arith.constant 8 : i32
        %dma_start3A_324 = arith.constant 0 : i32
        %dma_start3A_325 = arith.constant 0 : i32
        %dma_start3A_326 = tpu.memref_slice %arg7[%dma_start3A_323, %dma_start3A_324, %dma_start3A_325] : memref<12x128x16xf32, #tpu.memory_space<vmem>> -> memref<1x128x16xf32, #tpu.memory_space<vmem>>
        %dma_start3A_327 = tpu.memref_squeeze %dma_start3A_326 : memref<1x128x16xf32, #tpu.memory_space<vmem>> -> memref<128x16xf32, #tpu.memory_space<vmem>>
        %dma_start3A_328 = tpu.memref_slice %arg6[%mul3A_322] : memref<10000xi32, #tpu.memory_space<vmem>> -> memref<128xi32, #tpu.memory_space<vmem>>
        %dma_start3A_329 = arith.constant 0 : i32
        %dma_start3A_330 = arith.constant 0 : i32
        %dma_start3A_331 = tpu.memref_slice %arg9[%dma_start3A_329, %dma_start3A_330] : memref<10240x16xf32, #tpu.memory_space<vmem_shared>> -> memref<10240x16xf32, #tpu.memory_space<vmem_shared>>
        tpu.enqueue_indirect_dma source(%dma_start3A_327 : memref<128x16xf32, #tpu.memory_space<vmem>>) target(%dma_start3A_331 : memref<10240x16xf32, #tpu.memory_space<vmem_shared>>) offsets(%dma_start3A_328 : memref<128xi32, #tpu.memory_space<vmem>>) semaphore(%arg30 : memref<!tpu.dma_semaphore, #tpu.memory_space<semaphore_mem>>) {add = true}
      } else {
      }
      %eq3A_295 = arith.constant 9 : i32
      %eq3A_296 = arith.cmpi eq, %rem3A_250, %eq3A_295 : i32
      %convert_element_type3A_297 = arith.extui %eq3A_296 : i1 to i32
      %cond3A_298 = arith.constant 0 : i32
      %cond3A_299 = arith.cmpi ne, %convert_element_type3A_297, %cond3A_298 : i32
      scf.if %cond3A_299 {
        %mul3A_310 = arith.constant 128 : i32
        %mul3A_311 = arith.muli %add3A_245, %mul3A_310 : i32
        %dma_wait3A_312 = arith.constant 9 : i32
        %dma_wait3A_313 = arith.constant 0 : i32
        %dma_wait3A_314 = arith.constant 0 : i32
        %dma_wait3A_315 = tpu.memref_slice %arg7[%dma_wait3A_312, %dma_wait3A_313, %dma_wait3A_314] : memref<12x128x16xf32, #tpu.memory_space<vmem>> -> memref<1x128x16xf32, #tpu.memory_space<vmem>>
        %dma_wait3A_316 = tpu.memref_squeeze %dma_wait3A_315 : memref<1x128x16xf32, #tpu.memory_space<vmem>> -> memref<128x16xf32, #tpu.memory_space<vmem>>
        %dma_wait3A_317 = tpu.memref_slice %arg5[%mul3A_311] : memref<10000xi32, #tpu.memory_space<vmem>> -> memref<128xi32, #tpu.memory_space<vmem>>
        %dma_wait3A_318 = arith.constant 0 : i32
        %dma_wait3A_319 = arith.constant 0 : i32
        %dma_wait3A_320 = tpu.memref_slice %arg2[%dma_wait3A_318, %dma_wait3A_319] : memref<10000x16xf32, #tpu.memory_space<hbm>> -> memref<10000x16xf32, #tpu.memory_space<hbm>>
        tpu.wait_indirect_dma semaphore(%arg19 : memref<!tpu.dma_semaphore, #tpu.memory_space<semaphore_mem>>) src(%dma_wait3A_320 : memref<10000x16xf32, #tpu.memory_space<hbm>>) dst(%dma_wait3A_316 : memref<128x16xf32, #tpu.memory_space<vmem>>)
        %mul3A_321 = arith.constant 128 : i32
        %mul3A_322 = arith.muli %add3A_245, %mul3A_321 : i32
        %dma_start3A_323 = arith.constant 9 : i32
        %dma_start3A_324 = arith.constant 0 : i32
        %dma_start3A_325 = arith.constant 0 : i32
        %dma_start3A_326 = tpu.memref_slice %arg7[%dma_start3A_323, %dma_start3A_324, %dma_start3A_325] : memref<12x128x16xf32, #tpu.memory_space<vmem>> -> memref<1x128x16xf32, #tpu.memory_space<vmem>>
        %dma_start3A_327 = tpu.memref_squeeze %dma_start3A_326 : memref<1x128x16xf32, #tpu.memory_space<vmem>> -> memref<128x16xf32, #tpu.memory_space<vmem>>
        %dma_start3A_328 = tpu.memref_slice %arg6[%mul3A_322] : memref<10000xi32, #tpu.memory_space<vmem>> -> memref<128xi32, #tpu.memory_space<vmem>>
        %dma_start3A_329 = arith.constant 0 : i32
        %dma_start3A_330 = arith.constant 0 : i32
        %dma_start3A_331 = tpu.memref_slice %arg9[%dma_start3A_329, %dma_start3A_330] : memref<10240x16xf32, #tpu.memory_space<vmem_shared>> -> memref<10240x16xf32, #tpu.memory_space<vmem_shared>>
        tpu.enqueue_indirect_dma source(%dma_start3A_327 : memref<128x16xf32, #tpu.memory_space<vmem>>) target(%dma_start3A_331 : memref<10240x16xf32, #tpu.memory_space<vmem_shared>>) offsets(%dma_start3A_328 : memref<128xi32, #tpu.memory_space<vmem>>) semaphore(%arg31 : memref<!tpu.dma_semaphore, #tpu.memory_space<semaphore_mem>>) {add = true}
      } else {
      }
      %eq3A_300 = arith.constant 10 : i32
      %eq3A_301 = arith.cmpi eq, %rem3A_250, %eq3A_300 : i32
      %convert_element_type3A_302 = arith.extui %eq3A_301 : i1 to i32
      %cond3A_303 = arith.constant 0 : i32
      %cond3A_304 = arith.cmpi ne, %convert_element_type3A_302, %cond3A_303 : i32
      scf.if %cond3A_304 {
        %mul3A_310 = arith.constant 128 : i32
        %mul3A_311 = arith.muli %add3A_245, %mul3A_310 : i32
        %dma_wait3A_312 = arith.constant 10 : i32
        %dma_wait3A_313 = arith.constant 0 : i32
        %dma_wait3A_314 = arith.constant 0 : i32
        %dma_wait3A_315 = tpu.memref_slice %arg7[%dma_wait3A_312, %dma_wait3A_313, %dma_wait3A_314] : memref<12x128x16xf32, #tpu.memory_space<vmem>> -> memref<1x128x16xf32, #tpu.memory_space<vmem>>
        %dma_wait3A_316 = tpu.memref_squeeze %dma_wait3A_315 : memref<1x128x16xf32, #tpu.memory_space<vmem>> -> memref<128x16xf32, #tpu.memory_space<vmem>>
        %dma_wait3A_317 = tpu.memref_slice %arg5[%mul3A_311] : memref<10000xi32, #tpu.memory_space<vmem>> -> memref<128xi32, #tpu.memory_space<vmem>>
        %dma_wait3A_318 = arith.constant 0 : i32
        %dma_wait3A_319 = arith.constant 0 : i32
        %dma_wait3A_320 = tpu.memref_slice %arg2[%dma_wait3A_318, %dma_wait3A_319] : memref<10000x16xf32, #tpu.memory_space<hbm>> -> memref<10000x16xf32, #tpu.memory_space<hbm>>
        tpu.wait_indirect_dma semaphore(%arg20 : memref<!tpu.dma_semaphore, #tpu.memory_space<semaphore_mem>>) src(%dma_wait3A_320 : memref<10000x16xf32, #tpu.memory_space<hbm>>) dst(%dma_wait3A_316 : memref<128x16xf32, #tpu.memory_space<vmem>>)
        %mul3A_321 = arith.constant 128 : i32
        %mul3A_322 = arith.muli %add3A_245, %mul3A_321 : i32
        %dma_start3A_323 = arith.constant 10 : i32
        %dma_start3A_324 = arith.constant 0 : i32
        %dma_start3A_325 = arith.constant 0 : i32
        %dma_start3A_326 = tpu.memref_slice %arg7[%dma_start3A_323, %dma_start3A_324, %dma_start3A_325] : memref<12x128x16xf32, #tpu.memory_space<vmem>> -> memref<1x128x16xf32, #tpu.memory_space<vmem>>
        %dma_start3A_327 = tpu.memref_squeeze %dma_start3A_326 : memref<1x128x16xf32, #tpu.memory_space<vmem>> -> memref<128x16xf32, #tpu.memory_space<vmem>>
        %dma_start3A_328 = tpu.memref_slice %arg6[%mul3A_322] : memref<10000xi32, #tpu.memory_space<vmem>> -> memref<128xi32, #tpu.memory_space<vmem>>
        %dma_start3A_329 = arith.constant 0 : i32
        %dma_start3A_330 = arith.constant 0 : i32
        %dma_start3A_331 = tpu.memref_slice %arg9[%dma_start3A_329, %dma_start3A_330] : memref<10240x16xf32, #tpu.memory_space<vmem_shared>> -> memref<10240x16xf32, #tpu.memory_space<vmem_shared>>
        tpu.enqueue_indirect_dma source(%dma_start3A_327 : memref<128x16xf32, #tpu.memory_space<vmem>>) target(%dma_start3A_331 : memref<10240x16xf32, #tpu.memory_space<vmem_shared>>) offsets(%dma_start3A_328 : memref<128xi32, #tpu.memory_space<vmem>>) semaphore(%arg32 : memref<!tpu.dma_semaphore, #tpu.memory_space<semaphore_mem>>) {add = true}
      } else {
      }
      %eq3A_305 = arith.constant 11 : i32
      %eq3A_306 = arith.cmpi eq, %rem3A_250, %eq3A_305 : i32
      %convert_element_type3A_307 = arith.extui %eq3A_306 : i1 to i32
      %cond3A_308 = arith.constant 0 : i32
      %cond3A_309 = arith.cmpi ne, %convert_element_type3A_307, %cond3A_308 : i32
      scf.if %cond3A_309 {
        %mul3A_310 = arith.constant 128 : i32
        %mul3A_311 = arith.muli %add3A_245, %mul3A_310 : i32
        %dma_wait3A_312 = arith.constant 11 : i32
        %dma_wait3A_313 = arith.constant 0 : i32
        %dma_wait3A_314 = arith.constant 0 : i32
        %dma_wait3A_315 = tpu.memref_slice %arg7[%dma_wait3A_312, %dma_wait3A_313, %dma_wait3A_314] : memref<12x128x16xf32, #tpu.memory_space<vmem>> -> memref<1x128x16xf32, #tpu.memory_space<vmem>>
        %dma_wait3A_316 = tpu.memref_squeeze %dma_wait3A_315 : memref<1x128x16xf32, #tpu.memory_space<vmem>> -> memref<128x16xf32, #tpu.memory_space<vmem>>
        %dma_wait3A_317 = tpu.memref_slice %arg5[%mul3A_311] : memref<10000xi32, #tpu.memory_space<vmem>> -> memref<128xi32, #tpu.memory_space<vmem>>
        %dma_wait3A_318 = arith.constant 0 : i32
        %dma_wait3A_319 = arith.constant 0 : i32
        %dma_wait3A_320 = tpu.memref_slice %arg2[%dma_wait3A_318, %dma_wait3A_319] : memref<10000x16xf32, #tpu.memory_space<hbm>> -> memref<10000x16xf32, #tpu.memory_space<hbm>>
        tpu.wait_indirect_dma semaphore(%arg21 : memref<!tpu.dma_semaphore, #tpu.memory_space<semaphore_mem>>) src(%dma_wait3A_320 : memref<10000x16xf32, #tpu.memory_space<hbm>>) dst(%dma_wait3A_316 : memref<128x16xf32, #tpu.memory_space<vmem>>)
        %mul3A_321 = arith.constant 128 : i32
        %mul3A_322 = arith.muli %add3A_245, %mul3A_321 : i32
        %dma_start3A_323 = arith.constant 11 : i32
        %dma_start3A_324 = arith.constant 0 : i32
        %dma_start3A_325 = arith.constant 0 : i32
        %dma_start3A_326 = tpu.memref_slice %arg7[%dma_start3A_323, %dma_start3A_324, %dma_start3A_325] : memref<12x128x16xf32, #tpu.memory_space<vmem>> -> memref<1x128x16xf32, #tpu.memory_space<vmem>>
        %dma_start3A_327 = tpu.memref_squeeze %dma_start3A_326 : memref<1x128x16xf32, #tpu.memory_space<vmem>> -> memref<128x16xf32, #tpu.memory_space<vmem>>
        %dma_start3A_328 = tpu.memref_slice %arg6[%mul3A_322] : memref<10000xi32, #tpu.memory_space<vmem>> -> memref<128xi32, #tpu.memory_space<vmem>>
        %dma_start3A_329 = arith.constant 0 : i32
        %dma_start3A_330 = arith.constant 0 : i32
        %dma_start3A_331 = tpu.memref_slice %arg9[%dma_start3A_329, %dma_start3A_330] : memref<10240x16xf32, #tpu.memory_space<vmem_shared>> -> memref<10240x16xf32, #tpu.memory_space<vmem_shared>>
        tpu.enqueue_indirect_dma source(%dma_start3A_327 : memref<128x16xf32, #tpu.memory_space<vmem>>) target(%dma_start3A_331 : memref<10240x16xf32, #tpu.memory_space<vmem_shared>>) offsets(%dma_start3A_328 : memref<128xi32, #tpu.memory_space<vmem>>) semaphore(%arg33 : memref<!tpu.dma_semaphore, #tpu.memory_space<semaphore_mem>>) {add = true}
      } else {
      }
    }
    %scan3A_94 = arith.constant 78 : i32
    %dma_wait3A_95 = arith.constant 0 : i32
    %dma_wait3A_96 = arith.constant 0 : i32
    %dma_wait3A_97 = arith.constant 0 : i32
    %dma_wait3A_98 = tpu.memref_slice %arg7[%dma_wait3A_95, %dma_wait3A_96, %dma_wait3A_97] : memref<12x128x16xf32, #tpu.memory_space<vmem>> -> memref<1x128x16xf32, #tpu.memory_space<vmem>>
    %dma_wait3A_99 = tpu.memref_squeeze %dma_wait3A_98 : memref<1x128x16xf32, #tpu.memory_space<vmem>> -> memref<128x16xf32, #tpu.memory_space<vmem>>
    %dma_wait3A_100 = arith.constant 0 : i32
    %dma_wait3A_101 = tpu.memref_slice %arg6[%dma_wait3A_100] : memref<10000xi32, #tpu.memory_space<vmem>> -> memref<128xi32, #tpu.memory_space<vmem>>
    %dma_wait3A_102 = arith.constant 0 : i32
    %dma_wait3A_103 = arith.constant 0 : i32
    %dma_wait3A_104 = tpu.memref_slice %arg9[%dma_wait3A_102, %dma_wait3A_103] : memref<10240x16xf32, #tpu.memory_space<vmem_shared>> -> memref<10240x16xf32, #tpu.memory_space<vmem_shared>>
    tpu.wait_indirect_dma semaphore(%arg22 : memref<!tpu.dma_semaphore, #tpu.memory_space<semaphore_mem>>) src(%dma_wait3A_99 : memref<128x16xf32, #tpu.memory_space<vmem>>) dst(%dma_wait3A_104 : memref<10240x16xf32, #tpu.memory_space<vmem_shared>>)
    %dma_wait3A_105 = arith.constant 1 : i32
    %dma_wait3A_106 = arith.constant 0 : i32
    %dma_wait3A_107 = arith.constant 0 : i32
    %dma_wait3A_108 = tpu.memref_slice %arg7[%dma_wait3A_105, %dma_wait3A_106, %dma_wait3A_107] : memref<12x128x16xf32, #tpu.memory_space<vmem>> -> memref<1x128x16xf32, #tpu.memory_space<vmem>>
    %dma_wait3A_109 = tpu.memref_squeeze %dma_wait3A_108 : memref<1x128x16xf32, #tpu.memory_space<vmem>> -> memref<128x16xf32, #tpu.memory_space<vmem>>
    %dma_wait3A_110 = arith.constant 0 : i32
    %dma_wait3A_111 = tpu.memref_slice %arg6[%dma_wait3A_110] : memref<10000xi32, #tpu.memory_space<vmem>> -> memref<128xi32, #tpu.memory_space<vmem>>
    %dma_wait3A_112 = arith.constant 0 : i32
    %dma_wait3A_113 = arith.constant 0 : i32
    %dma_wait3A_114 = tpu.memref_slice %arg9[%dma_wait3A_112, %dma_wait3A_113] : memref<10240x16xf32, #tpu.memory_space<vmem_shared>> -> memref<10240x16xf32, #tpu.memory_space<vmem_shared>>
    tpu.wait_indirect_dma semaphore(%arg23 : memref<!tpu.dma_semaphore, #tpu.memory_space<semaphore_mem>>) src(%dma_wait3A_109 : memref<128x16xf32, #tpu.memory_space<vmem>>) dst(%dma_wait3A_114 : memref<10240x16xf32, #tpu.memory_space<vmem_shared>>)
    %dma_wait3A_115 = arith.constant 2 : i32
    %dma_wait3A_116 = arith.constant 0 : i32
    %dma_wait3A_117 = arith.constant 0 : i32
    %dma_wait3A_118 = tpu.memref_slice %arg7[%dma_wait3A_115, %dma_wait3A_116, %dma_wait3A_117] : memref<12x128x16xf32, #tpu.memory_space<vmem>> -> memref<1x128x16xf32, #tpu.memory_space<vmem>>
    %dma_wait3A_119 = tpu.memref_squeeze %dma_wait3A_118 : memref<1x128x16xf32, #tpu.memory_space<vmem>> -> memref<128x16xf32, #tpu.memory_space<vmem>>
    %dma_wait3A_120 = arith.constant 0 : i32
    %dma_wait3A_121 = tpu.memref_slice %arg6[%dma_wait3A_120] : memref<10000xi32, #tpu.memory_space<vmem>> -> memref<128xi32, #tpu.memory_space<vmem>>
    %dma_wait3A_122 = arith.constant 0 : i32
    %dma_wait3A_123 = arith.constant 0 : i32
    %dma_wait3A_124 = tpu.memref_slice %arg9[%dma_wait3A_122, %dma_wait3A_123] : memref<10240x16xf32, #tpu.memory_space<vmem_shared>> -> memref<10240x16xf32, #tpu.memory_space<vmem_shared>>
    tpu.wait_indirect_dma semaphore(%arg24 : memref<!tpu.dma_semaphore, #tpu.memory_space<semaphore_mem>>) src(%dma_wait3A_119 : memref<128x16xf32, #tpu.memory_space<vmem>>) dst(%dma_wait3A_124 : memref<10240x16xf32, #tpu.memory_space<vmem_shared>>)
    %dma_wait3A_125 = arith.constant 3 : i32
    %dma_wait3A_126 = arith.constant 0 : i32
    %dma_wait3A_127 = arith.constant 0 : i32
    %dma_wait3A_128 = tpu.memref_slice %arg7[%dma_wait3A_125, %dma_wait3A_126, %dma_wait3A_127] : memref<12x128x16xf32, #tpu.memory_space<vmem>> -> memref<1x128x16xf32, #tpu.memory_space<vmem>>
    %dma_wait3A_129 = tpu.memref_squeeze %dma_wait3A_128 : memref<1x128x16xf32, #tpu.memory_space<vmem>> -> memref<128x16xf32, #tpu.memory_space<vmem>>
    %dma_wait3A_130 = arith.constant 0 : i32
    %dma_wait3A_131 = tpu.memref_slice %arg6[%dma_wait3A_130] : memref<10000xi32, #tpu.memory_space<vmem>> -> memref<128xi32, #tpu.memory_space<vmem>>
    %dma_wait3A_132 = arith.constant 0 : i32
    %dma_wait3A_133 = arith.constant 0 : i32
    %dma_wait3A_134 = tpu.memref_slice %arg9[%dma_wait3A_132, %dma_wait3A_133] : memref<10240x16xf32, #tpu.memory_space<vmem_shared>> -> memref<10240x16xf32, #tpu.memory_space<vmem_shared>>
    tpu.wait_indirect_dma semaphore(%arg25 : memref<!tpu.dma_semaphore, #tpu.memory_space<semaphore_mem>>) src(%dma_wait3A_129 : memref<128x16xf32, #tpu.memory_space<vmem>>) dst(%dma_wait3A_134 : memref<10240x16xf32, #tpu.memory_space<vmem_shared>>)
    %dma_wait3A_135 = arith.constant 4 : i32
    %dma_wait3A_136 = arith.constant 0 : i32
    %dma_wait3A_137 = arith.constant 0 : i32
    %dma_wait3A_138 = tpu.memref_slice %arg7[%dma_wait3A_135, %dma_wait3A_136, %dma_wait3A_137] : memref<12x128x16xf32, #tpu.memory_space<vmem>> -> memref<1x128x16xf32, #tpu.memory_space<vmem>>
    %dma_wait3A_139 = tpu.memref_squeeze %dma_wait3A_138 : memref<1x128x16xf32, #tpu.memory_space<vmem>> -> memref<128x16xf32, #tpu.memory_space<vmem>>
    %dma_wait3A_140 = arith.constant 0 : i32
    %dma_wait3A_141 = tpu.memref_slice %arg6[%dma_wait3A_140] : memref<10000xi32, #tpu.memory_space<vmem>> -> memref<128xi32, #tpu.memory_space<vmem>>
    %dma_wait3A_142 = arith.constant 0 : i32
    %dma_wait3A_143 = arith.constant 0 : i32
    %dma_wait3A_144 = tpu.memref_slice %arg9[%dma_wait3A_142, %dma_wait3A_143] : memref<10240x16xf32, #tpu.memory_space<vmem_shared>> -> memref<10240x16xf32, #tpu.memory_space<vmem_shared>>
    tpu.wait_indirect_dma semaphore(%arg26 : memref<!tpu.dma_semaphore, #tpu.memory_space<semaphore_mem>>) src(%dma_wait3A_139 : memref<128x16xf32, #tpu.memory_space<vmem>>) dst(%dma_wait3A_144 : memref<10240x16xf32, #tpu.memory_space<vmem_shared>>)
    %dma_wait3A_145 = arith.constant 5 : i32
    %dma_wait3A_146 = arith.constant 0 : i32
    %dma_wait3A_147 = arith.constant 0 : i32
    %dma_wait3A_148 = tpu.memref_slice %arg7[%dma_wait3A_145, %dma_wait3A_146, %dma_wait3A_147] : memref<12x128x16xf32, #tpu.memory_space<vmem>> -> memref<1x128x16xf32, #tpu.memory_space<vmem>>
    %dma_wait3A_149 = tpu.memref_squeeze %dma_wait3A_148 : memref<1x128x16xf32, #tpu.memory_space<vmem>> -> memref<128x16xf32, #tpu.memory_space<vmem>>
    %dma_wait3A_150 = arith.constant 0 : i32
    %dma_wait3A_151 = tpu.memref_slice %arg6[%dma_wait3A_150] : memref<10000xi32, #tpu.memory_space<vmem>> -> memref<128xi32, #tpu.memory_space<vmem>>
    %dma_wait3A_152 = arith.constant 0 : i32
    %dma_wait3A_153 = arith.constant 0 : i32
    %dma_wait3A_154 = tpu.memref_slice %arg9[%dma_wait3A_152, %dma_wait3A_153] : memref<10240x16xf32, #tpu.memory_space<vmem_shared>> -> memref<10240x16xf32, #tpu.memory_space<vmem_shared>>
    tpu.wait_indirect_dma semaphore(%arg27 : memref<!tpu.dma_semaphore, #tpu.memory_space<semaphore_mem>>) src(%dma_wait3A_149 : memref<128x16xf32, #tpu.memory_space<vmem>>) dst(%dma_wait3A_154 : memref<10240x16xf32, #tpu.memory_space<vmem_shared>>)
    %dma_wait3A_155 = arith.constant 6 : i32
    %dma_wait3A_156 = arith.constant 0 : i32
    %dma_wait3A_157 = arith.constant 0 : i32
    %dma_wait3A_158 = tpu.memref_slice %arg7[%dma_wait3A_155, %dma_wait3A_156, %dma_wait3A_157] : memref<12x128x16xf32, #tpu.memory_space<vmem>> -> memref<1x128x16xf32, #tpu.memory_space<vmem>>
    %dma_wait3A_159 = tpu.memref_squeeze %dma_wait3A_158 : memref<1x128x16xf32, #tpu.memory_space<vmem>> -> memref<128x16xf32, #tpu.memory_space<vmem>>
    %dma_wait3A_160 = arith.constant 0 : i32
    %dma_wait3A_161 = tpu.memref_slice %arg6[%dma_wait3A_160] : memref<10000xi32, #tpu.memory_space<vmem>> -> memref<128xi32, #tpu.memory_space<vmem>>
    %dma_wait3A_162 = arith.constant 0 : i32
    %dma_wait3A_163 = arith.constant 0 : i32
    %dma_wait3A_164 = tpu.memref_slice %arg9[%dma_wait3A_162, %dma_wait3A_163] : memref<10240x16xf32, #tpu.memory_space<vmem_shared>> -> memref<10240x16xf32, #tpu.memory_space<vmem_shared>>
    tpu.wait_indirect_dma semaphore(%arg28 : memref<!tpu.dma_semaphore, #tpu.memory_space<semaphore_mem>>) src(%dma_wait3A_159 : memref<128x16xf32, #tpu.memory_space<vmem>>) dst(%dma_wait3A_164 : memref<10240x16xf32, #tpu.memory_space<vmem_shared>>)
    %dma_wait3A_165 = arith.constant 7 : i32
    %dma_wait3A_166 = arith.constant 0 : i32
    %dma_wait3A_167 = arith.constant 0 : i32
    %dma_wait3A_168 = tpu.memref_slice %arg7[%dma_wait3A_165, %dma_wait3A_166, %dma_wait3A_167] : memref<12x128x16xf32, #tpu.memory_space<vmem>> -> memref<1x128x16xf32, #tpu.memory_space<vmem>>
    %dma_wait3A_169 = tpu.memref_squeeze %dma_wait3A_168 : memref<1x128x16xf32, #tpu.memory_space<vmem>> -> memref<128x16xf32, #tpu.memory_space<vmem>>
    %dma_wait3A_170 = arith.constant 0 : i32
    %dma_wait3A_171 = tpu.memref_slice %arg6[%dma_wait3A_170] : memref<10000xi32, #tpu.memory_space<vmem>> -> memref<128xi32, #tpu.memory_space<vmem>>
    %dma_wait3A_172 = arith.constant 0 : i32
    %dma_wait3A_173 = arith.constant 0 : i32
    %dma_wait3A_174 = tpu.memref_slice %arg9[%dma_wait3A_172, %dma_wait3A_173] : memref<10240x16xf32, #tpu.memory_space<vmem_shared>> -> memref<10240x16xf32, #tpu.memory_space<vmem_shared>>
    tpu.wait_indirect_dma semaphore(%arg29 : memref<!tpu.dma_semaphore, #tpu.memory_space<semaphore_mem>>) src(%dma_wait3A_169 : memref<128x16xf32, #tpu.memory_space<vmem>>) dst(%dma_wait3A_174 : memref<10240x16xf32, #tpu.memory_space<vmem_shared>>)
    %dma_wait3A_175 = arith.constant 8 : i32
    %dma_wait3A_176 = arith.constant 0 : i32
    %dma_wait3A_177 = arith.constant 0 : i32
    %dma_wait3A_178 = tpu.memref_slice %arg7[%dma_wait3A_175, %dma_wait3A_176, %dma_wait3A_177] : memref<12x128x16xf32, #tpu.memory_space<vmem>> -> memref<1x128x16xf32, #tpu.memory_space<vmem>>
    %dma_wait3A_179 = tpu.memref_squeeze %dma_wait3A_178 : memref<1x128x16xf32, #tpu.memory_space<vmem>> -> memref<128x16xf32, #tpu.memory_space<vmem>>
    %dma_wait3A_180 = arith.constant 0 : i32
    %dma_wait3A_181 = tpu.memref_slice %arg6[%dma_wait3A_180] : memref<10000xi32, #tpu.memory_space<vmem>> -> memref<128xi32, #tpu.memory_space<vmem>>
    %dma_wait3A_182 = arith.constant 0 : i32
    %dma_wait3A_183 = arith.constant 0 : i32
    %dma_wait3A_184 = tpu.memref_slice %arg9[%dma_wait3A_182, %dma_wait3A_183] : memref<10240x16xf32, #tpu.memory_space<vmem_shared>> -> memref<10240x16xf32, #tpu.memory_space<vmem_shared>>
    tpu.wait_indirect_dma semaphore(%arg30 : memref<!tpu.dma_semaphore, #tpu.memory_space<semaphore_mem>>) src(%dma_wait3A_179 : memref<128x16xf32, #tpu.memory_space<vmem>>) dst(%dma_wait3A_184 : memref<10240x16xf32, #tpu.memory_space<vmem_shared>>)
    %dma_wait3A_185 = arith.constant 9 : i32
    %dma_wait3A_186 = arith.constant 0 : i32
    %dma_wait3A_187 = arith.constant 0 : i32
    %dma_wait3A_188 = tpu.memref_slice %arg7[%dma_wait3A_185, %dma_wait3A_186, %dma_wait3A_187] : memref<12x128x16xf32, #tpu.memory_space<vmem>> -> memref<1x128x16xf32, #tpu.memory_space<vmem>>
    %dma_wait3A_189 = tpu.memref_squeeze %dma_wait3A_188 : memref<1x128x16xf32, #tpu.memory_space<vmem>> -> memref<128x16xf32, #tpu.memory_space<vmem>>
    %dma_wait3A_190 = arith.constant 0 : i32
    %dma_wait3A_191 = tpu.memref_slice %arg6[%dma_wait3A_190] : memref<10000xi32, #tpu.memory_space<vmem>> -> memref<128xi32, #tpu.memory_space<vmem>>
    %dma_wait3A_192 = arith.constant 0 : i32
    %dma_wait3A_193 = arith.constant 0 : i32
    %dma_wait3A_194 = tpu.memref_slice %arg9[%dma_wait3A_192, %dma_wait3A_193] : memref<10240x16xf32, #tpu.memory_space<vmem_shared>> -> memref<10240x16xf32, #tpu.memory_space<vmem_shared>>
    tpu.wait_indirect_dma semaphore(%arg31 : memref<!tpu.dma_semaphore, #tpu.memory_space<semaphore_mem>>) src(%dma_wait3A_189 : memref<128x16xf32, #tpu.memory_space<vmem>>) dst(%dma_wait3A_194 : memref<10240x16xf32, #tpu.memory_space<vmem_shared>>)
    %dma_wait3A_195 = arith.constant 10 : i32
    %dma_wait3A_196 = arith.constant 0 : i32
    %dma_wait3A_197 = arith.constant 0 : i32
    %dma_wait3A_198 = tpu.memref_slice %arg7[%dma_wait3A_195, %dma_wait3A_196, %dma_wait3A_197] : memref<12x128x16xf32, #tpu.memory_space<vmem>> -> memref<1x128x16xf32, #tpu.memory_space<vmem>>
    %dma_wait3A_199 = tpu.memref_squeeze %dma_wait3A_198 : memref<1x128x16xf32, #tpu.memory_space<vmem>> -> memref<128x16xf32, #tpu.memory_space<vmem>>
    %dma_wait3A_200 = arith.constant 0 : i32
    %dma_wait3A_201 = tpu.memref_slice %arg6[%dma_wait3A_200] : memref<10000xi32, #tpu.memory_space<vmem>> -> memref<128xi32, #tpu.memory_space<vmem>>
    %dma_wait3A_202 = arith.constant 0 : i32
    %dma_wait3A_203 = arith.constant 0 : i32
    %dma_wait3A_204 = tpu.memref_slice %arg9[%dma_wait3A_202, %dma_wait3A_203] : memref<10240x16xf32, #tpu.memory_space<vmem_shared>> -> memref<10240x16xf32, #tpu.memory_space<vmem_shared>>
    tpu.wait_indirect_dma semaphore(%arg32 : memref<!tpu.dma_semaphore, #tpu.memory_space<semaphore_mem>>) src(%dma_wait3A_199 : memref<128x16xf32, #tpu.memory_space<vmem>>) dst(%dma_wait3A_204 : memref<10240x16xf32, #tpu.memory_space<vmem_shared>>)
    %dma_wait3A_205 = arith.constant 11 : i32
    %dma_wait3A_206 = arith.constant 0 : i32
    %dma_wait3A_207 = arith.constant 0 : i32
    %dma_wait3A_208 = tpu.memref_slice %arg7[%dma_wait3A_205, %dma_wait3A_206, %dma_wait3A_207] : memref<12x128x16xf32, #tpu.memory_space<vmem>> -> memref<1x128x16xf32, #tpu.memory_space<vmem>>
    %dma_wait3A_209 = tpu.memref_squeeze %dma_wait3A_208 : memref<1x128x16xf32, #tpu.memory_space<vmem>> -> memref<128x16xf32, #tpu.memory_space<vmem>>
    %dma_wait3A_210 = arith.constant 0 : i32
    %dma_wait3A_211 = tpu.memref_slice %arg6[%dma_wait3A_210] : memref<10000xi32, #tpu.memory_space<vmem>> -> memref<128xi32, #tpu.memory_space<vmem>>
    %dma_wait3A_212 = arith.constant 0 : i32
    %dma_wait3A_213 = arith.constant 0 : i32
    %dma_wait3A_214 = tpu.memref_slice %arg9[%dma_wait3A_212, %dma_wait3A_213] : memref<10240x16xf32, #tpu.memory_space<vmem_shared>> -> memref<10240x16xf32, #tpu.memory_space<vmem_shared>>
    tpu.wait_indirect_dma semaphore(%arg33 : memref<!tpu.dma_semaphore, #tpu.memory_space<semaphore_mem>>) src(%dma_wait3A_209 : memref<128x16xf32, #tpu.memory_space<vmem>>) dst(%dma_wait3A_214 : memref<10240x16xf32, #tpu.memory_space<vmem_shared>>)
    %dma_start3A_215 = arith.constant 0 : i32
    %dma_start3A_216 = arith.constant 0 : i32
    %dma_start3A_217 = arith.constant 0 : i32
    %dma_start3A_218 = tpu.memref_slice %arg7[%dma_start3A_215, %dma_start3A_216, %dma_start3A_217] : memref<12x128x16xf32, #tpu.memory_space<vmem>> -> memref<1x16x16xf32, #tpu.memory_space<vmem>>
    %dma_start3A_219 = tpu.memref_squeeze %dma_start3A_218 : memref<1x16x16xf32, #tpu.memory_space<vmem>> -> memref<16x16xf32, #tpu.memory_space<vmem>>
    %dma_start3A_220 = arith.constant 9984 : i32
    %dma_start3A_221 = tpu.memref_slice %arg5[%dma_start3A_220] : memref<10000xi32, #tpu.memory_space<vmem>> -> memref<16xi32, #tpu.memory_space<vmem>>
    %dma_start3A_222 = arith.constant 0 : i32
    %dma_start3A_223 = arith.constant 0 : i32
    %dma_start3A_224 = tpu.memref_slice %arg2[%dma_start3A_222, %dma_start3A_223] : memref<10000x16xf32, #tpu.memory_space<hbm>> -> memref<10000x16xf32, #tpu.memory_space<hbm>>
    tpu.enqueue_indirect_dma source(%dma_start3A_224 : memref<10000x16xf32, #tpu.memory_space<hbm>>) target(%dma_start3A_219 : memref<16x16xf32, #tpu.memory_space<vmem>>) offsets(%dma_start3A_221 : memref<16xi32, #tpu.memory_space<vmem>>) semaphore(%arg10 : memref<!tpu.dma_semaphore, #tpu.memory_space<semaphore_mem>>)
    %dma_wait3A_225 = arith.constant 0 : i32
    %dma_wait3A_226 = arith.constant 0 : i32
    %dma_wait3A_227 = arith.constant 0 : i32
    %dma_wait3A_228 = tpu.memref_slice %arg7[%dma_wait3A_225, %dma_wait3A_226, %dma_wait3A_227] : memref<12x128x16xf32, #tpu.memory_space<vmem>> -> memref<1x16x16xf32, #tpu.memory_space<vmem>>
    %dma_wait3A_229 = tpu.memref_squeeze %dma_wait3A_228 : memref<1x16x16xf32, #tpu.memory_space<vmem>> -> memref<16x16xf32, #tpu.memory_space<vmem>>
    %dma_wait3A_230 = arith.constant 9984 : i32
    %dma_wait3A_231 = tpu.memref_slice %arg5[%dma_wait3A_230] : memref<10000xi32, #tpu.memory_space<vmem>> -> memref<16xi32, #tpu.memory_space<vmem>>
    %dma_wait3A_232 = arith.constant 0 : i32
    %dma_wait3A_233 = arith.constant 0 : i32
    %dma_wait3A_234 = tpu.memref_slice %arg2[%dma_wait3A_232, %dma_wait3A_233] : memref<10000x16xf32, #tpu.memory_space<hbm>> -> memref<10000x16xf32, #tpu.memory_space<hbm>>
    tpu.wait_indirect_dma semaphore(%arg10 : memref<!tpu.dma_semaphore, #tpu.memory_space<semaphore_mem>>) src(%dma_wait3A_234 : memref<10000x16xf32, #tpu.memory_space<hbm>>) dst(%dma_wait3A_229 : memref<16x16xf32, #tpu.memory_space<vmem>>)
    %run_scoped3A = arith.constant 0 : i32
    "tpu.region"() ({
      %run_scoped3A_241 = tpu.sem_alloc : memref<!tpu.dma_semaphore, #tpu.memory_space<semaphore_mem>>
      %dma_start3A_242 = arith.constant 0 : i32
      %dma_start3A_243 = arith.constant 0 : i32
      %dma_start3A_244 = tpu.memref_slice %arg7[%run_scoped3A, %dma_start3A_242, %dma_start3A_243] : memref<12x128x16xf32, #tpu.memory_space<vmem>> -> memref<1x16x16xf32, #tpu.memory_space<vmem>>
      %dma_start3A_245 = tpu.memref_squeeze %dma_start3A_244 : memref<1x16x16xf32, #tpu.memory_space<vmem>> -> memref<16x16xf32, #tpu.memory_space<vmem>>
      %dma_start3A_246 = arith.constant 9984 : i32
      %dma_start3A_247 = tpu.memref_slice %arg6[%dma_start3A_246] : memref<10000xi32, #tpu.memory_space<vmem>> -> memref<16xi32, #tpu.memory_space<vmem>>
      %dma_start3A_248 = arith.constant 0 : i32
      %dma_start3A_249 = arith.constant 0 : i32
      %dma_start3A_250 = tpu.memref_slice %arg9[%dma_start3A_248, %dma_start3A_249] : memref<10240x16xf32, #tpu.memory_space<vmem_shared>> -> memref<10240x16xf32, #tpu.memory_space<vmem_shared>>
      tpu.enqueue_indirect_dma source(%dma_start3A_245 : memref<16x16xf32, #tpu.memory_space<vmem>>) target(%dma_start3A_250 : memref<10240x16xf32, #tpu.memory_space<vmem_shared>>) offsets(%dma_start3A_247 : memref<16xi32, #tpu.memory_space<vmem>>) semaphore(%run_scoped3A_241 : memref<!tpu.dma_semaphore, #tpu.memory_space<semaphore_mem>>) {add = true}
      %dma_wait3A_251 = arith.constant 0 : i32
      %dma_wait3A_252 = arith.constant 0 : i32
      %dma_wait3A_253 = tpu.memref_slice %arg7[%run_scoped3A, %dma_wait3A_251, %dma_wait3A_252] : memref<12x128x16xf32, #tpu.memory_space<vmem>> -> memref<1x16x16xf32, #tpu.memory_space<vmem>>
      %dma_wait3A_254 = tpu.memref_squeeze %dma_wait3A_253 : memref<1x16x16xf32, #tpu.memory_space<vmem>> -> memref<16x16xf32, #tpu.memory_space<vmem>>
      %dma_wait3A_255 = arith.constant 9984 : i32
      %dma_wait3A_256 = tpu.memref_slice %arg6[%dma_wait3A_255] : memref<10000xi32, #tpu.memory_space<vmem>> -> memref<16xi32, #tpu.memory_space<vmem>>
      %dma_wait3A_257 = arith.constant 0 : i32
      %dma_wait3A_258 = arith.constant 0 : i32
      %dma_wait3A_259 = tpu.memref_slice %arg9[%dma_wait3A_257, %dma_wait3A_258] : memref<10240x16xf32, #tpu.memory_space<vmem_shared>> -> memref<10240x16xf32, #tpu.memory_space<vmem_shared>>
      tpu.wait_indirect_dma semaphore(%run_scoped3A_241 : memref<!tpu.dma_semaphore, #tpu.memory_space<semaphore_mem>>) src(%dma_wait3A_254 : memref<16x16xf32, #tpu.memory_space<vmem>>) dst(%dma_wait3A_259 : memref<10240x16xf32, #tpu.memory_space<vmem_shared>>)
      tpu.yield
    }) : () -> ()
    %barrier3A_235 = arith.constant 0 : index
    tpu.barrier barrier_id(%barrier3A_235)
    %mul3A_236 = arith.constant 640 : i32
    %mul3A_237 = arith.muli %arg1, %mul3A_236 : i32
    "tpu.region"() ({
      %run_scoped3A_241 = tpu.sem_alloc : memref<!tpu.dma_semaphore, #tpu.memory_space<semaphore_mem>>
      %dma_start3A_242 = arith.constant 0 : i32
      %dma_start3A_243 = tpu.memref_slice %arg9[%mul3A_237, %dma_start3A_242] : memref<10240x16xf32, #tpu.memory_space<vmem_shared>> -> memref<640x16xf32, #tpu.memory_space<vmem_shared>>
      %dma_start3A_244 = arith.constant 0 : i32
      %dma_start3A_245 = tpu.memref_slice %arg9[%mul3A_237, %dma_start3A_244] : memref<10240x16xf32, #tpu.memory_space<vmem_shared>> -> memref<640x16xf32, #tpu.memory_space<vmem_shared>>
      tpu.enqueue_dma source(%dma_start3A_245 : memref<640x16xf32, #tpu.memory_space<vmem_shared>>) target(%arg8 : memref<640x16xf32, #tpu.memory_space<vmem>>) target_semaphore(%run_scoped3A_241 : memref<!tpu.dma_semaphore, #tpu.memory_space<semaphore_mem>>)
      %dma_wait3A_246 = arith.constant 0 : i32
      %dma_wait3A_247 = tpu.memref_slice %arg9[%mul3A_237, %dma_wait3A_246] : memref<10240x16xf32, #tpu.memory_space<vmem_shared>> -> memref<640x16xf32, #tpu.memory_space<vmem_shared>>
      %dma_wait3A_248 = arith.constant 0 : i32
      %dma_wait3A_249 = tpu.memref_slice %arg9[%mul3A_237, %dma_wait3A_248] : memref<10240x16xf32, #tpu.memory_space<vmem_shared>> -> memref<640x16xf32, #tpu.memory_space<vmem_shared>>
      tpu.wait_dma2 semaphore(%run_scoped3A_241 : memref<!tpu.dma_semaphore, #tpu.memory_space<semaphore_mem>>) src(%dma_wait3A_249 : memref<640x16xf32, #tpu.memory_space<vmem_shared>>) dst(%arg8 : memref<640x16xf32, #tpu.memory_space<vmem>>)
      tpu.yield
    }) : () -> ()
    %mul3A_238 = arith.constant 10240 : i32
    %mul3A_239 = arith.muli %arg0, %mul3A_238 : i32
    %add3A_240 = arith.addi %mul3A_239, %mul3A_237 : i32
    "tpu.region"() ({
      %run_scoped3A_241 = tpu.sem_alloc : memref<!tpu.dma_semaphore, #tpu.memory_space<semaphore_mem>>
      %dma_start3A_242 = arith.constant 0 : i32
      %dma_start3A_243 = tpu.memref_slice %arg4[%add3A_240, %dma_start3A_242] : memref<20480x16xf32, #tpu.memory_space<hbm>> -> memref<640x16xf32, #tpu.memory_space<hbm>>
      %dma_start3A_244 = arith.constant 0 : i32
      %dma_start3A_245 = tpu.memref_slice %arg4[%add3A_240, %dma_start3A_244] : memref<20480x16xf32, #tpu.memory_space<hbm>> -> memref<640x16xf32, #tpu.memory_space<hbm>>
      tpu.enqueue_dma source(%arg8 : memref<640x16xf32, #tpu.memory_space<vmem>>) target(%dma_start3A_245 : memref<640x16xf32, #tpu.memory_space<hbm>>) target_semaphore(%run_scoped3A_241 : memref<!tpu.dma_semaphore, #tpu.memory_space<semaphore_mem>>)
      %dma_wait3A_246 = arith.constant 0 : i32
      %dma_wait3A_247 = tpu.memref_slice %arg4[%add3A_240, %dma_wait3A_246] : memref<20480x16xf32, #tpu.memory_space<hbm>> -> memref<640x16xf32, #tpu.memory_space<hbm>>
      %dma_wait3A_248 = arith.constant 0 : i32
      %dma_wait3A_249 = tpu.memref_slice %arg4[%add3A_240, %dma_wait3A_248] : memref<20480x16xf32, #tpu.memory_space<hbm>> -> memref<640x16xf32, #tpu.memory_space<hbm>>
      tpu.wait_dma2 semaphore(%run_scoped3A_241 : memref<!tpu.dma_semaphore, #tpu.memory_space<semaphore_mem>>) src(%arg8 : memref<640x16xf32, #tpu.memory_space<vmem>>) dst(%dma_wait3A_249 : memref<640x16xf32, #tpu.memory_space<hbm>>)
      tpu.yield
    }) : () -> ()
    return
  }
}

module attributes {stable_mosaic.version = 14 : i64} {
  func.func @_mm1_body(%arg0: i32, %arg1: memref<2048x128xf32, #tpu.memory_space<vmem>>, %arg2: memref<128x16xf32, #tpu.memory_space<vmem>>, %arg3: memref<256x128xf32, #tpu.memory_space<vmem>>) attributes {dimension_semantics = [#tpu.dimension_semantics<arbitrary>], iteration_bounds = array<i64: 5>, scalar_prefetch = 0 : i64, scratch_operands = 0 : i64, tpu.core_type = #tpu.core_type<tc>, window_params = [{transform_indices = @transform_0, window_bounds = array<i64: 2048, 128>}, {pipeline_mode = #tpu.pipeline_mode<synchronous>, transform_indices = @transform_1, window_bounds = array<i64: 128, 16>}, {transform_indices = @transform_2, window_bounds = array<i64: 256, 128>}]} {
    %get3A = arith.constant 0 : index
    %get3A_0 = arith.constant 0 : index
    %get3A_1 = vector.load %arg1[%get3A, %get3A_0] : memref<2048x128xf32, #tpu.memory_space<vmem>>, vector<2048x128xf32>
    %get3A_2 = arith.constant 0 : index
    %get3A_3 = arith.constant 0 : index
    %get3A_4 = vector.load %arg2[%get3A_2, %get3A_3] : memref<128x16xf32, #tpu.memory_space<vmem>>, vector<128x16xf32>
    %dot_general3A = arith.constant dense<0.000000e+00> : vector<2048x16xf32>
    %dot_general3A_5 = tpu.matmul %get3A_1, %get3A_4, %dot_general3A {dimension_numbers = #tpu.dot_dimension_numbers<[1], [0], [0], [1], [0, 0, 1, 1], [], []>, transpose_lhs_hint = false} : vector<2048x128xf32>, vector<128x16xf32>, vector<2048x16xf32> -> vector<2048x16xf32>
    %reshape3A = vector.shape_cast %dot_general3A_5 : vector<2048x16xf32> to vector<256x8x16xf32>
    %slice3A = vector.extract_strided_slice %reshape3A {offsets = [0, 0, 0], sizes = [256, 1, 16], strides = [1, 1, 1]} : vector<256x8x16xf32> to vector<256x1x16xf32>
    %squeeze3A = vector.shape_cast %slice3A : vector<256x1x16xf32> to vector<256x16xf32>
    %slice3A_6 = vector.extract_strided_slice %reshape3A {offsets = [0, 1, 0], sizes = [256, 1, 16], strides = [1, 1, 1]} : vector<256x8x16xf32> to vector<256x1x16xf32>
    %squeeze3A_7 = vector.shape_cast %slice3A_6 : vector<256x1x16xf32> to vector<256x16xf32>
    %slice3A_8 = vector.extract_strided_slice %reshape3A {offsets = [0, 2, 0], sizes = [256, 1, 16], strides = [1, 1, 1]} : vector<256x8x16xf32> to vector<256x1x16xf32>
    %squeeze3A_9 = vector.shape_cast %slice3A_8 : vector<256x1x16xf32> to vector<256x16xf32>
    %slice3A_10 = vector.extract_strided_slice %reshape3A {offsets = [0, 3, 0], sizes = [256, 1, 16], strides = [1, 1, 1]} : vector<256x8x16xf32> to vector<256x1x16xf32>
    %squeeze3A_11 = vector.shape_cast %slice3A_10 : vector<256x1x16xf32> to vector<256x16xf32>
    %slice3A_12 = vector.extract_strided_slice %reshape3A {offsets = [0, 4, 0], sizes = [256, 1, 16], strides = [1, 1, 1]} : vector<256x8x16xf32> to vector<256x1x16xf32>
    %squeeze3A_13 = vector.shape_cast %slice3A_12 : vector<256x1x16xf32> to vector<256x16xf32>
    %slice3A_14 = vector.extract_strided_slice %reshape3A {offsets = [0, 5, 0], sizes = [256, 1, 16], strides = [1, 1, 1]} : vector<256x8x16xf32> to vector<256x1x16xf32>
    %squeeze3A_15 = vector.shape_cast %slice3A_14 : vector<256x1x16xf32> to vector<256x16xf32>
    %slice3A_16 = vector.extract_strided_slice %reshape3A {offsets = [0, 6, 0], sizes = [256, 1, 16], strides = [1, 1, 1]} : vector<256x8x16xf32> to vector<256x1x16xf32>
    %squeeze3A_17 = vector.shape_cast %slice3A_16 : vector<256x1x16xf32> to vector<256x16xf32>
    %slice3A_18 = vector.extract_strided_slice %reshape3A {offsets = [0, 7, 0], sizes = [256, 1, 16], strides = [1, 1, 1]} : vector<256x8x16xf32> to vector<256x1x16xf32>
    %squeeze3A_19 = vector.shape_cast %slice3A_18 : vector<256x1x16xf32> to vector<256x16xf32>
    %concatenate3A = tpu.concatenate %squeeze3A, %squeeze3A_7, %squeeze3A_9, %squeeze3A_11, %squeeze3A_13, %squeeze3A_15, %squeeze3A_17, %squeeze3A_19 in 1 : vector<256x16xf32>, vector<256x16xf32>, vector<256x16xf32>, vector<256x16xf32>, vector<256x16xf32>, vector<256x16xf32>, vector<256x16xf32>, vector<256x16xf32> -> vector<256x128xf32>
    %swap3A = arith.constant 0 : index
    %swap3A_20 = arith.constant 0 : index
    %swap3A_21 = vector.load %arg3[%swap3A, %swap3A_20] : memref<256x128xf32, #tpu.memory_space<vmem>>, vector<256x128xf32>
    tpu.vector_store %arg3[%swap3A, %swap3A_20], %concatenate3A {strides = array<i32>} : memref<256x128xf32, #tpu.memory_space<vmem>>, vector<256x128xf32>,
    return
  }
  func.func @transform_0(%arg0: i32) -> (i32, i32) {
    %c0_i32 = arith.constant 0 : i32
    %c0_i32_0 = arith.constant 0 : i32
    return %arg0, %c0_i32 : i32, i32
  }
  func.func @transform_1(%arg0: i32) -> (i32, i32) {
    %c0_i32 = arith.constant 0 : i32
    %c0_i32_0 = arith.constant 0 : i32
    %c0_i32_1 = arith.constant 0 : i32
    return %c0_i32, %c0_i32_0 : i32, i32
  }
  func.func @transform_2(%arg0: i32) -> (i32, i32) {
    %c0_i32 = arith.constant 0 : i32
    %c0_i32_0 = arith.constant 0 : i32
    return %arg0, %c0_i32 : i32, i32
  }
}

module attributes {stable_mosaic.version = 14 : i64} {
  func.func @_mid_body(%arg0: memref<1250x128xf32, #tpu.memory_space<vmem>>, %arg1: memref<2560x128xf32, #tpu.memory_space<vmem>>, %arg2: memref<1x128xf32, #tpu.memory_space<vmem>>, %arg3: memref<128x128xf32, #tpu.memory_space<vmem>>, %arg4: memref<1250x128xf32, #tpu.memory_space<vmem>>) attributes {dimension_semantics = [], scalar_prefetch = 0 : i64, scratch_operands = 0 : i64, tpu.core_type = #tpu.core_type<tc>} {
    %get3A = arith.constant 0 : index
    %get3A_0 = arith.constant 0 : index
    %get3A_1 = vector.load %arg0[%get3A, %get3A_0] : memref<1250x128xf32, #tpu.memory_space<vmem>>, vector<1250x128xf32>
    %get3A_2 = arith.constant 0 : index
    %get3A_3 = arith.constant 0 : index
    %get3A_4 = vector.load %arg1[%get3A_2, %get3A_3] : memref<2560x128xf32, #tpu.memory_space<vmem>>, vector<1250x128xf32>
    %add3A = arith.addf %get3A_1, %get3A_4 : vector<1250x128xf32>
    %get3A_5 = arith.constant 1280 : index
    %get3A_6 = arith.constant 0 : index
    %get3A_7 = vector.load %arg1[%get3A_5, %get3A_6] : memref<2560x128xf32, #tpu.memory_space<vmem>>, vector<1250x128xf32>
    %add3A_8 = arith.addf %add3A, %get3A_7 : vector<1250x128xf32>
    %get3A_9 = arith.constant 0 : index
    %get3A_10 = arith.constant 0 : index
    %get3A_11 = vector.load %arg2[%get3A_9, %get3A_10] : memref<1x128xf32, #tpu.memory_space<vmem>>, vector<1x128xf32>
    %add3A_12 = vector.broadcast %get3A_11 : vector<1x128xf32> to vector<1250x128xf32>
    %add3A_13 = arith.addf %add3A_8, %add3A_12 : vector<1250x128xf32>
    %max3A = arith.constant 0.000000e+00 : f32
    %max3A_14 = vector.broadcast %max3A : f32 to vector<1250x128xf32>
    %max3A_15 = arith.maximumf %add3A_13, %max3A_14 : vector<1250x128xf32>
    %get3A_16 = arith.constant 0 : index
    %get3A_17 = arith.constant 0 : index
    %get3A_18 = vector.load %arg3[%get3A_16, %get3A_17] : memref<128x128xf32, #tpu.memory_space<vmem>>, vector<128x128xf32>
    %dot_general3A = arith.constant dense<0.000000e+00> : vector<1250x128xf32>
    %dot_general3A_19 = tpu.matmul %max3A_15, %get3A_18, %dot_general3A {dimension_numbers = #tpu.dot_dimension_numbers<[1], [0], [0], [1], [0, 0, 1, 1], [], []>, transpose_lhs_hint = false} : vector<1250x128xf32>, vector<128x128xf32>, vector<1250x128xf32> -> vector<1250x128xf32>
    %swap3A = arith.constant 0 : index
    %swap3A_20 = arith.constant 0 : index
    %swap3A_21 = vector.load %arg4[%swap3A, %swap3A_20] : memref<1250x128xf32, #tpu.memory_space<vmem>>, vector<1250x128xf32>
    tpu.vector_store %arg4[%swap3A, %swap3A_20], %dot_general3A_19 {strides = array<i32>} : memref<1250x128xf32, #tpu.memory_space<vmem>>, vector<1250x128xf32>,
    return
  }
}

module attributes {stable_mosaic.version = 14 : i64} {
  func.func @_final_body(%arg0: memref<1250x128xf32, #tpu.memory_space<vmem>>, %arg1: memref<2560x128xf32, #tpu.memory_space<vmem>>, %arg2: memref<1x128xf32, #tpu.memory_space<vmem>>, %arg3: memref<8x1250xi32, #tpu.memory_space<vmem>>, %arg4: memref<16x10xf32, #tpu.memory_space<vmem>>, %arg5: memref<1x10xf32, #tpu.memory_space<vmem>>, %arg6: memref<64x10xf32, #tpu.memory_space<vmem>>) attributes {dimension_semantics = [], scalar_prefetch = 0 : i64, scratch_operands = 0 : i64, tpu.core_type = #tpu.core_type<tc>} {
    %get3A = arith.constant 0 : index
    %get3A_0 = arith.constant 0 : index
    %get3A_1 = vector.load %arg0[%get3A, %get3A_0] : memref<1250x128xf32, #tpu.memory_space<vmem>>, vector<1250x128xf32>
    %get3A_2 = arith.constant 0 : index
    %get3A_3 = arith.constant 0 : index
    %get3A_4 = vector.load %arg1[%get3A_2, %get3A_3] : memref<2560x128xf32, #tpu.memory_space<vmem>>, vector<1250x128xf32>
    %add3A = arith.addf %get3A_1, %get3A_4 : vector<1250x128xf32>
    %get3A_5 = arith.constant 1280 : index
    %get3A_6 = arith.constant 0 : index
    %get3A_7 = vector.load %arg1[%get3A_5, %get3A_6] : memref<2560x128xf32, #tpu.memory_space<vmem>>, vector<1250x128xf32>
    %add3A_8 = arith.addf %add3A, %get3A_7 : vector<1250x128xf32>
    %get3A_9 = arith.constant 0 : index
    %get3A_10 = arith.constant 0 : index
    %get3A_11 = vector.load %arg2[%get3A_9, %get3A_10] : memref<1x128xf32, #tpu.memory_space<vmem>>, vector<1x128xf32>
    %add3A_12 = vector.broadcast %get3A_11 : vector<1x128xf32> to vector<1250x128xf32>
    %add3A_13 = arith.addf %add3A_8, %add3A_12 : vector<1250x128xf32>
    %max3A = arith.constant 0.000000e+00 : f32
    %max3A_14 = vector.broadcast %max3A : f32 to vector<1250x128xf32>
    %max3A_15 = arith.maximumf %add3A_13, %max3A_14 : vector<1250x128xf32>
    %iota3A = tpu.iota {dimensions = array<i32: 0>} : vector<64x1250xi32>
    %broadcast_in_dim3A = arith.constant 0.000000e+00 : f32
    %broadcast_in_dim3A_16 = vector.broadcast %broadcast_in_dim3A : f32 to vector<64x16xf32>
    %broadcast_in_dim3A_17 = arith.constant 0.000000e+00 : f32
    %broadcast_in_dim3A_18 = vector.broadcast %broadcast_in_dim3A_17 : f32 to vector<64x1xf32>
    %get3A_19 = arith.constant 0 : index
    %get3A_20 = arith.constant 0 : index
    %get3A_21 = vector.load %arg3[%get3A_19, %get3A_20] : memref<8x1250xi32, #tpu.memory_space<vmem>>, vector<1x1250xi32>
    %eq3A = vector.broadcast %get3A_21 : vector<1x1250xi32> to vector<64x1250xi32>
    %eq3A_22 = arith.cmpi eq, %eq3A, %iota3A : vector<64x1250xi32>
    %jit3A = arith.constant 1.000000e+00 : f32
    %jit3A_23 = arith.constant 0.000000e+00 : f32
    %broadcast_in_dim3A_24 = vector.broadcast %jit3A : f32 to vector<64x1250xf32>
    %broadcast_in_dim3A_25 = vector.broadcast %jit3A_23 : f32 to vector<64x1250xf32>
    %select_n3A = arith.select %eq3A_22, %broadcast_in_dim3A_24, %broadcast_in_dim3A_25 : vector<64x1250xi1>, vector<64x1250xf32>
    %slice3A = vector.extract_strided_slice %max3A_15 {offsets = [0, 0], sizes = [1250, 16], strides = [1, 1]} : vector<1250x128xf32> to vector<1250x16xf32>
    %dot_general3A = arith.constant dense<0.000000e+00> : vector<64x16xf32>
    %dot_general3A_26 = tpu.matmul %select_n3A, %slice3A, %dot_general3A {dimension_numbers = #tpu.dot_dimension_numbers<[1], [0], [0], [1], [0, 0, 1, 1], [], []>, transpose_lhs_hint = false} : vector<64x1250xf32>, vector<1250x16xf32>, vector<64x16xf32> -> vector<64x16xf32>
    %add3A_27 = arith.addf %broadcast_in_dim3A_16, %dot_general3A_26 : vector<64x16xf32>
    %reduce_sum3A = arith.constant dense<0.000000e+00> : vector<64xf32>
    %reduce_sum3A_28 = vector.multi_reduction <add>, %select_n3A, %reduce_sum3A [1] : vector<64x1250xf32> to vector<64xf32>
    %broadcast_in_dim3A_29 = vector.shape_cast %reduce_sum3A_28 : vector<64xf32> to vector<64x1xf32>
    %add3A_30 = arith.addf %broadcast_in_dim3A_18, %broadcast_in_dim3A_29 : vector<64x1xf32>
    %get3A_31 = arith.constant 1 : index
    %get3A_32 = arith.constant 0 : index
    %get3A_33 = vector.load %arg3[%get3A_31, %get3A_32] : memref<8x1250xi32, #tpu.memory_space<vmem>>, vector<1x1250xi32>
    %eq3A_34 = vector.broadcast %get3A_33 : vector<1x1250xi32> to vector<64x1250xi32>
    %eq3A_35 = arith.cmpi eq, %eq3A_34, %iota3A : vector<64x1250xi32>
    %jit3A_36 = arith.constant 1.000000e+00 : f32
    %jit3A_37 = arith.constant 0.000000e+00 : f32
    %broadcast_in_dim3A_38 = vector.broadcast %jit3A_36 : f32 to vector<64x1250xf32>
    %broadcast_in_dim3A_39 = vector.broadcast %jit3A_37 : f32 to vector<64x1250xf32>
    %select_n3A_40 = arith.select %eq3A_35, %broadcast_in_dim3A_38, %broadcast_in_dim3A_39 : vector<64x1250xi1>, vector<64x1250xf32>
    %slice3A_41 = vector.extract_strided_slice %max3A_15 {offsets = [0, 16], sizes = [1250, 16], strides = [1, 1]} : vector<1250x128xf32> to vector<1250x16xf32>
    %dot_general3A_42 = arith.constant dense<0.000000e+00> : vector<64x16xf32>
    %dot_general3A_43 = tpu.matmul %select_n3A_40, %slice3A_41, %dot_general3A_42 {dimension_numbers = #tpu.dot_dimension_numbers<[1], [0], [0], [1], [0, 0, 1, 1], [], []>, transpose_lhs_hint = false} : vector<64x1250xf32>, vector<1250x16xf32>, vector<64x16xf32> -> vector<64x16xf32>
    %add3A_44 = arith.addf %add3A_27, %dot_general3A_43 : vector<64x16xf32>
    %reduce_sum3A_45 = arith.constant dense<0.000000e+00> : vector<64xf32>
    %reduce_sum3A_46 = vector.multi_reduction <add>, %select_n3A_40, %reduce_sum3A_45 [1] : vector<64x1250xf32> to vector<64xf32>
    %broadcast_in_dim3A_47 = vector.shape_cast %reduce_sum3A_46 : vector<64xf32> to vector<64x1xf32>
    %add3A_48 = arith.addf %add3A_30, %broadcast_in_dim3A_47 : vector<64x1xf32>
    %get3A_49 = arith.constant 2 : index
    %get3A_50 = arith.constant 0 : index
    %get3A_51 = vector.load %arg3[%get3A_49, %get3A_50] : memref<8x1250xi32, #tpu.memory_space<vmem>>, vector<1x1250xi32>
    %eq3A_52 = vector.broadcast %get3A_51 : vector<1x1250xi32> to vector<64x1250xi32>
    %eq3A_53 = arith.cmpi eq, %eq3A_52, %iota3A : vector<64x1250xi32>
    %jit3A_54 = arith.constant 1.000000e+00 : f32
    %jit3A_55 = arith.constant 0.000000e+00 : f32
    %broadcast_in_dim3A_56 = vector.broadcast %jit3A_54 : f32 to vector<64x1250xf32>
    %broadcast_in_dim3A_57 = vector.broadcast %jit3A_55 : f32 to vector<64x1250xf32>
    %select_n3A_58 = arith.select %eq3A_53, %broadcast_in_dim3A_56, %broadcast_in_dim3A_57 : vector<64x1250xi1>, vector<64x1250xf32>
    %slice3A_59 = vector.extract_strided_slice %max3A_15 {offsets = [0, 32], sizes = [1250, 16], strides = [1, 1]} : vector<1250x128xf32> to vector<1250x16xf32>
    %dot_general3A_60 = arith.constant dense<0.000000e+00> : vector<64x16xf32>
    %dot_general3A_61 = tpu.matmul %select_n3A_58, %slice3A_59, %dot_general3A_60 {dimension_numbers = #tpu.dot_dimension_numbers<[1], [0], [0], [1], [0, 0, 1, 1], [], []>, transpose_lhs_hint = false} : vector<64x1250xf32>, vector<1250x16xf32>, vector<64x16xf32> -> vector<64x16xf32>
    %add3A_62 = arith.addf %add3A_44, %dot_general3A_61 : vector<64x16xf32>
    %reduce_sum3A_63 = arith.constant dense<0.000000e+00> : vector<64xf32>
    %reduce_sum3A_64 = vector.multi_reduction <add>, %select_n3A_58, %reduce_sum3A_63 [1] : vector<64x1250xf32> to vector<64xf32>
    %broadcast_in_dim3A_65 = vector.shape_cast %reduce_sum3A_64 : vector<64xf32> to vector<64x1xf32>
    %add3A_66 = arith.addf %add3A_48, %broadcast_in_dim3A_65 : vector<64x1xf32>
    %get3A_67 = arith.constant 3 : index
    %get3A_68 = arith.constant 0 : index
    %get3A_69 = vector.load %arg3[%get3A_67, %get3A_68] : memref<8x1250xi32, #tpu.memory_space<vmem>>, vector<1x1250xi32>
    %eq3A_70 = vector.broadcast %get3A_69 : vector<1x1250xi32> to vector<64x1250xi32>
    %eq3A_71 = arith.cmpi eq, %eq3A_70, %iota3A : vector<64x1250xi32>
    %jit3A_72 = arith.constant 1.000000e+00 : f32
    %jit3A_73 = arith.constant 0.000000e+00 : f32
    %broadcast_in_dim3A_74 = vector.broadcast %jit3A_72 : f32 to vector<64x1250xf32>
    %broadcast_in_dim3A_75 = vector.broadcast %jit3A_73 : f32 to vector<64x1250xf32>
    %select_n3A_76 = arith.select %eq3A_71, %broadcast_in_dim3A_74, %broadcast_in_dim3A_75 : vector<64x1250xi1>, vector<64x1250xf32>
    %slice3A_77 = vector.extract_strided_slice %max3A_15 {offsets = [0, 48], sizes = [1250, 16], strides = [1, 1]} : vector<1250x128xf32> to vector<1250x16xf32>
    %dot_general3A_78 = arith.constant dense<0.000000e+00> : vector<64x16xf32>
    %dot_general3A_79 = tpu.matmul %select_n3A_76, %slice3A_77, %dot_general3A_78 {dimension_numbers = #tpu.dot_dimension_numbers<[1], [0], [0], [1], [0, 0, 1, 1], [], []>, transpose_lhs_hint = false} : vector<64x1250xf32>, vector<1250x16xf32>, vector<64x16xf32> -> vector<64x16xf32>
    %add3A_80 = arith.addf %add3A_62, %dot_general3A_79 : vector<64x16xf32>
    %reduce_sum3A_81 = arith.constant dense<0.000000e+00> : vector<64xf32>
    %reduce_sum3A_82 = vector.multi_reduction <add>, %select_n3A_76, %reduce_sum3A_81 [1] : vector<64x1250xf32> to vector<64xf32>
    %broadcast_in_dim3A_83 = vector.shape_cast %reduce_sum3A_82 : vector<64xf32> to vector<64x1xf32>
    %add3A_84 = arith.addf %add3A_66, %broadcast_in_dim3A_83 : vector<64x1xf32>
    %get3A_85 = arith.constant 4 : index
    %get3A_86 = arith.constant 0 : index
    %get3A_87 = vector.load %arg3[%get3A_85, %get3A_86] : memref<8x1250xi32, #tpu.memory_space<vmem>>, vector<1x1250xi32>
    %eq3A_88 = vector.broadcast %get3A_87 : vector<1x1250xi32> to vector<64x1250xi32>
    %eq3A_89 = arith.cmpi eq, %eq3A_88, %iota3A : vector<64x1250xi32>
    %jit3A_90 = arith.constant 1.000000e+00 : f32
    %jit3A_91 = arith.constant 0.000000e+00 : f32
    %broadcast_in_dim3A_92 = vector.broadcast %jit3A_90 : f32 to vector<64x1250xf32>
    %broadcast_in_dim3A_93 = vector.broadcast %jit3A_91 : f32 to vector<64x1250xf32>
    %select_n3A_94 = arith.select %eq3A_89, %broadcast_in_dim3A_92, %broadcast_in_dim3A_93 : vector<64x1250xi1>, vector<64x1250xf32>
    %slice3A_95 = vector.extract_strided_slice %max3A_15 {offsets = [0, 64], sizes = [1250, 16], strides = [1, 1]} : vector<1250x128xf32> to vector<1250x16xf32>
    %dot_general3A_96 = arith.constant dense<0.000000e+00> : vector<64x16xf32>
    %dot_general3A_97 = tpu.matmul %select_n3A_94, %slice3A_95, %dot_general3A_96 {dimension_numbers = #tpu.dot_dimension_numbers<[1], [0], [0], [1], [0, 0, 1, 1], [], []>, transpose_lhs_hint = false} : vector<64x1250xf32>, vector<1250x16xf32>, vector<64x16xf32> -> vector<64x16xf32>
    %add3A_98 = arith.addf %add3A_80, %dot_general3A_97 : vector<64x16xf32>
    %reduce_sum3A_99 = arith.constant dense<0.000000e+00> : vector<64xf32>
    %reduce_sum3A_100 = vector.multi_reduction <add>, %select_n3A_94, %reduce_sum3A_99 [1] : vector<64x1250xf32> to vector<64xf32>
    %broadcast_in_dim3A_101 = vector.shape_cast %reduce_sum3A_100 : vector<64xf32> to vector<64x1xf32>
    %add3A_102 = arith.addf %add3A_84, %broadcast_in_dim3A_101 : vector<64x1xf32>
    %get3A_103 = arith.constant 5 : index
    %get3A_104 = arith.constant 0 : index
    %get3A_105 = vector.load %arg3[%get3A_103, %get3A_104] : memref<8x1250xi32, #tpu.memory_space<vmem>>, vector<1x1250xi32>
    %eq3A_106 = vector.broadcast %get3A_105 : vector<1x1250xi32> to vector<64x1250xi32>
    %eq3A_107 = arith.cmpi eq, %eq3A_106, %iota3A : vector<64x1250xi32>
    %jit3A_108 = arith.constant 1.000000e+00 : f32
    %jit3A_109 = arith.constant 0.000000e+00 : f32
    %broadcast_in_dim3A_110 = vector.broadcast %jit3A_108 : f32 to vector<64x1250xf32>
    %broadcast_in_dim3A_111 = vector.broadcast %jit3A_109 : f32 to vector<64x1250xf32>
    %select_n3A_112 = arith.select %eq3A_107, %broadcast_in_dim3A_110, %broadcast_in_dim3A_111 : vector<64x1250xi1>, vector<64x1250xf32>
    %slice3A_113 = vector.extract_strided_slice %max3A_15 {offsets = [0, 80], sizes = [1250, 16], strides = [1, 1]} : vector<1250x128xf32> to vector<1250x16xf32>
    %dot_general3A_114 = arith.constant dense<0.000000e+00> : vector<64x16xf32>
    %dot_general3A_115 = tpu.matmul %select_n3A_112, %slice3A_113, %dot_general3A_114 {dimension_numbers = #tpu.dot_dimension_numbers<[1], [0], [0], [1], [0, 0, 1, 1], [], []>, transpose_lhs_hint = false} : vector<64x1250xf32>, vector<1250x16xf32>, vector<64x16xf32> -> vector<64x16xf32>
    %add3A_116 = arith.addf %add3A_98, %dot_general3A_115 : vector<64x16xf32>
    %reduce_sum3A_117 = arith.constant dense<0.000000e+00> : vector<64xf32>
    %reduce_sum3A_118 = vector.multi_reduction <add>, %select_n3A_112, %reduce_sum3A_117 [1] : vector<64x1250xf32> to vector<64xf32>
    %broadcast_in_dim3A_119 = vector.shape_cast %reduce_sum3A_118 : vector<64xf32> to vector<64x1xf32>
    %add3A_120 = arith.addf %add3A_102, %broadcast_in_dim3A_119 : vector<64x1xf32>
    %get3A_121 = arith.constant 6 : index
    %get3A_122 = arith.constant 0 : index
    %get3A_123 = vector.load %arg3[%get3A_121, %get3A_122] : memref<8x1250xi32, #tpu.memory_space<vmem>>, vector<1x1250xi32>
    %eq3A_124 = vector.broadcast %get3A_123 : vector<1x1250xi32> to vector<64x1250xi32>
    %eq3A_125 = arith.cmpi eq, %eq3A_124, %iota3A : vector<64x1250xi32>
    %jit3A_126 = arith.constant 1.000000e+00 : f32
    %jit3A_127 = arith.constant 0.000000e+00 : f32
    %broadcast_in_dim3A_128 = vector.broadcast %jit3A_126 : f32 to vector<64x1250xf32>
    %broadcast_in_dim3A_129 = vector.broadcast %jit3A_127 : f32 to vector<64x1250xf32>
    %select_n3A_130 = arith.select %eq3A_125, %broadcast_in_dim3A_128, %broadcast_in_dim3A_129 : vector<64x1250xi1>, vector<64x1250xf32>
    %slice3A_131 = vector.extract_strided_slice %max3A_15 {offsets = [0, 96], sizes = [1250, 16], strides = [1, 1]} : vector<1250x128xf32> to vector<1250x16xf32>
    %dot_general3A_132 = arith.constant dense<0.000000e+00> : vector<64x16xf32>
    %dot_general3A_133 = tpu.matmul %select_n3A_130, %slice3A_131, %dot_general3A_132 {dimension_numbers = #tpu.dot_dimension_numbers<[1], [0], [0], [1], [0, 0, 1, 1], [], []>, transpose_lhs_hint = false} : vector<64x1250xf32>, vector<1250x16xf32>, vector<64x16xf32> -> vector<64x16xf32>
    %add3A_134 = arith.addf %add3A_116, %dot_general3A_133 : vector<64x16xf32>
    %reduce_sum3A_135 = arith.constant dense<0.000000e+00> : vector<64xf32>
    %reduce_sum3A_136 = vector.multi_reduction <add>, %select_n3A_130, %reduce_sum3A_135 [1] : vector<64x1250xf32> to vector<64xf32>
    %broadcast_in_dim3A_137 = vector.shape_cast %reduce_sum3A_136 : vector<64xf32> to vector<64x1xf32>
    %add3A_138 = arith.addf %add3A_120, %broadcast_in_dim3A_137 : vector<64x1xf32>
    %get3A_139 = arith.constant 7 : index
    %get3A_140 = arith.constant 0 : index
    %get3A_141 = vector.load %arg3[%get3A_139, %get3A_140] : memref<8x1250xi32, #tpu.memory_space<vmem>>, vector<1x1250xi32>
    %eq3A_142 = vector.broadcast %get3A_141 : vector<1x1250xi32> to vector<64x1250xi32>
    %eq3A_143 = arith.cmpi eq, %eq3A_142, %iota3A : vector<64x1250xi32>
    %jit3A_144 = arith.constant 1.000000e+00 : f32
    %jit3A_145 = arith.constant 0.000000e+00 : f32
    %broadcast_in_dim3A_146 = vector.broadcast %jit3A_144 : f32 to vector<64x1250xf32>
    %broadcast_in_dim3A_147 = vector.broadcast %jit3A_145 : f32 to vector<64x1250xf32>
    %select_n3A_148 = arith.select %eq3A_143, %broadcast_in_dim3A_146, %broadcast_in_dim3A_147 : vector<64x1250xi1>, vector<64x1250xf32>
    %slice3A_149 = vector.extract_strided_slice %max3A_15 {offsets = [0, 112], sizes = [1250, 16], strides = [1, 1]} : vector<1250x128xf32> to vector<1250x16xf32>
    %dot_general3A_150 = arith.constant dense<0.000000e+00> : vector<64x16xf32>
    %dot_general3A_151 = tpu.matmul %select_n3A_148, %slice3A_149, %dot_general3A_150 {dimension_numbers = #tpu.dot_dimension_numbers<[1], [0], [0], [1], [0, 0, 1, 1], [], []>, transpose_lhs_hint = false} : vector<64x1250xf32>, vector<1250x16xf32>, vector<64x16xf32> -> vector<64x16xf32>
    %add3A_152 = arith.addf %add3A_134, %dot_general3A_151 : vector<64x16xf32>
    %reduce_sum3A_153 = arith.constant dense<0.000000e+00> : vector<64xf32>
    %reduce_sum3A_154 = vector.multi_reduction <add>, %select_n3A_148, %reduce_sum3A_153 [1] : vector<64x1250xf32> to vector<64xf32>
    %broadcast_in_dim3A_155 = vector.shape_cast %reduce_sum3A_154 : vector<64xf32> to vector<64x1xf32>
    %add3A_156 = arith.addf %add3A_138, %broadcast_in_dim3A_155 : vector<64x1xf32>
    %max3A_157 = arith.constant 1.000000e+00 : f32
    %max3A_158 = vector.broadcast %max3A_157 : f32 to vector<64x1xf32>
    %max3A_159 = arith.maximumf %add3A_156, %max3A_158 : vector<64x1xf32>
    %div3A = vector.broadcast %max3A_159 : vector<64x1xf32> to vector<64x16xf32>
    %div3A_160 = arith.divf %add3A_152, %div3A : vector<64x16xf32>
    %get3A_161 = arith.constant 0 : index
    %get3A_162 = arith.constant 0 : index
    %get3A_163 = vector.load %arg4[%get3A_161, %get3A_162] : memref<16x10xf32, #tpu.memory_space<vmem>>, vector<16x10xf32>
    %dot_general3A_164 = arith.constant dense<0.000000e+00> : vector<64x10xf32>
    %dot_general3A_165 = tpu.matmul %div3A_160, %get3A_163, %dot_general3A_164 {dimension_numbers = #tpu.dot_dimension_numbers<[1], [0], [0], [1], [0, 0, 1, 1], [], []>, transpose_lhs_hint = false} : vector<64x16xf32>, vector<16x10xf32>, vector<64x10xf32> -> vector<64x10xf32>
    %get3A_166 = arith.constant 0 : index
    %get3A_167 = arith.constant 0 : index
    %get3A_168 = vector.load %arg5[%get3A_166, %get3A_167] : memref<1x10xf32, #tpu.memory_space<vmem>>, vector<1x10xf32>
    %add3A_169 = vector.broadcast %get3A_168 : vector<1x10xf32> to vector<64x10xf32>
    %add3A_170 = arith.addf %dot_general3A_165, %add3A_169 : vector<64x10xf32>
    %swap3A = arith.constant 0 : index
    %swap3A_171 = arith.constant 0 : index
    %swap3A_172 = vector.load %arg6[%swap3A, %swap3A_171] : memref<64x10xf32, #tpu.memory_space<vmem>>, vector<64x10xf32>
    tpu.vector_store %arg6[%swap3A, %swap3A_171], %add3A_170 {strides = array<i32>} : memref<64x10xf32, #tpu.memory_space<vmem>>, vector<64x10xf32>,
    return
  }
}

</mosaic_0001>

<sc_bundles>
// kernel: kernel.10.cloned.1.call-start
scs
__scs_entry_jumppad:
0x0: {  	(pc) =	sbr.rel $0x88, $3  }
0x1: {  	(tag) =	ssettag $0x0;
	lr =	simm.s32 $0x1  }
0x2: {  	[smem:$0x3F98] =	sst lr;
	_ =	strace $0xD0000000  }
0x3: {  	_ = 	snop  }
0x4: {  	_ = 	snop  }
0x5: {  	_ = 	snop  }
0x6: {  	_ = 	snop  }
0x7: {  	_ = 	snop  }
__scs_overlays_trampoline_lowered:
0x8: {  	[smem:$0x3FA7] =	sst s0  }
0x9: {  	[smem:$0x3FA8] =	sst s1  }
0xa: {  	[smem:$0x3FA9] =	sst s2  }
0xb: {  	[smem:$0x3FAA] =	sst s3  }
0xc: {  	[smem:$0x3FAB] =	sst s4  }
0xd: {  	[smem:$0x3FAC] =	sst s5  }
0xe: {  	[smem:$0x3FAD] =	sst s6  }
0xf: {  	[smem:$0x3FAE] =	sst s7  }
0x10: {  	[smem:$0x3FAF] =	sst s8  }
0x11: {  	[smem:$0x3FB0] =	sst s9;
	s0 =	simm.s32 @!p0 $0x0  }
0x12: {  	s1 =	sld [smem:$0x3F96];
	s0 =	simm.s32 @p0 $0x1  }
0x13: {  	[smem:$0x3FB1] =	sst s0;
	s0 =	simm.s32 @!p1 $0x0  }
0x14: {  	s2 =	sld [smem:$0x3F95];
	s0 =	simm.s32 @p1 $0x1  }
0x15: {  	[smem:$0x3FB2] =	sst s0;
	s0 =	simm.s32 @!p2 $0x0  }
0x16: {  	s3 =	sld [smem:$0x3FDB];
	s0 =	simm.s32 @p2 $0x1  }
0x17: {  	s4 =	simm.s32 $0x1BF5;
	[smem:$0x3FB4] =	sst s0  }
0x18: {  	s0 =	sld [smem:$0x3F97];
	_ =	swait.ge [sflag:s4], $0x0  }
0x19: {  	s7 =	sld [smem:$0x3F98]  }
0x1a: {  	s8 =	sadd.s32 $0xFFFFE003, lr  }
0x1b: {  	s9 =	sadd.s32 $0xFFFFFEF7, lr;
	s5 =	simm.s32 $0xFFFFFFFF;
	p2 =	slt.u32 s8, $0xFFFFF086  }
0x1c: {  	p1 =	slt.u32 s9, $0xF7A;
	s5 =	simm.s32 @!p2 $0x0  }
0x1d: {  	s5 =	simm.s32 @p1 $0x1;
	p0 =	seq.s32 s7, s2  }
0x1e: {  	s7 =	smul.u32 @!p0 $0xF7A, s2;
	p2 =	seq.s32 @!p0 s5, $0x0  }
0x1f: {  	s9 =	smul.u32 $0xF7A, s1;
	s8 =	simm.s32 @!p0 $0x1BF5;
	p2 =	por !p2, p0  }
0x20: {  	[sflag:s8] =	ssyncset.s32 @!p0 $0xFFFFF086;
	s6 =	sadd.s32 @!p0 s3, s7;
	s7 =	simm.s32 @!p0 $0x108  }
0x21: {  	s3 =	sadd.s32 s3, s9;
	s6 =	sadd.s32 @!p0 $0x88, s6;
	s7 =	simm.s32 @p2 $0x1082  }
0x22: {  	[simem:s7], [sflag:s8] =	dma.local @!p0 [hbm:s6], $0xF7A  }
0x23: {  	s9 =	sor.u32 $0xD0000000, s2;
	s6 =	simm.s32 $0x108;
	_ =	swait.ge @!p0 [sflag:s8], $0x0  }
0x24: {  	s3 =	sadd.s32 $0x88, s3;
	s6 =	simm.s32 @!p1 $0x1082;
	[sflag:s4] =	ssyncset.s32 $0xFFFFF086  }
0x25: {  	[simem:s6], [sflag:s4] =	dma.local [hbm:s3], $0xF7A  }
0x26: {  	[smem:$0x3F98] =	sst s1;
	(tag) =	ssettag s2;
	_ =	strace s9  }
0x27: {  	s1 =	sld [smem:$0x3FA8]  }
0x28: {  	s2 =	sld [smem:$0x3FA9]  }
0x29: {  	s4 =	sld [smem:$0x3FAB]  }
0x2a: {  	p0 =	seq.s32 s5, $0x0;
	s5 =	sld [smem:$0x3FAC]  }
0x2b: {  	s6 =	sld [smem:$0x3FAD]  }
0x2c: {  	s7 =	sld [smem:$0x3FAE]  }
0x2d: {  	s3 =	simm.s32 $0x108;
	s8 =	sld [smem:$0x3FAF]  }
0x2e: {  	s3 =	simm.s32 @!p0 $0x1082;
	s9 =	sld [smem:$0x3FB0]  }
0x2f: {  	lr =	sadd.s32 s0, s3;
	s0 =	sld [smem:$0x3FA7]  }
0x30: {  	s3 =	sld [smem:$0x3FAA]  }
0x31: {  	[smem:$0x3FB3] =	sst s10  }
0x32: {  	s10 =	sld [smem:$0x3FB1];
	_ =	sdelay $0x3  }
0x33: {  	p0 =	seq.s32 s10, $0x1;
	s10 =	sld [smem:$0x3FB3];
	_ =	sdelay $0x3  }
0x34: {  	[smem:$0x3FB3] =	sst s10  }
0x35: {  	s10 =	sld [smem:$0x3FB2];
	_ =	sdelay $0x3  }
0x36: {  	p1 =	seq.s32 s10, $0x1;
	s10 =	sld [smem:$0x3FB3];
	_ =	sdelay $0x3  }
0x37: {  	[smem:$0x3FB3] =	sst s10  }
0x38: {  	s10 =	sld [smem:$0x3FB4]  }
0x39: {  	_ = 	snop;
	(pc) =	sbr.ind lr, $3  }
0x3a: {  	_ = 	snop  }
0x3b: {  	_ = 	snop  }
0x3c: {  	p2 =	seq.s32 s10, $0x1;
	s10 =	sld [smem:$0x3FB3]  }
0x3d: {  	_ =	shalt  }
0x3e: {  	_ =	shalt  }
0x3f: {  	_ =	shalt  }
0x40: {  	_ =	shalt  }
0x41: {  	_ =	shalt  }
0x42: {  	_ =	shalt  }
0x43: {  	_ =	shalt  }
0x44: {  	_ =	shalt  }
0x45: {  	_ =	shalt  }
0x46: {  	_ =	shalt  }
0x47: {  	_ =	shalt  }
0x48: {  	_ =	shalt  }
0x49: {  	_ =	shalt  }
0x4a: {  	_ =	shalt  }
0x4b: {  	_ =	shalt  }
0x4c: {  	_ =	shalt  }
0x4d: {  	_ =	shalt  }
0x4e: {  	_ =	shalt  }
0x4f: {  	_ =	shalt  }
0x50: {  	_ =	shalt  }
0x51: {  	_ =	shalt  }
0x52: {  	_ =	shalt  }
0x53: {  	_ =	shalt  }
0x54: {  	_ =	shalt  }
0x55: {  	_ =	shalt  }
0x56: {  	_ =	shalt  }
0x57: {  	_ =	shalt  }
0x58: {  	_ =	shalt  }
0x59: {  	_ =	shalt  }
0x5a: {  	_ =	shalt  }
0x5b: {  	_ =	shalt  }
0x5c: {  	_ =	shalt  }
0x5d: {  	_ =	shalt  }
0x5e: {  	_ =	shalt  }
0x5f: {  	_ =	shalt  }
0x60: {  	_ =	shalt  }
0x61: {  	_ =	shalt  }
0x62: {  	_ =	shalt  }
0x63: {  	_ =	shalt  }
0x64: {  	_ =	shalt  }
0x65: {  	_ =	shalt  }
0x66: {  	_ =	shalt  }
0x67: {  	_ =	shalt  }
0x68: {  	_ =	shalt  }
0x69: {  	_ =	shalt  }
0x6a: {  	_ =	shalt  }
0x6b: {  	_ =	shalt  }
0x6c: {  	_ =	shalt  }
0x6d: {  	_ =	shalt  }
0x6e: {  	_ =	shalt  }
0x6f: {  	_ =	shalt  }
0x70: {  	_ =	shalt  }
0x71: {  	_ =	shalt  }
0x72: {  	_ =	shalt  }
0x73: {  	_ =	shalt  }
0x74: {  	_ =	shalt  }
0x75: {  	_ =	shalt  }
0x76: {  	_ =	shalt  }
0x77: {  	_ =	shalt  }
0x78: {  	_ =	shalt  }
0x79: {  	_ =	shalt  }
0x7a: {  	_ =	shalt  }
0x7b: {  	_ =	shalt  }
0x7c: {  	_ =	shalt  }
0x7d: {  	_ =	shalt  }
0x7e: {  	_ =	shalt  }
0x7f: {  	_ =	shalt  }
0x80: {  	_ =	shalt  }
0x81: {  	_ =	shalt  }
0x82: {  	_ =	shalt  }
0x83: {  	_ =	shalt  }
0x84: {  	_ =	shalt  }
0x85: {  	_ =	shalt  }
0x86: {  	_ =	shalt  }
0x87: {  	_ =	shalt  }
.Lfunc_end0:
.L_simem_size_0:
called_computation.1_lowered:
.L_overlay_start_0:
0x88: {  	s2 =	sld [smem:$0x3FD9]  }
0x89: {  	s3 =	sld [smem:$0x3FFE];
	_ =	sdelay $0x1  }
0x8a: {  	s1 =	srdreg.scid  }
0x8b: {  	s0 =	sand.u32 $0x1, s1  }
0x8c: {  	s16 =	sshll.u32 s0, $0xA;
	s2 =	sadd.s32 s3, s2  }
0x8d: {  	s2 =	sadd.s32 s2, s16  }
0x8e: {  	[smem:$0x3FBF] =	sst s2  }
0x8f: {  	_ = 	snop  }
0x90: {  	(tm) =	ssettm $0x1  }
0x91: {  	s17 =	sld [smem:$0x3FFB];
	_ =	sdelay $0x3  }
0x92: {  	_ =	strace s17  }
0x93: {  	s2 =	sld [smem:$0x3FFC];
	_ =	sdelay $0x3  }
0x94: {  	_ =	strace s2  }
0x95: {  	s2 =	sld [smem:$0x3FFD];
	_ =	sdelay $0x3  }
0x96: {  	_ =	strace s2  }
0x97: {  	_ =	strace $0x8FFFFFFF  }
0x98: {  	s18 =	sld [smem:$0x3FDB];
	_ =	sdelay $0x1  }
0x99: {  	s19 =	simm.s32 $_scs_section_size  }
0x9a: {  	s4 =	simm.s32 $_size__tile_overlayer_lowered;
	s5 =	simm.s32 $_tile_overlayer_lowered  }
0x9b: {  	s22 =	simm.s32 $0x1BFF;
	s21 =	sshll.u32 s5, $0x1;
	s2 =	sadd.s32 s19, s18  }
0x9c: {  	s6 =	simm.s32 $0x0;
	s20 =	sshll.u32 s4, $0x1;
	s4 =	sadd.s32 s21, s2  }
0x9d: {  	[timem:s6], [sflag:s22] =	dma.local [hbm:s4], s20  }
0x9e: {  	_ =	swait.ge [sflag:s22], s20  }
0x9f: {  	s3 =	ssub.s32 $0x0, s20;
	[sflag:s22] =	ssyncset.done $0x0  }
0xa0: {  	[sflag:s22] =	ssyncadd.s32 s3;
	_ =	sdelay $0x1  }
0xa1: {  	s23 =	simm.s32 $0x1B8B  }
0xa2: {  	_ =	swait.ge [sflag:s23], $0x1  }
0xa3: {  	[sflag:s23] =	ssyncset.done $0x0  }
0xa4: {  	s25 =	simm.s32 $0x1B8E;
	s24 =	sld [smem:$0x3FFE];
	[sflag:s23] =	ssyncadd.s32 $0xFFFFFFFF  }
0xa5: {  	s26 =	simm.s32 $execute0_lowered;
	[smem:$0x3FD2] =	sst s25  }
0xa6: {  	s4 =	sshll.u32 s26, $0x1;
	_ =	strace $0x80000049;
	[dreg:$0x1] =	wrdreg $0xFFFFFFFF  }
0xa7: {  	s28 =	simm.s32 $_size_execute0_lowered;
	s2 =	sadd.s32 s2, s4;
	[dreg:$0x0] =	wrdreg $0x0  }
0xa8: {  	s4 =	sshll.u32 s28, $0x1;
	[dreg:$0x2] =	wrdreg s2  }
0xa9: {  	[dreg:$0x3] =	wrdreg s4  }
0xaa: {  	[dreg:$0x4] =	wrdreg $0xC0  }
0xab: {  	_ =	task [dreg:s6], $0x5FFFF  }
0xac: {  	[dreg:$0x1] =	wrdreg $0xFFFFFFFF  }
0xad: {  	[dreg:$0x0] =	wrdreg $0x60  }
0xae: {  	[dreg:$0x2] =	wrdreg s24  }
0xaf: {  	[dreg:$0x3] =	wrdreg $0xD6200  }
0xb0: {  	[dreg:$0x4] =	wrdreg $0x9  }
0xb1: {  	_ =	task.clear_ibuf [dreg:s6], $0x5FFFF;
	_ =	strace $0x90000049  }
0xb2: {  	s29 =	simm.s32 $0x9;
	_ =	strace $0x8000004B  }
0xb3: {  	_ =	swait.ge [sflag:s29], $0x1  }
0xb4: {  	[sflag:s29] =	ssyncadd.s32 $0xFFFFFFFF  }
0xb5: {  	_ =	strace $0x9000004B  }
0xb6: {  	_ =	sfence  }
0xb7: {  	s30 =	sld [smem:$0x0];
	_ =	sdelay $0x2  }
0xb8: {  	s31 =	sshll.u32 s1, $0xD;
	s1 =	sshrl.u32 s1, $0x2  }
0xb9: {  	s3 =	sand.u32 $0x4000, s31;
	s1 =	sadd.s32 s1, s30  }
0xba: {  	s0 =	sor.u32 s3, s0;
	s1 =	sshll.u32 s1, $0x11  }
0xbb: {  	s0 =	sor.u32 s1, s0  }
0xbc: {  	s0 =	sadd.s32 $0x8F2B, s0  }
0xbd: {  	[sflag:s0] =	ssyncadd.remote.s32 $0x1  }
0xbe: {  	_ =	sfence.sel $0xFFFF  }
0xbf: {  	[dreg:$0x0] =	wrdreg $0xFFFFFFFF;
	(pc) =	sbr.abs _section_cstart, $3  }
0xc0: {  	[dreg:$0x1] =	wrdreg $0xFFFFFFFF  }
0xc1: {  	_ =	task.clear_ibuf [dreg:s6], $0x2FFFF;
	_ =	strace $0x9FFFFFFF  }
0xc2: {  	(tm) =	ssettm $0x7FFFFFFF  }
0xc3: {  	_ =	shalt  }
tec
execute0_lowered:
.L_overlay_start_1:
0x0: {  	(tag) =	ssettag $0x1  }
0x1: {  	s0 =	srdreg.scid;
	s1 =	rddreg [dreg:$0x0]  }
0x2: {  	s8 =	stileid.u32;
	s2 =	rddreg [dreg:$0x1];
	s11 =	simm.s32 $0xAE20  }
0x3: {  	s12 =	simm.s32 $0x19;
	s13 =	simm.s32 $0x1;
	s14 =	simm.s32 $0x2  }
0x4: {  	s15 =	simm.s32 $0x80;
	s16 =	simm.s32 $0x4E20;
	s28 =	simm.s32 $0xE  }
0x5: {  	s29 =	simm.s32 $0xF;
	s30 =	simm.s32 $0x10;
	s31 =	simm.s32 $0x11  }
0x6: {  	s10 =	simm.s32 $0x14;
	s17 =	simm.s32 $0x15;
	s18 =	simm.s32 $0x16  }
0x7: {  	s19 =	simm.s32 $0x17;
	s20 =	simm.s32 $0x18;
	s6 =	smul.u32 $0x500, s8  }
0x8: {  	s0 =	sand.u32 $0x1, s0;
	s3 =	sshll.u32 s8, $0x1;
	s8 =	smul.u32 $0xA000, s8  }
0x9: {  	s4 =	sor.u32 s0, s3;
	s3 =	simm.s32 $0x0;
	s7 =	smul.u32 $0x5000, s0  }
0xa: {  	s0 =	ssub.s32 $0x2, s0;
	s5 =	smul.u32 $0x2710, s4;
	[smem:$0x7FF] =	sst s3  }
0xb: {  	s4 =	sadd.s32 $0x15C00, s1;
	s23 =	sshrl.u32 s0, $0x1;
	s24 =	sshrl.u32 s8, $0x2  }
0xc: {  	_ =	strace $0x8000004A;
	s22 =	sadd.s32 s6, s7;
	s0 =	ssub.s32 s0, s23  }
.Ltmp0:
0xd: {  	s7 =	sadd.s32 s24, s2;
	s5 =	sshrl.u32 s5, $0x3;
	(pc) =	sbr.rel .LBB2_1-.Ltmp0, $4  }
0xe: {  	s23 =	simm.s32 $0x0;
	s9 =	sadd.s32 s5, s1;
	s1 =	sadd.s32 s22, s1  }
0xf: {  	s25 =	sadd.s32 $0x2200, s9;
	s26 =	sadd.s32 $0xBE40, s9;
	s8 =	sadd.s32 $0x1AC00, s1  }
0x10: {  	s9 =	smax.u32 s0, $0x1;
	s1 =	simm.s32 $0x12;
	[dreg:$0x3] =	wrdreg s25  }
0x11: {  	v0 =	vimm.f32 $0.0e+00;
	s0 =	simm.s32 $0x13;
	[dreg:$0x4] =	wrdreg s26;
	s26 =	simm.s32 $0xD  }
.LBB2_12:
0x12: {  	_ =	swait.ge [sflag:s26], $0x800  }
0x13: {  	[sflag:s26] =	ssyncset.done $0x0  }
0x14: {  	[sflag:s26] =	ssyncadd.s32 $0xFFFFF800  }
0x15: {  	_ =	swait.ge [sflag:s28], $0x800  }
0x16: {  	[sflag:s28] =	ssyncset.done $0x0  }
0x17: {  	[sflag:s28] =	ssyncadd.s32 $0xFFFFF800  }
0x18: {  	_ =	swait.ge [sflag:s29], $0x800  }
0x19: {  	[sflag:s29] =	ssyncset.done $0x0  }
0x1a: {  	[sflag:s29] =	ssyncadd.s32 $0xFFFFF800  }
0x1b: {  	_ =	swait.ge [sflag:s30], $0x800  }
0x1c: {  	[sflag:s30] =	ssyncset.done $0x0  }
0x1d: {  	[sflag:s30] =	ssyncadd.s32 $0xFFFFF800  }
0x1e: {  	_ =	swait.ge [sflag:s31], $0x800  }
0x1f: {  	[sflag:s31] =	ssyncset.done $0x0  }
0x20: {  	[sflag:s31] =	ssyncadd.s32 $0xFFFFF800  }
0x21: {  	_ =	swait.ge [sflag:s1], $0x800  }
0x22: {  	[sflag:s1] =	ssyncset.done $0x0  }
0x23: {  	[sflag:s1] =	ssyncadd.s32 $0xFFFFF800  }
0x24: {  	_ =	swait.ge [sflag:s0], $0x800  }
0x25: {  	[sflag:s0] =	ssyncset.done $0x0  }
0x26: {  	[sflag:s0] =	ssyncadd.s32 $0xFFFFF800  }
0x27: {  	_ =	swait.ge [sflag:s10], $0x800  }
0x28: {  	[sflag:s10] =	ssyncset.done $0x0  }
0x29: {  	[sflag:s10] =	ssyncadd.s32 $0xFFFFF800  }
0x2a: {  	_ =	swait.ge [sflag:s17], $0x800  }
0x2b: {  	[sflag:s17] =	ssyncset.done $0x0  }
0x2c: {  	[sflag:s17] =	ssyncadd.s32 $0xFFFFF800  }
0x2d: {  	_ =	swait.ge [sflag:s18], $0x800  }
0x2e: {  	[sflag:s18] =	ssyncset.done $0x0  }
0x2f: {  	[sflag:s18] =	ssyncadd.s32 $0xFFFFF800  }
0x30: {  	_ =	swait.ge [sflag:s19], $0x800  }
0x31: {  	[sflag:s19] =	ssyncset.done $0x0  }
0x32: {  	[sflag:s19] =	ssyncadd.s32 $0xFFFFF800  }
0x33: {  	_ =	swait.ge [sflag:s20], $0x800  }
0x34: {  	[sflag:s20] =	ssyncset.done $0x0  }
0x35: {  	s5 =	simm.s32 $0x2700;
	[sflag:s20] =	ssyncadd.s32 $0xFFFFF800  }
0x36: {  	[tilespmem:s16], [sflag:$0x1] =	stream.indirect.gather [hbm4b:s4+s30], $0x10, s5, s30, $0xb8;
	[tilespmem:$0xFE20] =	vst v63  }
0x37: {  	_ =	swait.ge [sflag:s13], $0x100  }
0x38: {  	[sflag:s13] =	ssyncset.done $0x0  }
0x39: {  	s25 =	simm.s32 $0x4E10;
	[sflag:s13] =	ssyncadd.s32 $0xFFFFFF00  }
0x3a: {  	[spmem:s2] =	stream.indirect.scatter.add.f32 [tilespmem:s16], [sflag:$0x19], $0x10, s25, s30, $0xb8;
	[tilespmem:$0xFE20] =	vst v63  }
0x3b: {  	_ =	swait.ge [sflag:s12], $0x100  }
0x3c: {  	[sflag:s12] =	ssyncset.done $0x0  }
0x3d: {  	[sflag:s12] =	ssyncadd.s32 $0xFFFFFF00  }
0x3e: {  	[bflag:$0x0] =	sbarrier.arrive $0xFFFF  }
0x3f: {  	[tilespmem:s11], [sflag:$0x19] =	stream.linear.gather [spmem:s7], $0x2800, $0x38;
	[tilespmem:$0xFE20] =	vst v63  }
0x40: {  	s23 =	sadd.s32 $0x1, s23;
	_ =	swait.ge [sflag:s12], $0x2800  }
0x41: {  	p0 =	sne.s32 s23, s9;
	[sflag:s12] =	ssyncset.done $0x0  }
.Ltmp1:
0x42: {  	[sflag:s12] =	ssyncadd.s32 $0xFFFFD800;
	(pc) =	sbr.rel @!p0 .LBB2_13-.Ltmp1, $4  }
0x43: {  	[hbm4b:s8+s3] =	stream.linear.scatter [tilespmem:s11], [sflag:$0x19], $0x2800, $0x38;
	[tilespmem:$0xFE20] =	vst v63  }
0x44: {  	_ =	swait.ge [sflag:s12], $0x2800  }
0x45: {  	[sflag:s12] =	ssyncset.done $0x0  }
0x46: {  	[sflag:s12] =	ssyncadd.s32 $0xFFFFD800  }
.LBB2_1:
0x47: {  	s5 =	rddreg [dreg:$0x3]  }
0x48: {  	s25 =	rddreg [dreg:$0x4]  }
0x49: {  	[tilespmem:s3], [sflag:$0x1] =	stream.linear.gather [hbm4b:s5+s3], $0x2710, $0x38;
	[tilespmem:$0xFE20] =	vst v63  }
0x4a: {  	s6 =	simm.s32 $0x2710;
	s21 =	simm.s32 $0x40;
	s22 =	simm.s32 $0x0  }
0x4b: {  	[tilespmem:s6], [sflag:$0x2] =	stream.linear.gather [hbm4b:s25+s3], $0x2710, $0x38;
	[tilespmem:$0xFE20] =	vst v63  }
.LBB2_2:
0x4c: {  	p0 =	sne.s32 s21, $0x9FC0;
	[tilespmem:s22+$0xAE20] =	vst v0;
	s22 =	smov.u32 s21;
	s21 =	sadd.s32 $0x40, s21  }
.Ltmp2:
0x4d: {  	(pc) =	sbr.rel @p0 .LBB2_2-.Ltmp2, $2  }
0x4e: {  	_ =	sdelay $0x2  }
0x4f: {  	s22 =	sshra.s32 s22, $0x2  }
0x50: {  	[tilespmem:s22+$0xAE20] =	vst v0  }
0x51: {  	[spmem:s7] =	stream.linear.scatter [tilespmem:s11], [sflag:$0x19], $0x2800, $0x38;
	[tilespmem:$0xFE20] =	vst v63  }
0x52: {  	_ =	swait.ge [sflag:s12], $0x2800  }
0x53: {  	[sflag:s12] =	ssyncset.done $0x0  }
0x54: {  	[sflag:s12] =	ssyncadd.s32 $0xFFFFD800  }
0x55: {  	_ =	swait.ge [sflag:s13], $0x2710  }
0x56: {  	[sflag:s13] =	ssyncset.done $0x0  }
0x57: {  	[sflag:s13] =	ssyncadd.s32 $0xFFFFD8F0  }
0x58: {  	_ =	swait.ge [sflag:s14], $0x2710  }
0x59: {  	[sflag:s14] =	ssyncset.done $0x0  }
0x5a: {  	[sflag:s14] =	ssyncadd.s32 $0xFFFFD8F0  }
0x5b: {  	s24 =	simm.s32 $0x0;
	[bflag:$0x0] =	sbarrier.arrive $0xFFFF  }
0x5c: {  	[tilespmem:s16], [sflag:$0x1] =	stream.indirect.gather [hbm4b:s4+s15], $0x10, s24, s15, $0xb8;
	[tilespmem:$0xFE20] =	vst v63  }
0x5d: {  	s5 =	simm.s32 $0x5620  }
0x5e: {  	[tilespmem:s5], [sflag:$0x2] =	stream.indirect.gather [hbm4b:s4+s15], $0x10, s15, s15, $0xb8;
	[tilespmem:$0xFE20] =	vst v63  }
0x5f: {  	s21 =	simm.s32 $0x100;
	s6 =	simm.s32 $0x5E20  }
0x60: {  	[tilespmem:s6], [sflag:$0x3] =	stream.indirect.gather [hbm4b:s4+s15], $0x10, s21, s15, $0xb8;
	[tilespmem:$0xFE20] =	vst v63  }
0x61: {  	s22 =	simm.s32 $0x180;
	s25 =	simm.s32 $0x6620  }
0x62: {  	[tilespmem:s25], [sflag:$0x4] =	stream.indirect.gather [hbm4b:s4+s15], $0x10, s22, s15, $0xb8;
	[tilespmem:$0xFE20] =	vst v63  }
.Ltmp3:
0x63: {  	s6 =	simm.s32 $0x200;
	s21 =	simm.s32 $0x6E20;
	(pc) =	sbr.rel .LBB2_4-.Ltmp3, $4  }
0x64: {  	[tilespmem:s21], [sflag:$0x5] =	stream.indirect.gather [hbm4b:s4+s15], $0x10, s6, s15, $0xb8;
	[tilespmem:$0xFE20] =	vst v63  }
0x65: {  	s22 =	simm.s32 $0x280;
	s25 =	simm.s32 $0x7620  }
0x66: {  	[tilespmem:s25], [sflag:$0x6] =	stream.indirect.gather [hbm4b:s4+s15], $0x10, s22, s15, $0xb8;
	[tilespmem:$0xFE20] =	vst v63  }
0x67: {  	s21 =	simm.s32 $0x300;
	s25 =	simm.s32 $0x2710  }
.LBB2_10:
0x68: {  	p0 =	sgt.s32 s22, $0x8  }
0x69: {  	p1 =	seq.s32 @p0 s22, $0x9  }
0x6a: {  	p2 =	por !p1, !p0  }
0x6b: {  	s5 =	simm.s32 @!p2 $0xA  }
0x6c: {  	_ =	swait.ge @!p2 [sflag:s5], $0x800  }
0x6d: {  	[sflag:s5] =	ssyncset.done @!p2 $0x0  }
0x6e: {  	s6 =	simm.s32 @!p2 $0x9620;
	[sflag:s5] =	ssyncadd.s32 @!p2 $0xFFFFF800;
	s5 =	simm.s32 @!p2 $0x80  }
0x6f: {  	[spmem:s2] =	stream.indirect.scatter.add.f32 @!p2 [tilespmem:s6], [sflag:$0x16], $0x10, s25, s5, $0xb8;
	[tilespmem:$0xFE20] =	vst v63  }
0x70: {  	p2 =	por p1, !p0  }
0x71: {  	p2 =	seq.s32 @!p2 s22, $0xA  }
0x72: {  	p3 =	por @p0 !p2, p1  }
0x73: {  	p3 =	por p3, !p0  }
0x74: {  	s5 =	simm.s32 @!p3 $0xB  }
0x75: {  	p1 =	por @p0 p2, p1;
	_ =	swait.ge @!p3 [sflag:s5], $0x800  }
0x76: {  	p1 =	por p1, !p0;
	[sflag:s5] =	ssyncset.done @!p3 $0x0  }
0x77: {  	s6 =	simm.s32 @!p3 $0x9E20;
	[sflag:s5] =	ssyncadd.s32 @!p3 $0xFFFFF800;
	s5 =	simm.s32 @!p3 $0x80  }
0x78: {  	[spmem:s2] =	stream.indirect.scatter.add.f32 @!p3 [tilespmem:s6], [sflag:$0x17], $0x10, s25, s5, $0xb8;
	[tilespmem:$0xFE20] =	vst v63  }
0x79: {  	s5 =	simm.s32 @!p1 $0xC  }
0x7a: {  	_ =	swait.ge @!p1 [sflag:s5], $0x800  }
0x7b: {  	[sflag:s5] =	ssyncset.done @!p1 $0x0  }
0x7c: {  	s6 =	simm.s32 @!p1 $0xA620;
	[sflag:s5] =	ssyncadd.s32 @!p1 $0xFFFFF800;
	s5 =	simm.s32 @!p1 $0x80  }
0x7d: {  	[spmem:s2] =	stream.indirect.scatter.add.f32 @!p1 [tilespmem:s6], [sflag:$0x18], $0x10, s25, s5, $0xb8;
	[tilespmem:$0xFE20] =	vst v63  }
0x7e: {  	p1 =	seq.s32 @!p0 s22, $0x6  }
0x7f: {  	p2 =	por !p1, p0  }
0x80: {  	s5 =	simm.s32 @!p2 $0x7  }
0x81: {  	_ =	swait.ge @!p2 [sflag:s5], $0x800  }
0x82: {  	[sflag:s5] =	ssyncset.done @!p2 $0x0  }
0x83: {  	s6 =	simm.s32 @!p2 $0x7E20;
	[sflag:s5] =	ssyncadd.s32 @!p2 $0xFFFFF800;
	s5 =	simm.s32 @!p2 $0x80  }
0x84: {  	[spmem:s2] =	stream.indirect.scatter.add.f32 @!p2 [tilespmem:s6], [sflag:$0x13], $0x10, s25, s5, $0xb8;
	[tilespmem:$0xFE20] =	vst v63  }
0x85: {  	p2 =	por p1, p0  }
0x86: {  	p2 =	seq.s32 @!p2 s22, $0x7  }
0x87: {  	p3 =	por @!p0 !p2, p1  }
0x88: {  	p3 =	por p3, p0  }
0x89: {  	s5 =	simm.s32 @!p3 $0x8  }
0x8a: {  	p1 =	por @!p0 p2, p1;
	_ =	swait.ge @!p3 [sflag:s5], $0x800  }
0x8b: {  	p0 =	por p1, p0;
	[sflag:s5] =	ssyncset.done @!p3 $0x0  }
0x8c: {  	s6 =	simm.s32 @!p3 $0x8620;
	[sflag:s5] =	ssyncadd.s32 @!p3 $0xFFFFF800;
	s5 =	simm.s32 @!p3 $0x80  }
0x8d: {  	[spmem:s2] =	stream.indirect.scatter.add.f32 @!p3 [tilespmem:s6], [sflag:$0x14], $0x10, s25, s5, $0xb8;
	[tilespmem:$0xFE20] =	vst v63  }
0x8e: {  	s5 =	simm.s32 @!p0 $0x9  }
0x8f: {  	_ =	swait.ge @!p0 [sflag:s5], $0x800  }
0x90: {  	[sflag:s5] =	ssyncset.done @!p0 $0x0  }
0x91: {  	s6 =	simm.s32 @!p0 $0x8E20;
	[sflag:s5] =	ssyncadd.s32 @!p0 $0xFFFFF800;
	s5 =	simm.s32 @!p0 $0x80  }
0x92: {  	[spmem:s2] =	stream.indirect.scatter.add.f32 @!p0 [tilespmem:s6], [sflag:$0x15], $0x10, s25, s5, $0xb8;
	[tilespmem:$0xFE20] =	vst v63  }
.LBB2_11:
0x93: {  	s24 =	sadd.s32 $0x1, s24  }
0x94: {  	p0 =	sne.s32 s24, $0x4E  }
.Ltmp4:
0x95: {  	_ = 	snop;
	(pc) =	sbr.rel @!p0 .LBB2_12-.Ltmp4, $2  }
0x96: {  	_ =	sdelay $0x2  }
0x97: {  	s25 =	sadd.s32 $0x80, s25;
	s21 =	sadd.s32 $0x80, s21  }
.LBB2_4:
0x98: {  	p0 =	sgt.u32 s24, $0x47  }
.Ltmp5:
0x99: {  	_ = 	snop;
	(pc) =	sbr.rel @p0 .LBB2_8-.Ltmp5, $1  }
0x9a: {  	_ =	sdelay $0x3  }
0x9b: {  	s22 =	sadd.s32 $0x6, s24  }
0x9c: {  	s5 =	smul.u32 $0xAB, s22;
	_ =	sdelay $0x1  }
0x9d: {  	s5 =	sshrl.u32 s5, $0xB  }
0x9e: {  	s5 =	sand.u32 $0x1F, s5  }
0x9f: {  	s5 =	smul.u32 $0xC, s5;
	_ =	sdelay $0x1  }
0xa0: {  	s5 =	ssub.s32 s22, s5  }
0xa1: {  	s22 =	sand.u32 $0xFF, s5  }
0xa2: {  	p0 =	sgt.s32 s22, $0x5  }
.Ltmp6:
0xa3: {  	_ = 	snop;
	(pc) =	sbr.rel @p0 .LBB2_7-.Ltmp6, $1  }
0xa4: {  	_ =	sdelay $0x3  }
0xa5: {  	p0 =	sgt.s32 s22, $0x2  }
0xa6: {  	p1 =	seq.s32 @p0 s22, $0x3  }
0xa7: {  	p2 =	por !p1, !p0  }
0xa8: {  	p3 =	slt.u32 @!p2 s24, $0x6  }
0xa9: {  	p3 =	por @p0 p3, !p1  }
0xaa: {  	p3 =	por p3, !p0  }
0xab: {  	s5 =	simm.s32 @!p3 $0x10  }
0xac: {  	_ =	swait.ge @!p3 [sflag:s5], $0x800  }
0xad: {  	[sflag:s5] =	ssyncset.done @!p3 $0x0  }
0xae: {  	s6 =	simm.s32 @!p2 $0x6620;
	[sflag:s5] =	ssyncadd.s32 @!p3 $0xFFFFF800;
	s5 =	simm.s32 @!p2 $0x80  }
0xaf: {  	[tilespmem:s6], [sflag:$0x4] =	stream.indirect.gather @!p2 [hbm4b:s4+s5], $0x10, s21, s5, $0xb8;
	[tilespmem:$0xFE20] =	vst v63  }
0xb0: {  	p2 =	por p1, !p0  }
0xb1: {  	p3 =	seq.s32 @!p2 s22, $0x4  }
0xb2: {  	p4 =	por @p0 !p3, p1  }
0xb3: {  	p4 =	por p4, !p0  }
0xb4: {  	p5 =	slt.u32 @!p4 s24, $0x6  }
0xb5: {  	p5 =	por @!p2 p5, !p3  }
0xb6: {  	p5 =	por @p0 p5, p1  }
0xb7: {  	p5 =	por p5, !p0  }
0xb8: {  	s5 =	simm.s32 @!p5 $0x11  }
0xb9: {  	_ =	swait.ge @!p5 [sflag:s5], $0x800  }
0xba: {  	[sflag:s5] =	ssyncset.done @!p5 $0x0  }
0xbb: {  	s6 =	simm.s32 @!p4 $0x6E20;
	[sflag:s5] =	ssyncadd.s32 @!p5 $0xFFFFF800;
	s5 =	simm.s32 @!p4 $0x80  }
0xbc: {  	[tilespmem:s6], [sflag:$0x5] =	stream.indirect.gather @!p4 [hbm4b:s4+s5], $0x10, s21, s5, $0xb8;
	[tilespmem:$0xFE20] =	vst v63  }
0xbd: {  	p4 =	por @p0 p3, p1  }
0xbe: {  	p4 =	por p4, !p0  }
0xbf: {  	p5 =	slt.u32 @!p4 s24, $0x6  }
0xc0: {  	p2 =	por @!p2 p5, p3  }
0xc1: {  	p1 =	por @p0 p2, p1  }
0xc2: {  	p1 =	por p1, !p0  }
0xc3: {  	s5 =	simm.s32 @!p1 $0x12  }
0xc4: {  	_ =	swait.ge @!p1 [sflag:s5], $0x800  }
0xc5: {  	s6 =	simm.s32 @!p4 $0x7620;
	[sflag:s5] =	ssyncset.done @!p1 $0x0  }
0xc6: {  	[sflag:s5] =	ssyncadd.s32 @!p1 $0xFFFFF800;
	s5 =	simm.s32 @!p4 $0x80;
	p1 =	seq.s32 @!p0 s22, $0x0  }
0xc7: {  	[tilespmem:s6], [sflag:$0x6] =	stream.indirect.gather @!p4 [hbm4b:s4+s5], $0x10, s21, s5, $0xb8;
	[tilespmem:$0xFE20] =	vst v63  }
0xc8: {  	p2 =	por !p1, p0  }
0xc9: {  	p3 =	slt.u32 @!p2 s24, $0x6  }
0xca: {  	p3 =	por @!p0 p3, !p1  }
0xcb: {  	p3 =	por p3, p0  }
0xcc: {  	s5 =	simm.s32 @!p3 $0xD  }
0xcd: {  	_ =	swait.ge @!p3 [sflag:s5], $0x800  }
0xce: {  	[sflag:s5] =	ssyncset.done @!p3 $0x0  }
0xcf: {  	s6 =	simm.s32 @!p2 $0x4E20;
	[sflag:s5] =	ssyncadd.s32 @!p3 $0xFFFFF800;
	s5 =	simm.s32 @!p2 $0x80  }
0xd0: {  	[tilespmem:s6], [sflag:$0x1] =	stream.indirect.gather @!p2 [hbm4b:s4+s5], $0x10, s21, s5, $0xb8;
	[tilespmem:$0xFE20] =	vst v63  }
0xd1: {  	p2 =	por p1, p0  }
0xd2: {  	p3 =	seq.s32 @!p2 s22, $0x1  }
0xd3: {  	p4 =	por @!p0 !p3, p1  }
0xd4: {  	p4 =	por p4, p0  }
0xd5: {  	p5 =	slt.u32 @!p4 s24, $0x6  }
0xd6: {  	p5 =	por @!p2 p5, !p3  }
0xd7: {  	p5 =	por @!p0 p5, p1  }
0xd8: {  	p5 =	por p5, p0  }
0xd9: {  	s5 =	simm.s32 @!p5 $0xE  }
0xda: {  	_ =	swait.ge @!p5 [sflag:s5], $0x800  }
0xdb: {  	[sflag:s5] =	ssyncset.done @!p5 $0x0  }
0xdc: {  	s6 =	simm.s32 @!p4 $0x5620;
	[sflag:s5] =	ssyncadd.s32 @!p5 $0xFFFFF800;
	s5 =	simm.s32 @!p4 $0x80  }
0xdd: {  	[tilespmem:s6], [sflag:$0x2] =	stream.indirect.gather @!p4 [hbm4b:s4+s5], $0x10, s21, s5, $0xb8;
	[tilespmem:$0xFE20] =	vst v63  }
0xde: {  	p4 =	por @!p0 p3, p1  }
0xdf: {  	p4 =	por p4, p0  }
0xe0: {  	p5 =	slt.u32 @!p4 s24, $0x6  }
0xe1: {  	p2 =	por @!p2 p5, p3  }
0xe2: {  	p1 =	por @!p0 p2, p1  }
0xe3: {  	p0 =	por p1, p0  }
.Ltmp7:
0xe4: {  	s5 =	simm.s32 @!p0 $0xF;
	(pc) =	sbr.rel .LBB2_8-.Ltmp7, $4  }
0xe5: {  	_ =	swait.ge @!p0 [sflag:s5], $0x800  }
0xe6: {  	[sflag:s5] =	ssyncset.done @!p0 $0x0  }
0xe7: {  	s6 =	simm.s32 @!p4 $0x5E20;
	[sflag:s5] =	ssyncadd.s32 @!p0 $0xFFFFF800;
	s5 =	simm.s32 @!p4 $0x80  }
0xe8: {  	[tilespmem:s6], [sflag:$0x3] =	stream.indirect.gather @!p4 [hbm4b:s4+s5], $0x10, s21, s5, $0xb8;
	[tilespmem:$0xFE20] =	vst v63  }
.LBB2_7:
0xe9: {  	p0 =	sgt.s32 s22, $0x8  }
0xea: {  	p1 =	seq.s32 @p0 s22, $0x9  }
0xeb: {  	p2 =	por !p1, !p0  }
0xec: {  	p3 =	slt.u32 @!p2 s24, $0x6  }
0xed: {  	p3 =	por @p0 p3, !p1  }
0xee: {  	p3 =	por p3, !p0  }
0xef: {  	s5 =	simm.s32 @!p3 $0x16  }
0xf0: {  	_ =	swait.ge @!p3 [sflag:s5], $0x800  }
0xf1: {  	[sflag:s5] =	ssyncset.done @!p3 $0x0  }
0xf2: {  	s6 =	simm.s32 @!p2 $0x9620;
	[sflag:s5] =	ssyncadd.s32 @!p3 $0xFFFFF800;
	s5 =	simm.s32 @!p2 $0x80  }
0xf3: {  	[tilespmem:s6], [sflag:$0xA] =	stream.indirect.gather @!p2 [hbm4b:s4+s5], $0x10, s21, s5, $0xb8;
	[tilespmem:$0xFE20] =	vst v63  }
0xf4: {  	p2 =	por p1, !p0  }
0xf5: {  	p3 =	seq.s32 @!p2 s22, $0xA  }
0xf6: {  	p4 =	por @p0 !p3, p1  }
0xf7: {  	p4 =	por p4, !p0  }
0xf8: {  	p5 =	slt.u32 @!p4 s24, $0x6  }
0xf9: {  	p5 =	por @!p2 p5, !p3  }
0xfa: {  	p5 =	por @p0 p5, p1  }
0xfb: {  	p5 =	por p5, !p0  }
0xfc: {  	s5 =	simm.s32 @!p5 $0x17  }
0xfd: {  	_ =	swait.ge @!p5 [sflag:s5], $0x800  }
0xfe: {  	[sflag:s5] =	ssyncset.done @!p5 $0x0  }
0xff: {  	s6 =	simm.s32 @!p4 $0x9E20;
	[sflag:s5] =	ssyncadd.s32 @!p5 $0xFFFFF800;
	s5 =	simm.s32 @!p4 $0x80  }
0x100: {  	[tilespmem:s6], [sflag:$0xB] =	stream.indirect.gather @!p4 [hbm4b:s4+s5], $0x10, s21, s5, $0xb8;
	[tilespmem:$0xFE20] =	vst v63  }
0x101: {  	p4 =	por @p0 p3, p1  }
0x102: {  	p4 =	por p4, !p0  }
0x103: {  	p5 =	slt.u32 @!p4 s24, $0x6  }
0x104: {  	p2 =	por @!p2 p5, p3  }
0x105: {  	p1 =	por @p0 p2, p1  }
0x106: {  	p1 =	por p1, !p0  }
0x107: {  	s5 =	simm.s32 @!p1 $0x18  }
0x108: {  	_ =	swait.ge @!p1 [sflag:s5], $0x800  }
0x109: {  	s6 =	simm.s32 @!p4 $0xA620;
	[sflag:s5] =	ssyncset.done @!p1 $0x0  }
0x10a: {  	[sflag:s5] =	ssyncadd.s32 @!p1 $0xFFFFF800;
	s5 =	simm.s32 @!p4 $0x80;
	p1 =	seq.s32 @!p0 s22, $0x6  }
0x10b: {  	[tilespmem:s6], [sflag:$0xC] =	stream.indirect.gather @!p4 [hbm4b:s4+s5], $0x10, s21, s5, $0xb8;
	[tilespmem:$0xFE20] =	vst v63  }
0x10c: {  	p2 =	por !p1, p0  }
0x10d: {  	p3 =	slt.u32 @!p2 s24, $0x6  }
0x10e: {  	p3 =	por @!p0 p3, !p1  }
0x10f: {  	p3 =	por p3, p0  }
0x110: {  	s5 =	simm.s32 @!p3 $0x13  }
0x111: {  	_ =	swait.ge @!p3 [sflag:s5], $0x800  }
0x112: {  	[sflag:s5] =	ssyncset.done @!p3 $0x0  }
0x113: {  	s6 =	simm.s32 @!p2 $0x7E20;
	[sflag:s5] =	ssyncadd.s32 @!p3 $0xFFFFF800;
	s5 =	simm.s32 @!p2 $0x80  }
0x114: {  	[tilespmem:s6], [sflag:$0x7] =	stream.indirect.gather @!p2 [hbm4b:s4+s5], $0x10, s21, s5, $0xb8;
	[tilespmem:$0xFE20] =	vst v63  }
0x115: {  	p2 =	por p1, p0  }
0x116: {  	p3 =	seq.s32 @!p2 s22, $0x7  }
0x117: {  	p4 =	por @!p0 !p3, p1  }
0x118: {  	p4 =	por p4, p0  }
0x119: {  	p5 =	slt.u32 @!p4 s24, $0x6  }
0x11a: {  	p5 =	por @!p2 p5, !p3  }
0x11b: {  	p5 =	por @!p0 p5, p1  }
0x11c: {  	p5 =	por p5, p0  }
0x11d: {  	s5 =	simm.s32 @!p5 $0x14  }
0x11e: {  	_ =	swait.ge @!p5 [sflag:s5], $0x800  }
0x11f: {  	[sflag:s5] =	ssyncset.done @!p5 $0x0  }
0x120: {  	s6 =	simm.s32 @!p4 $0x8620;
	[sflag:s5] =	ssyncadd.s32 @!p5 $0xFFFFF800;
	s5 =	simm.s32 @!p4 $0x80  }
0x121: {  	[tilespmem:s6], [sflag:$0x8] =	stream.indirect.gather @!p4 [hbm4b:s4+s5], $0x10, s21, s5, $0xb8;
	[tilespmem:$0xFE20] =	vst v63  }
0x122: {  	p4 =	por @!p0 p3, p1  }
0x123: {  	p4 =	por p4, p0  }
0x124: {  	p5 =	slt.u32 @!p4 s24, $0x6  }
0x125: {  	p2 =	por @!p2 p5, p3  }
0x126: {  	p1 =	por @!p0 p2, p1  }
0x127: {  	p0 =	por p1, p0  }
0x128: {  	s5 =	simm.s32 @!p0 $0x15  }
0x129: {  	_ =	swait.ge @!p0 [sflag:s5], $0x800  }
0x12a: {  	[sflag:s5] =	ssyncset.done @!p0 $0x0  }
0x12b: {  	s6 =	simm.s32 @!p4 $0x8E20;
	[sflag:s5] =	ssyncadd.s32 @!p0 $0xFFFFF800;
	s5 =	simm.s32 @!p4 $0x80  }
0x12c: {  	[tilespmem:s6], [sflag:$0x9] =	stream.indirect.gather @!p4 [hbm4b:s4+s5], $0x10, s21, s5, $0xb8;
	[tilespmem:$0xFE20] =	vst v63  }
.LBB2_8:
0x12d: {  	s5 =	smul.u32 $0xAB, s24;
	_ =	sdelay $0x1  }
0x12e: {  	s5 =	sshrl.u32 s5, $0xB  }
0x12f: {  	s5 =	sand.u32 $0x1F, s5  }
0x130: {  	s5 =	smul.u32 $0xC, s5;
	_ =	sdelay $0x1  }
0x131: {  	s5 =	ssub.s32 s24, s5  }
0x132: {  	s22 =	sand.u32 $0xFF, s5  }
0x133: {  	p0 =	sgt.s32 s22, $0x5  }
.Ltmp8:
0x134: {  	_ = 	snop;
	(pc) =	sbr.rel @p0 .LBB2_10-.Ltmp8, $1  }
0x135: {  	_ =	sdelay $0x3  }
0x136: {  	p0 =	sgt.s32 s22, $0x2  }
0x137: {  	p1 =	seq.s32 @p0 s22, $0x3  }
0x138: {  	p2 =	por !p1, !p0  }
0x139: {  	s5 =	simm.s32 @!p2 $0x4  }
0x13a: {  	_ =	swait.ge @!p2 [sflag:s5], $0x800  }
0x13b: {  	[sflag:s5] =	ssyncset.done @!p2 $0x0  }
0x13c: {  	s6 =	simm.s32 @!p2 $0x6620;
	[sflag:s5] =	ssyncadd.s32 @!p2 $0xFFFFF800;
	s5 =	simm.s32 @!p2 $0x80  }
0x13d: {  	[spmem:s2] =	stream.indirect.scatter.add.f32 @!p2 [tilespmem:s6], [sflag:$0x10], $0x10, s25, s5, $0xb8;
	[tilespmem:$0xFE20] =	vst v63  }
0x13e: {  	p2 =	por p1, !p0  }
0x13f: {  	p2 =	seq.s32 @!p2 s22, $0x4  }
0x140: {  	p3 =	por @p0 !p2, p1  }
0x141: {  	p3 =	por p3, !p0  }
0x142: {  	s5 =	simm.s32 @!p3 $0x5  }
0x143: {  	p1 =	por @p0 p2, p1;
	_ =	swait.ge @!p3 [sflag:s5], $0x800  }
0x144: {  	p1 =	por p1, !p0;
	[sflag:s5] =	ssyncset.done @!p3 $0x0  }
0x145: {  	s6 =	simm.s32 @!p3 $0x6E20;
	[sflag:s5] =	ssyncadd.s32 @!p3 $0xFFFFF800;
	s5 =	simm.s32 @!p3 $0x80  }
0x146: {  	[spmem:s2] =	stream.indirect.scatter.add.f32 @!p3 [tilespmem:s6], [sflag:$0x11], $0x10, s25, s5, $0xb8;
	[tilespmem:$0xFE20] =	vst v63  }
0x147: {  	s5 =	simm.s32 @!p1 $0x6  }
0x148: {  	_ =	swait.ge @!p1 [sflag:s5], $0x800  }
0x149: {  	[sflag:s5] =	ssyncset.done @!p1 $0x0  }
0x14a: {  	s6 =	simm.s32 @!p1 $0x7620;
	[sflag:s5] =	ssyncadd.s32 @!p1 $0xFFFFF800;
	s5 =	simm.s32 @!p1 $0x80  }
0x14b: {  	[spmem:s2] =	stream.indirect.scatter.add.f32 @!p1 [tilespmem:s6], [sflag:$0x12], $0x10, s25, s5, $0xb8;
	[tilespmem:$0xFE20] =	vst v63  }
0x14c: {  	p1 =	seq.s32 @!p0 s22, $0x0  }
0x14d: {  	p2 =	por !p1, p0  }
0x14e: {  	s5 =	simm.s32 @!p2 $0x1  }
0x14f: {  	_ =	swait.ge @!p2 [sflag:s5], $0x800  }
0x150: {  	[sflag:s5] =	ssyncset.done @!p2 $0x0  }
0x151: {  	s6 =	simm.s32 @!p2 $0x4E20;
	[sflag:s5] =	ssyncadd.s32 @!p2 $0xFFFFF800;
	s5 =	simm.s32 @!p2 $0x80  }
0x152: {  	[spmem:s2] =	stream.indirect.scatter.add.f32 @!p2 [tilespmem:s6], [sflag:$0xD], $0x10, s25, s5, $0xb8;
	[tilespmem:$0xFE20] =	vst v63  }
0x153: {  	p2 =	por p1, p0  }
0x154: {  	p2 =	seq.s32 @!p2 s22, $0x1  }
0x155: {  	p3 =	por @!p0 !p2, p1  }
0x156: {  	p3 =	por p3, p0  }
0x157: {  	s5 =	simm.s32 @!p3 $0x2  }
0x158: {  	p1 =	por @!p0 p2, p1;
	_ =	swait.ge @!p3 [sflag:s5], $0x800  }
0x159: {  	p0 =	por p1, p0;
	[sflag:s5] =	ssyncset.done @!p3 $0x0  }
0x15a: {  	s6 =	simm.s32 @!p3 $0x5620;
	[sflag:s5] =	ssyncadd.s32 @!p3 $0xFFFFF800;
	s5 =	simm.s32 @!p3 $0x80  }
0x15b: {  	[spmem:s2] =	stream.indirect.scatter.add.f32 @!p3 [tilespmem:s6], [sflag:$0xE], $0x10, s25, s5, $0xb8;
	[tilespmem:$0xFE20] =	vst v63  }
.Ltmp9:
0x15c: {  	s5 =	simm.s32 @!p0 $0x3;
	(pc) =	sbr.rel .LBB2_11-.Ltmp9, $4  }
0x15d: {  	_ =	swait.ge @!p0 [sflag:s5], $0x800  }
0x15e: {  	[sflag:s5] =	ssyncset.done @!p0 $0x0  }
0x15f: {  	s6 =	simm.s32 @!p0 $0x5E20;
	[sflag:s5] =	ssyncadd.s32 @!p0 $0xFFFFF800;
	s5 =	simm.s32 @!p0 $0x80  }
0x160: {  	[spmem:s2] =	stream.indirect.scatter.add.f32 @!p0 [tilespmem:s6], [sflag:$0xF], $0x10, s25, s5, $0xb8;
	[tilespmem:$0xFE20] =	vst v63  }
.LBB2_13:
0x161: {  	_ =	sfence.sel $0x180000  }
0x162: {  	[bflag:$0x0] =	sbarrier.arrive $0xFFFF  }
0x163: {  	_ =	strace $0x9000004A  }
0x164: {  	s0 =	stileid.u32;
	[bflag:$0x2] =	sbarrier.arrive $0xFFFF  }
0x165: {  	p0 =	sne.s32 s0, $0x0;
	s0 =	rddreg [dreg:$0x2]  }
0x166: {  	s0 =	sadd.s32 @!p0 $0x100000, s0  }
0x167: {  	[sflag:s0] =	ssyncadd.tile.s32 @!p0 $0x1;
	_ =	shalt  }
.Lfunc_end2:
_tile_overlayer_lowered:
.L_overlay_start_2:
0x168: {  	(tag) =	ssettag $0x2  }
0x169: {  	s0 =	rddreg [dreg:$0x0];
	s2 =	stileid.u32  }
0x16a: {  	s1 =	rddreg [dreg:$0x1];
	p0 =	sne.s32 s2, $0x0  }
0x16b: {  	s3 =	rddreg [dreg:$0x2];
	[bflag:$0x3] =	sbarrier.arrive $0xFFFF;
	s2 =	simm.s32 @!p0 $0x1C19  }
0x16c: {  	[timem:s3], [sflag:s2] =	dma.local @!p0 [hbm:s0], s1  }
0x16d: {  	s0 =	simm.s32 @!p0 $0x19  }
0x16e: {  	_ =	swait.ge @!p0 [sflag:s0], s1  }
0x16f: {  	s1 =	ssub.s32 @!p0 $0x0, s1;
	[sflag:s0] =	ssyncset.done @!p0 $0x0  }
0x170: {  	[sflag:s0] =	ssyncadd.s32 @!p0 s1  }
0x171: {  	[bflag:$0x3] =	sbarrier.arrive $0xFFFF  }
0x172: {  	_ =	shalt  }

// kernel: kernel.7.cloned.1.call-start
scs
__scs_entry_jumppad:
0x0: {  	(pc) =	sbr.rel $0x88, $3  }
0x1: {  	(tag) =	ssettag $0x0;
	lr =	simm.s32 $0x1  }
0x2: {  	[smem:$0x3F98] =	sst lr;
	_ =	strace $0xD0000000  }
0x3: {  	_ = 	snop  }
0x4: {  	_ = 	snop  }
0x5: {  	_ = 	snop  }
0x6: {  	_ = 	snop  }
0x7: {  	_ = 	snop  }
__scs_overlays_trampoline_lowered:
0x8: {  	[smem:$0x3FA7] =	sst s0  }
0x9: {  	[smem:$0x3FA8] =	sst s1  }
0xa: {  	[smem:$0x3FA9] =	sst s2  }
0xb: {  	[smem:$0x3FAA] =	sst s3  }
0xc: {  	[smem:$0x3FAB] =	sst s4  }
0xd: {  	[smem:$0x3FAC] =	sst s5  }
0xe: {  	[smem:$0x3FAD] =	sst s6  }
0xf: {  	[smem:$0x3FAE] =	sst s7  }
0x10: {  	[smem:$0x3FAF] =	sst s8  }
0x11: {  	[smem:$0x3FB0] =	sst s9;
	s0 =	simm.s32 @!p0 $0x0  }
0x12: {  	s1 =	sld [smem:$0x3F96];
	s0 =	simm.s32 @p0 $0x1  }
0x13: {  	[smem:$0x3FB1] =	sst s0;
	s0 =	simm.s32 @!p1 $0x0  }
0x14: {  	s2 =	sld [smem:$0x3F95];
	s0 =	simm.s32 @p1 $0x1  }
0x15: {  	[smem:$0x3FB2] =	sst s0;
	s0 =	simm.s32 @!p2 $0x0  }
0x16: {  	s3 =	sld [smem:$0x3FDB];
	s0 =	simm.s32 @p2 $0x1  }
0x17: {  	s4 =	simm.s32 $0x1BF5;
	[smem:$0x3FB4] =	sst s0  }
0x18: {  	s0 =	sld [smem:$0x3F97];
	_ =	swait.ge [sflag:s4], $0x0  }
0x19: {  	s7 =	sld [smem:$0x3F98]  }
0x1a: {  	s8 =	sadd.s32 $0xFFFFE003, lr  }
0x1b: {  	s9 =	sadd.s32 $0xFFFFFEF7, lr;
	s5 =	simm.s32 $0xFFFFFFFF;
	p2 =	slt.u32 s8, $0xFFFFF086  }
0x1c: {  	p1 =	slt.u32 s9, $0xF7A;
	s5 =	simm.s32 @!p2 $0x0  }
0x1d: {  	s5 =	simm.s32 @p1 $0x1;
	p0 =	seq.s32 s7, s2  }
0x1e: {  	s7 =	smul.u32 @!p0 $0xF7A, s2;
	p2 =	seq.s32 @!p0 s5, $0x0  }
0x1f: {  	s9 =	smul.u32 $0xF7A, s1;
	s8 =	simm.s32 @!p0 $0x1BF5;
	p2 =	por !p2, p0  }
0x20: {  	[sflag:s8] =	ssyncset.s32 @!p0 $0xFFFFF086;
	s6 =	sadd.s32 @!p0 s3, s7;
	s7 =	simm.s32 @!p0 $0x108  }
0x21: {  	s3 =	sadd.s32 s3, s9;
	s6 =	sadd.s32 @!p0 $0x88, s6;
	s7 =	simm.s32 @p2 $0x1082  }
0x22: {  	[simem:s7], [sflag:s8] =	dma.local @!p0 [hbm:s6], $0xF7A  }
0x23: {  	s9 =	sor.u32 $0xD0000000, s2;
	s6 =	simm.s32 $0x108;
	_ =	swait.ge @!p0 [sflag:s8], $0x0  }
0x24: {  	s3 =	sadd.s32 $0x88, s3;
	s6 =	simm.s32 @!p1 $0x1082;
	[sflag:s4] =	ssyncset.s32 $0xFFFFF086  }
0x25: {  	[simem:s6], [sflag:s4] =	dma.local [hbm:s3], $0xF7A  }
0x26: {  	[smem:$0x3F98] =	sst s1;
	(tag) =	ssettag s2;
	_ =	strace s9  }
0x27: {  	s1 =	sld [smem:$0x3FA8]  }
0x28: {  	s2 =	sld [smem:$0x3FA9]  }
0x29: {  	s4 =	sld [smem:$0x3FAB]  }
0x2a: {  	p0 =	seq.s32 s5, $0x0;
	s5 =	sld [smem:$0x3FAC]  }
0x2b: {  	s6 =	sld [smem:$0x3FAD]  }
0x2c: {  	s7 =	sld [smem:$0x3FAE]  }
0x2d: {  	s3 =	simm.s32 $0x108;
	s8 =	sld [smem:$0x3FAF]  }
0x2e: {  	s3 =	simm.s32 @!p0 $0x1082;
	s9 =	sld [smem:$0x3FB0]  }
0x2f: {  	lr =	sadd.s32 s0, s3;
	s0 =	sld [smem:$0x3FA7]  }
0x30: {  	s3 =	sld [smem:$0x3FAA]  }
0x31: {  	[smem:$0x3FB3] =	sst s10  }
0x32: {  	s10 =	sld [smem:$0x3FB1];
	_ =	sdelay $0x3  }
0x33: {  	p0 =	seq.s32 s10, $0x1;
	s10 =	sld [smem:$0x3FB3];
	_ =	sdelay $0x3  }
0x34: {  	[smem:$0x3FB3] =	sst s10  }
0x35: {  	s10 =	sld [smem:$0x3FB2];
	_ =	sdelay $0x3  }
0x36: {  	p1 =	seq.s32 s10, $0x1;
	s10 =	sld [smem:$0x3FB3];
	_ =	sdelay $0x3  }
0x37: {  	[smem:$0x3FB3] =	sst s10  }
0x38: {  	s10 =	sld [smem:$0x3FB4]  }
0x39: {  	_ = 	snop;
	(pc) =	sbr.ind lr, $3  }
0x3a: {  	_ = 	snop  }
0x3b: {  	_ = 	snop  }
0x3c: {  	p2 =	seq.s32 s10, $0x1;
	s10 =	sld [smem:$0x3FB3]  }
0x3d: {  	_ =	shalt  }
0x3e: {  	_ =	shalt  }
0x3f: {  	_ =	shalt  }
0x40: {  	_ =	shalt  }
0x41: {  	_ =	shalt  }
0x42: {  	_ =	shalt  }
0x43: {  	_ =	shalt  }
0x44: {  	_ =	shalt  }
0x45: {  	_ =	shalt  }
0x46: {  	_ =	shalt  }
0x47: {  	_ =	shalt  }
0x48: {  	_ =	shalt  }
0x49: {  	_ =	shalt  }
0x4a: {  	_ =	shalt  }
0x4b: {  	_ =	shalt  }
0x4c: {  	_ =	shalt  }
0x4d: {  	_ =	shalt  }
0x4e: {  	_ =	shalt  }
0x4f: {  	_ =	shalt  }
0x50: {  	_ =	shalt  }
0x51: {  	_ =	shalt  }
0x52: {  	_ =	shalt  }
0x53: {  	_ =	shalt  }
0x54: {  	_ =	shalt  }
0x55: {  	_ =	shalt  }
0x56: {  	_ =	shalt  }
0x57: {  	_ =	shalt  }
0x58: {  	_ =	shalt  }
0x59: {  	_ =	shalt  }
0x5a: {  	_ =	shalt  }
0x5b: {  	_ =	shalt  }
0x5c: {  	_ =	shalt  }
0x5d: {  	_ =	shalt  }
0x5e: {  	_ =	shalt  }
0x5f: {  	_ =	shalt  }
0x60: {  	_ =	shalt  }
0x61: {  	_ =	shalt  }
0x62: {  	_ =	shalt  }
0x63: {  	_ =	shalt  }
0x64: {  	_ =	shalt  }
0x65: {  	_ =	shalt  }
0x66: {  	_ =	shalt  }
0x67: {  	_ =	shalt  }
0x68: {  	_ =	shalt  }
0x69: {  	_ =	shalt  }
0x6a: {  	_ =	shalt  }
0x6b: {  	_ =	shalt  }
0x6c: {  	_ =	shalt  }
0x6d: {  	_ =	shalt  }
0x6e: {  	_ =	shalt  }
0x6f: {  	_ =	shalt  }
0x70: {  	_ =	shalt  }
0x71: {  	_ =	shalt  }
0x72: {  	_ =	shalt  }
0x73: {  	_ =	shalt  }
0x74: {  	_ =	shalt  }
0x75: {  	_ =	shalt  }
0x76: {  	_ =	shalt  }
0x77: {  	_ =	shalt  }
0x78: {  	_ =	shalt  }
0x79: {  	_ =	shalt  }
0x7a: {  	_ =	shalt  }
0x7b: {  	_ =	shalt  }
0x7c: {  	_ =	shalt  }
0x7d: {  	_ =	shalt  }
0x7e: {  	_ =	shalt  }
0x7f: {  	_ =	shalt  }
0x80: {  	_ =	shalt  }
0x81: {  	_ =	shalt  }
0x82: {  	_ =	shalt  }
0x83: {  	_ =	shalt  }
0x84: {  	_ =	shalt  }
0x85: {  	_ =	shalt  }
0x86: {  	_ =	shalt  }
0x87: {  	_ =	shalt  }
.Lfunc_end0:
.L_simem_size_0:
called_computation_lowered:
.L_overlay_start_0:
0x88: {  	s2 =	sld [smem:$0x3FD9]  }
0x89: {  	s3 =	sld [smem:$0x3FFE];
	_ =	sdelay $0x1  }
0x8a: {  	s1 =	srdreg.scid  }
0x8b: {  	s0 =	sand.u32 $0x1, s1  }
0x8c: {  	s16 =	sshll.u32 s0, $0xA;
	s2 =	sadd.s32 s3, s2  }
0x8d: {  	s2 =	sadd.s32 s2, s16  }
0x8e: {  	[smem:$0x3FBF] =	sst s2  }
0x8f: {  	_ = 	snop  }
0x90: {  	(tm) =	ssettm $0x1  }
0x91: {  	s17 =	sld [smem:$0x3FFB];
	_ =	sdelay $0x3  }
0x92: {  	_ =	strace s17  }
0x93: {  	s2 =	sld [smem:$0x3FFC];
	_ =	sdelay $0x3  }
0x94: {  	_ =	strace s2  }
0x95: {  	s2 =	sld [smem:$0x3FFD];
	_ =	sdelay $0x3  }
0x96: {  	_ =	strace s2  }
0x97: {  	_ =	strace $0x8FFFFFFF  }
0x98: {  	s18 =	sld [smem:$0x3FDB];
	_ =	sdelay $0x1  }
0x99: {  	s19 =	simm.s32 $_scs_section_size  }
0x9a: {  	s4 =	simm.s32 $_size__tile_overlayer_lowered;
	s5 =	simm.s32 $_tile_overlayer_lowered  }
0x9b: {  	s22 =	simm.s32 $0x1BFF;
	s21 =	sshll.u32 s5, $0x1;
	s2 =	sadd.s32 s19, s18  }
0x9c: {  	s6 =	simm.s32 $0x0;
	s20 =	sshll.u32 s4, $0x1;
	s4 =	sadd.s32 s21, s2  }
0x9d: {  	[timem:s6], [sflag:s22] =	dma.local [hbm:s4], s20  }
0x9e: {  	_ =	swait.ge [sflag:s22], s20  }
0x9f: {  	s3 =	ssub.s32 $0x0, s20;
	[sflag:s22] =	ssyncset.done $0x0  }
0xa0: {  	[sflag:s22] =	ssyncadd.s32 s3;
	_ =	sdelay $0x1  }
0xa1: {  	s23 =	simm.s32 $0x1B8B  }
0xa2: {  	_ =	swait.ge [sflag:s23], $0x1  }
0xa3: {  	[sflag:s23] =	ssyncset.done $0x0  }
0xa4: {  	s25 =	simm.s32 $0x1B8E;
	s24 =	sld [smem:$0x3FFE];
	[sflag:s23] =	ssyncadd.s32 $0xFFFFFFFF  }
0xa5: {  	s26 =	simm.s32 $execute0_lowered;
	[smem:$0x3FD2] =	sst s25  }
0xa6: {  	s4 =	sshll.u32 s26, $0x1;
	_ =	strace $0x80000046;
	[dreg:$0x1] =	wrdreg $0xFFFFFFFF  }
0xa7: {  	s28 =	simm.s32 $_size_execute0_lowered;
	s2 =	sadd.s32 s2, s4;
	[dreg:$0x0] =	wrdreg $0x0  }
0xa8: {  	s4 =	sshll.u32 s28, $0x1;
	[dreg:$0x2] =	wrdreg s2  }
0xa9: {  	[dreg:$0x3] =	wrdreg s4  }
0xaa: {  	[dreg:$0x4] =	wrdreg $0xC0  }
0xab: {  	_ =	task [dreg:s6], $0x5FFFF  }
0xac: {  	[dreg:$0x1] =	wrdreg $0xFFFFFFFF  }
0xad: {  	[dreg:$0x0] =	wrdreg $0x60  }
0xae: {  	[dreg:$0x2] =	wrdreg s24  }
0xaf: {  	[dreg:$0x3] =	wrdreg $0xD6200  }
0xb0: {  	[dreg:$0x4] =	wrdreg $0x9  }
0xb1: {  	_ =	task.clear_ibuf [dreg:s6], $0x5FFFF;
	_ =	strace $0x90000046  }
0xb2: {  	s29 =	simm.s32 $0x9;
	_ =	strace $0x80000048  }
0xb3: {  	_ =	swait.ge [sflag:s29], $0x1  }
0xb4: {  	[sflag:s29] =	ssyncadd.s32 $0xFFFFFFFF  }
0xb5: {  	_ =	strace $0x90000048  }
0xb6: {  	_ =	sfence  }
0xb7: {  	s30 =	sld [smem:$0x0];
	_ =	sdelay $0x2  }
0xb8: {  	s31 =	sshll.u32 s1, $0xD;
	s1 =	sshrl.u32 s1, $0x2  }
0xb9: {  	s3 =	sand.u32 $0x4000, s31;
	s1 =	sadd.s32 s1, s30  }
0xba: {  	s0 =	sor.u32 s3, s0;
	s1 =	sshll.u32 s1, $0x11  }
0xbb: {  	s0 =	sor.u32 s1, s0  }
0xbc: {  	s0 =	sadd.s32 $0x8F2B, s0  }
0xbd: {  	[sflag:s0] =	ssyncadd.remote.s32 $0x1  }
0xbe: {  	_ =	sfence.sel $0xFFFF  }
0xbf: {  	[dreg:$0x0] =	wrdreg $0xFFFFFFFF;
	(pc) =	sbr.abs _section_cstart, $3  }
0xc0: {  	[dreg:$0x1] =	wrdreg $0xFFFFFFFF  }
0xc1: {  	_ =	task.clear_ibuf [dreg:s6], $0x2FFFF;
	_ =	strace $0x9FFFFFFF  }
0xc2: {  	(tm) =	ssettm $0x7FFFFFFF  }
0xc3: {  	_ =	shalt  }
tec
execute0_lowered:
.L_overlay_start_1:
0x0: {  	(tag) =	ssettag $0x1  }
0x1: {  	s0 =	srdreg.scid;
	s1 =	rddreg [dreg:$0x0]  }
0x2: {  	s8 =	stileid.u32;
	s2 =	rddreg [dreg:$0x1];
	s11 =	simm.s32 $0xAE20  }
0x3: {  	s12 =	simm.s32 $0x19;
	s13 =	simm.s32 $0x1;
	s14 =	simm.s32 $0x2  }
0x4: {  	s15 =	simm.s32 $0x80;
	s16 =	simm.s32 $0x4E20;
	s28 =	simm.s32 $0xE  }
0x5: {  	s29 =	simm.s32 $0xF;
	s30 =	simm.s32 $0x10;
	s31 =	simm.s32 $0x11  }
0x6: {  	s10 =	simm.s32 $0x14;
	s17 =	simm.s32 $0x15;
	s18 =	simm.s32 $0x16  }
0x7: {  	s19 =	simm.s32 $0x17;
	s20 =	simm.s32 $0x18;
	s6 =	smul.u32 $0x500, s8  }
0x8: {  	s0 =	sand.u32 $0x1, s0;
	s3 =	sshll.u32 s8, $0x1;
	s8 =	smul.u32 $0xA000, s8  }
0x9: {  	s4 =	sor.u32 s0, s3;
	s3 =	simm.s32 $0x0;
	s7 =	smul.u32 $0x5000, s0  }
0xa: {  	s0 =	ssub.s32 $0x2, s0;
	s5 =	smul.u32 $0x2710, s4;
	[smem:$0x7FF] =	sst s3  }
0xb: {  	s4 =	sadd.s32 $0x15C00, s1;
	s23 =	sshrl.u32 s0, $0x1;
	s24 =	sshrl.u32 s8, $0x2  }
0xc: {  	_ =	strace $0x80000047;
	s22 =	sadd.s32 s6, s7;
	s0 =	ssub.s32 s0, s23  }
.Ltmp0:
0xd: {  	s7 =	sadd.s32 s24, s2;
	s5 =	sshrl.u32 s5, $0x3;
	(pc) =	sbr.rel .LBB2_1-.Ltmp0, $4  }
0xe: {  	s23 =	simm.s32 $0x0;
	s9 =	sadd.s32 s5, s1;
	s1 =	sadd.s32 s22, s1  }
0xf: {  	s25 =	sadd.s32 $0x2200, s9;
	s26 =	sadd.s32 $0xBE40, s9;
	s8 =	sadd.s32 $0x1AC00, s1  }
0x10: {  	s9 =	smax.u32 s0, $0x1;
	s1 =	simm.s32 $0x12;
	[dreg:$0x3] =	wrdreg s25  }
0x11: {  	v0 =	vimm.f32 $0.0e+00;
	s0 =	simm.s32 $0x13;
	[dreg:$0x4] =	wrdreg s26;
	s26 =	simm.s32 $0xD  }
.LBB2_12:
0x12: {  	_ =	swait.ge [sflag:s26], $0x800  }
0x13: {  	[sflag:s26] =	ssyncset.done $0x0  }
0x14: {  	[sflag:s26] =	ssyncadd.s32 $0xFFFFF800  }
0x15: {  	_ =	swait.ge [sflag:s28], $0x800  }
0x16: {  	[sflag:s28] =	ssyncset.done $0x0  }
0x17: {  	[sflag:s28] =	ssyncadd.s32 $0xFFFFF800  }
0x18: {  	_ =	swait.ge [sflag:s29], $0x800  }
0x19: {  	[sflag:s29] =	ssyncset.done $0x0  }
0x1a: {  	[sflag:s29] =	ssyncadd.s32 $0xFFFFF800  }
0x1b: {  	_ =	swait.ge [sflag:s30], $0x800  }
0x1c: {  	[sflag:s30] =	ssyncset.done $0x0  }
0x1d: {  	[sflag:s30] =	ssyncadd.s32 $0xFFFFF800  }
0x1e: {  	_ =	swait.ge [sflag:s31], $0x800  }
0x1f: {  	[sflag:s31] =	ssyncset.done $0x0  }
0x20: {  	[sflag:s31] =	ssyncadd.s32 $0xFFFFF800  }
0x21: {  	_ =	swait.ge [sflag:s1], $0x800  }
0x22: {  	[sflag:s1] =	ssyncset.done $0x0  }
0x23: {  	[sflag:s1] =	ssyncadd.s32 $0xFFFFF800  }
0x24: {  	_ =	swait.ge [sflag:s0], $0x800  }
0x25: {  	[sflag:s0] =	ssyncset.done $0x0  }
0x26: {  	[sflag:s0] =	ssyncadd.s32 $0xFFFFF800  }
0x27: {  	_ =	swait.ge [sflag:s10], $0x800  }
0x28: {  	[sflag:s10] =	ssyncset.done $0x0  }
0x29: {  	[sflag:s10] =	ssyncadd.s32 $0xFFFFF800  }
0x2a: {  	_ =	swait.ge [sflag:s17], $0x800  }
0x2b: {  	[sflag:s17] =	ssyncset.done $0x0  }
0x2c: {  	[sflag:s17] =	ssyncadd.s32 $0xFFFFF800  }
0x2d: {  	_ =	swait.ge [sflag:s18], $0x800  }
0x2e: {  	[sflag:s18] =	ssyncset.done $0x0  }
0x2f: {  	[sflag:s18] =	ssyncadd.s32 $0xFFFFF800  }
0x30: {  	_ =	swait.ge [sflag:s19], $0x800  }
0x31: {  	[sflag:s19] =	ssyncset.done $0x0  }
0x32: {  	[sflag:s19] =	ssyncadd.s32 $0xFFFFF800  }
0x33: {  	_ =	swait.ge [sflag:s20], $0x800  }
0x34: {  	[sflag:s20] =	ssyncset.done $0x0  }
0x35: {  	s5 =	simm.s32 $0x2700;
	[sflag:s20] =	ssyncadd.s32 $0xFFFFF800  }
0x36: {  	[tilespmem:s16], [sflag:$0x1] =	stream.indirect.gather [hbm4b:s4+s30], $0x10, s5, s30, $0xb8;
	[tilespmem:$0xFE20] =	vst v63  }
0x37: {  	_ =	swait.ge [sflag:s13], $0x100  }
0x38: {  	[sflag:s13] =	ssyncset.done $0x0  }
0x39: {  	s25 =	simm.s32 $0x4E10;
	[sflag:s13] =	ssyncadd.s32 $0xFFFFFF00  }
0x3a: {  	[spmem:s2] =	stream.indirect.scatter.add.f32 [tilespmem:s16], [sflag:$0x19], $0x10, s25, s30, $0xb8;
	[tilespmem:$0xFE20] =	vst v63  }
0x3b: {  	_ =	swait.ge [sflag:s12], $0x100  }
0x3c: {  	[sflag:s12] =	ssyncset.done $0x0  }
0x3d: {  	[sflag:s12] =	ssyncadd.s32 $0xFFFFFF00  }
0x3e: {  	[bflag:$0x0] =	sbarrier.arrive $0xFFFF  }
0x3f: {  	[tilespmem:s11], [sflag:$0x19] =	stream.linear.gather [spmem:s7], $0x2800, $0x38;
	[tilespmem:$0xFE20] =	vst v63  }
0x40: {  	s23 =	sadd.s32 $0x1, s23;
	_ =	swait.ge [sflag:s12], $0x2800  }
0x41: {  	p0 =	sne.s32 s23, s9;
	[sflag:s12] =	ssyncset.done $0x0  }
.Ltmp1:
0x42: {  	[sflag:s12] =	ssyncadd.s32 $0xFFFFD800;
	(pc) =	sbr.rel @!p0 .LBB2_13-.Ltmp1, $4  }
0x43: {  	[hbm4b:s8+s3] =	stream.linear.scatter [tilespmem:s11], [sflag:$0x19], $0x2800, $0x38;
	[tilespmem:$0xFE20] =	vst v63  }
0x44: {  	_ =	swait.ge [sflag:s12], $0x2800  }
0x45: {  	[sflag:s12] =	ssyncset.done $0x0  }
0x46: {  	[sflag:s12] =	ssyncadd.s32 $0xFFFFD800  }
.LBB2_1:
0x47: {  	s5 =	rddreg [dreg:$0x3]  }
0x48: {  	s25 =	rddreg [dreg:$0x4]  }
0x49: {  	[tilespmem:s3], [sflag:$0x1] =	stream.linear.gather [hbm4b:s5+s3], $0x2710, $0x38;
	[tilespmem:$0xFE20] =	vst v63  }
0x4a: {  	s6 =	simm.s32 $0x2710;
	s21 =	simm.s32 $0x40;
	s22 =	simm.s32 $0x0  }
0x4b: {  	[tilespmem:s6], [sflag:$0x2] =	stream.linear.gather [hbm4b:s25+s3], $0x2710, $0x38;
	[tilespmem:$0xFE20] =	vst v63  }
.LBB2_2:
0x4c: {  	p0 =	sne.s32 s21, $0x9FC0;
	[tilespmem:s22+$0xAE20] =	vst v0;
	s22 =	smov.u32 s21;
	s21 =	sadd.s32 $0x40, s21  }
.Ltmp2:
0x4d: {  	(pc) =	sbr.rel @p0 .LBB2_2-.Ltmp2, $2  }
0x4e: {  	_ =	sdelay $0x2  }
0x4f: {  	s22 =	sshra.s32 s22, $0x2  }
0x50: {  	[tilespmem:s22+$0xAE20] =	vst v0  }
0x51: {  	[spmem:s7] =	stream.linear.scatter [tilespmem:s11], [sflag:$0x19], $0x2800, $0x38;
	[tilespmem:$0xFE20] =	vst v63  }
0x52: {  	_ =	swait.ge [sflag:s12], $0x2800  }
0x53: {  	[sflag:s12] =	ssyncset.done $0x0  }
0x54: {  	[sflag:s12] =	ssyncadd.s32 $0xFFFFD800  }
0x55: {  	_ =	swait.ge [sflag:s13], $0x2710  }
0x56: {  	[sflag:s13] =	ssyncset.done $0x0  }
0x57: {  	[sflag:s13] =	ssyncadd.s32 $0xFFFFD8F0  }
0x58: {  	_ =	swait.ge [sflag:s14], $0x2710  }
0x59: {  	[sflag:s14] =	ssyncset.done $0x0  }
0x5a: {  	[sflag:s14] =	ssyncadd.s32 $0xFFFFD8F0  }
0x5b: {  	s24 =	simm.s32 $0x0;
	[bflag:$0x0] =	sbarrier.arrive $0xFFFF  }
0x5c: {  	[tilespmem:s16], [sflag:$0x1] =	stream.indirect.gather [hbm4b:s4+s15], $0x10, s24, s15, $0xb8;
	[tilespmem:$0xFE20] =	vst v63  }
0x5d: {  	s5 =	simm.s32 $0x5620  }
0x5e: {  	[tilespmem:s5], [sflag:$0x2] =	stream.indirect.gather [hbm4b:s4+s15], $0x10, s15, s15, $0xb8;
	[tilespmem:$0xFE20] =	vst v63  }
0x5f: {  	s21 =	simm.s32 $0x100;
	s6 =	simm.s32 $0x5E20  }
0x60: {  	[tilespmem:s6], [sflag:$0x3] =	stream.indirect.gather [hbm4b:s4+s15], $0x10, s21, s15, $0xb8;
	[tilespmem:$0xFE20] =	vst v63  }
0x61: {  	s22 =	simm.s32 $0x180;
	s25 =	simm.s32 $0x6620  }
0x62: {  	[tilespmem:s25], [sflag:$0x4] =	stream.indirect.gather [hbm4b:s4+s15], $0x10, s22, s15, $0xb8;
	[tilespmem:$0xFE20] =	vst v63  }
.Ltmp3:
0x63: {  	s6 =	simm.s32 $0x200;
	s21 =	simm.s32 $0x6E20;
	(pc) =	sbr.rel .LBB2_4-.Ltmp3, $4  }
0x64: {  	[tilespmem:s21], [sflag:$0x5] =	stream.indirect.gather [hbm4b:s4+s15], $0x10, s6, s15, $0xb8;
	[tilespmem:$0xFE20] =	vst v63  }
0x65: {  	s22 =	simm.s32 $0x280;
	s25 =	simm.s32 $0x7620  }
0x66: {  	[tilespmem:s25], [sflag:$0x6] =	stream.indirect.gather [hbm4b:s4+s15], $0x10, s22, s15, $0xb8;
	[tilespmem:$0xFE20] =	vst v63  }
0x67: {  	s21 =	simm.s32 $0x300;
	s25 =	simm.s32 $0x2710  }
.LBB2_10:
0x68: {  	p0 =	sgt.s32 s22, $0x8  }
0x69: {  	p1 =	seq.s32 @p0 s22, $0x9  }
0x6a: {  	p2 =	por !p1, !p0  }
0x6b: {  	s5 =	simm.s32 @!p2 $0xA  }
0x6c: {  	_ =	swait.ge @!p2 [sflag:s5], $0x800  }
0x6d: {  	[sflag:s5] =	ssyncset.done @!p2 $0x0  }
0x6e: {  	s6 =	simm.s32 @!p2 $0x9620;
	[sflag:s5] =	ssyncadd.s32 @!p2 $0xFFFFF800;
	s5 =	simm.s32 @!p2 $0x80  }
0x6f: {  	[spmem:s2] =	stream.indirect.scatter.add.f32 @!p2 [tilespmem:s6], [sflag:$0x16], $0x10, s25, s5, $0xb8;
	[tilespmem:$0xFE20] =	vst v63  }
0x70: {  	p2 =	por p1, !p0  }
0x71: {  	p2 =	seq.s32 @!p2 s22, $0xA  }
0x72: {  	p3 =	por @p0 !p2, p1  }
0x73: {  	p3 =	por p3, !p0  }
0x74: {  	s5 =	simm.s32 @!p3 $0xB  }
0x75: {  	p1 =	por @p0 p2, p1;
	_ =	swait.ge @!p3 [sflag:s5], $0x800  }
0x76: {  	p1 =	por p1, !p0;
	[sflag:s5] =	ssyncset.done @!p3 $0x0  }
0x77: {  	s6 =	simm.s32 @!p3 $0x9E20;
	[sflag:s5] =	ssyncadd.s32 @!p3 $0xFFFFF800;
	s5 =	simm.s32 @!p3 $0x80  }
0x78: {  	[spmem:s2] =	stream.indirect.scatter.add.f32 @!p3 [tilespmem:s6], [sflag:$0x17], $0x10, s25, s5, $0xb8;
	[tilespmem:$0xFE20] =	vst v63  }
0x79: {  	s5 =	simm.s32 @!p1 $0xC  }
0x7a: {  	_ =	swait.ge @!p1 [sflag:s5], $0x800  }
0x7b: {  	[sflag:s5] =	ssyncset.done @!p1 $0x0  }
0x7c: {  	s6 =	simm.s32 @!p1 $0xA620;
	[sflag:s5] =	ssyncadd.s32 @!p1 $0xFFFFF800;
	s5 =	simm.s32 @!p1 $0x80  }
0x7d: {  	[spmem:s2] =	stream.indirect.scatter.add.f32 @!p1 [tilespmem:s6], [sflag:$0x18], $0x10, s25, s5, $0xb8;
	[tilespmem:$0xFE20] =	vst v63  }
0x7e: {  	p1 =	seq.s32 @!p0 s22, $0x6  }
0x7f: {  	p2 =	por !p1, p0  }
0x80: {  	s5 =	simm.s32 @!p2 $0x7  }
0x81: {  	_ =	swait.ge @!p2 [sflag:s5], $0x800  }
0x82: {  	[sflag:s5] =	ssyncset.done @!p2 $0x0  }
0x83: {  	s6 =	simm.s32 @!p2 $0x7E20;
	[sflag:s5] =	ssyncadd.s32 @!p2 $0xFFFFF800;
	s5 =	simm.s32 @!p2 $0x80  }
0x84: {  	[spmem:s2] =	stream.indirect.scatter.add.f32 @!p2 [tilespmem:s6], [sflag:$0x13], $0x10, s25, s5, $0xb8;
	[tilespmem:$0xFE20] =	vst v63  }
0x85: {  	p2 =	por p1, p0  }
0x86: {  	p2 =	seq.s32 @!p2 s22, $0x7  }
0x87: {  	p3 =	por @!p0 !p2, p1  }
0x88: {  	p3 =	por p3, p0  }
0x89: {  	s5 =	simm.s32 @!p3 $0x8  }
0x8a: {  	p1 =	por @!p0 p2, p1;
	_ =	swait.ge @!p3 [sflag:s5], $0x800  }
0x8b: {  	p0 =	por p1, p0;
	[sflag:s5] =	ssyncset.done @!p3 $0x0  }
0x8c: {  	s6 =	simm.s32 @!p3 $0x8620;
	[sflag:s5] =	ssyncadd.s32 @!p3 $0xFFFFF800;
	s5 =	simm.s32 @!p3 $0x80  }
0x8d: {  	[spmem:s2] =	stream.indirect.scatter.add.f32 @!p3 [tilespmem:s6], [sflag:$0x14], $0x10, s25, s5, $0xb8;
	[tilespmem:$0xFE20] =	vst v63  }
0x8e: {  	s5 =	simm.s32 @!p0 $0x9  }
0x8f: {  	_ =	swait.ge @!p0 [sflag:s5], $0x800  }
0x90: {  	[sflag:s5] =	ssyncset.done @!p0 $0x0  }
0x91: {  	s6 =	simm.s32 @!p0 $0x8E20;
	[sflag:s5] =	ssyncadd.s32 @!p0 $0xFFFFF800;
	s5 =	simm.s32 @!p0 $0x80  }
0x92: {  	[spmem:s2] =	stream.indirect.scatter.add.f32 @!p0 [tilespmem:s6], [sflag:$0x15], $0x10, s25, s5, $0xb8;
	[tilespmem:$0xFE20] =	vst v63  }
.LBB2_11:
0x93: {  	s24 =	sadd.s32 $0x1, s24  }
0x94: {  	p0 =	sne.s32 s24, $0x4E  }
.Ltmp4:
0x95: {  	_ = 	snop;
	(pc) =	sbr.rel @!p0 .LBB2_12-.Ltmp4, $2  }
0x96: {  	_ =	sdelay $0x2  }
0x97: {  	s25 =	sadd.s32 $0x80, s25;
	s21 =	sadd.s32 $0x80, s21  }
.LBB2_4:
0x98: {  	p0 =	sgt.u32 s24, $0x47  }
.Ltmp5:
0x99: {  	_ = 	snop;
	(pc) =	sbr.rel @p0 .LBB2_8-.Ltmp5, $1  }
0x9a: {  	_ =	sdelay $0x3  }
0x9b: {  	s22 =	sadd.s32 $0x6, s24  }
0x9c: {  	s5 =	smul.u32 $0xAB, s22;
	_ =	sdelay $0x1  }
0x9d: {  	s5 =	sshrl.u32 s5, $0xB  }
0x9e: {  	s5 =	sand.u32 $0x1F, s5  }
0x9f: {  	s5 =	smul.u32 $0xC, s5;
	_ =	sdelay $0x1  }
0xa0: {  	s5 =	ssub.s32 s22, s5  }
0xa1: {  	s22 =	sand.u32 $0xFF, s5  }
0xa2: {  	p0 =	sgt.s32 s22, $0x5  }
.Ltmp6:
0xa3: {  	_ = 	snop;
	(pc) =	sbr.rel @p0 .LBB2_7-.Ltmp6, $1  }
0xa4: {  	_ =	sdelay $0x3  }
0xa5: {  	p0 =	sgt.s32 s22, $0x2  }
0xa6: {  	p1 =	seq.s32 @p0 s22, $0x3  }
0xa7: {  	p2 =	por !p1, !p0  }
0xa8: {  	p3 =	slt.u32 @!p2 s24, $0x6  }
0xa9: {  	p3 =	por @p0 p3, !p1  }
0xaa: {  	p3 =	por p3, !p0  }
0xab: {  	s5 =	simm.s32 @!p3 $0x10  }
0xac: {  	_ =	swait.ge @!p3 [sflag:s5], $0x800  }
0xad: {  	[sflag:s5] =	ssyncset.done @!p3 $0x0  }
0xae: {  	s6 =	simm.s32 @!p2 $0x6620;
	[sflag:s5] =	ssyncadd.s32 @!p3 $0xFFFFF800;
	s5 =	simm.s32 @!p2 $0x80  }
0xaf: {  	[tilespmem:s6], [sflag:$0x4] =	stream.indirect.gather @!p2 [hbm4b:s4+s5], $0x10, s21, s5, $0xb8;
	[tilespmem:$0xFE20] =	vst v63  }
0xb0: {  	p2 =	por p1, !p0  }
0xb1: {  	p3 =	seq.s32 @!p2 s22, $0x4  }
0xb2: {  	p4 =	por @p0 !p3, p1  }
0xb3: {  	p4 =	por p4, !p0  }
0xb4: {  	p5 =	slt.u32 @!p4 s24, $0x6  }
0xb5: {  	p5 =	por @!p2 p5, !p3  }
0xb6: {  	p5 =	por @p0 p5, p1  }
0xb7: {  	p5 =	por p5, !p0  }
0xb8: {  	s5 =	simm.s32 @!p5 $0x11  }
0xb9: {  	_ =	swait.ge @!p5 [sflag:s5], $0x800  }
0xba: {  	[sflag:s5] =	ssyncset.done @!p5 $0x0  }
0xbb: {  	s6 =	simm.s32 @!p4 $0x6E20;
	[sflag:s5] =	ssyncadd.s32 @!p5 $0xFFFFF800;
	s5 =	simm.s32 @!p4 $0x80  }
0xbc: {  	[tilespmem:s6], [sflag:$0x5] =	stream.indirect.gather @!p4 [hbm4b:s4+s5], $0x10, s21, s5, $0xb8;
	[tilespmem:$0xFE20] =	vst v63  }
0xbd: {  	p4 =	por @p0 p3, p1  }
0xbe: {  	p4 =	por p4, !p0  }
0xbf: {  	p5 =	slt.u32 @!p4 s24, $0x6  }
0xc0: {  	p2 =	por @!p2 p5, p3  }
0xc1: {  	p1 =	por @p0 p2, p1  }
0xc2: {  	p1 =	por p1, !p0  }
0xc3: {  	s5 =	simm.s32 @!p1 $0x12  }
0xc4: {  	_ =	swait.ge @!p1 [sflag:s5], $0x800  }
0xc5: {  	s6 =	simm.s32 @!p4 $0x7620;
	[sflag:s5] =	ssyncset.done @!p1 $0x0  }
0xc6: {  	[sflag:s5] =	ssyncadd.s32 @!p1 $0xFFFFF800;
	s5 =	simm.s32 @!p4 $0x80;
	p1 =	seq.s32 @!p0 s22, $0x0  }
0xc7: {  	[tilespmem:s6], [sflag:$0x6] =	stream.indirect.gather @!p4 [hbm4b:s4+s5], $0x10, s21, s5, $0xb8;
	[tilespmem:$0xFE20] =	vst v63  }
0xc8: {  	p2 =	por !p1, p0  }
0xc9: {  	p3 =	slt.u32 @!p2 s24, $0x6  }
0xca: {  	p3 =	por @!p0 p3, !p1  }
0xcb: {  	p3 =	por p3, p0  }
0xcc: {  	s5 =	simm.s32 @!p3 $0xD  }
0xcd: {  	_ =	swait.ge @!p3 [sflag:s5], $0x800  }
0xce: {  	[sflag:s5] =	ssyncset.done @!p3 $0x0  }
0xcf: {  	s6 =	simm.s32 @!p2 $0x4E20;
	[sflag:s5] =	ssyncadd.s32 @!p3 $0xFFFFF800;
	s5 =	simm.s32 @!p2 $0x80  }
0xd0: {  	[tilespmem:s6], [sflag:$0x1] =	stream.indirect.gather @!p2 [hbm4b:s4+s5], $0x10, s21, s5, $0xb8;
	[tilespmem:$0xFE20] =	vst v63  }
0xd1: {  	p2 =	por p1, p0  }
0xd2: {  	p3 =	seq.s32 @!p2 s22, $0x1  }
0xd3: {  	p4 =	por @!p0 !p3, p1  }
0xd4: {  	p4 =	por p4, p0  }
0xd5: {  	p5 =	slt.u32 @!p4 s24, $0x6  }
0xd6: {  	p5 =	por @!p2 p5, !p3  }
0xd7: {  	p5 =	por @!p0 p5, p1  }
0xd8: {  	p5 =	por p5, p0  }
0xd9: {  	s5 =	simm.s32 @!p5 $0xE  }
0xda: {  	_ =	swait.ge @!p5 [sflag:s5], $0x800  }
0xdb: {  	[sflag:s5] =	ssyncset.done @!p5 $0x0  }
0xdc: {  	s6 =	simm.s32 @!p4 $0x5620;
	[sflag:s5] =	ssyncadd.s32 @!p5 $0xFFFFF800;
	s5 =	simm.s32 @!p4 $0x80  }
0xdd: {  	[tilespmem:s6], [sflag:$0x2] =	stream.indirect.gather @!p4 [hbm4b:s4+s5], $0x10, s21, s5, $0xb8;
	[tilespmem:$0xFE20] =	vst v63  }
0xde: {  	p4 =	por @!p0 p3, p1  }
0xdf: {  	p4 =	por p4, p0  }
0xe0: {  	p5 =	slt.u32 @!p4 s24, $0x6  }
0xe1: {  	p2 =	por @!p2 p5, p3  }
0xe2: {  	p1 =	por @!p0 p2, p1  }
0xe3: {  	p0 =	por p1, p0  }
.Ltmp7:
0xe4: {  	s5 =	simm.s32 @!p0 $0xF;
	(pc) =	sbr.rel .LBB2_8-.Ltmp7, $4  }
0xe5: {  	_ =	swait.ge @!p0 [sflag:s5], $0x800  }
0xe6: {  	[sflag:s5] =	ssyncset.done @!p0 $0x0  }
0xe7: {  	s6 =	simm.s32 @!p4 $0x5E20;
	[sflag:s5] =	ssyncadd.s32 @!p0 $0xFFFFF800;
	s5 =	simm.s32 @!p4 $0x80  }
0xe8: {  	[tilespmem:s6], [sflag:$0x3] =	stream.indirect.gather @!p4 [hbm4b:s4+s5], $0x10, s21, s5, $0xb8;
	[tilespmem:$0xFE20] =	vst v63  }
.LBB2_7:
0xe9: {  	p0 =	sgt.s32 s22, $0x8  }
0xea: {  	p1 =	seq.s32 @p0 s22, $0x9  }
0xeb: {  	p2 =	por !p1, !p0  }
0xec: {  	p3 =	slt.u32 @!p2 s24, $0x6  }
0xed: {  	p3 =	por @p0 p3, !p1  }
0xee: {  	p3 =	por p3, !p0  }
0xef: {  	s5 =	simm.s32 @!p3 $0x16  }
0xf0: {  	_ =	swait.ge @!p3 [sflag:s5], $0x800  }
0xf1: {  	[sflag:s5] =	ssyncset.done @!p3 $0x0  }
0xf2: {  	s6 =	simm.s32 @!p2 $0x9620;
	[sflag:s5] =	ssyncadd.s32 @!p3 $0xFFFFF800;
	s5 =	simm.s32 @!p2 $0x80  }
0xf3: {  	[tilespmem:s6], [sflag:$0xA] =	stream.indirect.gather @!p2 [hbm4b:s4+s5], $0x10, s21, s5, $0xb8;
	[tilespmem:$0xFE20] =	vst v63  }
0xf4: {  	p2 =	por p1, !p0  }
0xf5: {  	p3 =	seq.s32 @!p2 s22, $0xA  }
0xf6: {  	p4 =	por @p0 !p3, p1  }
0xf7: {  	p4 =	por p4, !p0  }
0xf8: {  	p5 =	slt.u32 @!p4 s24, $0x6  }
0xf9: {  	p5 =	por @!p2 p5, !p3  }
0xfa: {  	p5 =	por @p0 p5, p1  }
0xfb: {  	p5 =	por p5, !p0  }
0xfc: {  	s5 =	simm.s32 @!p5 $0x17  }
0xfd: {  	_ =	swait.ge @!p5 [sflag:s5], $0x800  }
0xfe: {  	[sflag:s5] =	ssyncset.done @!p5 $0x0  }
0xff: {  	s6 =	simm.s32 @!p4 $0x9E20;
	[sflag:s5] =	ssyncadd.s32 @!p5 $0xFFFFF800;
	s5 =	simm.s32 @!p4 $0x80  }
0x100: {  	[tilespmem:s6], [sflag:$0xB] =	stream.indirect.gather @!p4 [hbm4b:s4+s5], $0x10, s21, s5, $0xb8;
	[tilespmem:$0xFE20] =	vst v63  }
0x101: {  	p4 =	por @p0 p3, p1  }
0x102: {  	p4 =	por p4, !p0  }
0x103: {  	p5 =	slt.u32 @!p4 s24, $0x6  }
0x104: {  	p2 =	por @!p2 p5, p3  }
0x105: {  	p1 =	por @p0 p2, p1  }
0x106: {  	p1 =	por p1, !p0  }
0x107: {  	s5 =	simm.s32 @!p1 $0x18  }
0x108: {  	_ =	swait.ge @!p1 [sflag:s5], $0x800  }
0x109: {  	s6 =	simm.s32 @!p4 $0xA620;
	[sflag:s5] =	ssyncset.done @!p1 $0x0  }
0x10a: {  	[sflag:s5] =	ssyncadd.s32 @!p1 $0xFFFFF800;
	s5 =	simm.s32 @!p4 $0x80;
	p1 =	seq.s32 @!p0 s22, $0x6  }
0x10b: {  	[tilespmem:s6], [sflag:$0xC] =	stream.indirect.gather @!p4 [hbm4b:s4+s5], $0x10, s21, s5, $0xb8;
	[tilespmem:$0xFE20] =	vst v63  }
0x10c: {  	p2 =	por !p1, p0  }
0x10d: {  	p3 =	slt.u32 @!p2 s24, $0x6  }
0x10e: {  	p3 =	por @!p0 p3, !p1  }
0x10f: {  	p3 =	por p3, p0  }
0x110: {  	s5 =	simm.s32 @!p3 $0x13  }
0x111: {  	_ =	swait.ge @!p3 [sflag:s5], $0x800  }
0x112: {  	[sflag:s5] =	ssyncset.done @!p3 $0x0  }
0x113: {  	s6 =	simm.s32 @!p2 $0x7E20;
	[sflag:s5] =	ssyncadd.s32 @!p3 $0xFFFFF800;
	s5 =	simm.s32 @!p2 $0x80  }
0x114: {  	[tilespmem:s6], [sflag:$0x7] =	stream.indirect.gather @!p2 [hbm4b:s4+s5], $0x10, s21, s5, $0xb8;
	[tilespmem:$0xFE20] =	vst v63  }
0x115: {  	p2 =	por p1, p0  }
0x116: {  	p3 =	seq.s32 @!p2 s22, $0x7  }
0x117: {  	p4 =	por @!p0 !p3, p1  }
0x118: {  	p4 =	por p4, p0  }
0x119: {  	p5 =	slt.u32 @!p4 s24, $0x6  }
0x11a: {  	p5 =	por @!p2 p5, !p3  }
0x11b: {  	p5 =	por @!p0 p5, p1  }
0x11c: {  	p5 =	por p5, p0  }
0x11d: {  	s5 =	simm.s32 @!p5 $0x14  }
0x11e: {  	_ =	swait.ge @!p5 [sflag:s5], $0x800  }
0x11f: {  	[sflag:s5] =	ssyncset.done @!p5 $0x0  }
0x120: {  	s6 =	simm.s32 @!p4 $0x8620;
	[sflag:s5] =	ssyncadd.s32 @!p5 $0xFFFFF800;
	s5 =	simm.s32 @!p4 $0x80  }
0x121: {  	[tilespmem:s6], [sflag:$0x8] =	stream.indirect.gather @!p4 [hbm4b:s4+s5], $0x10, s21, s5, $0xb8;
	[tilespmem:$0xFE20] =	vst v63  }
0x122: {  	p4 =	por @!p0 p3, p1  }
0x123: {  	p4 =	por p4, p0  }
0x124: {  	p5 =	slt.u32 @!p4 s24, $0x6  }
0x125: {  	p2 =	por @!p2 p5, p3  }
0x126: {  	p1 =	por @!p0 p2, p1  }
0x127: {  	p0 =	por p1, p0  }
0x128: {  	s5 =	simm.s32 @!p0 $0x15  }
0x129: {  	_ =	swait.ge @!p0 [sflag:s5], $0x800  }
0x12a: {  	[sflag:s5] =	ssyncset.done @!p0 $0x0  }
0x12b: {  	s6 =	simm.s32 @!p4 $0x8E20;
	[sflag:s5] =	ssyncadd.s32 @!p0 $0xFFFFF800;
	s5 =	simm.s32 @!p4 $0x80  }
0x12c: {  	[tilespmem:s6], [sflag:$0x9] =	stream.indirect.gather @!p4 [hbm4b:s4+s5], $0x10, s21, s5, $0xb8;
	[tilespmem:$0xFE20] =	vst v63  }
.LBB2_8:
0x12d: {  	s5 =	smul.u32 $0xAB, s24;
	_ =	sdelay $0x1  }
0x12e: {  	s5 =	sshrl.u32 s5, $0xB  }
0x12f: {  	s5 =	sand.u32 $0x1F, s5  }
0x130: {  	s5 =	smul.u32 $0xC, s5;
	_ =	sdelay $0x1  }
0x131: {  	s5 =	ssub.s32 s24, s5  }
0x132: {  	s22 =	sand.u32 $0xFF, s5  }
0x133: {  	p0 =	sgt.s32 s22, $0x5  }
.Ltmp8:
0x134: {  	_ = 	snop;
	(pc) =	sbr.rel @p0 .LBB2_10-.Ltmp8, $1  }
0x135: {  	_ =	sdelay $0x3  }
0x136: {  	p0 =	sgt.s32 s22, $0x2  }
0x137: {  	p1 =	seq.s32 @p0 s22, $0x3  }
0x138: {  	p2 =	por !p1, !p0  }
0x139: {  	s5 =	simm.s32 @!p2 $0x4  }
0x13a: {  	_ =	swait.ge @!p2 [sflag:s5], $0x800  }
0x13b: {  	[sflag:s5] =	ssyncset.done @!p2 $0x0  }
0x13c: {  	s6 =	simm.s32 @!p2 $0x6620;
	[sflag:s5] =	ssyncadd.s32 @!p2 $0xFFFFF800;
	s5 =	simm.s32 @!p2 $0x80  }
0x13d: {  	[spmem:s2] =	stream.indirect.scatter.add.f32 @!p2 [tilespmem:s6], [sflag:$0x10], $0x10, s25, s5, $0xb8;
	[tilespmem:$0xFE20] =	vst v63  }
0x13e: {  	p2 =	por p1, !p0  }
0x13f: {  	p2 =	seq.s32 @!p2 s22, $0x4  }
0x140: {  	p3 =	por @p0 !p2, p1  }
0x141: {  	p3 =	por p3, !p0  }
0x142: {  	s5 =	simm.s32 @!p3 $0x5  }
0x143: {  	p1 =	por @p0 p2, p1;
	_ =	swait.ge @!p3 [sflag:s5], $0x800  }
0x144: {  	p1 =	por p1, !p0;
	[sflag:s5] =	ssyncset.done @!p3 $0x0  }
0x145: {  	s6 =	simm.s32 @!p3 $0x6E20;
	[sflag:s5] =	ssyncadd.s32 @!p3 $0xFFFFF800;
	s5 =	simm.s32 @!p3 $0x80  }
0x146: {  	[spmem:s2] =	stream.indirect.scatter.add.f32 @!p3 [tilespmem:s6], [sflag:$0x11], $0x10, s25, s5, $0xb8;
	[tilespmem:$0xFE20] =	vst v63  }
0x147: {  	s5 =	simm.s32 @!p1 $0x6  }
0x148: {  	_ =	swait.ge @!p1 [sflag:s5], $0x800  }
0x149: {  	[sflag:s5] =	ssyncset.done @!p1 $0x0  }
0x14a: {  	s6 =	simm.s32 @!p1 $0x7620;
	[sflag:s5] =	ssyncadd.s32 @!p1 $0xFFFFF800;
	s5 =	simm.s32 @!p1 $0x80  }
0x14b: {  	[spmem:s2] =	stream.indirect.scatter.add.f32 @!p1 [tilespmem:s6], [sflag:$0x12], $0x10, s25, s5, $0xb8;
	[tilespmem:$0xFE20] =	vst v63  }
0x14c: {  	p1 =	seq.s32 @!p0 s22, $0x0  }
0x14d: {  	p2 =	por !p1, p0  }
0x14e: {  	s5 =	simm.s32 @!p2 $0x1  }
0x14f: {  	_ =	swait.ge @!p2 [sflag:s5], $0x800  }
0x150: {  	[sflag:s5] =	ssyncset.done @!p2 $0x0  }
0x151: {  	s6 =	simm.s32 @!p2 $0x4E20;
	[sflag:s5] =	ssyncadd.s32 @!p2 $0xFFFFF800;
	s5 =	simm.s32 @!p2 $0x80  }
0x152: {  	[spmem:s2] =	stream.indirect.scatter.add.f32 @!p2 [tilespmem:s6], [sflag:$0xD], $0x10, s25, s5, $0xb8;
	[tilespmem:$0xFE20] =	vst v63  }
0x153: {  	p2 =	por p1, p0  }
0x154: {  	p2 =	seq.s32 @!p2 s22, $0x1  }
0x155: {  	p3 =	por @!p0 !p2, p1  }
0x156: {  	p3 =	por p3, p0  }
0x157: {  	s5 =	simm.s32 @!p3 $0x2  }
0x158: {  	p1 =	por @!p0 p2, p1;
	_ =	swait.ge @!p3 [sflag:s5], $0x800  }
0x159: {  	p0 =	por p1, p0;
	[sflag:s5] =	ssyncset.done @!p3 $0x0  }
0x15a: {  	s6 =	simm.s32 @!p3 $0x5620;
	[sflag:s5] =	ssyncadd.s32 @!p3 $0xFFFFF800;
	s5 =	simm.s32 @!p3 $0x80  }
0x15b: {  	[spmem:s2] =	stream.indirect.scatter.add.f32 @!p3 [tilespmem:s6], [sflag:$0xE], $0x10, s25, s5, $0xb8;
	[tilespmem:$0xFE20] =	vst v63  }
.Ltmp9:
0x15c: {  	s5 =	simm.s32 @!p0 $0x3;
	(pc) =	sbr.rel .LBB2_11-.Ltmp9, $4  }
0x15d: {  	_ =	swait.ge @!p0 [sflag:s5], $0x800  }
0x15e: {  	[sflag:s5] =	ssyncset.done @!p0 $0x0  }
0x15f: {  	s6 =	simm.s32 @!p0 $0x5E20;
	[sflag:s5] =	ssyncadd.s32 @!p0 $0xFFFFF800;
	s5 =	simm.s32 @!p0 $0x80  }
0x160: {  	[spmem:s2] =	stream.indirect.scatter.add.f32 @!p0 [tilespmem:s6], [sflag:$0xF], $0x10, s25, s5, $0xb8;
	[tilespmem:$0xFE20] =	vst v63  }
.LBB2_13:
0x161: {  	_ =	sfence.sel $0x180000  }
0x162: {  	[bflag:$0x0] =	sbarrier.arrive $0xFFFF  }
0x163: {  	_ =	strace $0x90000047  }
0x164: {  	s0 =	stileid.u32;
	[bflag:$0x2] =	sbarrier.arrive $0xFFFF  }
0x165: {  	p0 =	sne.s32 s0, $0x0;
	s0 =	rddreg [dreg:$0x2]  }
0x166: {  	s0 =	sadd.s32 @!p0 $0x100000, s0  }
0x167: {  	[sflag:s0] =	ssyncadd.tile.s32 @!p0 $0x1;
	_ =	shalt  }
.Lfunc_end2:
_tile_overlayer_lowered:
.L_overlay_start_2:
0x168: {  	(tag) =	ssettag $0x2  }
0x169: {  	s0 =	rddreg [dreg:$0x0];
	s2 =	stileid.u32  }
0x16a: {  	s1 =	rddreg [dreg:$0x1];
	p0 =	sne.s32 s2, $0x0  }
0x16b: {  	s3 =	rddreg [dreg:$0x2];
	[bflag:$0x3] =	sbarrier.arrive $0xFFFF;
	s2 =	simm.s32 @!p0 $0x1C19  }
0x16c: {  	[timem:s3], [sflag:s2] =	dma.local @!p0 [hbm:s0], s1  }
0x16d: {  	s0 =	simm.s32 @!p0 $0x19  }
0x16e: {  	_ =	swait.ge @!p0 [sflag:s0], s1  }
0x16f: {  	s1 =	ssub.s32 @!p0 $0x0, s1;
	[sflag:s0] =	ssyncset.done @!p0 $0x0  }
0x170: {  	[sflag:s0] =	ssyncadd.s32 @!p0 s1  }
0x171: {  	[bflag:$0x3] =	sbarrier.arrive $0xFFFF  }
0x172: {  	_ =	shalt  }

</sc_bundles>
